<compile_context>
chip_gen: v7x
topology: tpu7x:2x2x1
jax: 0.10.2.dev20260603
libtpu: 0.0.44.dev20260713+nightly
codegen_flags: <defaults>
</compile_context>

<pallas_src>
import functools

import jax
import jax.numpy as jnp
from jax import lax
from jax.experimental import pallas as pl
from jax.experimental.pallas import tpu as pltpu
from jax.experimental.pallas import tpu_sc as plsc

F32 = jnp.float32
I32 = jnp.int32

N1 = 20000
N2 = 4000
E1 = 320000
E2 = 64000
F_IN = 128
F_HID = 256
F_OUT = 47
F_PAD = 64

NC = 2
NS = 16
L = 16

HA = 20480
HB = 4096
OFF_B = HA

_mesh = plsc.VectorSubcoreMesh(core_axis_name="c", subcore_axis_name="s")


def _iota16():
    return lax.iota(I32, L)


NBUF = 4


def _gather_scatter_loop(src_hbm, fsrc, fdst, acc, rows, gsems, nchunks,
                         nbuf=NBUF):

    for b in range(nbuf):
        @pl.when(nchunks > b)
        def _prologue(b=b):
            pltpu.make_async_copy(src_hbm.at[fsrc.at[b]], rows[b], gsems[b]).start()

    def _body(g, _):
        slot = lax.bitwise_and(g, nbuf - 1)
        for b in range(nbuf):
            @pl.when(slot == b)
            def _do(b=b):
                pltpu.make_async_copy(src_hbm.at[fsrc.at[g]], rows[b], gsems[b]).wait()
                pltpu.sync_copy(rows[b], acc.at[fdst.at[g]], add=True)

                @pl.when(g + nbuf < nchunks)
                def _pf():
                    pltpu.make_async_copy(src_hbm.at[fsrc.at[g + nbuf]],
                                          rows[b], gsems[b]).start()

        return _

    lax.fori_loop(0, nchunks, _body, 0)


HT = HA + HB


@functools.partial(
    pl.kernel,
    out_type=jax.ShapeDtypeStruct((NC, HT), F32),
    mesh=_mesh,
    compiler_params=pltpu.CompilerParams(needs_layout_passes=False),
    scratch_types=[
        pltpu.VMEM((20000,), I32),
        pltpu.VMEM((HT,), F32),
        pltpu.VMEM((1536,), F32),
        pltpu.VMEM((1536,), F32),
        pltpu.VMEM_SHARED((NS, HT), F32),
    ],
)
def _sc_hist(e1, e2, o, stage, hpriv, accv, tmpv, hall):
    c = lax.axis_index("c")
    s = lax.axis_index("s")
    ones16 = jnp.ones((L,), F32)

    def init_zeros(i, _):
        hpriv[pl.ds(i * L, L)] = jnp.zeros((L,), F32)
        return _

    lax.fori_loop(0, HT // L, init_zeros, 0)

    pltpu.sync_copy(e1.at[pl.ds(c * E1 + s * 20000, 20000)], stage)

    def add_a(i, _):
        v = stage[pl.ds(i * L, L)]
        plsc.addupdate_scatter(hpriv, [v], ones16)
        return _

    lax.fori_loop(0, 1250, add_a, 0)

    pltpu.sync_copy(e2.at[pl.ds(c * E2 + s * 4000, 4000)], stage.at[pl.ds(0, 4000)])

    def add_b(i, _):
        v = stage[pl.ds(i * L, L)] + OFF_B
        plsc.addupdate_scatter(hpriv, [v], ones16)
        return _

    lax.fori_loop(0, 250, add_b, 0)

    pltpu.sync_copy(hpriv, hall.at[s])
    plsc.subcore_barrier()

    pltpu.sync_copy(hall.at[0, pl.ds(s * 1536, 1536)], accv)
    for j in range(1, NS):
        pltpu.sync_copy(hall.at[j, pl.ds(s * 1536, 1536)], tmpv)

        def acc_add(i, _):
            accv[pl.ds(i * L, L)] = accv[pl.ds(i * L, L)] + tmpv[pl.ds(i * L, L)]
            return _

        lax.fori_loop(0, 1536 // L, acc_add, 0)

    pltpu.sync_copy(accv, o.at[c, pl.ds(s * 1536, 1536)])


@functools.partial(
    pl.kernel,
    out_type=jax.ShapeDtypeStruct((NC, 4096, F_IN), F32),
    mesh=_mesh,
    compiler_params=pltpu.CompilerParams(needs_layout_passes=False),
    scratch_types=[
        pltpu.VMEM((10000,), I32),
        pltpu.VMEM((10000,), I32),
        pltpu.VMEM((164, 64), I32),
        pltpu.VMEM((164, 64), I32),
        [pltpu.VMEM((64, F_IN), F32)] * NBUF,
        [pltpu.SemaphoreType.DMA] * NBUF,
        pltpu.VMEM_SHARED((4096, F_IN), F32),
    ],
)
def _sc_agg1(e1, y, out, ssrc, sdst, fsrc, fdst, rows, gsems, acc):
    c = lax.axis_index("c")
    s = lax.axis_index("s")
    iota = _iota16()
    base = (c * NS + s) * 10000

    def zero_rows(r, _):
        for k in range(F_IN // L):
            rows[0][r, pl.ds(k * L, L)] = jnp.zeros((L,), F32)
        return _

    lax.fori_loop(0, 64, zero_rows, 0)

    for k in range(4):
        pltpu.sync_copy(rows[0], acc.at[pl.ds(s * 256 + k * 64, 64)])

    pltpu.sync_copy(e1.at[pl.ds(base, 10000)], ssrc)
    pltpu.sync_copy(e1.at[pl.ds(E1 + base, 10000)], sdst)

    def filt(i, cur):
        sv = ssrc[pl.ds(i * L, L)]
        dv = sdst[pl.ds(i * L, L)]
        m = dv < N2
        mi = m.astype(I32)
        p = cur + plsc.cumsum(mi) - 1
        r = lax.shift_right_logical(p, 6)
        col = lax.bitwise_and(p, 63)
        plsc.store_scatter(fsrc, [r, col], sv, mask=m)
        plsc.store_scatter(fdst, [r, col], dv, mask=m)
        return cur + jnp.sum(mi)

    cur = lax.fori_loop(0, 625, filt, jnp.int32(0))

    def pad(i, _):
        p = cur + i * L + iota
        r = lax.shift_right_logical(p, 6)
        col = lax.bitwise_and(p, 63)
        plsc.store_scatter(fsrc, [r, col], jnp.zeros((L,), I32))
        plsc.store_scatter(fdst, [r, col], jnp.full((L,), N2, I32))
        return _

    lax.fori_loop(0, 16, pad, 0)

    nchunks = lax.shift_right_logical(cur + 63, 6)

    plsc.subcore_barrier()

    _gather_scatter_loop(y, fsrc, fdst, acc, rows, gsems, nchunks)

    pl.delay(2048)
    plsc.subcore_barrier()

    pltpu.sync_copy(acc.at[pl.ds(s * 256, 256)], out.at[c, pl.ds(s * 256, 256)])


@functools.partial(
    pl.kernel,
    out_type=jax.ShapeDtypeStruct((NC, 4096, F_PAD), F32),
    mesh=_mesh,
    compiler_params=pltpu.CompilerParams(needs_layout_passes=False,
                                         use_tc_tiling_on_sc=False),
    scratch_types=[
        pltpu.VMEM((2048,), I32),
        pltpu.VMEM((2048,), I32),
        pltpu.VMEM((16, 128), I32),
        pltpu.VMEM((16, 128), I32),
        [pltpu.VMEM((128, F_PAD), F32)] * 8,
        [pltpu.SemaphoreType.DMA] * 8,
        pltpu.VMEM_SHARED((4096, F_PAD), F32),
    ],
)
def _sc_agg2(e2, h2, out, ssrc, sdst, fsrc, fdst, rows, gsems, acc):
    c = lax.axis_index("c")
    s = lax.axis_index("s")
    iota = _iota16()
    base = (c * NS + s) * 2000

    def zero_rows(r, _):
        for k in range(F_PAD // L):
            rows[0][r, pl.ds(k * L, L)] = jnp.zeros((L,), F32)
        return _

    lax.fori_loop(0, 128, zero_rows, 0)

    pltpu.sync_copy(rows[0], acc.at[pl.ds(s * 256, 128)])
    pltpu.sync_copy(rows[0], acc.at[pl.ds(s * 256 + 128, 128)])

    pltpu.sync_copy(e2.at[pl.ds(base, 2000)], ssrc.at[pl.ds(0, 2000)])
    pltpu.sync_copy(e2.at[pl.ds(E2 + base, 2000)], sdst.at[pl.ds(0, 2000)])

    def conv(i, _):
        p = i * L + iota
        r = lax.shift_right_logical(p, 7)
        col = lax.bitwise_and(p, 127)
        plsc.store_scatter(fsrc, [r, col], ssrc[pl.ds(i * L, L)])
        plsc.store_scatter(fdst, [r, col], sdst[pl.ds(i * L, L)])
        return _

    lax.fori_loop(0, 125, conv, 0)

    def pad(i, _):
        p = 2000 + i * L + iota
        r = lax.shift_right_logical(p, 7)
        col = lax.bitwise_and(p, 127)
        plsc.store_scatter(fsrc, [r, col], jnp.zeros((L,), I32))
        plsc.store_scatter(fdst, [r, col], jnp.full((L,), N2, I32))
        return _

    lax.fori_loop(0, 3, pad, 0)

    plsc.subcore_barrier()

    _gather_scatter_loop(h2, fsrc, fdst, acc, rows, gsems, jnp.int32(16),
                         nbuf=8)

    pl.delay(2048)
    plsc.subcore_barrier()

    pltpu.sync_copy(acc.at[pl.ds(s * 256, 256)], out.at[c, pl.ds(s * 256, 256)])


def _inv_sqrt(d):
    return jnp.where(d > 0, lax.rsqrt(d), jnp.zeros_like(d))


def _tc_scale_body(x_ref, d_ref, y_ref):
    y_ref[...] = x_ref[...] * _inv_sqrt(d_ref[...])


def _tc_scale(x, d_src1):
    grid = 157
    return pl.pallas_call(
        _tc_scale_body,
        grid=(grid,),
        in_specs=[
            pl.BlockSpec((128, F_IN), lambda i: (i, 0)),
            pl.BlockSpec((128, 1), lambda i: (i, 0)),
        ],
        out_specs=pl.BlockSpec((128, F_IN), lambda i: (i, 0)),
        out_shape=jax.ShapeDtypeStruct((20096, F_IN), F32),
    )(x, d_src1)


def _tc_mid_body(p_ref, dd_ref, ds_ref, w1_ref, b1_ref, w2_ref, h_ref):
    p = p_ref[...]
    agg = (p[0] + p[1]) * _inv_sqrt(dd_ref[...])
    x1 = jnp.dot(agg, w1_ref[...], preferred_element_type=F32) + b1_ref[...]
    x1 = jnp.maximum(x1, 0.0)
    x1 = x1 * _inv_sqrt(ds_ref[...])
    h_ref[...] = jnp.dot(x1, w2_ref[...], preferred_element_type=F32)


def _tc_mid(p1, d_dst1, d_src2, W1, b1, W2p):
    grid = 10
    blk = N2 // grid
    return pl.pallas_call(
        _tc_mid_body,
        grid=(grid,),
        in_specs=[
            pl.BlockSpec((NC, blk, F_IN), lambda i: (0, i, 0)),
            pl.BlockSpec((blk, 1), lambda i: (i, 0)),
            pl.BlockSpec((blk, 1), lambda i: (i, 0)),
            pl.BlockSpec((F_IN, F_HID), lambda i: (0, 0)),
            pl.BlockSpec((1, F_HID), lambda i: (0, 0)),
            pl.BlockSpec((F_HID, F_PAD), lambda i: (0, 0)),
        ],
        out_specs=pl.BlockSpec((blk, F_PAD), lambda i: (i, 0)),
        out_shape=jax.ShapeDtypeStruct((N2, F_PAD), F32),
    )(p1, d_dst1, d_src2, W1, b1, W2p)


def _tc_out_body(p_ref, dd_ref, b2_ref, o_ref):
    p = p_ref[...]
    z = (p[0] + p[1]) * _inv_sqrt(dd_ref[...]) + b2_ref[...]
    col = lax.broadcasted_iota(I32, z.shape, 1)
    zm = jnp.where(col < F_OUT, z, -jnp.inf)
    m = jnp.max(zm, axis=1, keepdims=True)
    e = jnp.exp(zm - m)
    lse = jnp.log(jnp.sum(e, axis=1, keepdims=True)) + m
    o_ref[...] = (z - lse)[:, :F_OUT]


def _tc_out(p2, d_dst2, b2p):
    grid = 10
    blk = N2 // grid
    return pl.pallas_call(
        _tc_out_body,
        grid=(grid,),
        in_specs=[
            pl.BlockSpec((NC, blk, F_PAD), lambda i: (0, i, 0)),
            pl.BlockSpec((blk, 1), lambda i: (i, 0)),
            pl.BlockSpec((1, F_PAD), lambda i: (0, 0)),
        ],
        out_specs=pl.BlockSpec((blk, F_OUT), lambda i: (i, 0)),
        out_shape=jax.ShapeDtypeStruct((N2, F_OUT), F32),
    )(p2, d_dst2, b2p)


def kernel(x, edge_index_1, edge_index_2, size1_dst, size2_dst, W1, b1, W2, b2):
    del size1_dst, size2_dst

    ef1 = edge_index_1.reshape(2 * E1)
    ef2 = edge_index_2.reshape(2 * E2)

    h = _sc_hist(ef1, ef2)
    d_src1 = h[0, :HA].reshape(HA, 1)
    d_dst1 = h[1, :HA].reshape(HA, 1)
    d_src2 = h[0, HA:].reshape(HB, 1)
    d_dst2 = h[1, HA:].reshape(HB, 1)

    y = _tc_scale(x, d_src1)
    p1 = _sc_agg1(ef1, y)

    W2p = jnp.pad(W2, ((0, 0), (0, F_PAD - F_OUT)))
    b2p = jnp.pad(b2, (0, F_PAD - F_OUT)).reshape(1, F_PAD)
    h2 = _tc_mid(p1, d_dst1, d_src2, W1, b1.reshape(1, F_HID), W2p)

    p2 = _sc_agg2(ef2, h2)
    return _tc_out(p2, d_dst2, b2p)

# --- scband reference (transcript-rebuilt; emitter-appended) ---
"""Pipeline reference for scband-ind-gcn-38147899523749 (READ-ONLY COPY).

The authoritative reference and input builder live on the scoring server;
editing this copy changes nothing except your own understanding.
"""

import jax, jax.numpy as jnp
import numpy as np


def _gcn_conv(x_src, edge_index, W, b, num_dst, num_dst_static):
    # Bipartite GCNConv: linear transform + symmetric-degree-normalized scatter-add.
    src = edge_index[0]
    dst = edge_index[1]
    valid = dst < num_dst
    ones = jnp.where(valid, jnp.ones((edge_index.shape[1],), dtype=x_src.dtype), 0.0)
    deg_src = jax.ops.segment_sum(ones, src, num_segments=x_src.shape[0])
    deg_dst = jax.ops.segment_sum(ones, dst, num_segments=num_dst_static)
    inv_src = jnp.where(deg_src > 0, 1.0 / jnp.sqrt(deg_src), 0.0)
    inv_dst = jnp.where(deg_dst > 0, 1.0 / jnp.sqrt(deg_dst), 0.0)
    norm = jnp.where(valid, inv_src[src] * inv_dst[dst], 0.0)
    h = x_src @ W
    msg = h[src] * norm[:, None]
    out = jax.ops.segment_sum(msg, dst, num_segments=num_dst_static) + b
    return out


def setup_inputs(seed: int = 0):
    key = jax.random.key(seed)
    ks = jax.random.split(key, 8)
    in_ch, hid_ch, out_ch = 128, 256, 47
    x = jax.random.normal(ks[0], (100000, in_ch), dtype=jnp.float32)
    edge_index_1 = jax.random.randint(ks[1], (2, 320000), 0, 20000, dtype=jnp.int32)
    edge_index_2 = jax.random.randint(ks[2], (2, 64000), 0, 4000, dtype=jnp.int32)
    W1 = jax.random.normal(ks[3], (in_ch, hid_ch), dtype=jnp.float32) * (1.0 / np.sqrt(in_ch))
    b1 = jnp.zeros((hid_ch,), dtype=jnp.float32)
    W2 = jax.random.normal(ks[4], (hid_ch, out_ch), dtype=jnp.float32) * (1.0 / np.sqrt(hid_ch))
    b2 = jnp.zeros((out_ch,), dtype=jnp.float32)
    return {"x": x, "edge_index_1": edge_index_1, "edge_index_2": edge_index_2,
            "size1_dst": 20000, "size2_dst": 4000,
            "W1": W1, "b1": b1, "W2": W2, "b2": b2}


def reference(x, edge_index_1, edge_index_2, size1_dst, size2_dst, W1, b1, W2, b2):
    # Layer 1 (non-binarized path; dropout inactive in eval)
    x1 = _gcn_conv(x, edge_index_1, W1, b1, size1_dst, 20000)
    x1 = jax.nn.relu(x1)
    # Layer 2
    x2 = _gcn_conv(x1, edge_index_2, W2, b2, size2_dst, 4000)
    return jax.nn.log_softmax(x2, axis=-1)

if __name__ == "__main__":
    import jax
    _d = setup_inputs()
    print(jax.jit(kernel)(*tuple(_d.values())))

</pallas_src>

<mosaic_0001>
#map = affine_map<(d0, d1) -> (0)>
#map1 = affine_map<(d0, d1) -> (0, 0)>
#map2 = affine_map<(d0, d1) -> (0, 0, 0)>
module attributes {stable_mosaic.version = 14 : i64} {
  func.func @_sc_agg2(%arg0: i32, %arg1: i32, %arg2: memref<128000xi32, #tpu.memory_space<hbm>>, %arg3: memref<4000x64xf32, #tpu.memory_space<hbm>>, %arg4: memref<2x4096x64xf32, #tpu.memory_space<hbm>>, %arg5: memref<2048xi32, #tpu.memory_space<vmem>>, %arg6: memref<2048xi32, #tpu.memory_space<vmem>>, %arg7: memref<16x128xi32, #tpu.memory_space<vmem>>, %arg8: memref<16x128xi32, #tpu.memory_space<vmem>>, %arg9: memref<128x64xf32, #tpu.memory_space<vmem>>, %arg10: memref<128x64xf32, #tpu.memory_space<vmem>>, %arg11: memref<128x64xf32, #tpu.memory_space<vmem>>, %arg12: memref<128x64xf32, #tpu.memory_space<vmem>>, %arg13: memref<128x64xf32, #tpu.memory_space<vmem>>, %arg14: memref<128x64xf32, #tpu.memory_space<vmem>>, %arg15: memref<128x64xf32, #tpu.memory_space<vmem>>, %arg16: memref<128x64xf32, #tpu.memory_space<vmem>>, %arg17: memref<!tpu.dma_semaphore, #tpu.memory_space<semaphore_mem>>, %arg18: memref<!tpu.dma_semaphore, #tpu.memory_space<semaphore_mem>>, %arg19: memref<!tpu.dma_semaphore, #tpu.memory_space<semaphore_mem>>, %arg20: memref<!tpu.dma_semaphore, #tpu.memory_space<semaphore_mem>>, %arg21: memref<!tpu.dma_semaphore, #tpu.memory_space<semaphore_mem>>, %arg22: memref<!tpu.dma_semaphore, #tpu.memory_space<semaphore_mem>>, %arg23: memref<!tpu.dma_semaphore, #tpu.memory_space<semaphore_mem>>, %arg24: memref<!tpu.dma_semaphore, #tpu.memory_space<semaphore_mem>>, %arg25: memref<4096x64xf32, #tpu.memory_space<vmem_shared>>) attributes {dimension_semantics = [#tpu.dimension_semantics<core_parallel>, #tpu.dimension_semantics<subcore_parallel>], iteration_bounds = array<i64: 2, 16>, scalar_prefetch = 0 : i64, scratch_operands = 21 : i64, tpu.core_type = #tpu.core_type<sc_vector_subcore>, window_params = [{transform_indices = #map}, {transform_indices = #map1}, {transform_indices = #map2}]} {
    %iota3A = tpu.iota {dimensions = array<i32: 0>} : vector<16xi32>
    %mul3A = arith.constant 16 : i32
    %mul3A_0 = arith.muli %arg0, %mul3A : i32
    %add3A = arith.addi %mul3A_0, %arg1 : i32
    %mul3A_1 = arith.constant 2000 : i32
    %mul3A_2 = arith.muli %add3A, %mul3A_1 : i32
    %scan3A = arith.constant 0 : i32
    %scan3A_3 = arith.constant 0 : i32
    %scan3A_4 = arith.constant 128 : i32
    %scan3A_5 = arith.addi %scan3A_3, %scan3A_4 : i32
    %scan3A_6 = arith.constant 1 : i32
    scf.for %scan3A_89 = %scan3A_3 to %scan3A_5 step %scan3A_6  : i32 {
      %broadcast_in_dim3A = arith.constant 0.000000e+00 : f32
      %broadcast_in_dim3A_90 = vector.broadcast %broadcast_in_dim3A : f32 to vector<16xf32>
      %swap3A = arith.index_cast %scan3A_89 : i32 to index
      %swap3A_91 = arith.constant 0 : index
      %swap3A_92 = tpu.vector_load %arg9[%swap3A, %swap3A_91] {strides = array<i32>} : memref<128x64xf32, #tpu.memory_space<vmem>>, vector<16xf32>,
      tpu.vector_store %arg9[%swap3A, %swap3A_91], %broadcast_in_dim3A_90 {strides = array<i32>} : memref<128x64xf32, #tpu.memory_space<vmem>>, vector<16xf32>,
      %broadcast_in_dim3A_93 = arith.constant 0.000000e+00 : f32
      %broadcast_in_dim3A_94 = vector.broadcast %broadcast_in_dim3A_93 : f32 to vector<16xf32>
      %swap3A_95 = arith.index_cast %scan3A_89 : i32 to index
      %swap3A_96 = arith.constant 16 : index
      %swap3A_97 = tpu.vector_load %arg9[%swap3A_95, %swap3A_96] {strides = array<i32>} : memref<128x64xf32, #tpu.memory_space<vmem>>, vector<16xf32>,
      tpu.vector_store %arg9[%swap3A_95, %swap3A_96], %broadcast_in_dim3A_94 {strides = array<i32>} : memref<128x64xf32, #tpu.memory_space<vmem>>, vector<16xf32>,
      %broadcast_in_dim3A_98 = arith.constant 0.000000e+00 : f32
      %broadcast_in_dim3A_99 = vector.broadcast %broadcast_in_dim3A_98 : f32 to vector<16xf32>
      %swap3A_100 = arith.index_cast %scan3A_89 : i32 to index
      %swap3A_101 = arith.constant 32 : index
      %swap3A_102 = tpu.vector_load %arg9[%swap3A_100, %swap3A_101] {strides = array<i32>} : memref<128x64xf32, #tpu.memory_space<vmem>>, vector<16xf32>,
      tpu.vector_store %arg9[%swap3A_100, %swap3A_101], %broadcast_in_dim3A_99 {strides = array<i32>} : memref<128x64xf32, #tpu.memory_space<vmem>>, vector<16xf32>,
      %broadcast_in_dim3A_103 = arith.constant 0.000000e+00 : f32
      %broadcast_in_dim3A_104 = vector.broadcast %broadcast_in_dim3A_103 : f32 to vector<16xf32>
      %swap3A_105 = arith.index_cast %scan3A_89 : i32 to index
      %swap3A_106 = arith.constant 48 : index
      %swap3A_107 = tpu.vector_load %arg9[%swap3A_105, %swap3A_106] {strides = array<i32>} : memref<128x64xf32, #tpu.memory_space<vmem>>, vector<16xf32>,
      tpu.vector_store %arg9[%swap3A_105, %swap3A_106], %broadcast_in_dim3A_104 {strides = array<i32>} : memref<128x64xf32, #tpu.memory_space<vmem>>, vector<16xf32>,
    }
    %scan3A_7 = arith.constant 128 : i32
    %mul3A_8 = arith.constant 256 : i32
    %mul3A_9 = arith.muli %arg1, %mul3A_8 : i32
    "tpu.region"() ({
      %run_scoped3A = tpu.sem_alloc : memref<!tpu.dma_semaphore, #tpu.memory_space<semaphore_mem>>
      %dma_start3A = arith.constant 0 : i32
      %dma_start3A_89 = tpu.memref_slice %arg25[%mul3A_9, %dma_start3A] : memref<4096x64xf32, #tpu.memory_space<vmem_shared>> -> memref<128x64xf32, #tpu.memory_space<vmem_shared>>
      %dma_start3A_90 = arith.constant 0 : i32
      %dma_start3A_91 = tpu.memref_slice %arg25[%mul3A_9, %dma_start3A_90] : memref<4096x64xf32, #tpu.memory_space<vmem_shared>> -> memref<128x64xf32, #tpu.memory_space<vmem_shared>>
      tpu.enqueue_dma source(%arg9 : memref<128x64xf32, #tpu.memory_space<vmem>>) target(%dma_start3A_91 : memref<128x64xf32, #tpu.memory_space<vmem_shared>>) target_semaphore(%run_scoped3A : memref<!tpu.dma_semaphore, #tpu.memory_space<semaphore_mem>>)
      %dma_wait3A = arith.constant 0 : i32
      %dma_wait3A_92 = tpu.memref_slice %arg25[%mul3A_9, %dma_wait3A] : memref<4096x64xf32, #tpu.memory_space<vmem_shared>> -> memref<128x64xf32, #tpu.memory_space<vmem_shared>>
      %dma_wait3A_93 = arith.constant 0 : i32
      %dma_wait3A_94 = tpu.memref_slice %arg25[%mul3A_9, %dma_wait3A_93] : memref<4096x64xf32, #tpu.memory_space<vmem_shared>> -> memref<128x64xf32, #tpu.memory_space<vmem_shared>>
      tpu.wait_dma2 semaphore(%run_scoped3A : memref<!tpu.dma_semaphore, #tpu.memory_space<semaphore_mem>>) src(%arg9 : memref<128x64xf32, #tpu.memory_space<vmem>>) dst(%dma_wait3A_94 : memref<128x64xf32, #tpu.memory_space<vmem_shared>>)
      tpu.yield
    }) : () -> ()
    %mul3A_10 = arith.constant 256 : i32
    %mul3A_11 = arith.muli %arg1, %mul3A_10 : i32
    %add3A_12 = arith.constant 128 : i32
    %add3A_13 = arith.addi %mul3A_11, %add3A_12 : i32
    "tpu.region"() ({
      %run_scoped3A = tpu.sem_alloc : memref<!tpu.dma_semaphore, #tpu.memory_space<semaphore_mem>>
      %dma_start3A = arith.constant 0 : i32
      %dma_start3A_89 = tpu.memref_slice %arg25[%add3A_13, %dma_start3A] : memref<4096x64xf32, #tpu.memory_space<vmem_shared>> -> memref<128x64xf32, #tpu.memory_space<vmem_shared>>
      %dma_start3A_90 = arith.constant 0 : i32
      %dma_start3A_91 = tpu.memref_slice %arg25[%add3A_13, %dma_start3A_90] : memref<4096x64xf32, #tpu.memory_space<vmem_shared>> -> memref<128x64xf32, #tpu.memory_space<vmem_shared>>
      tpu.enqueue_dma source(%arg9 : memref<128x64xf32, #tpu.memory_space<vmem>>) target(%dma_start3A_91 : memref<128x64xf32, #tpu.memory_space<vmem_shared>>) target_semaphore(%run_scoped3A : memref<!tpu.dma_semaphore, #tpu.memory_space<semaphore_mem>>)
      %dma_wait3A = arith.constant 0 : i32
      %dma_wait3A_92 = tpu.memref_slice %arg25[%add3A_13, %dma_wait3A] : memref<4096x64xf32, #tpu.memory_space<vmem_shared>> -> memref<128x64xf32, #tpu.memory_space<vmem_shared>>
      %dma_wait3A_93 = arith.constant 0 : i32
      %dma_wait3A_94 = tpu.memref_slice %arg25[%add3A_13, %dma_wait3A_93] : memref<4096x64xf32, #tpu.memory_space<vmem_shared>> -> memref<128x64xf32, #tpu.memory_space<vmem_shared>>
      tpu.wait_dma2 semaphore(%run_scoped3A : memref<!tpu.dma_semaphore, #tpu.memory_space<semaphore_mem>>) src(%arg9 : memref<128x64xf32, #tpu.memory_space<vmem>>) dst(%dma_wait3A_94 : memref<128x64xf32, #tpu.memory_space<vmem_shared>>)
      tpu.yield
    }) : () -> ()
    "tpu.region"() ({
      %run_scoped3A = tpu.sem_alloc : memref<!tpu.dma_semaphore, #tpu.memory_space<semaphore_mem>>
      %dma_start3A = arith.constant 0 : i32
      %dma_start3A_89 = tpu.memref_slice %arg5[%dma_start3A] : memref<2048xi32, #tpu.memory_space<vmem>> -> memref<2000xi32, #tpu.memory_space<vmem>>
      %dma_start3A_90 = tpu.memref_slice %arg2[%mul3A_2] : memref<128000xi32, #tpu.memory_space<hbm>> -> memref<2000xi32, #tpu.memory_space<hbm>>
      %dma_start3A_91 = arith.constant 0 : i32
      %dma_start3A_92 = tpu.memref_slice %arg5[%dma_start3A_91] : memref<2048xi32, #tpu.memory_space<vmem>> -> memref<2000xi32, #tpu.memory_space<vmem>>
      %dma_start3A_93 = tpu.memref_slice %arg2[%mul3A_2] : memref<128000xi32, #tpu.memory_space<hbm>> -> memref<2000xi32, #tpu.memory_space<hbm>>
      tpu.enqueue_dma source(%dma_start3A_93 : memref<2000xi32, #tpu.memory_space<hbm>>) target(%dma_start3A_92 : memref<2000xi32, #tpu.memory_space<vmem>>) target_semaphore(%run_scoped3A : memref<!tpu.dma_semaphore, #tpu.memory_space<semaphore_mem>>)
      %dma_wait3A = arith.constant 0 : i32
      %dma_wait3A_94 = tpu.memref_slice %arg5[%dma_wait3A] : memref<2048xi32, #tpu.memory_space<vmem>> -> memref<2000xi32, #tpu.memory_space<vmem>>
      %dma_wait3A_95 = tpu.memref_slice %arg2[%mul3A_2] : memref<128000xi32, #tpu.memory_space<hbm>> -> memref<2000xi32, #tpu.memory_space<hbm>>
      %dma_wait3A_96 = arith.constant 0 : i32
      %dma_wait3A_97 = tpu.memref_slice %arg5[%dma_wait3A_96] : memref<2048xi32, #tpu.memory_space<vmem>> -> memref<2000xi32, #tpu.memory_space<vmem>>
      %dma_wait3A_98 = tpu.memref_slice %arg2[%mul3A_2] : memref<128000xi32, #tpu.memory_space<hbm>> -> memref<2000xi32, #tpu.memory_space<hbm>>
      tpu.wait_dma2 semaphore(%run_scoped3A : memref<!tpu.dma_semaphore, #tpu.memory_space<semaphore_mem>>) src(%dma_wait3A_98 : memref<2000xi32, #tpu.memory_space<hbm>>) dst(%dma_wait3A_97 : memref<2000xi32, #tpu.memory_space<vmem>>)
      tpu.yield
    }) : () -> ()
    %add3A_14 = arith.constant 64000 : i32
    %add3A_15 = arith.addi %add3A_14, %mul3A_2 : i32
    "tpu.region"() ({
      %run_scoped3A = tpu.sem_alloc : memref<!tpu.dma_semaphore, #tpu.memory_space<semaphore_mem>>
      %dma_start3A = arith.constant 0 : i32
      %dma_start3A_89 = tpu.memref_slice %arg6[%dma_start3A] : memref<2048xi32, #tpu.memory_space<vmem>> -> memref<2000xi32, #tpu.memory_space<vmem>>
      %dma_start3A_90 = tpu.memref_slice %arg2[%add3A_15] : memref<128000xi32, #tpu.memory_space<hbm>> -> memref<2000xi32, #tpu.memory_space<hbm>>
      %dma_start3A_91 = arith.constant 0 : i32
      %dma_start3A_92 = tpu.memref_slice %arg6[%dma_start3A_91] : memref<2048xi32, #tpu.memory_space<vmem>> -> memref<2000xi32, #tpu.memory_space<vmem>>
      %dma_start3A_93 = tpu.memref_slice %arg2[%add3A_15] : memref<128000xi32, #tpu.memory_space<hbm>> -> memref<2000xi32, #tpu.memory_space<hbm>>
      tpu.enqueue_dma source(%dma_start3A_93 : memref<2000xi32, #tpu.memory_space<hbm>>) target(%dma_start3A_92 : memref<2000xi32, #tpu.memory_space<vmem>>) target_semaphore(%run_scoped3A : memref<!tpu.dma_semaphore, #tpu.memory_space<semaphore_mem>>)
      %dma_wait3A = arith.constant 0 : i32
      %dma_wait3A_94 = tpu.memref_slice %arg6[%dma_wait3A] : memref<2048xi32, #tpu.memory_space<vmem>> -> memref<2000xi32, #tpu.memory_space<vmem>>
      %dma_wait3A_95 = tpu.memref_slice %arg2[%add3A_15] : memref<128000xi32, #tpu.memory_space<hbm>> -> memref<2000xi32, #tpu.memory_space<hbm>>
      %dma_wait3A_96 = arith.constant 0 : i32
      %dma_wait3A_97 = tpu.memref_slice %arg6[%dma_wait3A_96] : memref<2048xi32, #tpu.memory_space<vmem>> -> memref<2000xi32, #tpu.memory_space<vmem>>
      %dma_wait3A_98 = tpu.memref_slice %arg2[%add3A_15] : memref<128000xi32, #tpu.memory_space<hbm>> -> memref<2000xi32, #tpu.memory_space<hbm>>
      tpu.wait_dma2 semaphore(%run_scoped3A : memref<!tpu.dma_semaphore, #tpu.memory_space<semaphore_mem>>) src(%dma_wait3A_98 : memref<2000xi32, #tpu.memory_space<hbm>>) dst(%dma_wait3A_97 : memref<2000xi32, #tpu.memory_space<vmem>>)
      tpu.yield
    }) : () -> ()
    %scan3A_16 = arith.constant 0 : i32
    %scan3A_17 = arith.constant 0 : i32
    %scan3A_18 = arith.constant 125 : i32
    %scan3A_19 = arith.addi %scan3A_17, %scan3A_18 : i32
    %scan3A_20 = arith.constant 1 : i32
    scf.for %scan3A_89 = %scan3A_17 to %scan3A_19 step %scan3A_20  : i32 {
      %mul3A_90 = arith.constant 16 : i32
      %mul3A_91 = arith.muli %scan3A_89, %mul3A_90 : i32
      %add3A_92 = vector.broadcast %mul3A_91 : i32 to vector<16xi32>
      %add3A_93 = arith.addi %add3A_92, %iota3A : vector<16xi32>
      %shift_right_logical3A = arith.constant 7 : i32
      %shift_right_logical3A_94 = vector.broadcast %shift_right_logical3A : i32 to vector<16xi32>
      %shift_right_logical3A_95 = arith.shrui %add3A_93, %shift_right_logical3A_94 : vector<16xi32>
      %and3A = arith.constant 127 : i32
      %and3A_96 = vector.broadcast %and3A : i32 to vector<16xi32>
      %and3A_97 = arith.andi %add3A_93, %and3A_96 : vector<16xi32>
      %mul3A_98 = arith.constant 16 : i32
      %mul3A_99 = arith.muli %scan3A_89, %mul3A_98 : i32
      %get3A = arith.index_cast %mul3A_99 : i32 to index
      %get3A_100 = tpu.vector_load %arg5[%get3A] {strides = array<i32>} : memref<2048xi32, #tpu.memory_space<vmem>>, vector<16xi32>,
      tpu.vector_store_idx %arg7[%shift_right_logical3A_95, %and3A_97], %get3A_100 : memref<16x128xi32, #tpu.memory_space<vmem>>[vector<16xi32>, vector<16xi32>], vector<16xi32>,
      %mul3A_101 = arith.constant 16 : i32
      %mul3A_102 = arith.muli %scan3A_89, %mul3A_101 : i32
      %get3A_103 = arith.index_cast %mul3A_102 : i32 to index
      %get3A_104 = tpu.vector_load %arg6[%get3A_103] {strides = array<i32>} : memref<2048xi32, #tpu.memory_space<vmem>>, vector<16xi32>,
      tpu.vector_store_idx %arg8[%shift_right_logical3A_95, %and3A_97], %get3A_104 : memref<16x128xi32, #tpu.memory_space<vmem>>[vector<16xi32>, vector<16xi32>], vector<16xi32>,
    }
    %scan3A_21 = arith.constant 125 : i32
    %scan3A_22 = arith.constant 0 : i32
    %scan3A_23 = arith.constant 0 : i32
    %scan3A_24 = arith.constant 3 : i32
    %scan3A_25 = arith.addi %scan3A_23, %scan3A_24 : i32
    %scan3A_26 = arith.constant 1 : i32
    scf.for %scan3A_89 = %scan3A_23 to %scan3A_25 step %scan3A_26  : i32 {
      %mul3A_90 = arith.constant 16 : i32
      %mul3A_91 = arith.muli %scan3A_89, %mul3A_90 : i32
      %add3A_92 = arith.constant 2000 : i32
      %add3A_93 = arith.addi %add3A_92, %mul3A_91 : i32
      %add3A_94 = vector.broadcast %add3A_93 : i32 to vector<16xi32>
      %add3A_95 = arith.addi %add3A_94, %iota3A : vector<16xi32>
      %shift_right_logical3A = arith.constant 7 : i32
      %shift_right_logical3A_96 = vector.broadcast %shift_right_logical3A : i32 to vector<16xi32>
      %shift_right_logical3A_97 = arith.shrui %add3A_95, %shift_right_logical3A_96 : vector<16xi32>
      %and3A = arith.constant 127 : i32
      %and3A_98 = vector.broadcast %and3A : i32 to vector<16xi32>
      %and3A_99 = arith.andi %add3A_95, %and3A_98 : vector<16xi32>
      %broadcast_in_dim3A = arith.constant 0 : i32
      %broadcast_in_dim3A_100 = vector.broadcast %broadcast_in_dim3A : i32 to vector<16xi32>
      tpu.vector_store_idx %arg7[%shift_right_logical3A_97, %and3A_99], %broadcast_in_dim3A_100 : memref<16x128xi32, #tpu.memory_space<vmem>>[vector<16xi32>, vector<16xi32>], vector<16xi32>,
      %broadcast_in_dim3A_101 = arith.constant 4000 : i32
      %broadcast_in_dim3A_102 = vector.broadcast %broadcast_in_dim3A_101 : i32 to vector<16xi32>
      tpu.vector_store_idx %arg8[%shift_right_logical3A_97, %and3A_99], %broadcast_in_dim3A_102 : memref<16x128xi32, #tpu.memory_space<vmem>>[vector<16xi32>, vector<16xi32>], vector<16xi32>,
    }
    %scan3A_27 = arith.constant 3 : i32
    %barrier3A = arith.constant 0 : index
    tpu.barrier barrier_id(%barrier3A)
    %gt3A = arith.constant 16 : i32
    %gt3A_28 = arith.constant 0 : i32
    %gt3A_29 = arith.cmpi sgt, %gt3A, %gt3A_28 : i32
    %convert_element_type3A = arith.extui %gt3A_29 : i1 to i32
    %cond3A = arith.constant 0 : i32
    %cond3A_30 = arith.cmpi ne, %convert_element_type3A, %cond3A : i32
    scf.if %cond3A_30 {
      %dma_start3A = arith.constant 0 : i32
      %dma_start3A_89 = arith.constant 0 : i32
      %dma_start3A_90 = tpu.memref_slice %arg7[%dma_start3A, %dma_start3A_89] : memref<16x128xi32, #tpu.memory_space<vmem>> -> memref<1x128xi32, #tpu.memory_space<vmem>>
      %dma_start3A_91 = tpu.memref_squeeze %dma_start3A_90 : memref<1x128xi32, #tpu.memory_space<vmem>> -> memref<128xi32, #tpu.memory_space<vmem>>
      %dma_start3A_92 = arith.constant 0 : i32
      %dma_start3A_93 = arith.constant 0 : i32
      %dma_start3A_94 = tpu.memref_slice %arg3[%dma_start3A_92, %dma_start3A_93] : memref<4000x64xf32, #tpu.memory_space<hbm>> -> memref<4000x64xf32, #tpu.memory_space<hbm>>
      tpu.enqueue_indirect_dma source(%dma_start3A_94 : memref<4000x64xf32, #tpu.memory_space<hbm>>) target(%arg9 : memref<128x64xf32, #tpu.memory_space<vmem>>) offsets(%dma_start3A_91 : memref<128xi32, #tpu.memory_space<vmem>>) semaphore(%arg17 : memref<!tpu.dma_semaphore, #tpu.memory_space<semaphore_mem>>)
    } else {
    }
    %gt3A_31 = arith.constant 16 : i32
    %gt3A_32 = arith.constant 1 : i32
    %gt3A_33 = arith.cmpi sgt, %gt3A_31, %gt3A_32 : i32
    %convert_element_type3A_34 = arith.extui %gt3A_33 : i1 to i32
    %cond3A_35 = arith.constant 0 : i32
    %cond3A_36 = arith.cmpi ne, %convert_element_type3A_34, %cond3A_35 : i32
    scf.if %cond3A_36 {
      %dma_start3A = arith.constant 1 : i32
      %dma_start3A_89 = arith.constant 0 : i32
      %dma_start3A_90 = tpu.memref_slice %arg7[%dma_start3A, %dma_start3A_89] : memref<16x128xi32, #tpu.memory_space<vmem>> -> memref<1x128xi32, #tpu.memory_space<vmem>>
      %dma_start3A_91 = tpu.memref_squeeze %dma_start3A_90 : memref<1x128xi32, #tpu.memory_space<vmem>> -> memref<128xi32, #tpu.memory_space<vmem>>
      %dma_start3A_92 = arith.constant 0 : i32
      %dma_start3A_93 = arith.constant 0 : i32
      %dma_start3A_94 = tpu.memref_slice %arg3[%dma_start3A_92, %dma_start3A_93] : memref<4000x64xf32, #tpu.memory_space<hbm>> -> memref<4000x64xf32, #tpu.memory_space<hbm>>
      tpu.enqueue_indirect_dma source(%dma_start3A_94 : memref<4000x64xf32, #tpu.memory_space<hbm>>) target(%arg10 : memref<128x64xf32, #tpu.memory_space<vmem>>) offsets(%dma_start3A_91 : memref<128xi32, #tpu.memory_space<vmem>>) semaphore(%arg18 : memref<!tpu.dma_semaphore, #tpu.memory_space<semaphore_mem>>)
    } else {
    }
    %gt3A_37 = arith.constant 16 : i32
    %gt3A_38 = arith.constant 2 : i32
    %gt3A_39 = arith.cmpi sgt, %gt3A_37, %gt3A_38 : i32
    %convert_element_type3A_40 = arith.extui %gt3A_39 : i1 to i32
    %cond3A_41 = arith.constant 0 : i32
    %cond3A_42 = arith.cmpi ne, %convert_element_type3A_40, %cond3A_41 : i32
    scf.if %cond3A_42 {
      %dma_start3A = arith.constant 2 : i32
      %dma_start3A_89 = arith.constant 0 : i32
      %dma_start3A_90 = tpu.memref_slice %arg7[%dma_start3A, %dma_start3A_89] : memref<16x128xi32, #tpu.memory_space<vmem>> -> memref<1x128xi32, #tpu.memory_space<vmem>>
      %dma_start3A_91 = tpu.memref_squeeze %dma_start3A_90 : memref<1x128xi32, #tpu.memory_space<vmem>> -> memref<128xi32, #tpu.memory_space<vmem>>
      %dma_start3A_92 = arith.constant 0 : i32
      %dma_start3A_93 = arith.constant 0 : i32
      %dma_start3A_94 = tpu.memref_slice %arg3[%dma_start3A_92, %dma_start3A_93] : memref<4000x64xf32, #tpu.memory_space<hbm>> -> memref<4000x64xf32, #tpu.memory_space<hbm>>
      tpu.enqueue_indirect_dma source(%dma_start3A_94 : memref<4000x64xf32, #tpu.memory_space<hbm>>) target(%arg11 : memref<128x64xf32, #tpu.memory_space<vmem>>) offsets(%dma_start3A_91 : memref<128xi32, #tpu.memory_space<vmem>>) semaphore(%arg19 : memref<!tpu.dma_semaphore, #tpu.memory_space<semaphore_mem>>)
    } else {
    }
    %gt3A_43 = arith.constant 16 : i32
    %gt3A_44 = arith.constant 3 : i32
    %gt3A_45 = arith.cmpi sgt, %gt3A_43, %gt3A_44 : i32
    %convert_element_type3A_46 = arith.extui %gt3A_45 : i1 to i32
    %cond3A_47 = arith.constant 0 : i32
    %cond3A_48 = arith.cmpi ne, %convert_element_type3A_46, %cond3A_47 : i32
    scf.if %cond3A_48 {
      %dma_start3A = arith.constant 3 : i32
      %dma_start3A_89 = arith.constant 0 : i32
      %dma_start3A_90 = tpu.memref_slice %arg7[%dma_start3A, %dma_start3A_89] : memref<16x128xi32, #tpu.memory_space<vmem>> -> memref<1x128xi32, #tpu.memory_space<vmem>>
      %dma_start3A_91 = tpu.memref_squeeze %dma_start3A_90 : memref<1x128xi32, #tpu.memory_space<vmem>> -> memref<128xi32, #tpu.memory_space<vmem>>
      %dma_start3A_92 = arith.constant 0 : i32
      %dma_start3A_93 = arith.constant 0 : i32
      %dma_start3A_94 = tpu.memref_slice %arg3[%dma_start3A_92, %dma_start3A_93] : memref<4000x64xf32, #tpu.memory_space<hbm>> -> memref<4000x64xf32, #tpu.memory_space<hbm>>
      tpu.enqueue_indirect_dma source(%dma_start3A_94 : memref<4000x64xf32, #tpu.memory_space<hbm>>) target(%arg12 : memref<128x64xf32, #tpu.memory_space<vmem>>) offsets(%dma_start3A_91 : memref<128xi32, #tpu.memory_space<vmem>>) semaphore(%arg20 : memref<!tpu.dma_semaphore, #tpu.memory_space<semaphore_mem>>)
    } else {
    }
    %gt3A_49 = arith.constant 16 : i32
    %gt3A_50 = arith.constant 4 : i32
    %gt3A_51 = arith.cmpi sgt, %gt3A_49, %gt3A_50 : i32
    %convert_element_type3A_52 = arith.extui %gt3A_51 : i1 to i32
    %cond3A_53 = arith.constant 0 : i32
    %cond3A_54 = arith.cmpi ne, %convert_element_type3A_52, %cond3A_53 : i32
    scf.if %cond3A_54 {
      %dma_start3A = arith.constant 4 : i32
      %dma_start3A_89 = arith.constant 0 : i32
      %dma_start3A_90 = tpu.memref_slice %arg7[%dma_start3A, %dma_start3A_89] : memref<16x128xi32, #tpu.memory_space<vmem>> -> memref<1x128xi32, #tpu.memory_space<vmem>>
      %dma_start3A_91 = tpu.memref_squeeze %dma_start3A_90 : memref<1x128xi32, #tpu.memory_space<vmem>> -> memref<128xi32, #tpu.memory_space<vmem>>
      %dma_start3A_92 = arith.constant 0 : i32
      %dma_start3A_93 = arith.constant 0 : i32
      %dma_start3A_94 = tpu.memref_slice %arg3[%dma_start3A_92, %dma_start3A_93] : memref<4000x64xf32, #tpu.memory_space<hbm>> -> memref<4000x64xf32, #tpu.memory_space<hbm>>
      tpu.enqueue_indirect_dma source(%dma_start3A_94 : memref<4000x64xf32, #tpu.memory_space<hbm>>) target(%arg13 : memref<128x64xf32, #tpu.memory_space<vmem>>) offsets(%dma_start3A_91 : memref<128xi32, #tpu.memory_space<vmem>>) semaphore(%arg21 : memref<!tpu.dma_semaphore, #tpu.memory_space<semaphore_mem>>)
    } else {
    }
    %gt3A_55 = arith.constant 16 : i32
    %gt3A_56 = arith.constant 5 : i32
    %gt3A_57 = arith.cmpi sgt, %gt3A_55, %gt3A_56 : i32
    %convert_element_type3A_58 = arith.extui %gt3A_57 : i1 to i32
    %cond3A_59 = arith.constant 0 : i32
    %cond3A_60 = arith.cmpi ne, %convert_element_type3A_58, %cond3A_59 : i32
    scf.if %cond3A_60 {
      %dma_start3A = arith.constant 5 : i32
      %dma_start3A_89 = arith.constant 0 : i32
      %dma_start3A_90 = tpu.memref_slice %arg7[%dma_start3A, %dma_start3A_89] : memref<16x128xi32, #tpu.memory_space<vmem>> -> memref<1x128xi32, #tpu.memory_space<vmem>>
      %dma_start3A_91 = tpu.memref_squeeze %dma_start3A_90 : memref<1x128xi32, #tpu.memory_space<vmem>> -> memref<128xi32, #tpu.memory_space<vmem>>
      %dma_start3A_92 = arith.constant 0 : i32
      %dma_start3A_93 = arith.constant 0 : i32
      %dma_start3A_94 = tpu.memref_slice %arg3[%dma_start3A_92, %dma_start3A_93] : memref<4000x64xf32, #tpu.memory_space<hbm>> -> memref<4000x64xf32, #tpu.memory_space<hbm>>
      tpu.enqueue_indirect_dma source(%dma_start3A_94 : memref<4000x64xf32, #tpu.memory_space<hbm>>) target(%arg14 : memref<128x64xf32, #tpu.memory_space<vmem>>) offsets(%dma_start3A_91 : memref<128xi32, #tpu.memory_space<vmem>>) semaphore(%arg22 : memref<!tpu.dma_semaphore, #tpu.memory_space<semaphore_mem>>)
    } else {
    }
    %gt3A_61 = arith.constant 16 : i32
    %gt3A_62 = arith.constant 6 : i32
    %gt3A_63 = arith.cmpi sgt, %gt3A_61, %gt3A_62 : i32
    %convert_element_type3A_64 = arith.extui %gt3A_63 : i1 to i32
    %cond3A_65 = arith.constant 0 : i32
    %cond3A_66 = arith.cmpi ne, %convert_element_type3A_64, %cond3A_65 : i32
    scf.if %cond3A_66 {
      %dma_start3A = arith.constant 6 : i32
      %dma_start3A_89 = arith.constant 0 : i32
      %dma_start3A_90 = tpu.memref_slice %arg7[%dma_start3A, %dma_start3A_89] : memref<16x128xi32, #tpu.memory_space<vmem>> -> memref<1x128xi32, #tpu.memory_space<vmem>>
      %dma_start3A_91 = tpu.memref_squeeze %dma_start3A_90 : memref<1x128xi32, #tpu.memory_space<vmem>> -> memref<128xi32, #tpu.memory_space<vmem>>
      %dma_start3A_92 = arith.constant 0 : i32
      %dma_start3A_93 = arith.constant 0 : i32
      %dma_start3A_94 = tpu.memref_slice %arg3[%dma_start3A_92, %dma_start3A_93] : memref<4000x64xf32, #tpu.memory_space<hbm>> -> memref<4000x64xf32, #tpu.memory_space<hbm>>
      tpu.enqueue_indirect_dma source(%dma_start3A_94 : memref<4000x64xf32, #tpu.memory_space<hbm>>) target(%arg15 : memref<128x64xf32, #tpu.memory_space<vmem>>) offsets(%dma_start3A_91 : memref<128xi32, #tpu.memory_space<vmem>>) semaphore(%arg23 : memref<!tpu.dma_semaphore, #tpu.memory_space<semaphore_mem>>)
    } else {
    }
    %gt3A_67 = arith.constant 16 : i32
    %gt3A_68 = arith.constant 7 : i32
    %gt3A_69 = arith.cmpi sgt, %gt3A_67, %gt3A_68 : i32
    %convert_element_type3A_70 = arith.extui %gt3A_69 : i1 to i32
    %cond3A_71 = arith.constant 0 : i32
    %cond3A_72 = arith.cmpi ne, %convert_element_type3A_70, %cond3A_71 : i32
    scf.if %cond3A_72 {
      %dma_start3A = arith.constant 7 : i32
      %dma_start3A_89 = arith.constant 0 : i32
      %dma_start3A_90 = tpu.memref_slice %arg7[%dma_start3A, %dma_start3A_89] : memref<16x128xi32, #tpu.memory_space<vmem>> -> memref<1x128xi32, #tpu.memory_space<vmem>>
      %dma_start3A_91 = tpu.memref_squeeze %dma_start3A_90 : memref<1x128xi32, #tpu.memory_space<vmem>> -> memref<128xi32, #tpu.memory_space<vmem>>
      %dma_start3A_92 = arith.constant 0 : i32
      %dma_start3A_93 = arith.constant 0 : i32
      %dma_start3A_94 = tpu.memref_slice %arg3[%dma_start3A_92, %dma_start3A_93] : memref<4000x64xf32, #tpu.memory_space<hbm>> -> memref<4000x64xf32, #tpu.memory_space<hbm>>
      tpu.enqueue_indirect_dma source(%dma_start3A_94 : memref<4000x64xf32, #tpu.memory_space<hbm>>) target(%arg16 : memref<128x64xf32, #tpu.memory_space<vmem>>) offsets(%dma_start3A_91 : memref<128xi32, #tpu.memory_space<vmem>>) semaphore(%arg24 : memref<!tpu.dma_semaphore, #tpu.memory_space<semaphore_mem>>)
    } else {
    }
    %while3A = arith.constant 0 : i32
    %while3A_73 = arith.constant 16 : i32
    %while3A_74 = arith.constant 0 : i32
    %while3A_75 = arith.constant 16 : i32
    %while3A_76 = arith.subi %while3A_75, %while3A_74 : i32
    %while3A_77 = arith.addi %while3A_74, %while3A_76 : i32
    %while3A_78 = arith.constant 1 : i32
    %while3A_79 = arith.divsi %while3A_76, %while3A_78 : i32
    %while3A_80 = arith.muli %while3A_79, %while3A_78 : i32
    %while3A_81 = arith.addi %while3A_74, %while3A_80 : i32
    %while3A_82 = arith.constant 1 : i32
    scf.for %while3A_89 = %while3A_74 to %while3A_81 step %while3A_82  : i32 {
      %and3A = arith.constant 7 : i32
      %and3A_90 = arith.andi %while3A_89, %and3A : i32
      %eq3A = arith.constant 0 : i32
      %eq3A_91 = arith.cmpi eq, %and3A_90, %eq3A : i32
      %convert_element_type3A_92 = arith.extui %eq3A_91 : i1 to i32
      %cond3A_93 = arith.constant 0 : i32
      %cond3A_94 = arith.cmpi ne, %convert_element_type3A_92, %cond3A_93 : i32
      scf.if %cond3A_94 {
        %dma_wait3A = arith.constant 0 : i32
        %dma_wait3A_130 = tpu.memref_slice %arg7[%while3A_89, %dma_wait3A] : memref<16x128xi32, #tpu.memory_space<vmem>> -> memref<1x128xi32, #tpu.memory_space<vmem>>
        %dma_wait3A_131 = tpu.memref_squeeze %dma_wait3A_130 : memref<1x128xi32, #tpu.memory_space<vmem>> -> memref<128xi32, #tpu.memory_space<vmem>>
        %dma_wait3A_132 = arith.constant 0 : i32
        %dma_wait3A_133 = arith.constant 0 : i32
        %dma_wait3A_134 = tpu.memref_slice %arg3[%dma_wait3A_132, %dma_wait3A_133] : memref<4000x64xf32, #tpu.memory_space<hbm>> -> memref<4000x64xf32, #tpu.memory_space<hbm>>
        tpu.wait_indirect_dma semaphore(%arg17 : memref<!tpu.dma_semaphore, #tpu.memory_space<semaphore_mem>>) src(%dma_wait3A_134 : memref<4000x64xf32, #tpu.memory_space<hbm>>) dst(%arg9 : memref<128x64xf32, #tpu.memory_space<vmem>>)
        "tpu.region"() ({
          %run_scoped3A = tpu.sem_alloc : memref<!tpu.dma_semaphore, #tpu.memory_space<semaphore_mem>>
          %dma_start3A = arith.constant 0 : i32
          %dma_start3A_140 = tpu.memref_slice %arg8[%while3A_89, %dma_start3A] : memref<16x128xi32, #tpu.memory_space<vmem>> -> memref<1x128xi32, #tpu.memory_space<vmem>>
          %dma_start3A_141 = tpu.memref_squeeze %dma_start3A_140 : memref<1x128xi32, #tpu.memory_space<vmem>> -> memref<128xi32, #tpu.memory_space<vmem>>
          %dma_start3A_142 = arith.constant 0 : i32
          %dma_start3A_143 = arith.constant 0 : i32
          %dma_start3A_144 = tpu.memref_slice %arg25[%dma_start3A_142, %dma_start3A_143] : memref<4096x64xf32, #tpu.memory_space<vmem_shared>> -> memref<4096x64xf32, #tpu.memory_space<vmem_shared>>
          tpu.enqueue_indirect_dma source(%arg9 : memref<128x64xf32, #tpu.memory_space<vmem>>) target(%dma_start3A_144 : memref<4096x64xf32, #tpu.memory_space<vmem_shared>>) offsets(%dma_start3A_141 : memref<128xi32, #tpu.memory_space<vmem>>) semaphore(%run_scoped3A : memref<!tpu.dma_semaphore, #tpu.memory_space<semaphore_mem>>) {add = true}
          %dma_wait3A_145 = arith.constant 0 : i32
          %dma_wait3A_146 = tpu.memref_slice %arg8[%while3A_89, %dma_wait3A_145] : memref<16x128xi32, #tpu.memory_space<vmem>> -> memref<1x128xi32, #tpu.memory_space<vmem>>
          %dma_wait3A_147 = tpu.memref_squeeze %dma_wait3A_146 : memref<1x128xi32, #tpu.memory_space<vmem>> -> memref<128xi32, #tpu.memory_space<vmem>>
          %dma_wait3A_148 = arith.constant 0 : i32
          %dma_wait3A_149 = arith.constant 0 : i32
          %dma_wait3A_150 = tpu.memref_slice %arg25[%dma_wait3A_148, %dma_wait3A_149] : memref<4096x64xf32, #tpu.memory_space<vmem_shared>> -> memref<4096x64xf32, #tpu.memory_space<vmem_shared>>
          tpu.wait_indirect_dma semaphore(%run_scoped3A : memref<!tpu.dma_semaphore, #tpu.memory_space<semaphore_mem>>) src(%arg9 : memref<128x64xf32, #tpu.memory_space<vmem>>) dst(%dma_wait3A_150 : memref<4096x64xf32, #tpu.memory_space<vmem_shared>>)
          tpu.yield
        }) : () -> ()
        %add3A_135 = arith.constant 8 : i32
        %add3A_136 = arith.addi %while3A_89, %add3A_135 : i32
        %lt3A = arith.cmpi slt, %add3A_136, %while3A_73 : i32
        %convert_element_type3A_137 = arith.extui %lt3A : i1 to i32
        %cond3A_138 = arith.constant 0 : i32
        %cond3A_139 = arith.cmpi ne, %convert_element_type3A_137, %cond3A_138 : i32
        scf.if %cond3A_139 {
          %add3A_140 = arith.constant 8 : i32
          %add3A_141 = arith.addi %while3A_89, %add3A_140 : i32
          %dma_start3A = arith.constant 0 : i32
          %dma_start3A_142 = tpu.memref_slice %arg7[%add3A_141, %dma_start3A] : memref<16x128xi32, #tpu.memory_space<vmem>> -> memref<1x128xi32, #tpu.memory_space<vmem>>
          %dma_start3A_143 = tpu.memref_squeeze %dma_start3A_142 : memref<1x128xi32, #tpu.memory_space<vmem>> -> memref<128xi32, #tpu.memory_space<vmem>>
          %dma_start3A_144 = arith.constant 0 : i32
          %dma_start3A_145 = arith.constant 0 : i32
          %dma_start3A_146 = tpu.memref_slice %arg3[%dma_start3A_144, %dma_start3A_145] : memref<4000x64xf32, #tpu.memory_space<hbm>> -> memref<4000x64xf32, #tpu.memory_space<hbm>>
          tpu.enqueue_indirect_dma source(%dma_start3A_146 : memref<4000x64xf32, #tpu.memory_space<hbm>>) target(%arg9 : memref<128x64xf32, #tpu.memory_space<vmem>>) offsets(%dma_start3A_143 : memref<128xi32, #tpu.memory_space<vmem>>) semaphore(%arg17 : memref<!tpu.dma_semaphore, #tpu.memory_space<semaphore_mem>>)
        } else {
        }
      } else {
      }
      %eq3A_95 = arith.constant 1 : i32
      %eq3A_96 = arith.cmpi eq, %and3A_90, %eq3A_95 : i32
      %convert_element_type3A_97 = arith.extui %eq3A_96 : i1 to i32
      %cond3A_98 = arith.constant 0 : i32
      %cond3A_99 = arith.cmpi ne, %convert_element_type3A_97, %cond3A_98 : i32
      scf.if %cond3A_99 {
        %dma_wait3A = arith.constant 0 : i32
        %dma_wait3A_130 = tpu.memref_slice %arg7[%while3A_89, %dma_wait3A] : memref<16x128xi32, #tpu.memory_space<vmem>> -> memref<1x128xi32, #tpu.memory_space<vmem>>
        %dma_wait3A_131 = tpu.memref_squeeze %dma_wait3A_130 : memref<1x128xi32, #tpu.memory_space<vmem>> -> memref<128xi32, #tpu.memory_space<vmem>>
        %dma_wait3A_132 = arith.constant 0 : i32
        %dma_wait3A_133 = arith.constant 0 : i32
        %dma_wait3A_134 = tpu.memref_slice %arg3[%dma_wait3A_132, %dma_wait3A_133] : memref<4000x64xf32, #tpu.memory_space<hbm>> -> memref<4000x64xf32, #tpu.memory_space<hbm>>
        tpu.wait_indirect_dma semaphore(%arg18 : memref<!tpu.dma_semaphore, #tpu.memory_space<semaphore_mem>>) src(%dma_wait3A_134 : memref<4000x64xf32, #tpu.memory_space<hbm>>) dst(%arg10 : memref<128x64xf32, #tpu.memory_space<vmem>>)
        "tpu.region"() ({
          %run_scoped3A = tpu.sem_alloc : memref<!tpu.dma_semaphore, #tpu.memory_space<semaphore_mem>>
          %dma_start3A = arith.constant 0 : i32
          %dma_start3A_140 = tpu.memref_slice %arg8[%while3A_89, %dma_start3A] : memref<16x128xi32, #tpu.memory_space<vmem>> -> memref<1x128xi32, #tpu.memory_space<vmem>>
          %dma_start3A_141 = tpu.memref_squeeze %dma_start3A_140 : memref<1x128xi32, #tpu.memory_space<vmem>> -> memref<128xi32, #tpu.memory_space<vmem>>
          %dma_start3A_142 = arith.constant 0 : i32
          %dma_start3A_143 = arith.constant 0 : i32
          %dma_start3A_144 = tpu.memref_slice %arg25[%dma_start3A_142, %dma_start3A_143] : memref<4096x64xf32, #tpu.memory_space<vmem_shared>> -> memref<4096x64xf32, #tpu.memory_space<vmem_shared>>
          tpu.enqueue_indirect_dma source(%arg10 : memref<128x64xf32, #tpu.memory_space<vmem>>) target(%dma_start3A_144 : memref<4096x64xf32, #tpu.memory_space<vmem_shared>>) offsets(%dma_start3A_141 : memref<128xi32, #tpu.memory_space<vmem>>) semaphore(%run_scoped3A : memref<!tpu.dma_semaphore, #tpu.memory_space<semaphore_mem>>) {add = true}
          %dma_wait3A_145 = arith.constant 0 : i32
          %dma_wait3A_146 = tpu.memref_slice %arg8[%while3A_89, %dma_wait3A_145] : memref<16x128xi32, #tpu.memory_space<vmem>> -> memref<1x128xi32, #tpu.memory_space<vmem>>
          %dma_wait3A_147 = tpu.memref_squeeze %dma_wait3A_146 : memref<1x128xi32, #tpu.memory_space<vmem>> -> memref<128xi32, #tpu.memory_space<vmem>>
          %dma_wait3A_148 = arith.constant 0 : i32
          %dma_wait3A_149 = arith.constant 0 : i32
          %dma_wait3A_150 = tpu.memref_slice %arg25[%dma_wait3A_148, %dma_wait3A_149] : memref<4096x64xf32, #tpu.memory_space<vmem_shared>> -> memref<4096x64xf32, #tpu.memory_space<vmem_shared>>
          tpu.wait_indirect_dma semaphore(%run_scoped3A : memref<!tpu.dma_semaphore, #tpu.memory_space<semaphore_mem>>) src(%arg10 : memref<128x64xf32, #tpu.memory_space<vmem>>) dst(%dma_wait3A_150 : memref<4096x64xf32, #tpu.memory_space<vmem_shared>>)
          tpu.yield
        }) : () -> ()
        %add3A_135 = arith.constant 8 : i32
        %add3A_136 = arith.addi %while3A_89, %add3A_135 : i32
        %lt3A = arith.cmpi slt, %add3A_136, %while3A_73 : i32
        %convert_element_type3A_137 = arith.extui %lt3A : i1 to i32
        %cond3A_138 = arith.constant 0 : i32
        %cond3A_139 = arith.cmpi ne, %convert_element_type3A_137, %cond3A_138 : i32
        scf.if %cond3A_139 {
          %add3A_140 = arith.constant 8 : i32
          %add3A_141 = arith.addi %while3A_89, %add3A_140 : i32
          %dma_start3A = arith.constant 0 : i32
          %dma_start3A_142 = tpu.memref_slice %arg7[%add3A_141, %dma_start3A] : memref<16x128xi32, #tpu.memory_space<vmem>> -> memref<1x128xi32, #tpu.memory_space<vmem>>
          %dma_start3A_143 = tpu.memref_squeeze %dma_start3A_142 : memref<1x128xi32, #tpu.memory_space<vmem>> -> memref<128xi32, #tpu.memory_space<vmem>>
          %dma_start3A_144 = arith.constant 0 : i32
          %dma_start3A_145 = arith.constant 0 : i32
          %dma_start3A_146 = tpu.memref_slice %arg3[%dma_start3A_144, %dma_start3A_145] : memref<4000x64xf32, #tpu.memory_space<hbm>> -> memref<4000x64xf32, #tpu.memory_space<hbm>>
          tpu.enqueue_indirect_dma source(%dma_start3A_146 : memref<4000x64xf32, #tpu.memory_space<hbm>>) target(%arg10 : memref<128x64xf32, #tpu.memory_space<vmem>>) offsets(%dma_start3A_143 : memref<128xi32, #tpu.memory_space<vmem>>) semaphore(%arg18 : memref<!tpu.dma_semaphore, #tpu.memory_space<semaphore_mem>>)
        } else {
        }
      } else {
      }
      %eq3A_100 = arith.constant 2 : i32
      %eq3A_101 = arith.cmpi eq, %and3A_90, %eq3A_100 : i32
      %convert_element_type3A_102 = arith.extui %eq3A_101 : i1 to i32
      %cond3A_103 = arith.constant 0 : i32
      %cond3A_104 = arith.cmpi ne, %convert_element_type3A_102, %cond3A_103 : i32
      scf.if %cond3A_104 {
        %dma_wait3A = arith.constant 0 : i32
        %dma_wait3A_130 = tpu.memref_slice %arg7[%while3A_89, %dma_wait3A] : memref<16x128xi32, #tpu.memory_space<vmem>> -> memref<1x128xi32, #tpu.memory_space<vmem>>
        %dma_wait3A_131 = tpu.memref_squeeze %dma_wait3A_130 : memref<1x128xi32, #tpu.memory_space<vmem>> -> memref<128xi32, #tpu.memory_space<vmem>>
        %dma_wait3A_132 = arith.constant 0 : i32
        %dma_wait3A_133 = arith.constant 0 : i32
        %dma_wait3A_134 = tpu.memref_slice %arg3[%dma_wait3A_132, %dma_wait3A_133] : memref<4000x64xf32, #tpu.memory_space<hbm>> -> memref<4000x64xf32, #tpu.memory_space<hbm>>
        tpu.wait_indirect_dma semaphore(%arg19 : memref<!tpu.dma_semaphore, #tpu.memory_space<semaphore_mem>>) src(%dma_wait3A_134 : memref<4000x64xf32, #tpu.memory_space<hbm>>) dst(%arg11 : memref<128x64xf32, #tpu.memory_space<vmem>>)
        "tpu.region"() ({
          %run_scoped3A = tpu.sem_alloc : memref<!tpu.dma_semaphore, #tpu.memory_space<semaphore_mem>>
          %dma_start3A = arith.constant 0 : i32
          %dma_start3A_140 = tpu.memref_slice %arg8[%while3A_89, %dma_start3A] : memref<16x128xi32, #tpu.memory_space<vmem>> -> memref<1x128xi32, #tpu.memory_space<vmem>>
          %dma_start3A_141 = tpu.memref_squeeze %dma_start3A_140 : memref<1x128xi32, #tpu.memory_space<vmem>> -> memref<128xi32, #tpu.memory_space<vmem>>
          %dma_start3A_142 = arith.constant 0 : i32
          %dma_start3A_143 = arith.constant 0 : i32
          %dma_start3A_144 = tpu.memref_slice %arg25[%dma_start3A_142, %dma_start3A_143] : memref<4096x64xf32, #tpu.memory_space<vmem_shared>> -> memref<4096x64xf32, #tpu.memory_space<vmem_shared>>
          tpu.enqueue_indirect_dma source(%arg11 : memref<128x64xf32, #tpu.memory_space<vmem>>) target(%dma_start3A_144 : memref<4096x64xf32, #tpu.memory_space<vmem_shared>>) offsets(%dma_start3A_141 : memref<128xi32, #tpu.memory_space<vmem>>) semaphore(%run_scoped3A : memref<!tpu.dma_semaphore, #tpu.memory_space<semaphore_mem>>) {add = true}
          %dma_wait3A_145 = arith.constant 0 : i32
          %dma_wait3A_146 = tpu.memref_slice %arg8[%while3A_89, %dma_wait3A_145] : memref<16x128xi32, #tpu.memory_space<vmem>> -> memref<1x128xi32, #tpu.memory_space<vmem>>
          %dma_wait3A_147 = tpu.memref_squeeze %dma_wait3A_146 : memref<1x128xi32, #tpu.memory_space<vmem>> -> memref<128xi32, #tpu.memory_space<vmem>>
          %dma_wait3A_148 = arith.constant 0 : i32
          %dma_wait3A_149 = arith.constant 0 : i32
          %dma_wait3A_150 = tpu.memref_slice %arg25[%dma_wait3A_148, %dma_wait3A_149] : memref<4096x64xf32, #tpu.memory_space<vmem_shared>> -> memref<4096x64xf32, #tpu.memory_space<vmem_shared>>
          tpu.wait_indirect_dma semaphore(%run_scoped3A : memref<!tpu.dma_semaphore, #tpu.memory_space<semaphore_mem>>) src(%arg11 : memref<128x64xf32, #tpu.memory_space<vmem>>) dst(%dma_wait3A_150 : memref<4096x64xf32, #tpu.memory_space<vmem_shared>>)
          tpu.yield
        }) : () -> ()
        %add3A_135 = arith.constant 8 : i32
        %add3A_136 = arith.addi %while3A_89, %add3A_135 : i32
        %lt3A = arith.cmpi slt, %add3A_136, %while3A_73 : i32
        %convert_element_type3A_137 = arith.extui %lt3A : i1 to i32
        %cond3A_138 = arith.constant 0 : i32
        %cond3A_139 = arith.cmpi ne, %convert_element_type3A_137, %cond3A_138 : i32
        scf.if %cond3A_139 {
          %add3A_140 = arith.constant 8 : i32
          %add3A_141 = arith.addi %while3A_89, %add3A_140 : i32
          %dma_start3A = arith.constant 0 : i32
          %dma_start3A_142 = tpu.memref_slice %arg7[%add3A_141, %dma_start3A] : memref<16x128xi32, #tpu.memory_space<vmem>> -> memref<1x128xi32, #tpu.memory_space<vmem>>
          %dma_start3A_143 = tpu.memref_squeeze %dma_start3A_142 : memref<1x128xi32, #tpu.memory_space<vmem>> -> memref<128xi32, #tpu.memory_space<vmem>>
          %dma_start3A_144 = arith.constant 0 : i32
          %dma_start3A_145 = arith.constant 0 : i32
          %dma_start3A_146 = tpu.memref_slice %arg3[%dma_start3A_144, %dma_start3A_145] : memref<4000x64xf32, #tpu.memory_space<hbm>> -> memref<4000x64xf32, #tpu.memory_space<hbm>>
          tpu.enqueue_indirect_dma source(%dma_start3A_146 : memref<4000x64xf32, #tpu.memory_space<hbm>>) target(%arg11 : memref<128x64xf32, #tpu.memory_space<vmem>>) offsets(%dma_start3A_143 : memref<128xi32, #tpu.memory_space<vmem>>) semaphore(%arg19 : memref<!tpu.dma_semaphore, #tpu.memory_space<semaphore_mem>>)
        } else {
        }
      } else {
      }
      %eq3A_105 = arith.constant 3 : i32
      %eq3A_106 = arith.cmpi eq, %and3A_90, %eq3A_105 : i32
      %convert_element_type3A_107 = arith.extui %eq3A_106 : i1 to i32
      %cond3A_108 = arith.constant 0 : i32
      %cond3A_109 = arith.cmpi ne, %convert_element_type3A_107, %cond3A_108 : i32
      scf.if %cond3A_109 {
        %dma_wait3A = arith.constant 0 : i32
        %dma_wait3A_130 = tpu.memref_slice %arg7[%while3A_89, %dma_wait3A] : memref<16x128xi32, #tpu.memory_space<vmem>> -> memref<1x128xi32, #tpu.memory_space<vmem>>
        %dma_wait3A_131 = tpu.memref_squeeze %dma_wait3A_130 : memref<1x128xi32, #tpu.memory_space<vmem>> -> memref<128xi32, #tpu.memory_space<vmem>>
        %dma_wait3A_132 = arith.constant 0 : i32
        %dma_wait3A_133 = arith.constant 0 : i32
        %dma_wait3A_134 = tpu.memref_slice %arg3[%dma_wait3A_132, %dma_wait3A_133] : memref<4000x64xf32, #tpu.memory_space<hbm>> -> memref<4000x64xf32, #tpu.memory_space<hbm>>
        tpu.wait_indirect_dma semaphore(%arg20 : memref<!tpu.dma_semaphore, #tpu.memory_space<semaphore_mem>>) src(%dma_wait3A_134 : memref<4000x64xf32, #tpu.memory_space<hbm>>) dst(%arg12 : memref<128x64xf32, #tpu.memory_space<vmem>>)
        "tpu.region"() ({
          %run_scoped3A = tpu.sem_alloc : memref<!tpu.dma_semaphore, #tpu.memory_space<semaphore_mem>>
          %dma_start3A = arith.constant 0 : i32
          %dma_start3A_140 = tpu.memref_slice %arg8[%while3A_89, %dma_start3A] : memref<16x128xi32, #tpu.memory_space<vmem>> -> memref<1x128xi32, #tpu.memory_space<vmem>>
          %dma_start3A_141 = tpu.memref_squeeze %dma_start3A_140 : memref<1x128xi32, #tpu.memory_space<vmem>> -> memref<128xi32, #tpu.memory_space<vmem>>
          %dma_start3A_142 = arith.constant 0 : i32
          %dma_start3A_143 = arith.constant 0 : i32
          %dma_start3A_144 = tpu.memref_slice %arg25[%dma_start3A_142, %dma_start3A_143] : memref<4096x64xf32, #tpu.memory_space<vmem_shared>> -> memref<4096x64xf32, #tpu.memory_space<vmem_shared>>
          tpu.enqueue_indirect_dma source(%arg12 : memref<128x64xf32, #tpu.memory_space<vmem>>) target(%dma_start3A_144 : memref<4096x64xf32, #tpu.memory_space<vmem_shared>>) offsets(%dma_start3A_141 : memref<128xi32, #tpu.memory_space<vmem>>) semaphore(%run_scoped3A : memref<!tpu.dma_semaphore, #tpu.memory_space<semaphore_mem>>) {add = true}
          %dma_wait3A_145 = arith.constant 0 : i32
          %dma_wait3A_146 = tpu.memref_slice %arg8[%while3A_89, %dma_wait3A_145] : memref<16x128xi32, #tpu.memory_space<vmem>> -> memref<1x128xi32, #tpu.memory_space<vmem>>
          %dma_wait3A_147 = tpu.memref_squeeze %dma_wait3A_146 : memref<1x128xi32, #tpu.memory_space<vmem>> -> memref<128xi32, #tpu.memory_space<vmem>>
          %dma_wait3A_148 = arith.constant 0 : i32
          %dma_wait3A_149 = arith.constant 0 : i32
          %dma_wait3A_150 = tpu.memref_slice %arg25[%dma_wait3A_148, %dma_wait3A_149] : memref<4096x64xf32, #tpu.memory_space<vmem_shared>> -> memref<4096x64xf32, #tpu.memory_space<vmem_shared>>
          tpu.wait_indirect_dma semaphore(%run_scoped3A : memref<!tpu.dma_semaphore, #tpu.memory_space<semaphore_mem>>) src(%arg12 : memref<128x64xf32, #tpu.memory_space<vmem>>) dst(%dma_wait3A_150 : memref<4096x64xf32, #tpu.memory_space<vmem_shared>>)
          tpu.yield
        }) : () -> ()
        %add3A_135 = arith.constant 8 : i32
        %add3A_136 = arith.addi %while3A_89, %add3A_135 : i32
        %lt3A = arith.cmpi slt, %add3A_136, %while3A_73 : i32
        %convert_element_type3A_137 = arith.extui %lt3A : i1 to i32
        %cond3A_138 = arith.constant 0 : i32
        %cond3A_139 = arith.cmpi ne, %convert_element_type3A_137, %cond3A_138 : i32
        scf.if %cond3A_139 {
          %add3A_140 = arith.constant 8 : i32
          %add3A_141 = arith.addi %while3A_89, %add3A_140 : i32
          %dma_start3A = arith.constant 0 : i32
          %dma_start3A_142 = tpu.memref_slice %arg7[%add3A_141, %dma_start3A] : memref<16x128xi32, #tpu.memory_space<vmem>> -> memref<1x128xi32, #tpu.memory_space<vmem>>
          %dma_start3A_143 = tpu.memref_squeeze %dma_start3A_142 : memref<1x128xi32, #tpu.memory_space<vmem>> -> memref<128xi32, #tpu.memory_space<vmem>>
          %dma_start3A_144 = arith.constant 0 : i32
          %dma_start3A_145 = arith.constant 0 : i32
          %dma_start3A_146 = tpu.memref_slice %arg3[%dma_start3A_144, %dma_start3A_145] : memref<4000x64xf32, #tpu.memory_space<hbm>> -> memref<4000x64xf32, #tpu.memory_space<hbm>>
          tpu.enqueue_indirect_dma source(%dma_start3A_146 : memref<4000x64xf32, #tpu.memory_space<hbm>>) target(%arg12 : memref<128x64xf32, #tpu.memory_space<vmem>>) offsets(%dma_start3A_143 : memref<128xi32, #tpu.memory_space<vmem>>) semaphore(%arg20 : memref<!tpu.dma_semaphore, #tpu.memory_space<semaphore_mem>>)
        } else {
        }
      } else {
      }
      %eq3A_110 = arith.constant 4 : i32
      %eq3A_111 = arith.cmpi eq, %and3A_90, %eq3A_110 : i32
      %convert_element_type3A_112 = arith.extui %eq3A_111 : i1 to i32
      %cond3A_113 = arith.constant 0 : i32
      %cond3A_114 = arith.cmpi ne, %convert_element_type3A_112, %cond3A_113 : i32
      scf.if %cond3A_114 {
        %dma_wait3A = arith.constant 0 : i32
        %dma_wait3A_130 = tpu.memref_slice %arg7[%while3A_89, %dma_wait3A] : memref<16x128xi32, #tpu.memory_space<vmem>> -> memref<1x128xi32, #tpu.memory_space<vmem>>
        %dma_wait3A_131 = tpu.memref_squeeze %dma_wait3A_130 : memref<1x128xi32, #tpu.memory_space<vmem>> -> memref<128xi32, #tpu.memory_space<vmem>>
        %dma_wait3A_132 = arith.constant 0 : i32
        %dma_wait3A_133 = arith.constant 0 : i32
        %dma_wait3A_134 = tpu.memref_slice %arg3[%dma_wait3A_132, %dma_wait3A_133] : memref<4000x64xf32, #tpu.memory_space<hbm>> -> memref<4000x64xf32, #tpu.memory_space<hbm>>
        tpu.wait_indirect_dma semaphore(%arg21 : memref<!tpu.dma_semaphore, #tpu.memory_space<semaphore_mem>>) src(%dma_wait3A_134 : memref<4000x64xf32, #tpu.memory_space<hbm>>) dst(%arg13 : memref<128x64xf32, #tpu.memory_space<vmem>>)
        "tpu.region"() ({
          %run_scoped3A = tpu.sem_alloc : memref<!tpu.dma_semaphore, #tpu.memory_space<semaphore_mem>>
          %dma_start3A = arith.constant 0 : i32
          %dma_start3A_140 = tpu.memref_slice %arg8[%while3A_89, %dma_start3A] : memref<16x128xi32, #tpu.memory_space<vmem>> -> memref<1x128xi32, #tpu.memory_space<vmem>>
          %dma_start3A_141 = tpu.memref_squeeze %dma_start3A_140 : memref<1x128xi32, #tpu.memory_space<vmem>> -> memref<128xi32, #tpu.memory_space<vmem>>
          %dma_start3A_142 = arith.constant 0 : i32
          %dma_start3A_143 = arith.constant 0 : i32
          %dma_start3A_144 = tpu.memref_slice %arg25[%dma_start3A_142, %dma_start3A_143] : memref<4096x64xf32, #tpu.memory_space<vmem_shared>> -> memref<4096x64xf32, #tpu.memory_space<vmem_shared>>
          tpu.enqueue_indirect_dma source(%arg13 : memref<128x64xf32, #tpu.memory_space<vmem>>) target(%dma_start3A_144 : memref<4096x64xf32, #tpu.memory_space<vmem_shared>>) offsets(%dma_start3A_141 : memref<128xi32, #tpu.memory_space<vmem>>) semaphore(%run_scoped3A : memref<!tpu.dma_semaphore, #tpu.memory_space<semaphore_mem>>) {add = true}
          %dma_wait3A_145 = arith.constant 0 : i32
          %dma_wait3A_146 = tpu.memref_slice %arg8[%while3A_89, %dma_wait3A_145] : memref<16x128xi32, #tpu.memory_space<vmem>> -> memref<1x128xi32, #tpu.memory_space<vmem>>
          %dma_wait3A_147 = tpu.memref_squeeze %dma_wait3A_146 : memref<1x128xi32, #tpu.memory_space<vmem>> -> memref<128xi32, #tpu.memory_space<vmem>>
          %dma_wait3A_148 = arith.constant 0 : i32
          %dma_wait3A_149 = arith.constant 0 : i32
          %dma_wait3A_150 = tpu.memref_slice %arg25[%dma_wait3A_148, %dma_wait3A_149] : memref<4096x64xf32, #tpu.memory_space<vmem_shared>> -> memref<4096x64xf32, #tpu.memory_space<vmem_shared>>
          tpu.wait_indirect_dma semaphore(%run_scoped3A : memref<!tpu.dma_semaphore, #tpu.memory_space<semaphore_mem>>) src(%arg13 : memref<128x64xf32, #tpu.memory_space<vmem>>) dst(%dma_wait3A_150 : memref<4096x64xf32, #tpu.memory_space<vmem_shared>>)
          tpu.yield
        }) : () -> ()
        %add3A_135 = arith.constant 8 : i32
        %add3A_136 = arith.addi %while3A_89, %add3A_135 : i32
        %lt3A = arith.cmpi slt, %add3A_136, %while3A_73 : i32
        %convert_element_type3A_137 = arith.extui %lt3A : i1 to i32
        %cond3A_138 = arith.constant 0 : i32
        %cond3A_139 = arith.cmpi ne, %convert_element_type3A_137, %cond3A_138 : i32
        scf.if %cond3A_139 {
          %add3A_140 = arith.constant 8 : i32
          %add3A_141 = arith.addi %while3A_89, %add3A_140 : i32
          %dma_start3A = arith.constant 0 : i32
          %dma_start3A_142 = tpu.memref_slice %arg7[%add3A_141, %dma_start3A] : memref<16x128xi32, #tpu.memory_space<vmem>> -> memref<1x128xi32, #tpu.memory_space<vmem>>
          %dma_start3A_143 = tpu.memref_squeeze %dma_start3A_142 : memref<1x128xi32, #tpu.memory_space<vmem>> -> memref<128xi32, #tpu.memory_space<vmem>>
          %dma_start3A_144 = arith.constant 0 : i32
          %dma_start3A_145 = arith.constant 0 : i32
          %dma_start3A_146 = tpu.memref_slice %arg3[%dma_start3A_144, %dma_start3A_145] : memref<4000x64xf32, #tpu.memory_space<hbm>> -> memref<4000x64xf32, #tpu.memory_space<hbm>>
          tpu.enqueue_indirect_dma source(%dma_start3A_146 : memref<4000x64xf32, #tpu.memory_space<hbm>>) target(%arg13 : memref<128x64xf32, #tpu.memory_space<vmem>>) offsets(%dma_start3A_143 : memref<128xi32, #tpu.memory_space<vmem>>) semaphore(%arg21 : memref<!tpu.dma_semaphore, #tpu.memory_space<semaphore_mem>>)
        } else {
        }
      } else {
      }
      %eq3A_115 = arith.constant 5 : i32
      %eq3A_116 = arith.cmpi eq, %and3A_90, %eq3A_115 : i32
      %convert_element_type3A_117 = arith.extui %eq3A_116 : i1 to i32
      %cond3A_118 = arith.constant 0 : i32
      %cond3A_119 = arith.cmpi ne, %convert_element_type3A_117, %cond3A_118 : i32
      scf.if %cond3A_119 {
        %dma_wait3A = arith.constant 0 : i32
        %dma_wait3A_130 = tpu.memref_slice %arg7[%while3A_89, %dma_wait3A] : memref<16x128xi32, #tpu.memory_space<vmem>> -> memref<1x128xi32, #tpu.memory_space<vmem>>
        %dma_wait3A_131 = tpu.memref_squeeze %dma_wait3A_130 : memref<1x128xi32, #tpu.memory_space<vmem>> -> memref<128xi32, #tpu.memory_space<vmem>>
        %dma_wait3A_132 = arith.constant 0 : i32
        %dma_wait3A_133 = arith.constant 0 : i32
        %dma_wait3A_134 = tpu.memref_slice %arg3[%dma_wait3A_132, %dma_wait3A_133] : memref<4000x64xf32, #tpu.memory_space<hbm>> -> memref<4000x64xf32, #tpu.memory_space<hbm>>
        tpu.wait_indirect_dma semaphore(%arg22 : memref<!tpu.dma_semaphore, #tpu.memory_space<semaphore_mem>>) src(%dma_wait3A_134 : memref<4000x64xf32, #tpu.memory_space<hbm>>) dst(%arg14 : memref<128x64xf32, #tpu.memory_space<vmem>>)
        "tpu.region"() ({
          %run_scoped3A = tpu.sem_alloc : memref<!tpu.dma_semaphore, #tpu.memory_space<semaphore_mem>>
          %dma_start3A = arith.constant 0 : i32
          %dma_start3A_140 = tpu.memref_slice %arg8[%while3A_89, %dma_start3A] : memref<16x128xi32, #tpu.memory_space<vmem>> -> memref<1x128xi32, #tpu.memory_space<vmem>>
          %dma_start3A_141 = tpu.memref_squeeze %dma_start3A_140 : memref<1x128xi32, #tpu.memory_space<vmem>> -> memref<128xi32, #tpu.memory_space<vmem>>
          %dma_start3A_142 = arith.constant 0 : i32
          %dma_start3A_143 = arith.constant 0 : i32
          %dma_start3A_144 = tpu.memref_slice %arg25[%dma_start3A_142, %dma_start3A_143] : memref<4096x64xf32, #tpu.memory_space<vmem_shared>> -> memref<4096x64xf32, #tpu.memory_space<vmem_shared>>
          tpu.enqueue_indirect_dma source(%arg14 : memref<128x64xf32, #tpu.memory_space<vmem>>) target(%dma_start3A_144 : memref<4096x64xf32, #tpu.memory_space<vmem_shared>>) offsets(%dma_start3A_141 : memref<128xi32, #tpu.memory_space<vmem>>) semaphore(%run_scoped3A : memref<!tpu.dma_semaphore, #tpu.memory_space<semaphore_mem>>) {add = true}
          %dma_wait3A_145 = arith.constant 0 : i32
          %dma_wait3A_146 = tpu.memref_slice %arg8[%while3A_89, %dma_wait3A_145] : memref<16x128xi32, #tpu.memory_space<vmem>> -> memref<1x128xi32, #tpu.memory_space<vmem>>
          %dma_wait3A_147 = tpu.memref_squeeze %dma_wait3A_146 : memref<1x128xi32, #tpu.memory_space<vmem>> -> memref<128xi32, #tpu.memory_space<vmem>>
          %dma_wait3A_148 = arith.constant 0 : i32
          %dma_wait3A_149 = arith.constant 0 : i32
          %dma_wait3A_150 = tpu.memref_slice %arg25[%dma_wait3A_148, %dma_wait3A_149] : memref<4096x64xf32, #tpu.memory_space<vmem_shared>> -> memref<4096x64xf32, #tpu.memory_space<vmem_shared>>
          tpu.wait_indirect_dma semaphore(%run_scoped3A : memref<!tpu.dma_semaphore, #tpu.memory_space<semaphore_mem>>) src(%arg14 : memref<128x64xf32, #tpu.memory_space<vmem>>) dst(%dma_wait3A_150 : memref<4096x64xf32, #tpu.memory_space<vmem_shared>>)
          tpu.yield
        }) : () -> ()
        %add3A_135 = arith.constant 8 : i32
        %add3A_136 = arith.addi %while3A_89, %add3A_135 : i32
        %lt3A = arith.cmpi slt, %add3A_136, %while3A_73 : i32
        %convert_element_type3A_137 = arith.extui %lt3A : i1 to i32
        %cond3A_138 = arith.constant 0 : i32
        %cond3A_139 = arith.cmpi ne, %convert_element_type3A_137, %cond3A_138 : i32
        scf.if %cond3A_139 {
          %add3A_140 = arith.constant 8 : i32
          %add3A_141 = arith.addi %while3A_89, %add3A_140 : i32
          %dma_start3A = arith.constant 0 : i32
          %dma_start3A_142 = tpu.memref_slice %arg7[%add3A_141, %dma_start3A] : memref<16x128xi32, #tpu.memory_space<vmem>> -> memref<1x128xi32, #tpu.memory_space<vmem>>
          %dma_start3A_143 = tpu.memref_squeeze %dma_start3A_142 : memref<1x128xi32, #tpu.memory_space<vmem>> -> memref<128xi32, #tpu.memory_space<vmem>>
          %dma_start3A_144 = arith.constant 0 : i32
          %dma_start3A_145 = arith.constant 0 : i32
          %dma_start3A_146 = tpu.memref_slice %arg3[%dma_start3A_144, %dma_start3A_145] : memref<4000x64xf32, #tpu.memory_space<hbm>> -> memref<4000x64xf32, #tpu.memory_space<hbm>>
          tpu.enqueue_indirect_dma source(%dma_start3A_146 : memref<4000x64xf32, #tpu.memory_space<hbm>>) target(%arg14 : memref<128x64xf32, #tpu.memory_space<vmem>>) offsets(%dma_start3A_143 : memref<128xi32, #tpu.memory_space<vmem>>) semaphore(%arg22 : memref<!tpu.dma_semaphore, #tpu.memory_space<semaphore_mem>>)
        } else {
        }
      } else {
      }
      %eq3A_120 = arith.constant 6 : i32
      %eq3A_121 = arith.cmpi eq, %and3A_90, %eq3A_120 : i32
      %convert_element_type3A_122 = arith.extui %eq3A_121 : i1 to i32
      %cond3A_123 = arith.constant 0 : i32
      %cond3A_124 = arith.cmpi ne, %convert_element_type3A_122, %cond3A_123 : i32
      scf.if %cond3A_124 {
        %dma_wait3A = arith.constant 0 : i32
        %dma_wait3A_130 = tpu.memref_slice %arg7[%while3A_89, %dma_wait3A] : memref<16x128xi32, #tpu.memory_space<vmem>> -> memref<1x128xi32, #tpu.memory_space<vmem>>
        %dma_wait3A_131 = tpu.memref_squeeze %dma_wait3A_130 : memref<1x128xi32, #tpu.memory_space<vmem>> -> memref<128xi32, #tpu.memory_space<vmem>>
        %dma_wait3A_132 = arith.constant 0 : i32
        %dma_wait3A_133 = arith.constant 0 : i32
        %dma_wait3A_134 = tpu.memref_slice %arg3[%dma_wait3A_132, %dma_wait3A_133] : memref<4000x64xf32, #tpu.memory_space<hbm>> -> memref<4000x64xf32, #tpu.memory_space<hbm>>
        tpu.wait_indirect_dma semaphore(%arg23 : memref<!tpu.dma_semaphore, #tpu.memory_space<semaphore_mem>>) src(%dma_wait3A_134 : memref<4000x64xf32, #tpu.memory_space<hbm>>) dst(%arg15 : memref<128x64xf32, #tpu.memory_space<vmem>>)
        "tpu.region"() ({
          %run_scoped3A = tpu.sem_alloc : memref<!tpu.dma_semaphore, #tpu.memory_space<semaphore_mem>>
          %dma_start3A = arith.constant 0 : i32
          %dma_start3A_140 = tpu.memref_slice %arg8[%while3A_89, %dma_start3A] : memref<16x128xi32, #tpu.memory_space<vmem>> -> memref<1x128xi32, #tpu.memory_space<vmem>>
          %dma_start3A_141 = tpu.memref_squeeze %dma_start3A_140 : memref<1x128xi32, #tpu.memory_space<vmem>> -> memref<128xi32, #tpu.memory_space<vmem>>
          %dma_start3A_142 = arith.constant 0 : i32
          %dma_start3A_143 = arith.constant 0 : i32
          %dma_start3A_144 = tpu.memref_slice %arg25[%dma_start3A_142, %dma_start3A_143] : memref<4096x64xf32, #tpu.memory_space<vmem_shared>> -> memref<4096x64xf32, #tpu.memory_space<vmem_shared>>
          tpu.enqueue_indirect_dma source(%arg15 : memref<128x64xf32, #tpu.memory_space<vmem>>) target(%dma_start3A_144 : memref<4096x64xf32, #tpu.memory_space<vmem_shared>>) offsets(%dma_start3A_141 : memref<128xi32, #tpu.memory_space<vmem>>) semaphore(%run_scoped3A : memref<!tpu.dma_semaphore, #tpu.memory_space<semaphore_mem>>) {add = true}
          %dma_wait3A_145 = arith.constant 0 : i32
          %dma_wait3A_146 = tpu.memref_slice %arg8[%while3A_89, %dma_wait3A_145] : memref<16x128xi32, #tpu.memory_space<vmem>> -> memref<1x128xi32, #tpu.memory_space<vmem>>
          %dma_wait3A_147 = tpu.memref_squeeze %dma_wait3A_146 : memref<1x128xi32, #tpu.memory_space<vmem>> -> memref<128xi32, #tpu.memory_space<vmem>>
          %dma_wait3A_148 = arith.constant 0 : i32
          %dma_wait3A_149 = arith.constant 0 : i32
          %dma_wait3A_150 = tpu.memref_slice %arg25[%dma_wait3A_148, %dma_wait3A_149] : memref<4096x64xf32, #tpu.memory_space<vmem_shared>> -> memref<4096x64xf32, #tpu.memory_space<vmem_shared>>
          tpu.wait_indirect_dma semaphore(%run_scoped3A : memref<!tpu.dma_semaphore, #tpu.memory_space<semaphore_mem>>) src(%arg15 : memref<128x64xf32, #tpu.memory_space<vmem>>) dst(%dma_wait3A_150 : memref<4096x64xf32, #tpu.memory_space<vmem_shared>>)
          tpu.yield
        }) : () -> ()
        %add3A_135 = arith.constant 8 : i32
        %add3A_136 = arith.addi %while3A_89, %add3A_135 : i32
        %lt3A = arith.cmpi slt, %add3A_136, %while3A_73 : i32
        %convert_element_type3A_137 = arith.extui %lt3A : i1 to i32
        %cond3A_138 = arith.constant 0 : i32
        %cond3A_139 = arith.cmpi ne, %convert_element_type3A_137, %cond3A_138 : i32
        scf.if %cond3A_139 {
          %add3A_140 = arith.constant 8 : i32
          %add3A_141 = arith.addi %while3A_89, %add3A_140 : i32
          %dma_start3A = arith.constant 0 : i32
          %dma_start3A_142 = tpu.memref_slice %arg7[%add3A_141, %dma_start3A] : memref<16x128xi32, #tpu.memory_space<vmem>> -> memref<1x128xi32, #tpu.memory_space<vmem>>
          %dma_start3A_143 = tpu.memref_squeeze %dma_start3A_142 : memref<1x128xi32, #tpu.memory_space<vmem>> -> memref<128xi32, #tpu.memory_space<vmem>>
          %dma_start3A_144 = arith.constant 0 : i32
          %dma_start3A_145 = arith.constant 0 : i32
          %dma_start3A_146 = tpu.memref_slice %arg3[%dma_start3A_144, %dma_start3A_145] : memref<4000x64xf32, #tpu.memory_space<hbm>> -> memref<4000x64xf32, #tpu.memory_space<hbm>>
          tpu.enqueue_indirect_dma source(%dma_start3A_146 : memref<4000x64xf32, #tpu.memory_space<hbm>>) target(%arg15 : memref<128x64xf32, #tpu.memory_space<vmem>>) offsets(%dma_start3A_143 : memref<128xi32, #tpu.memory_space<vmem>>) semaphore(%arg23 : memref<!tpu.dma_semaphore, #tpu.memory_space<semaphore_mem>>)
        } else {
        }
      } else {
      }
      %eq3A_125 = arith.constant 7 : i32
      %eq3A_126 = arith.cmpi eq, %and3A_90, %eq3A_125 : i32
      %convert_element_type3A_127 = arith.extui %eq3A_126 : i1 to i32
      %cond3A_128 = arith.constant 0 : i32
      %cond3A_129 = arith.cmpi ne, %convert_element_type3A_127, %cond3A_128 : i32
      scf.if %cond3A_129 {
        %dma_wait3A = arith.constant 0 : i32
        %dma_wait3A_130 = tpu.memref_slice %arg7[%while3A_89, %dma_wait3A] : memref<16x128xi32, #tpu.memory_space<vmem>> -> memref<1x128xi32, #tpu.memory_space<vmem>>
        %dma_wait3A_131 = tpu.memref_squeeze %dma_wait3A_130 : memref<1x128xi32, #tpu.memory_space<vmem>> -> memref<128xi32, #tpu.memory_space<vmem>>
        %dma_wait3A_132 = arith.constant 0 : i32
        %dma_wait3A_133 = arith.constant 0 : i32
        %dma_wait3A_134 = tpu.memref_slice %arg3[%dma_wait3A_132, %dma_wait3A_133] : memref<4000x64xf32, #tpu.memory_space<hbm>> -> memref<4000x64xf32, #tpu.memory_space<hbm>>
        tpu.wait_indirect_dma semaphore(%arg24 : memref<!tpu.dma_semaphore, #tpu.memory_space<semaphore_mem>>) src(%dma_wait3A_134 : memref<4000x64xf32, #tpu.memory_space<hbm>>) dst(%arg16 : memref<128x64xf32, #tpu.memory_space<vmem>>)
        "tpu.region"() ({
          %run_scoped3A = tpu.sem_alloc : memref<!tpu.dma_semaphore, #tpu.memory_space<semaphore_mem>>
          %dma_start3A = arith.constant 0 : i32
          %dma_start3A_140 = tpu.memref_slice %arg8[%while3A_89, %dma_start3A] : memref<16x128xi32, #tpu.memory_space<vmem>> -> memref<1x128xi32, #tpu.memory_space<vmem>>
          %dma_start3A_141 = tpu.memref_squeeze %dma_start3A_140 : memref<1x128xi32, #tpu.memory_space<vmem>> -> memref<128xi32, #tpu.memory_space<vmem>>
          %dma_start3A_142 = arith.constant 0 : i32
          %dma_start3A_143 = arith.constant 0 : i32
          %dma_start3A_144 = tpu.memref_slice %arg25[%dma_start3A_142, %dma_start3A_143] : memref<4096x64xf32, #tpu.memory_space<vmem_shared>> -> memref<4096x64xf32, #tpu.memory_space<vmem_shared>>
          tpu.enqueue_indirect_dma source(%arg16 : memref<128x64xf32, #tpu.memory_space<vmem>>) target(%dma_start3A_144 : memref<4096x64xf32, #tpu.memory_space<vmem_shared>>) offsets(%dma_start3A_141 : memref<128xi32, #tpu.memory_space<vmem>>) semaphore(%run_scoped3A : memref<!tpu.dma_semaphore, #tpu.memory_space<semaphore_mem>>) {add = true}
          %dma_wait3A_145 = arith.constant 0 : i32
          %dma_wait3A_146 = tpu.memref_slice %arg8[%while3A_89, %dma_wait3A_145] : memref<16x128xi32, #tpu.memory_space<vmem>> -> memref<1x128xi32, #tpu.memory_space<vmem>>
          %dma_wait3A_147 = tpu.memref_squeeze %dma_wait3A_146 : memref<1x128xi32, #tpu.memory_space<vmem>> -> memref<128xi32, #tpu.memory_space<vmem>>
          %dma_wait3A_148 = arith.constant 0 : i32
          %dma_wait3A_149 = arith.constant 0 : i32
          %dma_wait3A_150 = tpu.memref_slice %arg25[%dma_wait3A_148, %dma_wait3A_149] : memref<4096x64xf32, #tpu.memory_space<vmem_shared>> -> memref<4096x64xf32, #tpu.memory_space<vmem_shared>>
          tpu.wait_indirect_dma semaphore(%run_scoped3A : memref<!tpu.dma_semaphore, #tpu.memory_space<semaphore_mem>>) src(%arg16 : memref<128x64xf32, #tpu.memory_space<vmem>>) dst(%dma_wait3A_150 : memref<4096x64xf32, #tpu.memory_space<vmem_shared>>)
          tpu.yield
        }) : () -> ()
        %add3A_135 = arith.constant 8 : i32
        %add3A_136 = arith.addi %while3A_89, %add3A_135 : i32
        %lt3A = arith.cmpi slt, %add3A_136, %while3A_73 : i32
        %convert_element_type3A_137 = arith.extui %lt3A : i1 to i32
        %cond3A_138 = arith.constant 0 : i32
        %cond3A_139 = arith.cmpi ne, %convert_element_type3A_137, %cond3A_138 : i32
        scf.if %cond3A_139 {
          %add3A_140 = arith.constant 8 : i32
          %add3A_141 = arith.addi %while3A_89, %add3A_140 : i32
          %dma_start3A = arith.constant 0 : i32
          %dma_start3A_142 = tpu.memref_slice %arg7[%add3A_141, %dma_start3A] : memref<16x128xi32, #tpu.memory_space<vmem>> -> memref<1x128xi32, #tpu.memory_space<vmem>>
          %dma_start3A_143 = tpu.memref_squeeze %dma_start3A_142 : memref<1x128xi32, #tpu.memory_space<vmem>> -> memref<128xi32, #tpu.memory_space<vmem>>
          %dma_start3A_144 = arith.constant 0 : i32
          %dma_start3A_145 = arith.constant 0 : i32
          %dma_start3A_146 = tpu.memref_slice %arg3[%dma_start3A_144, %dma_start3A_145] : memref<4000x64xf32, #tpu.memory_space<hbm>> -> memref<4000x64xf32, #tpu.memory_space<hbm>>
          tpu.enqueue_indirect_dma source(%dma_start3A_146 : memref<4000x64xf32, #tpu.memory_space<hbm>>) target(%arg16 : memref<128x64xf32, #tpu.memory_space<vmem>>) offsets(%dma_start3A_143 : memref<128xi32, #tpu.memory_space<vmem>>) semaphore(%arg24 : memref<!tpu.dma_semaphore, #tpu.memory_space<semaphore_mem>>)
        } else {
        }
      } else {
      }
    }
    %while3A_83 = arith.constant 1 : i32
    scf.for %while3A_89 = %while3A_81 to %while3A_77 step %while3A_83  : i32 {
      %and3A = arith.constant 7 : i32
      %and3A_90 = arith.andi %while3A_89, %and3A : i32
      %eq3A = arith.constant 0 : i32
      %eq3A_91 = arith.cmpi eq, %and3A_90, %eq3A : i32
      %convert_element_type3A_92 = arith.extui %eq3A_91 : i1 to i32
      %cond3A_93 = arith.constant 0 : i32
      %cond3A_94 = arith.cmpi ne, %convert_element_type3A_92, %cond3A_93 : i32
      scf.if %cond3A_94 {
        %dma_wait3A = arith.constant 0 : i32
        %dma_wait3A_130 = tpu.memref_slice %arg7[%while3A_89, %dma_wait3A] : memref<16x128xi32, #tpu.memory_space<vmem>> -> memref<1x128xi32, #tpu.memory_space<vmem>>
        %dma_wait3A_131 = tpu.memref_squeeze %dma_wait3A_130 : memref<1x128xi32, #tpu.memory_space<vmem>> -> memref<128xi32, #tpu.memory_space<vmem>>
        %dma_wait3A_132 = arith.constant 0 : i32
        %dma_wait3A_133 = arith.constant 0 : i32
        %dma_wait3A_134 = tpu.memref_slice %arg3[%dma_wait3A_132, %dma_wait3A_133] : memref<4000x64xf32, #tpu.memory_space<hbm>> -> memref<4000x64xf32, #tpu.memory_space<hbm>>
        tpu.wait_indirect_dma semaphore(%arg17 : memref<!tpu.dma_semaphore, #tpu.memory_space<semaphore_mem>>) src(%dma_wait3A_134 : memref<4000x64xf32, #tpu.memory_space<hbm>>) dst(%arg9 : memref<128x64xf32, #tpu.memory_space<vmem>>)
        "tpu.region"() ({
          %run_scoped3A = tpu.sem_alloc : memref<!tpu.dma_semaphore, #tpu.memory_space<semaphore_mem>>
          %dma_start3A = arith.constant 0 : i32
          %dma_start3A_140 = tpu.memref_slice %arg8[%while3A_89, %dma_start3A] : memref<16x128xi32, #tpu.memory_space<vmem>> -> memref<1x128xi32, #tpu.memory_space<vmem>>
          %dma_start3A_141 = tpu.memref_squeeze %dma_start3A_140 : memref<1x128xi32, #tpu.memory_space<vmem>> -> memref<128xi32, #tpu.memory_space<vmem>>
          %dma_start3A_142 = arith.constant 0 : i32
          %dma_start3A_143 = arith.constant 0 : i32
          %dma_start3A_144 = tpu.memref_slice %arg25[%dma_start3A_142, %dma_start3A_143] : memref<4096x64xf32, #tpu.memory_space<vmem_shared>> -> memref<4096x64xf32, #tpu.memory_space<vmem_shared>>
          tpu.enqueue_indirect_dma source(%arg9 : memref<128x64xf32, #tpu.memory_space<vmem>>) target(%dma_start3A_144 : memref<4096x64xf32, #tpu.memory_space<vmem_shared>>) offsets(%dma_start3A_141 : memref<128xi32, #tpu.memory_space<vmem>>) semaphore(%run_scoped3A : memref<!tpu.dma_semaphore, #tpu.memory_space<semaphore_mem>>) {add = true}
          %dma_wait3A_145 = arith.constant 0 : i32
          %dma_wait3A_146 = tpu.memref_slice %arg8[%while3A_89, %dma_wait3A_145] : memref<16x128xi32, #tpu.memory_space<vmem>> -> memref<1x128xi32, #tpu.memory_space<vmem>>
          %dma_wait3A_147 = tpu.memref_squeeze %dma_wait3A_146 : memref<1x128xi32, #tpu.memory_space<vmem>> -> memref<128xi32, #tpu.memory_space<vmem>>
          %dma_wait3A_148 = arith.constant 0 : i32
          %dma_wait3A_149 = arith.constant 0 : i32
          %dma_wait3A_150 = tpu.memref_slice %arg25[%dma_wait3A_148, %dma_wait3A_149] : memref<4096x64xf32, #tpu.memory_space<vmem_shared>> -> memref<4096x64xf32, #tpu.memory_space<vmem_shared>>
          tpu.wait_indirect_dma semaphore(%run_scoped3A : memref<!tpu.dma_semaphore, #tpu.memory_space<semaphore_mem>>) src(%arg9 : memref<128x64xf32, #tpu.memory_space<vmem>>) dst(%dma_wait3A_150 : memref<4096x64xf32, #tpu.memory_space<vmem_shared>>)
          tpu.yield
        }) : () -> ()
        %add3A_135 = arith.constant 8 : i32
        %add3A_136 = arith.addi %while3A_89, %add3A_135 : i32
        %lt3A = arith.cmpi slt, %add3A_136, %while3A_73 : i32
        %convert_element_type3A_137 = arith.extui %lt3A : i1 to i32
        %cond3A_138 = arith.constant 0 : i32
        %cond3A_139 = arith.cmpi ne, %convert_element_type3A_137, %cond3A_138 : i32
        scf.if %cond3A_139 {
          %add3A_140 = arith.constant 8 : i32
          %add3A_141 = arith.addi %while3A_89, %add3A_140 : i32
          %dma_start3A = arith.constant 0 : i32
          %dma_start3A_142 = tpu.memref_slice %arg7[%add3A_141, %dma_start3A] : memref<16x128xi32, #tpu.memory_space<vmem>> -> memref<1x128xi32, #tpu.memory_space<vmem>>
          %dma_start3A_143 = tpu.memref_squeeze %dma_start3A_142 : memref<1x128xi32, #tpu.memory_space<vmem>> -> memref<128xi32, #tpu.memory_space<vmem>>
          %dma_start3A_144 = arith.constant 0 : i32
          %dma_start3A_145 = arith.constant 0 : i32
          %dma_start3A_146 = tpu.memref_slice %arg3[%dma_start3A_144, %dma_start3A_145] : memref<4000x64xf32, #tpu.memory_space<hbm>> -> memref<4000x64xf32, #tpu.memory_space<hbm>>
          tpu.enqueue_indirect_dma source(%dma_start3A_146 : memref<4000x64xf32, #tpu.memory_space<hbm>>) target(%arg9 : memref<128x64xf32, #tpu.memory_space<vmem>>) offsets(%dma_start3A_143 : memref<128xi32, #tpu.memory_space<vmem>>) semaphore(%arg17 : memref<!tpu.dma_semaphore, #tpu.memory_space<semaphore_mem>>)
        } else {
        }
      } else {
      }
      %eq3A_95 = arith.constant 1 : i32
      %eq3A_96 = arith.cmpi eq, %and3A_90, %eq3A_95 : i32
      %convert_element_type3A_97 = arith.extui %eq3A_96 : i1 to i32
      %cond3A_98 = arith.constant 0 : i32
      %cond3A_99 = arith.cmpi ne, %convert_element_type3A_97, %cond3A_98 : i32
      scf.if %cond3A_99 {
        %dma_wait3A = arith.constant 0 : i32
        %dma_wait3A_130 = tpu.memref_slice %arg7[%while3A_89, %dma_wait3A] : memref<16x128xi32, #tpu.memory_space<vmem>> -> memref<1x128xi32, #tpu.memory_space<vmem>>
        %dma_wait3A_131 = tpu.memref_squeeze %dma_wait3A_130 : memref<1x128xi32, #tpu.memory_space<vmem>> -> memref<128xi32, #tpu.memory_space<vmem>>
        %dma_wait3A_132 = arith.constant 0 : i32
        %dma_wait3A_133 = arith.constant 0 : i32
        %dma_wait3A_134 = tpu.memref_slice %arg3[%dma_wait3A_132, %dma_wait3A_133] : memref<4000x64xf32, #tpu.memory_space<hbm>> -> memref<4000x64xf32, #tpu.memory_space<hbm>>
        tpu.wait_indirect_dma semaphore(%arg18 : memref<!tpu.dma_semaphore, #tpu.memory_space<semaphore_mem>>) src(%dma_wait3A_134 : memref<4000x64xf32, #tpu.memory_space<hbm>>) dst(%arg10 : memref<128x64xf32, #tpu.memory_space<vmem>>)
        "tpu.region"() ({
          %run_scoped3A = tpu.sem_alloc : memref<!tpu.dma_semaphore, #tpu.memory_space<semaphore_mem>>
          %dma_start3A = arith.constant 0 : i32
          %dma_start3A_140 = tpu.memref_slice %arg8[%while3A_89, %dma_start3A] : memref<16x128xi32, #tpu.memory_space<vmem>> -> memref<1x128xi32, #tpu.memory_space<vmem>>
          %dma_start3A_141 = tpu.memref_squeeze %dma_start3A_140 : memref<1x128xi32, #tpu.memory_space<vmem>> -> memref<128xi32, #tpu.memory_space<vmem>>
          %dma_start3A_142 = arith.constant 0 : i32
          %dma_start3A_143 = arith.constant 0 : i32
          %dma_start3A_144 = tpu.memref_slice %arg25[%dma_start3A_142, %dma_start3A_143] : memref<4096x64xf32, #tpu.memory_space<vmem_shared>> -> memref<4096x64xf32, #tpu.memory_space<vmem_shared>>
          tpu.enqueue_indirect_dma source(%arg10 : memref<128x64xf32, #tpu.memory_space<vmem>>) target(%dma_start3A_144 : memref<4096x64xf32, #tpu.memory_space<vmem_shared>>) offsets(%dma_start3A_141 : memref<128xi32, #tpu.memory_space<vmem>>) semaphore(%run_scoped3A : memref<!tpu.dma_semaphore, #tpu.memory_space<semaphore_mem>>) {add = true}
          %dma_wait3A_145 = arith.constant 0 : i32
          %dma_wait3A_146 = tpu.memref_slice %arg8[%while3A_89, %dma_wait3A_145] : memref<16x128xi32, #tpu.memory_space<vmem>> -> memref<1x128xi32, #tpu.memory_space<vmem>>
          %dma_wait3A_147 = tpu.memref_squeeze %dma_wait3A_146 : memref<1x128xi32, #tpu.memory_space<vmem>> -> memref<128xi32, #tpu.memory_space<vmem>>
          %dma_wait3A_148 = arith.constant 0 : i32
          %dma_wait3A_149 = arith.constant 0 : i32
          %dma_wait3A_150 = tpu.memref_slice %arg25[%dma_wait3A_148, %dma_wait3A_149] : memref<4096x64xf32, #tpu.memory_space<vmem_shared>> -> memref<4096x64xf32, #tpu.memory_space<vmem_shared>>
          tpu.wait_indirect_dma semaphore(%run_scoped3A : memref<!tpu.dma_semaphore, #tpu.memory_space<semaphore_mem>>) src(%arg10 : memref<128x64xf32, #tpu.memory_space<vmem>>) dst(%dma_wait3A_150 : memref<4096x64xf32, #tpu.memory_space<vmem_shared>>)
          tpu.yield
        }) : () -> ()
        %add3A_135 = arith.constant 8 : i32
        %add3A_136 = arith.addi %while3A_89, %add3A_135 : i32
        %lt3A = arith.cmpi slt, %add3A_136, %while3A_73 : i32
        %convert_element_type3A_137 = arith.extui %lt3A : i1 to i32
        %cond3A_138 = arith.constant 0 : i32
        %cond3A_139 = arith.cmpi ne, %convert_element_type3A_137, %cond3A_138 : i32
        scf.if %cond3A_139 {
          %add3A_140 = arith.constant 8 : i32
          %add3A_141 = arith.addi %while3A_89, %add3A_140 : i32
          %dma_start3A = arith.constant 0 : i32
          %dma_start3A_142 = tpu.memref_slice %arg7[%add3A_141, %dma_start3A] : memref<16x128xi32, #tpu.memory_space<vmem>> -> memref<1x128xi32, #tpu.memory_space<vmem>>
          %dma_start3A_143 = tpu.memref_squeeze %dma_start3A_142 : memref<1x128xi32, #tpu.memory_space<vmem>> -> memref<128xi32, #tpu.memory_space<vmem>>
          %dma_start3A_144 = arith.constant 0 : i32
          %dma_start3A_145 = arith.constant 0 : i32
          %dma_start3A_146 = tpu.memref_slice %arg3[%dma_start3A_144, %dma_start3A_145] : memref<4000x64xf32, #tpu.memory_space<hbm>> -> memref<4000x64xf32, #tpu.memory_space<hbm>>
          tpu.enqueue_indirect_dma source(%dma_start3A_146 : memref<4000x64xf32, #tpu.memory_space<hbm>>) target(%arg10 : memref<128x64xf32, #tpu.memory_space<vmem>>) offsets(%dma_start3A_143 : memref<128xi32, #tpu.memory_space<vmem>>) semaphore(%arg18 : memref<!tpu.dma_semaphore, #tpu.memory_space<semaphore_mem>>)
        } else {
        }
      } else {
      }
      %eq3A_100 = arith.constant 2 : i32
      %eq3A_101 = arith.cmpi eq, %and3A_90, %eq3A_100 : i32
      %convert_element_type3A_102 = arith.extui %eq3A_101 : i1 to i32
      %cond3A_103 = arith.constant 0 : i32
      %cond3A_104 = arith.cmpi ne, %convert_element_type3A_102, %cond3A_103 : i32
      scf.if %cond3A_104 {
        %dma_wait3A = arith.constant 0 : i32
        %dma_wait3A_130 = tpu.memref_slice %arg7[%while3A_89, %dma_wait3A] : memref<16x128xi32, #tpu.memory_space<vmem>> -> memref<1x128xi32, #tpu.memory_space<vmem>>
        %dma_wait3A_131 = tpu.memref_squeeze %dma_wait3A_130 : memref<1x128xi32, #tpu.memory_space<vmem>> -> memref<128xi32, #tpu.memory_space<vmem>>
        %dma_wait3A_132 = arith.constant 0 : i32
        %dma_wait3A_133 = arith.constant 0 : i32
        %dma_wait3A_134 = tpu.memref_slice %arg3[%dma_wait3A_132, %dma_wait3A_133] : memref<4000x64xf32, #tpu.memory_space<hbm>> -> memref<4000x64xf32, #tpu.memory_space<hbm>>
        tpu.wait_indirect_dma semaphore(%arg19 : memref<!tpu.dma_semaphore, #tpu.memory_space<semaphore_mem>>) src(%dma_wait3A_134 : memref<4000x64xf32, #tpu.memory_space<hbm>>) dst(%arg11 : memref<128x64xf32, #tpu.memory_space<vmem>>)
        "tpu.region"() ({
          %run_scoped3A = tpu.sem_alloc : memref<!tpu.dma_semaphore, #tpu.memory_space<semaphore_mem>>
          %dma_start3A = arith.constant 0 : i32
          %dma_start3A_140 = tpu.memref_slice %arg8[%while3A_89, %dma_start3A] : memref<16x128xi32, #tpu.memory_space<vmem>> -> memref<1x128xi32, #tpu.memory_space<vmem>>
          %dma_start3A_141 = tpu.memref_squeeze %dma_start3A_140 : memref<1x128xi32, #tpu.memory_space<vmem>> -> memref<128xi32, #tpu.memory_space<vmem>>
          %dma_start3A_142 = arith.constant 0 : i32
          %dma_start3A_143 = arith.constant 0 : i32
          %dma_start3A_144 = tpu.memref_slice %arg25[%dma_start3A_142, %dma_start3A_143] : memref<4096x64xf32, #tpu.memory_space<vmem_shared>> -> memref<4096x64xf32, #tpu.memory_space<vmem_shared>>
          tpu.enqueue_indirect_dma source(%arg11 : memref<128x64xf32, #tpu.memory_space<vmem>>) target(%dma_start3A_144 : memref<4096x64xf32, #tpu.memory_space<vmem_shared>>) offsets(%dma_start3A_141 : memref<128xi32, #tpu.memory_space<vmem>>) semaphore(%run_scoped3A : memref<!tpu.dma_semaphore, #tpu.memory_space<semaphore_mem>>) {add = true}
          %dma_wait3A_145 = arith.constant 0 : i32
          %dma_wait3A_146 = tpu.memref_slice %arg8[%while3A_89, %dma_wait3A_145] : memref<16x128xi32, #tpu.memory_space<vmem>> -> memref<1x128xi32, #tpu.memory_space<vmem>>
          %dma_wait3A_147 = tpu.memref_squeeze %dma_wait3A_146 : memref<1x128xi32, #tpu.memory_space<vmem>> -> memref<128xi32, #tpu.memory_space<vmem>>
          %dma_wait3A_148 = arith.constant 0 : i32
          %dma_wait3A_149 = arith.constant 0 : i32
          %dma_wait3A_150 = tpu.memref_slice %arg25[%dma_wait3A_148, %dma_wait3A_149] : memref<4096x64xf32, #tpu.memory_space<vmem_shared>> -> memref<4096x64xf32, #tpu.memory_space<vmem_shared>>
          tpu.wait_indirect_dma semaphore(%run_scoped3A : memref<!tpu.dma_semaphore, #tpu.memory_space<semaphore_mem>>) src(%arg11 : memref<128x64xf32, #tpu.memory_space<vmem>>) dst(%dma_wait3A_150 : memref<4096x64xf32, #tpu.memory_space<vmem_shared>>)
          tpu.yield
        }) : () -> ()
        %add3A_135 = arith.constant 8 : i32
        %add3A_136 = arith.addi %while3A_89, %add3A_135 : i32
        %lt3A = arith.cmpi slt, %add3A_136, %while3A_73 : i32
        %convert_element_type3A_137 = arith.extui %lt3A : i1 to i32
        %cond3A_138 = arith.constant 0 : i32
        %cond3A_139 = arith.cmpi ne, %convert_element_type3A_137, %cond3A_138 : i32
        scf.if %cond3A_139 {
          %add3A_140 = arith.constant 8 : i32
          %add3A_141 = arith.addi %while3A_89, %add3A_140 : i32
          %dma_start3A = arith.constant 0 : i32
          %dma_start3A_142 = tpu.memref_slice %arg7[%add3A_141, %dma_start3A] : memref<16x128xi32, #tpu.memory_space<vmem>> -> memref<1x128xi32, #tpu.memory_space<vmem>>
          %dma_start3A_143 = tpu.memref_squeeze %dma_start3A_142 : memref<1x128xi32, #tpu.memory_space<vmem>> -> memref<128xi32, #tpu.memory_space<vmem>>
          %dma_start3A_144 = arith.constant 0 : i32
          %dma_start3A_145 = arith.constant 0 : i32
          %dma_start3A_146 = tpu.memref_slice %arg3[%dma_start3A_144, %dma_start3A_145] : memref<4000x64xf32, #tpu.memory_space<hbm>> -> memref<4000x64xf32, #tpu.memory_space<hbm>>
          tpu.enqueue_indirect_dma source(%dma_start3A_146 : memref<4000x64xf32, #tpu.memory_space<hbm>>) target(%arg11 : memref<128x64xf32, #tpu.memory_space<vmem>>) offsets(%dma_start3A_143 : memref<128xi32, #tpu.memory_space<vmem>>) semaphore(%arg19 : memref<!tpu.dma_semaphore, #tpu.memory_space<semaphore_mem>>)
        } else {
        }
      } else {
      }
      %eq3A_105 = arith.constant 3 : i32
      %eq3A_106 = arith.cmpi eq, %and3A_90, %eq3A_105 : i32
      %convert_element_type3A_107 = arith.extui %eq3A_106 : i1 to i32
      %cond3A_108 = arith.constant 0 : i32
      %cond3A_109 = arith.cmpi ne, %convert_element_type3A_107, %cond3A_108 : i32
      scf.if %cond3A_109 {
        %dma_wait3A = arith.constant 0 : i32
        %dma_wait3A_130 = tpu.memref_slice %arg7[%while3A_89, %dma_wait3A] : memref<16x128xi32, #tpu.memory_space<vmem>> -> memref<1x128xi32, #tpu.memory_space<vmem>>
        %dma_wait3A_131 = tpu.memref_squeeze %dma_wait3A_130 : memref<1x128xi32, #tpu.memory_space<vmem>> -> memref<128xi32, #tpu.memory_space<vmem>>
        %dma_wait3A_132 = arith.constant 0 : i32
        %dma_wait3A_133 = arith.constant 0 : i32
        %dma_wait3A_134 = tpu.memref_slice %arg3[%dma_wait3A_132, %dma_wait3A_133] : memref<4000x64xf32, #tpu.memory_space<hbm>> -> memref<4000x64xf32, #tpu.memory_space<hbm>>
        tpu.wait_indirect_dma semaphore(%arg20 : memref<!tpu.dma_semaphore, #tpu.memory_space<semaphore_mem>>) src(%dma_wait3A_134 : memref<4000x64xf32, #tpu.memory_space<hbm>>) dst(%arg12 : memref<128x64xf32, #tpu.memory_space<vmem>>)
        "tpu.region"() ({
          %run_scoped3A = tpu.sem_alloc : memref<!tpu.dma_semaphore, #tpu.memory_space<semaphore_mem>>
          %dma_start3A = arith.constant 0 : i32
          %dma_start3A_140 = tpu.memref_slice %arg8[%while3A_89, %dma_start3A] : memref<16x128xi32, #tpu.memory_space<vmem>> -> memref<1x128xi32, #tpu.memory_space<vmem>>
          %dma_start3A_141 = tpu.memref_squeeze %dma_start3A_140 : memref<1x128xi32, #tpu.memory_space<vmem>> -> memref<128xi32, #tpu.memory_space<vmem>>
          %dma_start3A_142 = arith.constant 0 : i32
          %dma_start3A_143 = arith.constant 0 : i32
          %dma_start3A_144 = tpu.memref_slice %arg25[%dma_start3A_142, %dma_start3A_143] : memref<4096x64xf32, #tpu.memory_space<vmem_shared>> -> memref<4096x64xf32, #tpu.memory_space<vmem_shared>>
          tpu.enqueue_indirect_dma source(%arg12 : memref<128x64xf32, #tpu.memory_space<vmem>>) target(%dma_start3A_144 : memref<4096x64xf32, #tpu.memory_space<vmem_shared>>) offsets(%dma_start3A_141 : memref<128xi32, #tpu.memory_space<vmem>>) semaphore(%run_scoped3A : memref<!tpu.dma_semaphore, #tpu.memory_space<semaphore_mem>>) {add = true}
          %dma_wait3A_145 = arith.constant 0 : i32
          %dma_wait3A_146 = tpu.memref_slice %arg8[%while3A_89, %dma_wait3A_145] : memref<16x128xi32, #tpu.memory_space<vmem>> -> memref<1x128xi32, #tpu.memory_space<vmem>>
          %dma_wait3A_147 = tpu.memref_squeeze %dma_wait3A_146 : memref<1x128xi32, #tpu.memory_space<vmem>> -> memref<128xi32, #tpu.memory_space<vmem>>
          %dma_wait3A_148 = arith.constant 0 : i32
          %dma_wait3A_149 = arith.constant 0 : i32
          %dma_wait3A_150 = tpu.memref_slice %arg25[%dma_wait3A_148, %dma_wait3A_149] : memref<4096x64xf32, #tpu.memory_space<vmem_shared>> -> memref<4096x64xf32, #tpu.memory_space<vmem_shared>>
          tpu.wait_indirect_dma semaphore(%run_scoped3A : memref<!tpu.dma_semaphore, #tpu.memory_space<semaphore_mem>>) src(%arg12 : memref<128x64xf32, #tpu.memory_space<vmem>>) dst(%dma_wait3A_150 : memref<4096x64xf32, #tpu.memory_space<vmem_shared>>)
          tpu.yield
        }) : () -> ()
        %add3A_135 = arith.constant 8 : i32
        %add3A_136 = arith.addi %while3A_89, %add3A_135 : i32
        %lt3A = arith.cmpi slt, %add3A_136, %while3A_73 : i32
        %convert_element_type3A_137 = arith.extui %lt3A : i1 to i32
        %cond3A_138 = arith.constant 0 : i32
        %cond3A_139 = arith.cmpi ne, %convert_element_type3A_137, %cond3A_138 : i32
        scf.if %cond3A_139 {
          %add3A_140 = arith.constant 8 : i32
          %add3A_141 = arith.addi %while3A_89, %add3A_140 : i32
          %dma_start3A = arith.constant 0 : i32
          %dma_start3A_142 = tpu.memref_slice %arg7[%add3A_141, %dma_start3A] : memref<16x128xi32, #tpu.memory_space<vmem>> -> memref<1x128xi32, #tpu.memory_space<vmem>>
          %dma_start3A_143 = tpu.memref_squeeze %dma_start3A_142 : memref<1x128xi32, #tpu.memory_space<vmem>> -> memref<128xi32, #tpu.memory_space<vmem>>
          %dma_start3A_144 = arith.constant 0 : i32
          %dma_start3A_145 = arith.constant 0 : i32
          %dma_start3A_146 = tpu.memref_slice %arg3[%dma_start3A_144, %dma_start3A_145] : memref<4000x64xf32, #tpu.memory_space<hbm>> -> memref<4000x64xf32, #tpu.memory_space<hbm>>
          tpu.enqueue_indirect_dma source(%dma_start3A_146 : memref<4000x64xf32, #tpu.memory_space<hbm>>) target(%arg12 : memref<128x64xf32, #tpu.memory_space<vmem>>) offsets(%dma_start3A_143 : memref<128xi32, #tpu.memory_space<vmem>>) semaphore(%arg20 : memref<!tpu.dma_semaphore, #tpu.memory_space<semaphore_mem>>)
        } else {
        }
      } else {
      }
      %eq3A_110 = arith.constant 4 : i32
      %eq3A_111 = arith.cmpi eq, %and3A_90, %eq3A_110 : i32
      %convert_element_type3A_112 = arith.extui %eq3A_111 : i1 to i32
      %cond3A_113 = arith.constant 0 : i32
      %cond3A_114 = arith.cmpi ne, %convert_element_type3A_112, %cond3A_113 : i32
      scf.if %cond3A_114 {
        %dma_wait3A = arith.constant 0 : i32
        %dma_wait3A_130 = tpu.memref_slice %arg7[%while3A_89, %dma_wait3A] : memref<16x128xi32, #tpu.memory_space<vmem>> -> memref<1x128xi32, #tpu.memory_space<vmem>>
        %dma_wait3A_131 = tpu.memref_squeeze %dma_wait3A_130 : memref<1x128xi32, #tpu.memory_space<vmem>> -> memref<128xi32, #tpu.memory_space<vmem>>
        %dma_wait3A_132 = arith.constant 0 : i32
        %dma_wait3A_133 = arith.constant 0 : i32
        %dma_wait3A_134 = tpu.memref_slice %arg3[%dma_wait3A_132, %dma_wait3A_133] : memref<4000x64xf32, #tpu.memory_space<hbm>> -> memref<4000x64xf32, #tpu.memory_space<hbm>>
        tpu.wait_indirect_dma semaphore(%arg21 : memref<!tpu.dma_semaphore, #tpu.memory_space<semaphore_mem>>) src(%dma_wait3A_134 : memref<4000x64xf32, #tpu.memory_space<hbm>>) dst(%arg13 : memref<128x64xf32, #tpu.memory_space<vmem>>)
        "tpu.region"() ({
          %run_scoped3A = tpu.sem_alloc : memref<!tpu.dma_semaphore, #tpu.memory_space<semaphore_mem>>
          %dma_start3A = arith.constant 0 : i32
          %dma_start3A_140 = tpu.memref_slice %arg8[%while3A_89, %dma_start3A] : memref<16x128xi32, #tpu.memory_space<vmem>> -> memref<1x128xi32, #tpu.memory_space<vmem>>
          %dma_start3A_141 = tpu.memref_squeeze %dma_start3A_140 : memref<1x128xi32, #tpu.memory_space<vmem>> -> memref<128xi32, #tpu.memory_space<vmem>>
          %dma_start3A_142 = arith.constant 0 : i32
          %dma_start3A_143 = arith.constant 0 : i32
          %dma_start3A_144 = tpu.memref_slice %arg25[%dma_start3A_142, %dma_start3A_143] : memref<4096x64xf32, #tpu.memory_space<vmem_shared>> -> memref<4096x64xf32, #tpu.memory_space<vmem_shared>>
          tpu.enqueue_indirect_dma source(%arg13 : memref<128x64xf32, #tpu.memory_space<vmem>>) target(%dma_start3A_144 : memref<4096x64xf32, #tpu.memory_space<vmem_shared>>) offsets(%dma_start3A_141 : memref<128xi32, #tpu.memory_space<vmem>>) semaphore(%run_scoped3A : memref<!tpu.dma_semaphore, #tpu.memory_space<semaphore_mem>>) {add = true}
          %dma_wait3A_145 = arith.constant 0 : i32
          %dma_wait3A_146 = tpu.memref_slice %arg8[%while3A_89, %dma_wait3A_145] : memref<16x128xi32, #tpu.memory_space<vmem>> -> memref<1x128xi32, #tpu.memory_space<vmem>>
          %dma_wait3A_147 = tpu.memref_squeeze %dma_wait3A_146 : memref<1x128xi32, #tpu.memory_space<vmem>> -> memref<128xi32, #tpu.memory_space<vmem>>
          %dma_wait3A_148 = arith.constant 0 : i32
          %dma_wait3A_149 = arith.constant 0 : i32
          %dma_wait3A_150 = tpu.memref_slice %arg25[%dma_wait3A_148, %dma_wait3A_149] : memref<4096x64xf32, #tpu.memory_space<vmem_shared>> -> memref<4096x64xf32, #tpu.memory_space<vmem_shared>>
          tpu.wait_indirect_dma semaphore(%run_scoped3A : memref<!tpu.dma_semaphore, #tpu.memory_space<semaphore_mem>>) src(%arg13 : memref<128x64xf32, #tpu.memory_space<vmem>>) dst(%dma_wait3A_150 : memref<4096x64xf32, #tpu.memory_space<vmem_shared>>)
          tpu.yield
        }) : () -> ()
        %add3A_135 = arith.constant 8 : i32
        %add3A_136 = arith.addi %while3A_89, %add3A_135 : i32
        %lt3A = arith.cmpi slt, %add3A_136, %while3A_73 : i32
        %convert_element_type3A_137 = arith.extui %lt3A : i1 to i32
        %cond3A_138 = arith.constant 0 : i32
        %cond3A_139 = arith.cmpi ne, %convert_element_type3A_137, %cond3A_138 : i32
        scf.if %cond3A_139 {
          %add3A_140 = arith.constant 8 : i32
          %add3A_141 = arith.addi %while3A_89, %add3A_140 : i32
          %dma_start3A = arith.constant 0 : i32
          %dma_start3A_142 = tpu.memref_slice %arg7[%add3A_141, %dma_start3A] : memref<16x128xi32, #tpu.memory_space<vmem>> -> memref<1x128xi32, #tpu.memory_space<vmem>>
          %dma_start3A_143 = tpu.memref_squeeze %dma_start3A_142 : memref<1x128xi32, #tpu.memory_space<vmem>> -> memref<128xi32, #tpu.memory_space<vmem>>
          %dma_start3A_144 = arith.constant 0 : i32
          %dma_start3A_145 = arith.constant 0 : i32
          %dma_start3A_146 = tpu.memref_slice %arg3[%dma_start3A_144, %dma_start3A_145] : memref<4000x64xf32, #tpu.memory_space<hbm>> -> memref<4000x64xf32, #tpu.memory_space<hbm>>
          tpu.enqueue_indirect_dma source(%dma_start3A_146 : memref<4000x64xf32, #tpu.memory_space<hbm>>) target(%arg13 : memref<128x64xf32, #tpu.memory_space<vmem>>) offsets(%dma_start3A_143 : memref<128xi32, #tpu.memory_space<vmem>>) semaphore(%arg21 : memref<!tpu.dma_semaphore, #tpu.memory_space<semaphore_mem>>)
        } else {
        }
      } else {
      }
      %eq3A_115 = arith.constant 5 : i32
      %eq3A_116 = arith.cmpi eq, %and3A_90, %eq3A_115 : i32
      %convert_element_type3A_117 = arith.extui %eq3A_116 : i1 to i32
      %cond3A_118 = arith.constant 0 : i32
      %cond3A_119 = arith.cmpi ne, %convert_element_type3A_117, %cond3A_118 : i32
      scf.if %cond3A_119 {
        %dma_wait3A = arith.constant 0 : i32
        %dma_wait3A_130 = tpu.memref_slice %arg7[%while3A_89, %dma_wait3A] : memref<16x128xi32, #tpu.memory_space<vmem>> -> memref<1x128xi32, #tpu.memory_space<vmem>>
        %dma_wait3A_131 = tpu.memref_squeeze %dma_wait3A_130 : memref<1x128xi32, #tpu.memory_space<vmem>> -> memref<128xi32, #tpu.memory_space<vmem>>
        %dma_wait3A_132 = arith.constant 0 : i32
        %dma_wait3A_133 = arith.constant 0 : i32
        %dma_wait3A_134 = tpu.memref_slice %arg3[%dma_wait3A_132, %dma_wait3A_133] : memref<4000x64xf32, #tpu.memory_space<hbm>> -> memref<4000x64xf32, #tpu.memory_space<hbm>>
        tpu.wait_indirect_dma semaphore(%arg22 : memref<!tpu.dma_semaphore, #tpu.memory_space<semaphore_mem>>) src(%dma_wait3A_134 : memref<4000x64xf32, #tpu.memory_space<hbm>>) dst(%arg14 : memref<128x64xf32, #tpu.memory_space<vmem>>)
        "tpu.region"() ({
          %run_scoped3A = tpu.sem_alloc : memref<!tpu.dma_semaphore, #tpu.memory_space<semaphore_mem>>
          %dma_start3A = arith.constant 0 : i32
          %dma_start3A_140 = tpu.memref_slice %arg8[%while3A_89, %dma_start3A] : memref<16x128xi32, #tpu.memory_space<vmem>> -> memref<1x128xi32, #tpu.memory_space<vmem>>
          %dma_start3A_141 = tpu.memref_squeeze %dma_start3A_140 : memref<1x128xi32, #tpu.memory_space<vmem>> -> memref<128xi32, #tpu.memory_space<vmem>>
          %dma_start3A_142 = arith.constant 0 : i32
          %dma_start3A_143 = arith.constant 0 : i32
          %dma_start3A_144 = tpu.memref_slice %arg25[%dma_start3A_142, %dma_start3A_143] : memref<4096x64xf32, #tpu.memory_space<vmem_shared>> -> memref<4096x64xf32, #tpu.memory_space<vmem_shared>>
          tpu.enqueue_indirect_dma source(%arg14 : memref<128x64xf32, #tpu.memory_space<vmem>>) target(%dma_start3A_144 : memref<4096x64xf32, #tpu.memory_space<vmem_shared>>) offsets(%dma_start3A_141 : memref<128xi32, #tpu.memory_space<vmem>>) semaphore(%run_scoped3A : memref<!tpu.dma_semaphore, #tpu.memory_space<semaphore_mem>>) {add = true}
          %dma_wait3A_145 = arith.constant 0 : i32
          %dma_wait3A_146 = tpu.memref_slice %arg8[%while3A_89, %dma_wait3A_145] : memref<16x128xi32, #tpu.memory_space<vmem>> -> memref<1x128xi32, #tpu.memory_space<vmem>>
          %dma_wait3A_147 = tpu.memref_squeeze %dma_wait3A_146 : memref<1x128xi32, #tpu.memory_space<vmem>> -> memref<128xi32, #tpu.memory_space<vmem>>
          %dma_wait3A_148 = arith.constant 0 : i32
          %dma_wait3A_149 = arith.constant 0 : i32
          %dma_wait3A_150 = tpu.memref_slice %arg25[%dma_wait3A_148, %dma_wait3A_149] : memref<4096x64xf32, #tpu.memory_space<vmem_shared>> -> memref<4096x64xf32, #tpu.memory_space<vmem_shared>>
          tpu.wait_indirect_dma semaphore(%run_scoped3A : memref<!tpu.dma_semaphore, #tpu.memory_space<semaphore_mem>>) src(%arg14 : memref<128x64xf32, #tpu.memory_space<vmem>>) dst(%dma_wait3A_150 : memref<4096x64xf32, #tpu.memory_space<vmem_shared>>)
          tpu.yield
        }) : () -> ()
        %add3A_135 = arith.constant 8 : i32
        %add3A_136 = arith.addi %while3A_89, %add3A_135 : i32
        %lt3A = arith.cmpi slt, %add3A_136, %while3A_73 : i32
        %convert_element_type3A_137 = arith.extui %lt3A : i1 to i32
        %cond3A_138 = arith.constant 0 : i32
        %cond3A_139 = arith.cmpi ne, %convert_element_type3A_137, %cond3A_138 : i32
        scf.if %cond3A_139 {
          %add3A_140 = arith.constant 8 : i32
          %add3A_141 = arith.addi %while3A_89, %add3A_140 : i32
          %dma_start3A = arith.constant 0 : i32
          %dma_start3A_142 = tpu.memref_slice %arg7[%add3A_141, %dma_start3A] : memref<16x128xi32, #tpu.memory_space<vmem>> -> memref<1x128xi32, #tpu.memory_space<vmem>>
          %dma_start3A_143 = tpu.memref_squeeze %dma_start3A_142 : memref<1x128xi32, #tpu.memory_space<vmem>> -> memref<128xi32, #tpu.memory_space<vmem>>
          %dma_start3A_144 = arith.constant 0 : i32
          %dma_start3A_145 = arith.constant 0 : i32
          %dma_start3A_146 = tpu.memref_slice %arg3[%dma_start3A_144, %dma_start3A_145] : memref<4000x64xf32, #tpu.memory_space<hbm>> -> memref<4000x64xf32, #tpu.memory_space<hbm>>
          tpu.enqueue_indirect_dma source(%dma_start3A_146 : memref<4000x64xf32, #tpu.memory_space<hbm>>) target(%arg14 : memref<128x64xf32, #tpu.memory_space<vmem>>) offsets(%dma_start3A_143 : memref<128xi32, #tpu.memory_space<vmem>>) semaphore(%arg22 : memref<!tpu.dma_semaphore, #tpu.memory_space<semaphore_mem>>)
        } else {
        }
      } else {
      }
      %eq3A_120 = arith.constant 6 : i32
      %eq3A_121 = arith.cmpi eq, %and3A_90, %eq3A_120 : i32
      %convert_element_type3A_122 = arith.extui %eq3A_121 : i1 to i32
      %cond3A_123 = arith.constant 0 : i32
      %cond3A_124 = arith.cmpi ne, %convert_element_type3A_122, %cond3A_123 : i32
      scf.if %cond3A_124 {
        %dma_wait3A = arith.constant 0 : i32
        %dma_wait3A_130 = tpu.memref_slice %arg7[%while3A_89, %dma_wait3A] : memref<16x128xi32, #tpu.memory_space<vmem>> -> memref<1x128xi32, #tpu.memory_space<vmem>>
        %dma_wait3A_131 = tpu.memref_squeeze %dma_wait3A_130 : memref<1x128xi32, #tpu.memory_space<vmem>> -> memref<128xi32, #tpu.memory_space<vmem>>
        %dma_wait3A_132 = arith.constant 0 : i32
        %dma_wait3A_133 = arith.constant 0 : i32
        %dma_wait3A_134 = tpu.memref_slice %arg3[%dma_wait3A_132, %dma_wait3A_133] : memref<4000x64xf32, #tpu.memory_space<hbm>> -> memref<4000x64xf32, #tpu.memory_space<hbm>>
        tpu.wait_indirect_dma semaphore(%arg23 : memref<!tpu.dma_semaphore, #tpu.memory_space<semaphore_mem>>) src(%dma_wait3A_134 : memref<4000x64xf32, #tpu.memory_space<hbm>>) dst(%arg15 : memref<128x64xf32, #tpu.memory_space<vmem>>)
        "tpu.region"() ({
          %run_scoped3A = tpu.sem_alloc : memref<!tpu.dma_semaphore, #tpu.memory_space<semaphore_mem>>
          %dma_start3A = arith.constant 0 : i32
          %dma_start3A_140 = tpu.memref_slice %arg8[%while3A_89, %dma_start3A] : memref<16x128xi32, #tpu.memory_space<vmem>> -> memref<1x128xi32, #tpu.memory_space<vmem>>
          %dma_start3A_141 = tpu.memref_squeeze %dma_start3A_140 : memref<1x128xi32, #tpu.memory_space<vmem>> -> memref<128xi32, #tpu.memory_space<vmem>>
          %dma_start3A_142 = arith.constant 0 : i32
          %dma_start3A_143 = arith.constant 0 : i32
          %dma_start3A_144 = tpu.memref_slice %arg25[%dma_start3A_142, %dma_start3A_143] : memref<4096x64xf32, #tpu.memory_space<vmem_shared>> -> memref<4096x64xf32, #tpu.memory_space<vmem_shared>>
          tpu.enqueue_indirect_dma source(%arg15 : memref<128x64xf32, #tpu.memory_space<vmem>>) target(%dma_start3A_144 : memref<4096x64xf32, #tpu.memory_space<vmem_shared>>) offsets(%dma_start3A_141 : memref<128xi32, #tpu.memory_space<vmem>>) semaphore(%run_scoped3A : memref<!tpu.dma_semaphore, #tpu.memory_space<semaphore_mem>>) {add = true}
          %dma_wait3A_145 = arith.constant 0 : i32
          %dma_wait3A_146 = tpu.memref_slice %arg8[%while3A_89, %dma_wait3A_145] : memref<16x128xi32, #tpu.memory_space<vmem>> -> memref<1x128xi32, #tpu.memory_space<vmem>>
          %dma_wait3A_147 = tpu.memref_squeeze %dma_wait3A_146 : memref<1x128xi32, #tpu.memory_space<vmem>> -> memref<128xi32, #tpu.memory_space<vmem>>
          %dma_wait3A_148 = arith.constant 0 : i32
          %dma_wait3A_149 = arith.constant 0 : i32
          %dma_wait3A_150 = tpu.memref_slice %arg25[%dma_wait3A_148, %dma_wait3A_149] : memref<4096x64xf32, #tpu.memory_space<vmem_shared>> -> memref<4096x64xf32, #tpu.memory_space<vmem_shared>>
          tpu.wait_indirect_dma semaphore(%run_scoped3A : memref<!tpu.dma_semaphore, #tpu.memory_space<semaphore_mem>>) src(%arg15 : memref<128x64xf32, #tpu.memory_space<vmem>>) dst(%dma_wait3A_150 : memref<4096x64xf32, #tpu.memory_space<vmem_shared>>)
          tpu.yield
        }) : () -> ()
        %add3A_135 = arith.constant 8 : i32
        %add3A_136 = arith.addi %while3A_89, %add3A_135 : i32
        %lt3A = arith.cmpi slt, %add3A_136, %while3A_73 : i32
        %convert_element_type3A_137 = arith.extui %lt3A : i1 to i32
        %cond3A_138 = arith.constant 0 : i32
        %cond3A_139 = arith.cmpi ne, %convert_element_type3A_137, %cond3A_138 : i32
        scf.if %cond3A_139 {
          %add3A_140 = arith.constant 8 : i32
          %add3A_141 = arith.addi %while3A_89, %add3A_140 : i32
          %dma_start3A = arith.constant 0 : i32
          %dma_start3A_142 = tpu.memref_slice %arg7[%add3A_141, %dma_start3A] : memref<16x128xi32, #tpu.memory_space<vmem>> -> memref<1x128xi32, #tpu.memory_space<vmem>>
          %dma_start3A_143 = tpu.memref_squeeze %dma_start3A_142 : memref<1x128xi32, #tpu.memory_space<vmem>> -> memref<128xi32, #tpu.memory_space<vmem>>
          %dma_start3A_144 = arith.constant 0 : i32
          %dma_start3A_145 = arith.constant 0 : i32
          %dma_start3A_146 = tpu.memref_slice %arg3[%dma_start3A_144, %dma_start3A_145] : memref<4000x64xf32, #tpu.memory_space<hbm>> -> memref<4000x64xf32, #tpu.memory_space<hbm>>
          tpu.enqueue_indirect_dma source(%dma_start3A_146 : memref<4000x64xf32, #tpu.memory_space<hbm>>) target(%arg15 : memref<128x64xf32, #tpu.memory_space<vmem>>) offsets(%dma_start3A_143 : memref<128xi32, #tpu.memory_space<vmem>>) semaphore(%arg23 : memref<!tpu.dma_semaphore, #tpu.memory_space<semaphore_mem>>)
        } else {
        }
      } else {
      }
      %eq3A_125 = arith.constant 7 : i32
      %eq3A_126 = arith.cmpi eq, %and3A_90, %eq3A_125 : i32
      %convert_element_type3A_127 = arith.extui %eq3A_126 : i1 to i32
      %cond3A_128 = arith.constant 0 : i32
      %cond3A_129 = arith.cmpi ne, %convert_element_type3A_127, %cond3A_128 : i32
      scf.if %cond3A_129 {
        %dma_wait3A = arith.constant 0 : i32
        %dma_wait3A_130 = tpu.memref_slice %arg7[%while3A_89, %dma_wait3A] : memref<16x128xi32, #tpu.memory_space<vmem>> -> memref<1x128xi32, #tpu.memory_space<vmem>>
        %dma_wait3A_131 = tpu.memref_squeeze %dma_wait3A_130 : memref<1x128xi32, #tpu.memory_space<vmem>> -> memref<128xi32, #tpu.memory_space<vmem>>
        %dma_wait3A_132 = arith.constant 0 : i32
        %dma_wait3A_133 = arith.constant 0 : i32
        %dma_wait3A_134 = tpu.memref_slice %arg3[%dma_wait3A_132, %dma_wait3A_133] : memref<4000x64xf32, #tpu.memory_space<hbm>> -> memref<4000x64xf32, #tpu.memory_space<hbm>>
        tpu.wait_indirect_dma semaphore(%arg24 : memref<!tpu.dma_semaphore, #tpu.memory_space<semaphore_mem>>) src(%dma_wait3A_134 : memref<4000x64xf32, #tpu.memory_space<hbm>>) dst(%arg16 : memref<128x64xf32, #tpu.memory_space<vmem>>)
        "tpu.region"() ({
          %run_scoped3A = tpu.sem_alloc : memref<!tpu.dma_semaphore, #tpu.memory_space<semaphore_mem>>
          %dma_start3A = arith.constant 0 : i32
          %dma_start3A_140 = tpu.memref_slice %arg8[%while3A_89, %dma_start3A] : memref<16x128xi32, #tpu.memory_space<vmem>> -> memref<1x128xi32, #tpu.memory_space<vmem>>
          %dma_start3A_141 = tpu.memref_squeeze %dma_start3A_140 : memref<1x128xi32, #tpu.memory_space<vmem>> -> memref<128xi32, #tpu.memory_space<vmem>>
          %dma_start3A_142 = arith.constant 0 : i32
          %dma_start3A_143 = arith.constant 0 : i32
          %dma_start3A_144 = tpu.memref_slice %arg25[%dma_start3A_142, %dma_start3A_143] : memref<4096x64xf32, #tpu.memory_space<vmem_shared>> -> memref<4096x64xf32, #tpu.memory_space<vmem_shared>>
          tpu.enqueue_indirect_dma source(%arg16 : memref<128x64xf32, #tpu.memory_space<vmem>>) target(%dma_start3A_144 : memref<4096x64xf32, #tpu.memory_space<vmem_shared>>) offsets(%dma_start3A_141 : memref<128xi32, #tpu.memory_space<vmem>>) semaphore(%run_scoped3A : memref<!tpu.dma_semaphore, #tpu.memory_space<semaphore_mem>>) {add = true}
          %dma_wait3A_145 = arith.constant 0 : i32
          %dma_wait3A_146 = tpu.memref_slice %arg8[%while3A_89, %dma_wait3A_145] : memref<16x128xi32, #tpu.memory_space<vmem>> -> memref<1x128xi32, #tpu.memory_space<vmem>>
          %dma_wait3A_147 = tpu.memref_squeeze %dma_wait3A_146 : memref<1x128xi32, #tpu.memory_space<vmem>> -> memref<128xi32, #tpu.memory_space<vmem>>
          %dma_wait3A_148 = arith.constant 0 : i32
          %dma_wait3A_149 = arith.constant 0 : i32
          %dma_wait3A_150 = tpu.memref_slice %arg25[%dma_wait3A_148, %dma_wait3A_149] : memref<4096x64xf32, #tpu.memory_space<vmem_shared>> -> memref<4096x64xf32, #tpu.memory_space<vmem_shared>>
          tpu.wait_indirect_dma semaphore(%run_scoped3A : memref<!tpu.dma_semaphore, #tpu.memory_space<semaphore_mem>>) src(%arg16 : memref<128x64xf32, #tpu.memory_space<vmem>>) dst(%dma_wait3A_150 : memref<4096x64xf32, #tpu.memory_space<vmem_shared>>)
          tpu.yield
        }) : () -> ()
        %add3A_135 = arith.constant 8 : i32
        %add3A_136 = arith.addi %while3A_89, %add3A_135 : i32
        %lt3A = arith.cmpi slt, %add3A_136, %while3A_73 : i32
        %convert_element_type3A_137 = arith.extui %lt3A : i1 to i32
        %cond3A_138 = arith.constant 0 : i32
        %cond3A_139 = arith.cmpi ne, %convert_element_type3A_137, %cond3A_138 : i32
        scf.if %cond3A_139 {
          %add3A_140 = arith.constant 8 : i32
          %add3A_141 = arith.addi %while3A_89, %add3A_140 : i32
          %dma_start3A = arith.constant 0 : i32
          %dma_start3A_142 = tpu.memref_slice %arg7[%add3A_141, %dma_start3A] : memref<16x128xi32, #tpu.memory_space<vmem>> -> memref<1x128xi32, #tpu.memory_space<vmem>>
          %dma_start3A_143 = tpu.memref_squeeze %dma_start3A_142 : memref<1x128xi32, #tpu.memory_space<vmem>> -> memref<128xi32, #tpu.memory_space<vmem>>
          %dma_start3A_144 = arith.constant 0 : i32
          %dma_start3A_145 = arith.constant 0 : i32
          %dma_start3A_146 = tpu.memref_slice %arg3[%dma_start3A_144, %dma_start3A_145] : memref<4000x64xf32, #tpu.memory_space<hbm>> -> memref<4000x64xf32, #tpu.memory_space<hbm>>
          tpu.enqueue_indirect_dma source(%dma_start3A_146 : memref<4000x64xf32, #tpu.memory_space<hbm>>) target(%arg16 : memref<128x64xf32, #tpu.memory_space<vmem>>) offsets(%dma_start3A_143 : memref<128xi32, #tpu.memory_space<vmem>>) semaphore(%arg24 : memref<!tpu.dma_semaphore, #tpu.memory_space<semaphore_mem>>)
        } else {
        }
      } else {
      }
    }
    %delay3A = arith.constant 2048 : i32
    tpu.delay %delay3A
    %barrier3A_84 = arith.constant 0 : index
    tpu.barrier barrier_id(%barrier3A_84)
    %mul3A_85 = arith.constant 256 : i32
    %mul3A_86 = arith.muli %arg1, %mul3A_85 : i32
    %mul3A_87 = arith.constant 256 : i32
    %mul3A_88 = arith.muli %arg1, %mul3A_87 : i32
    "tpu.region"() ({
      %run_scoped3A = tpu.sem_alloc : memref<!tpu.dma_semaphore, #tpu.memory_space<semaphore_mem>>
      %dma_start3A = arith.constant 0 : i32
      %dma_start3A_89 = tpu.memref_slice %arg4[%arg0, %mul3A_88, %dma_start3A] : memref<2x4096x64xf32, #tpu.memory_space<hbm>> -> memref<1x256x64xf32, #tpu.memory_space<hbm>>
      %dma_start3A_90 = tpu.memref_squeeze %dma_start3A_89 : memref<1x256x64xf32, #tpu.memory_space<hbm>> -> memref<256x64xf32, #tpu.memory_space<hbm>>
      %dma_start3A_91 = arith.constant 0 : i32
      %dma_start3A_92 = tpu.memref_slice %arg25[%mul3A_86, %dma_start3A_91] : memref<4096x64xf32, #tpu.memory_space<vmem_shared>> -> memref<256x64xf32, #tpu.memory_space<vmem_shared>>
      tpu.enqueue_dma source(%dma_start3A_92 : memref<256x64xf32, #tpu.memory_space<vmem_shared>>) target(%dma_start3A_90 : memref<256x64xf32, #tpu.memory_space<hbm>>) target_semaphore(%run_scoped3A : memref<!tpu.dma_semaphore, #tpu.memory_space<semaphore_mem>>)
      %dma_wait3A = arith.constant 0 : i32
      %dma_wait3A_93 = tpu.memref_slice %arg4[%arg0, %mul3A_88, %dma_wait3A] : memref<2x4096x64xf32, #tpu.memory_space<hbm>> -> memref<1x256x64xf32, #tpu.memory_space<hbm>>
      %dma_wait3A_94 = tpu.memref_squeeze %dma_wait3A_93 : memref<1x256x64xf32, #tpu.memory_space<hbm>> -> memref<256x64xf32, #tpu.memory_space<hbm>>
      %dma_wait3A_95 = arith.constant 0 : i32
      %dma_wait3A_96 = tpu.memref_slice %arg25[%mul3A_86, %dma_wait3A_95] : memref<4096x64xf32, #tpu.memory_space<vmem_shared>> -> memref<256x64xf32, #tpu.memory_space<vmem_shared>>
      tpu.wait_dma2 semaphore(%run_scoped3A : memref<!tpu.dma_semaphore, #tpu.memory_space<semaphore_mem>>) src(%dma_wait3A_96 : memref<256x64xf32, #tpu.memory_space<vmem_shared>>) dst(%dma_wait3A_94 : memref<256x64xf32, #tpu.memory_space<hbm>>)
      tpu.yield
    }) : () -> ()
    return
  }
}

#map = affine_map<(d0, d1) -> (0)>
#map1 = affine_map<(d0, d1) -> (0, 0)>
module attributes {stable_mosaic.version = 14 : i64} {
  func.func @_sc_hist(%arg0: i32, %arg1: i32, %arg2: memref<640000xi32, #tpu.memory_space<hbm>>, %arg3: memref<128000xi32, #tpu.memory_space<hbm>>, %arg4: memref<2x24576xf32, #tpu.memory_space<hbm>>, %arg5: memref<20000xi32, #tpu.memory_space<vmem>>, %arg6: memref<24576xf32, #tpu.memory_space<vmem>>, %arg7: memref<1536xf32, #tpu.memory_space<vmem>>, %arg8: memref<1536xf32, #tpu.memory_space<vmem>>, %arg9: memref<16x24576xf32, #tpu.memory_space<vmem_shared>>) attributes {dimension_semantics = [#tpu.dimension_semantics<core_parallel>, #tpu.dimension_semantics<subcore_parallel>], iteration_bounds = array<i64: 2, 16>, scalar_prefetch = 0 : i64, scratch_operands = 5 : i64, tpu.core_type = #tpu.core_type<sc_vector_subcore>, window_params = [{transform_indices = #map}, {transform_indices = #map}, {transform_indices = #map1}]} {
    %broadcast_in_dim3A = arith.constant 1.000000e+00 : f32
    %broadcast_in_dim3A_0 = vector.broadcast %broadcast_in_dim3A : f32 to vector<16xf32>
    %scan3A = arith.constant 0 : i32
    %scan3A_1 = arith.constant 0 : i32
    %scan3A_2 = arith.constant 1536 : i32
    %scan3A_3 = arith.addi %scan3A_1, %scan3A_2 : i32
    %scan3A_4 = arith.constant 1 : i32
    scf.for %scan3A_165 = %scan3A_1 to %scan3A_3 step %scan3A_4  : i32 {
      %broadcast_in_dim3A_166 = arith.constant 0.000000e+00 : f32
      %broadcast_in_dim3A_167 = vector.broadcast %broadcast_in_dim3A_166 : f32 to vector<16xf32>
      %mul3A_168 = arith.constant 16 : i32
      %mul3A_169 = arith.muli %scan3A_165, %mul3A_168 : i32
      %swap3A = arith.index_cast %mul3A_169 : i32 to index
      %swap3A_170 = tpu.vector_load %arg6[%swap3A] {strides = array<i32>} : memref<24576xf32, #tpu.memory_space<vmem>>, vector<16xf32>,
      tpu.vector_store %arg6[%swap3A], %broadcast_in_dim3A_167 {strides = array<i32>} : memref<24576xf32, #tpu.memory_space<vmem>>, vector<16xf32>,
    }
    %scan3A_5 = arith.constant 1536 : i32
    %mul3A = arith.constant 320000 : i32
    %mul3A_6 = arith.muli %arg0, %mul3A : i32
    %mul3A_7 = arith.constant 20000 : i32
    %mul3A_8 = arith.muli %arg1, %mul3A_7 : i32
    %add3A = arith.addi %mul3A_6, %mul3A_8 : i32
    "tpu.region"() ({
      %run_scoped3A_165 = tpu.sem_alloc : memref<!tpu.dma_semaphore, #tpu.memory_space<semaphore_mem>>
      %dma_start3A = tpu.memref_slice %arg2[%add3A] : memref<640000xi32, #tpu.memory_space<hbm>> -> memref<20000xi32, #tpu.memory_space<hbm>>
      %dma_start3A_166 = tpu.memref_slice %arg2[%add3A] : memref<640000xi32, #tpu.memory_space<hbm>> -> memref<20000xi32, #tpu.memory_space<hbm>>
      tpu.enqueue_dma source(%dma_start3A_166 : memref<20000xi32, #tpu.memory_space<hbm>>) target(%arg5 : memref<20000xi32, #tpu.memory_space<vmem>>) target_semaphore(%run_scoped3A_165 : memref<!tpu.dma_semaphore, #tpu.memory_space<semaphore_mem>>)
      %dma_wait3A = tpu.memref_slice %arg2[%add3A] : memref<640000xi32, #tpu.memory_space<hbm>> -> memref<20000xi32, #tpu.memory_space<hbm>>
      %dma_wait3A_167 = tpu.memref_slice %arg2[%add3A] : memref<640000xi32, #tpu.memory_space<hbm>> -> memref<20000xi32, #tpu.memory_space<hbm>>
      tpu.wait_dma2 semaphore(%run_scoped3A_165 : memref<!tpu.dma_semaphore, #tpu.memory_space<semaphore_mem>>) src(%dma_wait3A_167 : memref<20000xi32, #tpu.memory_space<hbm>>) dst(%arg5 : memref<20000xi32, #tpu.memory_space<vmem>>)
      tpu.yield
    }) : () -> ()
    %scan3A_9 = arith.constant 0 : i32
    %scan3A_10 = arith.constant 0 : i32
    %scan3A_11 = arith.constant 1250 : i32
    %scan3A_12 = arith.addi %scan3A_10, %scan3A_11 : i32
    %scan3A_13 = arith.constant 1 : i32
    scf.for %scan3A_165 = %scan3A_10 to %scan3A_12 step %scan3A_13  : i32 {
      %mul3A_166 = arith.constant 16 : i32
      %mul3A_167 = arith.muli %scan3A_165, %mul3A_166 : i32
      %get3A = arith.index_cast %mul3A_167 : i32 to index
      %get3A_168 = tpu.vector_load %arg5[%get3A] {strides = array<i32>} : memref<20000xi32, #tpu.memory_space<vmem>>, vector<16xi32>,
      tpu.vector_store_idx %arg6[%get3A_168], %broadcast_in_dim3A_0 {add = true} : memref<24576xf32, #tpu.memory_space<vmem>>[vector<16xi32>], vector<16xf32>,
    }
    %scan3A_14 = arith.constant 1250 : i32
    %mul3A_15 = arith.constant 64000 : i32
    %mul3A_16 = arith.muli %arg0, %mul3A_15 : i32
    %mul3A_17 = arith.constant 4000 : i32
    %mul3A_18 = arith.muli %arg1, %mul3A_17 : i32
    %add3A_19 = arith.addi %mul3A_16, %mul3A_18 : i32
    "tpu.region"() ({
      %run_scoped3A_165 = tpu.sem_alloc : memref<!tpu.dma_semaphore, #tpu.memory_space<semaphore_mem>>
      %dma_start3A = arith.constant 0 : i32
      %dma_start3A_166 = tpu.memref_slice %arg5[%dma_start3A] : memref<20000xi32, #tpu.memory_space<vmem>> -> memref<4000xi32, #tpu.memory_space<vmem>>
      %dma_start3A_167 = tpu.memref_slice %arg3[%add3A_19] : memref<128000xi32, #tpu.memory_space<hbm>> -> memref<4000xi32, #tpu.memory_space<hbm>>
      %dma_start3A_168 = arith.constant 0 : i32
      %dma_start3A_169 = tpu.memref_slice %arg5[%dma_start3A_168] : memref<20000xi32, #tpu.memory_space<vmem>> -> memref<4000xi32, #tpu.memory_space<vmem>>
      %dma_start3A_170 = tpu.memref_slice %arg3[%add3A_19] : memref<128000xi32, #tpu.memory_space<hbm>> -> memref<4000xi32, #tpu.memory_space<hbm>>
      tpu.enqueue_dma source(%dma_start3A_170 : memref<4000xi32, #tpu.memory_space<hbm>>) target(%dma_start3A_169 : memref<4000xi32, #tpu.memory_space<vmem>>) target_semaphore(%run_scoped3A_165 : memref<!tpu.dma_semaphore, #tpu.memory_space<semaphore_mem>>)
      %dma_wait3A = arith.constant 0 : i32
      %dma_wait3A_171 = tpu.memref_slice %arg5[%dma_wait3A] : memref<20000xi32, #tpu.memory_space<vmem>> -> memref<4000xi32, #tpu.memory_space<vmem>>
      %dma_wait3A_172 = tpu.memref_slice %arg3[%add3A_19] : memref<128000xi32, #tpu.memory_space<hbm>> -> memref<4000xi32, #tpu.memory_space<hbm>>
      %dma_wait3A_173 = arith.constant 0 : i32
      %dma_wait3A_174 = tpu.memref_slice %arg5[%dma_wait3A_173] : memref<20000xi32, #tpu.memory_space<vmem>> -> memref<4000xi32, #tpu.memory_space<vmem>>
      %dma_wait3A_175 = tpu.memref_slice %arg3[%add3A_19] : memref<128000xi32, #tpu.memory_space<hbm>> -> memref<4000xi32, #tpu.memory_space<hbm>>
      tpu.wait_dma2 semaphore(%run_scoped3A_165 : memref<!tpu.dma_semaphore, #tpu.memory_space<semaphore_mem>>) src(%dma_wait3A_175 : memref<4000xi32, #tpu.memory_space<hbm>>) dst(%dma_wait3A_174 : memref<4000xi32, #tpu.memory_space<vmem>>)
      tpu.yield
    }) : () -> ()
    %scan3A_20 = arith.constant 0 : i32
    %scan3A_21 = arith.constant 0 : i32
    %scan3A_22 = arith.constant 250 : i32
    %scan3A_23 = arith.addi %scan3A_21, %scan3A_22 : i32
    %scan3A_24 = arith.constant 1 : i32
    scf.for %scan3A_165 = %scan3A_21 to %scan3A_23 step %scan3A_24  : i32 {
      %mul3A_166 = arith.constant 16 : i32
      %mul3A_167 = arith.muli %scan3A_165, %mul3A_166 : i32
      %get3A = arith.index_cast %mul3A_167 : i32 to index
      %get3A_168 = tpu.vector_load %arg5[%get3A] {strides = array<i32>} : memref<20000xi32, #tpu.memory_space<vmem>>, vector<16xi32>,
      %add3A_169 = arith.constant 20480 : i32
      %add3A_170 = vector.broadcast %add3A_169 : i32 to vector<16xi32>
      %add3A_171 = arith.addi %get3A_168, %add3A_170 : vector<16xi32>
      tpu.vector_store_idx %arg6[%add3A_171], %broadcast_in_dim3A_0 {add = true} : memref<24576xf32, #tpu.memory_space<vmem>>[vector<16xi32>], vector<16xf32>,
    }
    %scan3A_25 = arith.constant 250 : i32
    "tpu.region"() ({
      %run_scoped3A_165 = tpu.sem_alloc : memref<!tpu.dma_semaphore, #tpu.memory_space<semaphore_mem>>
      %dma_start3A = arith.constant 0 : i32
      %dma_start3A_166 = tpu.memref_slice %arg9[%arg1, %dma_start3A] : memref<16x24576xf32, #tpu.memory_space<vmem_shared>> -> memref<1x24576xf32, #tpu.memory_space<vmem_shared>>
      %dma_start3A_167 = tpu.memref_squeeze %dma_start3A_166 : memref<1x24576xf32, #tpu.memory_space<vmem_shared>> -> memref<24576xf32, #tpu.memory_space<vmem_shared>>
      %dma_start3A_168 = arith.constant 0 : i32
      %dma_start3A_169 = tpu.memref_slice %arg9[%arg1, %dma_start3A_168] : memref<16x24576xf32, #tpu.memory_space<vmem_shared>> -> memref<1x24576xf32, #tpu.memory_space<vmem_shared>>
      %dma_start3A_170 = tpu.memref_squeeze %dma_start3A_169 : memref<1x24576xf32, #tpu.memory_space<vmem_shared>> -> memref<24576xf32, #tpu.memory_space<vmem_shared>>
      tpu.enqueue_dma source(%arg6 : memref<24576xf32, #tpu.memory_space<vmem>>) target(%dma_start3A_170 : memref<24576xf32, #tpu.memory_space<vmem_shared>>) target_semaphore(%run_scoped3A_165 : memref<!tpu.dma_semaphore, #tpu.memory_space<semaphore_mem>>)
      %dma_wait3A = arith.constant 0 : i32
      %dma_wait3A_171 = tpu.memref_slice %arg9[%arg1, %dma_wait3A] : memref<16x24576xf32, #tpu.memory_space<vmem_shared>> -> memref<1x24576xf32, #tpu.memory_space<vmem_shared>>
      %dma_wait3A_172 = tpu.memref_squeeze %dma_wait3A_171 : memref<1x24576xf32, #tpu.memory_space<vmem_shared>> -> memref<24576xf32, #tpu.memory_space<vmem_shared>>
      %dma_wait3A_173 = arith.constant 0 : i32
      %dma_wait3A_174 = tpu.memref_slice %arg9[%arg1, %dma_wait3A_173] : memref<16x24576xf32, #tpu.memory_space<vmem_shared>> -> memref<1x24576xf32, #tpu.memory_space<vmem_shared>>
      %dma_wait3A_175 = tpu.memref_squeeze %dma_wait3A_174 : memref<1x24576xf32, #tpu.memory_space<vmem_shared>> -> memref<24576xf32, #tpu.memory_space<vmem_shared>>
      tpu.wait_dma2 semaphore(%run_scoped3A_165 : memref<!tpu.dma_semaphore, #tpu.memory_space<semaphore_mem>>) src(%arg6 : memref<24576xf32, #tpu.memory_space<vmem>>) dst(%dma_wait3A_175 : memref<24576xf32, #tpu.memory_space<vmem_shared>>)
      tpu.yield
    }) : () -> ()
    %barrier3A = arith.constant 0 : index
    tpu.barrier barrier_id(%barrier3A)
    %mul3A_26 = arith.constant 1536 : i32
    %mul3A_27 = arith.muli %arg1, %mul3A_26 : i32
    %run_scoped3A = arith.constant 0 : i32
    "tpu.region"() ({
      %run_scoped3A_165 = tpu.sem_alloc : memref<!tpu.dma_semaphore, #tpu.memory_space<semaphore_mem>>
      %dma_start3A = tpu.memref_slice %arg9[%run_scoped3A, %mul3A_27] : memref<16x24576xf32, #tpu.memory_space<vmem_shared>> -> memref<1x1536xf32, #tpu.memory_space<vmem_shared>>
      %dma_start3A_166 = tpu.memref_squeeze %dma_start3A : memref<1x1536xf32, #tpu.memory_space<vmem_shared>> -> memref<1536xf32, #tpu.memory_space<vmem_shared>>
      %dma_start3A_167 = tpu.memref_slice %arg9[%run_scoped3A, %mul3A_27] : memref<16x24576xf32, #tpu.memory_space<vmem_shared>> -> memref<1x1536xf32, #tpu.memory_space<vmem_shared>>
      %dma_start3A_168 = tpu.memref_squeeze %dma_start3A_167 : memref<1x1536xf32, #tpu.memory_space<vmem_shared>> -> memref<1536xf32, #tpu.memory_space<vmem_shared>>
      tpu.enqueue_dma source(%dma_start3A_168 : memref<1536xf32, #tpu.memory_space<vmem_shared>>) target(%arg7 : memref<1536xf32, #tpu.memory_space<vmem>>) target_semaphore(%run_scoped3A_165 : memref<!tpu.dma_semaphore, #tpu.memory_space<semaphore_mem>>)
      %dma_wait3A = tpu.memref_slice %arg9[%run_scoped3A, %mul3A_27] : memref<16x24576xf32, #tpu.memory_space<vmem_shared>> -> memref<1x1536xf32, #tpu.memory_space<vmem_shared>>
      %dma_wait3A_169 = tpu.memref_squeeze %dma_wait3A : memref<1x1536xf32, #tpu.memory_space<vmem_shared>> -> memref<1536xf32, #tpu.memory_space<vmem_shared>>
      %dma_wait3A_170 = tpu.memref_slice %arg9[%run_scoped3A, %mul3A_27] : memref<16x24576xf32, #tpu.memory_space<vmem_shared>> -> memref<1x1536xf32, #tpu.memory_space<vmem_shared>>
      %dma_wait3A_171 = tpu.memref_squeeze %dma_wait3A_170 : memref<1x1536xf32, #tpu.memory_space<vmem_shared>> -> memref<1536xf32, #tpu.memory_space<vmem_shared>>
      tpu.wait_dma2 semaphore(%run_scoped3A_165 : memref<!tpu.dma_semaphore, #tpu.memory_space<semaphore_mem>>) src(%dma_wait3A_171 : memref<1536xf32, #tpu.memory_space<vmem_shared>>) dst(%arg7 : memref<1536xf32, #tpu.memory_space<vmem>>)
      tpu.yield
    }) : () -> ()
    %mul3A_28 = arith.constant 1536 : i32
    %mul3A_29 = arith.muli %arg1, %mul3A_28 : i32
    %run_scoped3A_30 = arith.constant 1 : i32
    "tpu.region"() ({
      %run_scoped3A_165 = tpu.sem_alloc : memref<!tpu.dma_semaphore, #tpu.memory_space<semaphore_mem>>
      %dma_start3A = tpu.memref_slice %arg9[%run_scoped3A_30, %mul3A_29] : memref<16x24576xf32, #tpu.memory_space<vmem_shared>> -> memref<1x1536xf32, #tpu.memory_space<vmem_shared>>
      %dma_start3A_166 = tpu.memref_squeeze %dma_start3A : memref<1x1536xf32, #tpu.memory_space<vmem_shared>> -> memref<1536xf32, #tpu.memory_space<vmem_shared>>
      %dma_start3A_167 = tpu.memref_slice %arg9[%run_scoped3A_30, %mul3A_29] : memref<16x24576xf32, #tpu.memory_space<vmem_shared>> -> memref<1x1536xf32, #tpu.memory_space<vmem_shared>>
      %dma_start3A_168 = tpu.memref_squeeze %dma_start3A_167 : memref<1x1536xf32, #tpu.memory_space<vmem_shared>> -> memref<1536xf32, #tpu.memory_space<vmem_shared>>
      tpu.enqueue_dma source(%dma_start3A_168 : memref<1536xf32, #tpu.memory_space<vmem_shared>>) target(%arg8 : memref<1536xf32, #tpu.memory_space<vmem>>) target_semaphore(%run_scoped3A_165 : memref<!tpu.dma_semaphore, #tpu.memory_space<semaphore_mem>>)
      %dma_wait3A = tpu.memref_slice %arg9[%run_scoped3A_30, %mul3A_29] : memref<16x24576xf32, #tpu.memory_space<vmem_shared>> -> memref<1x1536xf32, #tpu.memory_space<vmem_shared>>
      %dma_wait3A_169 = tpu.memref_squeeze %dma_wait3A : memref<1x1536xf32, #tpu.memory_space<vmem_shared>> -> memref<1536xf32, #tpu.memory_space<vmem_shared>>
      %dma_wait3A_170 = tpu.memref_slice %arg9[%run_scoped3A_30, %mul3A_29] : memref<16x24576xf32, #tpu.memory_space<vmem_shared>> -> memref<1x1536xf32, #tpu.memory_space<vmem_shared>>
      %dma_wait3A_171 = tpu.memref_squeeze %dma_wait3A_170 : memref<1x1536xf32, #tpu.memory_space<vmem_shared>> -> memref<1536xf32, #tpu.memory_space<vmem_shared>>
      tpu.wait_dma2 semaphore(%run_scoped3A_165 : memref<!tpu.dma_semaphore, #tpu.memory_space<semaphore_mem>>) src(%dma_wait3A_171 : memref<1536xf32, #tpu.memory_space<vmem_shared>>) dst(%arg8 : memref<1536xf32, #tpu.memory_space<vmem>>)
      tpu.yield
    }) : () -> ()
    %scan3A_31 = arith.constant 0 : i32
    %scan3A_32 = arith.constant 0 : i32
    %scan3A_33 = arith.constant 96 : i32
    %scan3A_34 = arith.addi %scan3A_32, %scan3A_33 : i32
    %scan3A_35 = arith.constant 1 : i32
    scf.for %scan3A_165 = %scan3A_32 to %scan3A_34 step %scan3A_35  : i32 {
      %mul3A_166 = arith.constant 16 : i32
      %mul3A_167 = arith.muli %scan3A_165, %mul3A_166 : i32
      %get3A = arith.index_cast %mul3A_167 : i32 to index
      %get3A_168 = tpu.vector_load %arg7[%get3A] {strides = array<i32>} : memref<1536xf32, #tpu.memory_space<vmem>>, vector<16xf32>,
      %mul3A_169 = arith.constant 16 : i32
      %mul3A_170 = arith.muli %scan3A_165, %mul3A_169 : i32
      %get3A_171 = arith.index_cast %mul3A_170 : i32 to index
      %get3A_172 = tpu.vector_load %arg8[%get3A_171] {strides = array<i32>} : memref<1536xf32, #tpu.memory_space<vmem>>, vector<16xf32>,
      %add3A_173 = arith.addf %get3A_168, %get3A_172 : vector<16xf32>
      %mul3A_174 = arith.constant 16 : i32
      %mul3A_175 = arith.muli %scan3A_165, %mul3A_174 : i32
      %swap3A = arith.index_cast %mul3A_175 : i32 to index
      %swap3A_176 = tpu.vector_load %arg7[%swap3A] {strides = array<i32>} : memref<1536xf32, #tpu.memory_space<vmem>>, vector<16xf32>,
      tpu.vector_store %arg7[%swap3A], %add3A_173 {strides = array<i32>} : memref<1536xf32, #tpu.memory_space<vmem>>, vector<16xf32>,
    }
    %scan3A_36 = arith.constant 96 : i32
    %mul3A_37 = arith.constant 1536 : i32
    %mul3A_38 = arith.muli %arg1, %mul3A_37 : i32
    %run_scoped3A_39 = arith.constant 2 : i32
    "tpu.region"() ({
      %run_scoped3A_165 = tpu.sem_alloc : memref<!tpu.dma_semaphore, #tpu.memory_space<semaphore_mem>>
      %dma_start3A = tpu.memref_slice %arg9[%run_scoped3A_39, %mul3A_38] : memref<16x24576xf32, #tpu.memory_space<vmem_shared>> -> memref<1x1536xf32, #tpu.memory_space<vmem_shared>>
      %dma_start3A_166 = tpu.memref_squeeze %dma_start3A : memref<1x1536xf32, #tpu.memory_space<vmem_shared>> -> memref<1536xf32, #tpu.memory_space<vmem_shared>>
      %dma_start3A_167 = tpu.memref_slice %arg9[%run_scoped3A_39, %mul3A_38] : memref<16x24576xf32, #tpu.memory_space<vmem_shared>> -> memref<1x1536xf32, #tpu.memory_space<vmem_shared>>
      %dma_start3A_168 = tpu.memref_squeeze %dma_start3A_167 : memref<1x1536xf32, #tpu.memory_space<vmem_shared>> -> memref<1536xf32, #tpu.memory_space<vmem_shared>>
      tpu.enqueue_dma source(%dma_start3A_168 : memref<1536xf32, #tpu.memory_space<vmem_shared>>) target(%arg8 : memref<1536xf32, #tpu.memory_space<vmem>>) target_semaphore(%run_scoped3A_165 : memref<!tpu.dma_semaphore, #tpu.memory_space<semaphore_mem>>)
      %dma_wait3A = tpu.memref_slice %arg9[%run_scoped3A_39, %mul3A_38] : memref<16x24576xf32, #tpu.memory_space<vmem_shared>> -> memref<1x1536xf32, #tpu.memory_space<vmem_shared>>
      %dma_wait3A_169 = tpu.memref_squeeze %dma_wait3A : memref<1x1536xf32, #tpu.memory_space<vmem_shared>> -> memref<1536xf32, #tpu.memory_space<vmem_shared>>
      %dma_wait3A_170 = tpu.memref_slice %arg9[%run_scoped3A_39, %mul3A_38] : memref<16x24576xf32, #tpu.memory_space<vmem_shared>> -> memref<1x1536xf32, #tpu.memory_space<vmem_shared>>
      %dma_wait3A_171 = tpu.memref_squeeze %dma_wait3A_170 : memref<1x1536xf32, #tpu.memory_space<vmem_shared>> -> memref<1536xf32, #tpu.memory_space<vmem_shared>>
      tpu.wait_dma2 semaphore(%run_scoped3A_165 : memref<!tpu.dma_semaphore, #tpu.memory_space<semaphore_mem>>) src(%dma_wait3A_171 : memref<1536xf32, #tpu.memory_space<vmem_shared>>) dst(%arg8 : memref<1536xf32, #tpu.memory_space<vmem>>)
      tpu.yield
    }) : () -> ()
    %scan3A_40 = arith.constant 0 : i32
    %scan3A_41 = arith.constant 0 : i32
    %scan3A_42 = arith.constant 96 : i32
    %scan3A_43 = arith.addi %scan3A_41, %scan3A_42 : i32
    %scan3A_44 = arith.constant 1 : i32
    scf.for %scan3A_165 = %scan3A_41 to %scan3A_43 step %scan3A_44  : i32 {
      %mul3A_166 = arith.constant 16 : i32
      %mul3A_167 = arith.muli %scan3A_165, %mul3A_166 : i32
      %get3A = arith.index_cast %mul3A_167 : i32 to index
      %get3A_168 = tpu.vector_load %arg7[%get3A] {strides = array<i32>} : memref<1536xf32, #tpu.memory_space<vmem>>, vector<16xf32>,
      %mul3A_169 = arith.constant 16 : i32
      %mul3A_170 = arith.muli %scan3A_165, %mul3A_169 : i32
      %get3A_171 = arith.index_cast %mul3A_170 : i32 to index
      %get3A_172 = tpu.vector_load %arg8[%get3A_171] {strides = array<i32>} : memref<1536xf32, #tpu.memory_space<vmem>>, vector<16xf32>,
      %add3A_173 = arith.addf %get3A_168, %get3A_172 : vector<16xf32>
      %mul3A_174 = arith.constant 16 : i32
      %mul3A_175 = arith.muli %scan3A_165, %mul3A_174 : i32
      %swap3A = arith.index_cast %mul3A_175 : i32 to index
      %swap3A_176 = tpu.vector_load %arg7[%swap3A] {strides = array<i32>} : memref<1536xf32, #tpu.memory_space<vmem>>, vector<16xf32>,
      tpu.vector_store %arg7[%swap3A], %add3A_173 {strides = array<i32>} : memref<1536xf32, #tpu.memory_space<vmem>>, vector<16xf32>,
    }
    %scan3A_45 = arith.constant 96 : i32
    %mul3A_46 = arith.constant 1536 : i32
    %mul3A_47 = arith.muli %arg1, %mul3A_46 : i32
    %run_scoped3A_48 = arith.constant 3 : i32
    "tpu.region"() ({
      %run_scoped3A_165 = tpu.sem_alloc : memref<!tpu.dma_semaphore, #tpu.memory_space<semaphore_mem>>
      %dma_start3A = tpu.memref_slice %arg9[%run_scoped3A_48, %mul3A_47] : memref<16x24576xf32, #tpu.memory_space<vmem_shared>> -> memref<1x1536xf32, #tpu.memory_space<vmem_shared>>
      %dma_start3A_166 = tpu.memref_squeeze %dma_start3A : memref<1x1536xf32, #tpu.memory_space<vmem_shared>> -> memref<1536xf32, #tpu.memory_space<vmem_shared>>
      %dma_start3A_167 = tpu.memref_slice %arg9[%run_scoped3A_48, %mul3A_47] : memref<16x24576xf32, #tpu.memory_space<vmem_shared>> -> memref<1x1536xf32, #tpu.memory_space<vmem_shared>>
      %dma_start3A_168 = tpu.memref_squeeze %dma_start3A_167 : memref<1x1536xf32, #tpu.memory_space<vmem_shared>> -> memref<1536xf32, #tpu.memory_space<vmem_shared>>
      tpu.enqueue_dma source(%dma_start3A_168 : memref<1536xf32, #tpu.memory_space<vmem_shared>>) target(%arg8 : memref<1536xf32, #tpu.memory_space<vmem>>) target_semaphore(%run_scoped3A_165 : memref<!tpu.dma_semaphore, #tpu.memory_space<semaphore_mem>>)
      %dma_wait3A = tpu.memref_slice %arg9[%run_scoped3A_48, %mul3A_47] : memref<16x24576xf32, #tpu.memory_space<vmem_shared>> -> memref<1x1536xf32, #tpu.memory_space<vmem_shared>>
      %dma_wait3A_169 = tpu.memref_squeeze %dma_wait3A : memref<1x1536xf32, #tpu.memory_space<vmem_shared>> -> memref<1536xf32, #tpu.memory_space<vmem_shared>>
      %dma_wait3A_170 = tpu.memref_slice %arg9[%run_scoped3A_48, %mul3A_47] : memref<16x24576xf32, #tpu.memory_space<vmem_shared>> -> memref<1x1536xf32, #tpu.memory_space<vmem_shared>>
      %dma_wait3A_171 = tpu.memref_squeeze %dma_wait3A_170 : memref<1x1536xf32, #tpu.memory_space<vmem_shared>> -> memref<1536xf32, #tpu.memory_space<vmem_shared>>
      tpu.wait_dma2 semaphore(%run_scoped3A_165 : memref<!tpu.dma_semaphore, #tpu.memory_space<semaphore_mem>>) src(%dma_wait3A_171 : memref<1536xf32, #tpu.memory_space<vmem_shared>>) dst(%arg8 : memref<1536xf32, #tpu.memory_space<vmem>>)
      tpu.yield
    }) : () -> ()
    %scan3A_49 = arith.constant 0 : i32
    %scan3A_50 = arith.constant 0 : i32
    %scan3A_51 = arith.constant 96 : i32
    %scan3A_52 = arith.addi %scan3A_50, %scan3A_51 : i32
    %scan3A_53 = arith.constant 1 : i32
    scf.for %scan3A_165 = %scan3A_50 to %scan3A_52 step %scan3A_53  : i32 {
      %mul3A_166 = arith.constant 16 : i32
      %mul3A_167 = arith.muli %scan3A_165, %mul3A_166 : i32
      %get3A = arith.index_cast %mul3A_167 : i32 to index
      %get3A_168 = tpu.vector_load %arg7[%get3A] {strides = array<i32>} : memref<1536xf32, #tpu.memory_space<vmem>>, vector<16xf32>,
      %mul3A_169 = arith.constant 16 : i32
      %mul3A_170 = arith.muli %scan3A_165, %mul3A_169 : i32
      %get3A_171 = arith.index_cast %mul3A_170 : i32 to index
      %get3A_172 = tpu.vector_load %arg8[%get3A_171] {strides = array<i32>} : memref<1536xf32, #tpu.memory_space<vmem>>, vector<16xf32>,
      %add3A_173 = arith.addf %get3A_168, %get3A_172 : vector<16xf32>
      %mul3A_174 = arith.constant 16 : i32
      %mul3A_175 = arith.muli %scan3A_165, %mul3A_174 : i32
      %swap3A = arith.index_cast %mul3A_175 : i32 to index
      %swap3A_176 = tpu.vector_load %arg7[%swap3A] {strides = array<i32>} : memref<1536xf32, #tpu.memory_space<vmem>>, vector<16xf32>,
      tpu.vector_store %arg7[%swap3A], %add3A_173 {strides = array<i32>} : memref<1536xf32, #tpu.memory_space<vmem>>, vector<16xf32>,
    }
    %scan3A_54 = arith.constant 96 : i32
    %mul3A_55 = arith.constant 1536 : i32
    %mul3A_56 = arith.muli %arg1, %mul3A_55 : i32
    %run_scoped3A_57 = arith.constant 4 : i32
    "tpu.region"() ({
      %run_scoped3A_165 = tpu.sem_alloc : memref<!tpu.dma_semaphore, #tpu.memory_space<semaphore_mem>>
      %dma_start3A = tpu.memref_slice %arg9[%run_scoped3A_57, %mul3A_56] : memref<16x24576xf32, #tpu.memory_space<vmem_shared>> -> memref<1x1536xf32, #tpu.memory_space<vmem_shared>>
      %dma_start3A_166 = tpu.memref_squeeze %dma_start3A : memref<1x1536xf32, #tpu.memory_space<vmem_shared>> -> memref<1536xf32, #tpu.memory_space<vmem_shared>>
      %dma_start3A_167 = tpu.memref_slice %arg9[%run_scoped3A_57, %mul3A_56] : memref<16x24576xf32, #tpu.memory_space<vmem_shared>> -> memref<1x1536xf32, #tpu.memory_space<vmem_shared>>
      %dma_start3A_168 = tpu.memref_squeeze %dma_start3A_167 : memref<1x1536xf32, #tpu.memory_space<vmem_shared>> -> memref<1536xf32, #tpu.memory_space<vmem_shared>>
      tpu.enqueue_dma source(%dma_start3A_168 : memref<1536xf32, #tpu.memory_space<vmem_shared>>) target(%arg8 : memref<1536xf32, #tpu.memory_space<vmem>>) target_semaphore(%run_scoped3A_165 : memref<!tpu.dma_semaphore, #tpu.memory_space<semaphore_mem>>)
      %dma_wait3A = tpu.memref_slice %arg9[%run_scoped3A_57, %mul3A_56] : memref<16x24576xf32, #tpu.memory_space<vmem_shared>> -> memref<1x1536xf32, #tpu.memory_space<vmem_shared>>
      %dma_wait3A_169 = tpu.memref_squeeze %dma_wait3A : memref<1x1536xf32, #tpu.memory_space<vmem_shared>> -> memref<1536xf32, #tpu.memory_space<vmem_shared>>
      %dma_wait3A_170 = tpu.memref_slice %arg9[%run_scoped3A_57, %mul3A_56] : memref<16x24576xf32, #tpu.memory_space<vmem_shared>> -> memref<1x1536xf32, #tpu.memory_space<vmem_shared>>
      %dma_wait3A_171 = tpu.memref_squeeze %dma_wait3A_170 : memref<1x1536xf32, #tpu.memory_space<vmem_shared>> -> memref<1536xf32, #tpu.memory_space<vmem_shared>>
      tpu.wait_dma2 semaphore(%run_scoped3A_165 : memref<!tpu.dma_semaphore, #tpu.memory_space<semaphore_mem>>) src(%dma_wait3A_171 : memref<1536xf32, #tpu.memory_space<vmem_shared>>) dst(%arg8 : memref<1536xf32, #tpu.memory_space<vmem>>)
      tpu.yield
    }) : () -> ()
    %scan3A_58 = arith.constant 0 : i32
    %scan3A_59 = arith.constant 0 : i32
    %scan3A_60 = arith.constant 96 : i32
    %scan3A_61 = arith.addi %scan3A_59, %scan3A_60 : i32
    %scan3A_62 = arith.constant 1 : i32
    scf.for %scan3A_165 = %scan3A_59 to %scan3A_61 step %scan3A_62  : i32 {
      %mul3A_166 = arith.constant 16 : i32
      %mul3A_167 = arith.muli %scan3A_165, %mul3A_166 : i32
      %get3A = arith.index_cast %mul3A_167 : i32 to index
      %get3A_168 = tpu.vector_load %arg7[%get3A] {strides = array<i32>} : memref<1536xf32, #tpu.memory_space<vmem>>, vector<16xf32>,
      %mul3A_169 = arith.constant 16 : i32
      %mul3A_170 = arith.muli %scan3A_165, %mul3A_169 : i32
      %get3A_171 = arith.index_cast %mul3A_170 : i32 to index
      %get3A_172 = tpu.vector_load %arg8[%get3A_171] {strides = array<i32>} : memref<1536xf32, #tpu.memory_space<vmem>>, vector<16xf32>,
      %add3A_173 = arith.addf %get3A_168, %get3A_172 : vector<16xf32>
      %mul3A_174 = arith.constant 16 : i32
      %mul3A_175 = arith.muli %scan3A_165, %mul3A_174 : i32
      %swap3A = arith.index_cast %mul3A_175 : i32 to index
      %swap3A_176 = tpu.vector_load %arg7[%swap3A] {strides = array<i32>} : memref<1536xf32, #tpu.memory_space<vmem>>, vector<16xf32>,
      tpu.vector_store %arg7[%swap3A], %add3A_173 {strides = array<i32>} : memref<1536xf32, #tpu.memory_space<vmem>>, vector<16xf32>,
    }
    %scan3A_63 = arith.constant 96 : i32
    %mul3A_64 = arith.constant 1536 : i32
    %mul3A_65 = arith.muli %arg1, %mul3A_64 : i32
    %run_scoped3A_66 = arith.constant 5 : i32
    "tpu.region"() ({
      %run_scoped3A_165 = tpu.sem_alloc : memref<!tpu.dma_semaphore, #tpu.memory_space<semaphore_mem>>
      %dma_start3A = tpu.memref_slice %arg9[%run_scoped3A_66, %mul3A_65] : memref<16x24576xf32, #tpu.memory_space<vmem_shared>> -> memref<1x1536xf32, #tpu.memory_space<vmem_shared>>
      %dma_start3A_166 = tpu.memref_squeeze %dma_start3A : memref<1x1536xf32, #tpu.memory_space<vmem_shared>> -> memref<1536xf32, #tpu.memory_space<vmem_shared>>
      %dma_start3A_167 = tpu.memref_slice %arg9[%run_scoped3A_66, %mul3A_65] : memref<16x24576xf32, #tpu.memory_space<vmem_shared>> -> memref<1x1536xf32, #tpu.memory_space<vmem_shared>>
      %dma_start3A_168 = tpu.memref_squeeze %dma_start3A_167 : memref<1x1536xf32, #tpu.memory_space<vmem_shared>> -> memref<1536xf32, #tpu.memory_space<vmem_shared>>
      tpu.enqueue_dma source(%dma_start3A_168 : memref<1536xf32, #tpu.memory_space<vmem_shared>>) target(%arg8 : memref<1536xf32, #tpu.memory_space<vmem>>) target_semaphore(%run_scoped3A_165 : memref<!tpu.dma_semaphore, #tpu.memory_space<semaphore_mem>>)
      %dma_wait3A = tpu.memref_slice %arg9[%run_scoped3A_66, %mul3A_65] : memref<16x24576xf32, #tpu.memory_space<vmem_shared>> -> memref<1x1536xf32, #tpu.memory_space<vmem_shared>>
      %dma_wait3A_169 = tpu.memref_squeeze %dma_wait3A : memref<1x1536xf32, #tpu.memory_space<vmem_shared>> -> memref<1536xf32, #tpu.memory_space<vmem_shared>>
      %dma_wait3A_170 = tpu.memref_slice %arg9[%run_scoped3A_66, %mul3A_65] : memref<16x24576xf32, #tpu.memory_space<vmem_shared>> -> memref<1x1536xf32, #tpu.memory_space<vmem_shared>>
      %dma_wait3A_171 = tpu.memref_squeeze %dma_wait3A_170 : memref<1x1536xf32, #tpu.memory_space<vmem_shared>> -> memref<1536xf32, #tpu.memory_space<vmem_shared>>
      tpu.wait_dma2 semaphore(%run_scoped3A_165 : memref<!tpu.dma_semaphore, #tpu.memory_space<semaphore_mem>>) src(%dma_wait3A_171 : memref<1536xf32, #tpu.memory_space<vmem_shared>>) dst(%arg8 : memref<1536xf32, #tpu.memory_space<vmem>>)
      tpu.yield
    }) : () -> ()
    %scan3A_67 = arith.constant 0 : i32
    %scan3A_68 = arith.constant 0 : i32
    %scan3A_69 = arith.constant 96 : i32
    %scan3A_70 = arith.addi %scan3A_68, %scan3A_69 : i32
    %scan3A_71 = arith.constant 1 : i32
    scf.for %scan3A_165 = %scan3A_68 to %scan3A_70 step %scan3A_71  : i32 {
      %mul3A_166 = arith.constant 16 : i32
      %mul3A_167 = arith.muli %scan3A_165, %mul3A_166 : i32
      %get3A = arith.index_cast %mul3A_167 : i32 to index
      %get3A_168 = tpu.vector_load %arg7[%get3A] {strides = array<i32>} : memref<1536xf32, #tpu.memory_space<vmem>>, vector<16xf32>,
      %mul3A_169 = arith.constant 16 : i32
      %mul3A_170 = arith.muli %scan3A_165, %mul3A_169 : i32
      %get3A_171 = arith.index_cast %mul3A_170 : i32 to index
      %get3A_172 = tpu.vector_load %arg8[%get3A_171] {strides = array<i32>} : memref<1536xf32, #tpu.memory_space<vmem>>, vector<16xf32>,
      %add3A_173 = arith.addf %get3A_168, %get3A_172 : vector<16xf32>
      %mul3A_174 = arith.constant 16 : i32
      %mul3A_175 = arith.muli %scan3A_165, %mul3A_174 : i32
      %swap3A = arith.index_cast %mul3A_175 : i32 to index
      %swap3A_176 = tpu.vector_load %arg7[%swap3A] {strides = array<i32>} : memref<1536xf32, #tpu.memory_space<vmem>>, vector<16xf32>,
      tpu.vector_store %arg7[%swap3A], %add3A_173 {strides = array<i32>} : memref<1536xf32, #tpu.memory_space<vmem>>, vector<16xf32>,
    }
    %scan3A_72 = arith.constant 96 : i32
    %mul3A_73 = arith.constant 1536 : i32
    %mul3A_74 = arith.muli %arg1, %mul3A_73 : i32
    %run_scoped3A_75 = arith.constant 6 : i32
    "tpu.region"() ({
      %run_scoped3A_165 = tpu.sem_alloc : memref<!tpu.dma_semaphore, #tpu.memory_space<semaphore_mem>>
      %dma_start3A = tpu.memref_slice %arg9[%run_scoped3A_75, %mul3A_74] : memref<16x24576xf32, #tpu.memory_space<vmem_shared>> -> memref<1x1536xf32, #tpu.memory_space<vmem_shared>>
      %dma_start3A_166 = tpu.memref_squeeze %dma_start3A : memref<1x1536xf32, #tpu.memory_space<vmem_shared>> -> memref<1536xf32, #tpu.memory_space<vmem_shared>>
      %dma_start3A_167 = tpu.memref_slice %arg9[%run_scoped3A_75, %mul3A_74] : memref<16x24576xf32, #tpu.memory_space<vmem_shared>> -> memref<1x1536xf32, #tpu.memory_space<vmem_shared>>
      %dma_start3A_168 = tpu.memref_squeeze %dma_start3A_167 : memref<1x1536xf32, #tpu.memory_space<vmem_shared>> -> memref<1536xf32, #tpu.memory_space<vmem_shared>>
      tpu.enqueue_dma source(%dma_start3A_168 : memref<1536xf32, #tpu.memory_space<vmem_shared>>) target(%arg8 : memref<1536xf32, #tpu.memory_space<vmem>>) target_semaphore(%run_scoped3A_165 : memref<!tpu.dma_semaphore, #tpu.memory_space<semaphore_mem>>)
      %dma_wait3A = tpu.memref_slice %arg9[%run_scoped3A_75, %mul3A_74] : memref<16x24576xf32, #tpu.memory_space<vmem_shared>> -> memref<1x1536xf32, #tpu.memory_space<vmem_shared>>
      %dma_wait3A_169 = tpu.memref_squeeze %dma_wait3A : memref<1x1536xf32, #tpu.memory_space<vmem_shared>> -> memref<1536xf32, #tpu.memory_space<vmem_shared>>
      %dma_wait3A_170 = tpu.memref_slice %arg9[%run_scoped3A_75, %mul3A_74] : memref<16x24576xf32, #tpu.memory_space<vmem_shared>> -> memref<1x1536xf32, #tpu.memory_space<vmem_shared>>
      %dma_wait3A_171 = tpu.memref_squeeze %dma_wait3A_170 : memref<1x1536xf32, #tpu.memory_space<vmem_shared>> -> memref<1536xf32, #tpu.memory_space<vmem_shared>>
      tpu.wait_dma2 semaphore(%run_scoped3A_165 : memref<!tpu.dma_semaphore, #tpu.memory_space<semaphore_mem>>) src(%dma_wait3A_171 : memref<1536xf32, #tpu.memory_space<vmem_shared>>) dst(%arg8 : memref<1536xf32, #tpu.memory_space<vmem>>)
      tpu.yield
    }) : () -> ()
    %scan3A_76 = arith.constant 0 : i32
    %scan3A_77 = arith.constant 0 : i32
    %scan3A_78 = arith.constant 96 : i32
    %scan3A_79 = arith.addi %scan3A_77, %scan3A_78 : i32
    %scan3A_80 = arith.constant 1 : i32
    scf.for %scan3A_165 = %scan3A_77 to %scan3A_79 step %scan3A_80  : i32 {
      %mul3A_166 = arith.constant 16 : i32
      %mul3A_167 = arith.muli %scan3A_165, %mul3A_166 : i32
      %get3A = arith.index_cast %mul3A_167 : i32 to index
      %get3A_168 = tpu.vector_load %arg7[%get3A] {strides = array<i32>} : memref<1536xf32, #tpu.memory_space<vmem>>, vector<16xf32>,
      %mul3A_169 = arith.constant 16 : i32
      %mul3A_170 = arith.muli %scan3A_165, %mul3A_169 : i32
      %get3A_171 = arith.index_cast %mul3A_170 : i32 to index
      %get3A_172 = tpu.vector_load %arg8[%get3A_171] {strides = array<i32>} : memref<1536xf32, #tpu.memory_space<vmem>>, vector<16xf32>,
      %add3A_173 = arith.addf %get3A_168, %get3A_172 : vector<16xf32>
      %mul3A_174 = arith.constant 16 : i32
      %mul3A_175 = arith.muli %scan3A_165, %mul3A_174 : i32
      %swap3A = arith.index_cast %mul3A_175 : i32 to index
      %swap3A_176 = tpu.vector_load %arg7[%swap3A] {strides = array<i32>} : memref<1536xf32, #tpu.memory_space<vmem>>, vector<16xf32>,
      tpu.vector_store %arg7[%swap3A], %add3A_173 {strides = array<i32>} : memref<1536xf32, #tpu.memory_space<vmem>>, vector<16xf32>,
    }
    %scan3A_81 = arith.constant 96 : i32
    %mul3A_82 = arith.constant 1536 : i32
    %mul3A_83 = arith.muli %arg1, %mul3A_82 : i32
    %run_scoped3A_84 = arith.constant 7 : i32
    "tpu.region"() ({
      %run_scoped3A_165 = tpu.sem_alloc : memref<!tpu.dma_semaphore, #tpu.memory_space<semaphore_mem>>
      %dma_start3A = tpu.memref_slice %arg9[%run_scoped3A_84, %mul3A_83] : memref<16x24576xf32, #tpu.memory_space<vmem_shared>> -> memref<1x1536xf32, #tpu.memory_space<vmem_shared>>
      %dma_start3A_166 = tpu.memref_squeeze %dma_start3A : memref<1x1536xf32, #tpu.memory_space<vmem_shared>> -> memref<1536xf32, #tpu.memory_space<vmem_shared>>
      %dma_start3A_167 = tpu.memref_slice %arg9[%run_scoped3A_84, %mul3A_83] : memref<16x24576xf32, #tpu.memory_space<vmem_shared>> -> memref<1x1536xf32, #tpu.memory_space<vmem_shared>>
      %dma_start3A_168 = tpu.memref_squeeze %dma_start3A_167 : memref<1x1536xf32, #tpu.memory_space<vmem_shared>> -> memref<1536xf32, #tpu.memory_space<vmem_shared>>
      tpu.enqueue_dma source(%dma_start3A_168 : memref<1536xf32, #tpu.memory_space<vmem_shared>>) target(%arg8 : memref<1536xf32, #tpu.memory_space<vmem>>) target_semaphore(%run_scoped3A_165 : memref<!tpu.dma_semaphore, #tpu.memory_space<semaphore_mem>>)
      %dma_wait3A = tpu.memref_slice %arg9[%run_scoped3A_84, %mul3A_83] : memref<16x24576xf32, #tpu.memory_space<vmem_shared>> -> memref<1x1536xf32, #tpu.memory_space<vmem_shared>>
      %dma_wait3A_169 = tpu.memref_squeeze %dma_wait3A : memref<1x1536xf32, #tpu.memory_space<vmem_shared>> -> memref<1536xf32, #tpu.memory_space<vmem_shared>>
      %dma_wait3A_170 = tpu.memref_slice %arg9[%run_scoped3A_84, %mul3A_83] : memref<16x24576xf32, #tpu.memory_space<vmem_shared>> -> memref<1x1536xf32, #tpu.memory_space<vmem_shared>>
      %dma_wait3A_171 = tpu.memref_squeeze %dma_wait3A_170 : memref<1x1536xf32, #tpu.memory_space<vmem_shared>> -> memref<1536xf32, #tpu.memory_space<vmem_shared>>
      tpu.wait_dma2 semaphore(%run_scoped3A_165 : memref<!tpu.dma_semaphore, #tpu.memory_space<semaphore_mem>>) src(%dma_wait3A_171 : memref<1536xf32, #tpu.memory_space<vmem_shared>>) dst(%arg8 : memref<1536xf32, #tpu.memory_space<vmem>>)
      tpu.yield
    }) : () -> ()
    %scan3A_85 = arith.constant 0 : i32
    %scan3A_86 = arith.constant 0 : i32
    %scan3A_87 = arith.constant 96 : i32
    %scan3A_88 = arith.addi %scan3A_86, %scan3A_87 : i32
    %scan3A_89 = arith.constant 1 : i32
    scf.for %scan3A_165 = %scan3A_86 to %scan3A_88 step %scan3A_89  : i32 {
      %mul3A_166 = arith.constant 16 : i32
      %mul3A_167 = arith.muli %scan3A_165, %mul3A_166 : i32
      %get3A = arith.index_cast %mul3A_167 : i32 to index
      %get3A_168 = tpu.vector_load %arg7[%get3A] {strides = array<i32>} : memref<1536xf32, #tpu.memory_space<vmem>>, vector<16xf32>,
      %mul3A_169 = arith.constant 16 : i32
      %mul3A_170 = arith.muli %scan3A_165, %mul3A_169 : i32
      %get3A_171 = arith.index_cast %mul3A_170 : i32 to index
      %get3A_172 = tpu.vector_load %arg8[%get3A_171] {strides = array<i32>} : memref<1536xf32, #tpu.memory_space<vmem>>, vector<16xf32>,
      %add3A_173 = arith.addf %get3A_168, %get3A_172 : vector<16xf32>
      %mul3A_174 = arith.constant 16 : i32
      %mul3A_175 = arith.muli %scan3A_165, %mul3A_174 : i32
      %swap3A = arith.index_cast %mul3A_175 : i32 to index
      %swap3A_176 = tpu.vector_load %arg7[%swap3A] {strides = array<i32>} : memref<1536xf32, #tpu.memory_space<vmem>>, vector<16xf32>,
      tpu.vector_store %arg7[%swap3A], %add3A_173 {strides = array<i32>} : memref<1536xf32, #tpu.memory_space<vmem>>, vector<16xf32>,
    }
    %scan3A_90 = arith.constant 96 : i32
    %mul3A_91 = arith.constant 1536 : i32
    %mul3A_92 = arith.muli %arg1, %mul3A_91 : i32
    %run_scoped3A_93 = arith.constant 8 : i32
    "tpu.region"() ({
      %run_scoped3A_165 = tpu.sem_alloc : memref<!tpu.dma_semaphore, #tpu.memory_space<semaphore_mem>>
      %dma_start3A = tpu.memref_slice %arg9[%run_scoped3A_93, %mul3A_92] : memref<16x24576xf32, #tpu.memory_space<vmem_shared>> -> memref<1x1536xf32, #tpu.memory_space<vmem_shared>>
      %dma_start3A_166 = tpu.memref_squeeze %dma_start3A : memref<1x1536xf32, #tpu.memory_space<vmem_shared>> -> memref<1536xf32, #tpu.memory_space<vmem_shared>>
      %dma_start3A_167 = tpu.memref_slice %arg9[%run_scoped3A_93, %mul3A_92] : memref<16x24576xf32, #tpu.memory_space<vmem_shared>> -> memref<1x1536xf32, #tpu.memory_space<vmem_shared>>
      %dma_start3A_168 = tpu.memref_squeeze %dma_start3A_167 : memref<1x1536xf32, #tpu.memory_space<vmem_shared>> -> memref<1536xf32, #tpu.memory_space<vmem_shared>>
      tpu.enqueue_dma source(%dma_start3A_168 : memref<1536xf32, #tpu.memory_space<vmem_shared>>) target(%arg8 : memref<1536xf32, #tpu.memory_space<vmem>>) target_semaphore(%run_scoped3A_165 : memref<!tpu.dma_semaphore, #tpu.memory_space<semaphore_mem>>)
      %dma_wait3A = tpu.memref_slice %arg9[%run_scoped3A_93, %mul3A_92] : memref<16x24576xf32, #tpu.memory_space<vmem_shared>> -> memref<1x1536xf32, #tpu.memory_space<vmem_shared>>
      %dma_wait3A_169 = tpu.memref_squeeze %dma_wait3A : memref<1x1536xf32, #tpu.memory_space<vmem_shared>> -> memref<1536xf32, #tpu.memory_space<vmem_shared>>
      %dma_wait3A_170 = tpu.memref_slice %arg9[%run_scoped3A_93, %mul3A_92] : memref<16x24576xf32, #tpu.memory_space<vmem_shared>> -> memref<1x1536xf32, #tpu.memory_space<vmem_shared>>
      %dma_wait3A_171 = tpu.memref_squeeze %dma_wait3A_170 : memref<1x1536xf32, #tpu.memory_space<vmem_shared>> -> memref<1536xf32, #tpu.memory_space<vmem_shared>>
      tpu.wait_dma2 semaphore(%run_scoped3A_165 : memref<!tpu.dma_semaphore, #tpu.memory_space<semaphore_mem>>) src(%dma_wait3A_171 : memref<1536xf32, #tpu.memory_space<vmem_shared>>) dst(%arg8 : memref<1536xf32, #tpu.memory_space<vmem>>)
      tpu.yield
    }) : () -> ()
    %scan3A_94 = arith.constant 0 : i32
    %scan3A_95 = arith.constant 0 : i32
    %scan3A_96 = arith.constant 96 : i32
    %scan3A_97 = arith.addi %scan3A_95, %scan3A_96 : i32
    %scan3A_98 = arith.constant 1 : i32
    scf.for %scan3A_165 = %scan3A_95 to %scan3A_97 step %scan3A_98  : i32 {
      %mul3A_166 = arith.constant 16 : i32
      %mul3A_167 = arith.muli %scan3A_165, %mul3A_166 : i32
      %get3A = arith.index_cast %mul3A_167 : i32 to index
      %get3A_168 = tpu.vector_load %arg7[%get3A] {strides = array<i32>} : memref<1536xf32, #tpu.memory_space<vmem>>, vector<16xf32>,
      %mul3A_169 = arith.constant 16 : i32
      %mul3A_170 = arith.muli %scan3A_165, %mul3A_169 : i32
      %get3A_171 = arith.index_cast %mul3A_170 : i32 to index
      %get3A_172 = tpu.vector_load %arg8[%get3A_171] {strides = array<i32>} : memref<1536xf32, #tpu.memory_space<vmem>>, vector<16xf32>,
      %add3A_173 = arith.addf %get3A_168, %get3A_172 : vector<16xf32>
      %mul3A_174 = arith.constant 16 : i32
      %mul3A_175 = arith.muli %scan3A_165, %mul3A_174 : i32
      %swap3A = arith.index_cast %mul3A_175 : i32 to index
      %swap3A_176 = tpu.vector_load %arg7[%swap3A] {strides = array<i32>} : memref<1536xf32, #tpu.memory_space<vmem>>, vector<16xf32>,
      tpu.vector_store %arg7[%swap3A], %add3A_173 {strides = array<i32>} : memref<1536xf32, #tpu.memory_space<vmem>>, vector<16xf32>,
    }
    %scan3A_99 = arith.constant 96 : i32
    %mul3A_100 = arith.constant 1536 : i32
    %mul3A_101 = arith.muli %arg1, %mul3A_100 : i32
    %run_scoped3A_102 = arith.constant 9 : i32
    "tpu.region"() ({
      %run_scoped3A_165 = tpu.sem_alloc : memref<!tpu.dma_semaphore, #tpu.memory_space<semaphore_mem>>
      %dma_start3A = tpu.memref_slice %arg9[%run_scoped3A_102, %mul3A_101] : memref<16x24576xf32, #tpu.memory_space<vmem_shared>> -> memref<1x1536xf32, #tpu.memory_space<vmem_shared>>
      %dma_start3A_166 = tpu.memref_squeeze %dma_start3A : memref<1x1536xf32, #tpu.memory_space<vmem_shared>> -> memref<1536xf32, #tpu.memory_space<vmem_shared>>
      %dma_start3A_167 = tpu.memref_slice %arg9[%run_scoped3A_102, %mul3A_101] : memref<16x24576xf32, #tpu.memory_space<vmem_shared>> -> memref<1x1536xf32, #tpu.memory_space<vmem_shared>>
      %dma_start3A_168 = tpu.memref_squeeze %dma_start3A_167 : memref<1x1536xf32, #tpu.memory_space<vmem_shared>> -> memref<1536xf32, #tpu.memory_space<vmem_shared>>
      tpu.enqueue_dma source(%dma_start3A_168 : memref<1536xf32, #tpu.memory_space<vmem_shared>>) target(%arg8 : memref<1536xf32, #tpu.memory_space<vmem>>) target_semaphore(%run_scoped3A_165 : memref<!tpu.dma_semaphore, #tpu.memory_space<semaphore_mem>>)
      %dma_wait3A = tpu.memref_slice %arg9[%run_scoped3A_102, %mul3A_101] : memref<16x24576xf32, #tpu.memory_space<vmem_shared>> -> memref<1x1536xf32, #tpu.memory_space<vmem_shared>>
      %dma_wait3A_169 = tpu.memref_squeeze %dma_wait3A : memref<1x1536xf32, #tpu.memory_space<vmem_shared>> -> memref<1536xf32, #tpu.memory_space<vmem_shared>>
      %dma_wait3A_170 = tpu.memref_slice %arg9[%run_scoped3A_102, %mul3A_101] : memref<16x24576xf32, #tpu.memory_space<vmem_shared>> -> memref<1x1536xf32, #tpu.memory_space<vmem_shared>>
      %dma_wait3A_171 = tpu.memref_squeeze %dma_wait3A_170 : memref<1x1536xf32, #tpu.memory_space<vmem_shared>> -> memref<1536xf32, #tpu.memory_space<vmem_shared>>
      tpu.wait_dma2 semaphore(%run_scoped3A_165 : memref<!tpu.dma_semaphore, #tpu.memory_space<semaphore_mem>>) src(%dma_wait3A_171 : memref<1536xf32, #tpu.memory_space<vmem_shared>>) dst(%arg8 : memref<1536xf32, #tpu.memory_space<vmem>>)
      tpu.yield
    }) : () -> ()
    %scan3A_103 = arith.constant 0 : i32
    %scan3A_104 = arith.constant 0 : i32
    %scan3A_105 = arith.constant 96 : i32
    %scan3A_106 = arith.addi %scan3A_104, %scan3A_105 : i32
    %scan3A_107 = arith.constant 1 : i32
    scf.for %scan3A_165 = %scan3A_104 to %scan3A_106 step %scan3A_107  : i32 {
      %mul3A_166 = arith.constant 16 : i32
      %mul3A_167 = arith.muli %scan3A_165, %mul3A_166 : i32
      %get3A = arith.index_cast %mul3A_167 : i32 to index
      %get3A_168 = tpu.vector_load %arg7[%get3A] {strides = array<i32>} : memref<1536xf32, #tpu.memory_space<vmem>>, vector<16xf32>,
      %mul3A_169 = arith.constant 16 : i32
      %mul3A_170 = arith.muli %scan3A_165, %mul3A_169 : i32
      %get3A_171 = arith.index_cast %mul3A_170 : i32 to index
      %get3A_172 = tpu.vector_load %arg8[%get3A_171] {strides = array<i32>} : memref<1536xf32, #tpu.memory_space<vmem>>, vector<16xf32>,
      %add3A_173 = arith.addf %get3A_168, %get3A_172 : vector<16xf32>
      %mul3A_174 = arith.constant 16 : i32
      %mul3A_175 = arith.muli %scan3A_165, %mul3A_174 : i32
      %swap3A = arith.index_cast %mul3A_175 : i32 to index
      %swap3A_176 = tpu.vector_load %arg7[%swap3A] {strides = array<i32>} : memref<1536xf32, #tpu.memory_space<vmem>>, vector<16xf32>,
      tpu.vector_store %arg7[%swap3A], %add3A_173 {strides = array<i32>} : memref<1536xf32, #tpu.memory_space<vmem>>, vector<16xf32>,
    }
    %scan3A_108 = arith.constant 96 : i32
    %mul3A_109 = arith.constant 1536 : i32
    %mul3A_110 = arith.muli %arg1, %mul3A_109 : i32
    %run_scoped3A_111 = arith.constant 10 : i32
    "tpu.region"() ({
      %run_scoped3A_165 = tpu.sem_alloc : memref<!tpu.dma_semaphore, #tpu.memory_space<semaphore_mem>>
      %dma_start3A = tpu.memref_slice %arg9[%run_scoped3A_111, %mul3A_110] : memref<16x24576xf32, #tpu.memory_space<vmem_shared>> -> memref<1x1536xf32, #tpu.memory_space<vmem_shared>>
      %dma_start3A_166 = tpu.memref_squeeze %dma_start3A : memref<1x1536xf32, #tpu.memory_space<vmem_shared>> -> memref<1536xf32, #tpu.memory_space<vmem_shared>>
      %dma_start3A_167 = tpu.memref_slice %arg9[%run_scoped3A_111, %mul3A_110] : memref<16x24576xf32, #tpu.memory_space<vmem_shared>> -> memref<1x1536xf32, #tpu.memory_space<vmem_shared>>
      %dma_start3A_168 = tpu.memref_squeeze %dma_start3A_167 : memref<1x1536xf32, #tpu.memory_space<vmem_shared>> -> memref<1536xf32, #tpu.memory_space<vmem_shared>>
      tpu.enqueue_dma source(%dma_start3A_168 : memref<1536xf32, #tpu.memory_space<vmem_shared>>) target(%arg8 : memref<1536xf32, #tpu.memory_space<vmem>>) target_semaphore(%run_scoped3A_165 : memref<!tpu.dma_semaphore, #tpu.memory_space<semaphore_mem>>)
      %dma_wait3A = tpu.memref_slice %arg9[%run_scoped3A_111, %mul3A_110] : memref<16x24576xf32, #tpu.memory_space<vmem_shared>> -> memref<1x1536xf32, #tpu.memory_space<vmem_shared>>
      %dma_wait3A_169 = tpu.memref_squeeze %dma_wait3A : memref<1x1536xf32, #tpu.memory_space<vmem_shared>> -> memref<1536xf32, #tpu.memory_space<vmem_shared>>
      %dma_wait3A_170 = tpu.memref_slice %arg9[%run_scoped3A_111, %mul3A_110] : memref<16x24576xf32, #tpu.memory_space<vmem_shared>> -> memref<1x1536xf32, #tpu.memory_space<vmem_shared>>
      %dma_wait3A_171 = tpu.memref_squeeze %dma_wait3A_170 : memref<1x1536xf32, #tpu.memory_space<vmem_shared>> -> memref<1536xf32, #tpu.memory_space<vmem_shared>>
      tpu.wait_dma2 semaphore(%run_scoped3A_165 : memref<!tpu.dma_semaphore, #tpu.memory_space<semaphore_mem>>) src(%dma_wait3A_171 : memref<1536xf32, #tpu.memory_space<vmem_shared>>) dst(%arg8 : memref<1536xf32, #tpu.memory_space<vmem>>)
      tpu.yield
    }) : () -> ()
    %scan3A_112 = arith.constant 0 : i32
    %scan3A_113 = arith.constant 0 : i32
    %scan3A_114 = arith.constant 96 : i32
    %scan3A_115 = arith.addi %scan3A_113, %scan3A_114 : i32
    %scan3A_116 = arith.constant 1 : i32
    scf.for %scan3A_165 = %scan3A_113 to %scan3A_115 step %scan3A_116  : i32 {
      %mul3A_166 = arith.constant 16 : i32
      %mul3A_167 = arith.muli %scan3A_165, %mul3A_166 : i32
      %get3A = arith.index_cast %mul3A_167 : i32 to index
      %get3A_168 = tpu.vector_load %arg7[%get3A] {strides = array<i32>} : memref<1536xf32, #tpu.memory_space<vmem>>, vector<16xf32>,
      %mul3A_169 = arith.constant 16 : i32
      %mul3A_170 = arith.muli %scan3A_165, %mul3A_169 : i32
      %get3A_171 = arith.index_cast %mul3A_170 : i32 to index
      %get3A_172 = tpu.vector_load %arg8[%get3A_171] {strides = array<i32>} : memref<1536xf32, #tpu.memory_space<vmem>>, vector<16xf32>,
      %add3A_173 = arith.addf %get3A_168, %get3A_172 : vector<16xf32>
      %mul3A_174 = arith.constant 16 : i32
      %mul3A_175 = arith.muli %scan3A_165, %mul3A_174 : i32
      %swap3A = arith.index_cast %mul3A_175 : i32 to index
      %swap3A_176 = tpu.vector_load %arg7[%swap3A] {strides = array<i32>} : memref<1536xf32, #tpu.memory_space<vmem>>, vector<16xf32>,
      tpu.vector_store %arg7[%swap3A], %add3A_173 {strides = array<i32>} : memref<1536xf32, #tpu.memory_space<vmem>>, vector<16xf32>,
    }
    %scan3A_117 = arith.constant 96 : i32
    %mul3A_118 = arith.constant 1536 : i32
    %mul3A_119 = arith.muli %arg1, %mul3A_118 : i32
    %run_scoped3A_120 = arith.constant 11 : i32
    "tpu.region"() ({
      %run_scoped3A_165 = tpu.sem_alloc : memref<!tpu.dma_semaphore, #tpu.memory_space<semaphore_mem>>
      %dma_start3A = tpu.memref_slice %arg9[%run_scoped3A_120, %mul3A_119] : memref<16x24576xf32, #tpu.memory_space<vmem_shared>> -> memref<1x1536xf32, #tpu.memory_space<vmem_shared>>
      %dma_start3A_166 = tpu.memref_squeeze %dma_start3A : memref<1x1536xf32, #tpu.memory_space<vmem_shared>> -> memref<1536xf32, #tpu.memory_space<vmem_shared>>
      %dma_start3A_167 = tpu.memref_slice %arg9[%run_scoped3A_120, %mul3A_119] : memref<16x24576xf32, #tpu.memory_space<vmem_shared>> -> memref<1x1536xf32, #tpu.memory_space<vmem_shared>>
      %dma_start3A_168 = tpu.memref_squeeze %dma_start3A_167 : memref<1x1536xf32, #tpu.memory_space<vmem_shared>> -> memref<1536xf32, #tpu.memory_space<vmem_shared>>
      tpu.enqueue_dma source(%dma_start3A_168 : memref<1536xf32, #tpu.memory_space<vmem_shared>>) target(%arg8 : memref<1536xf32, #tpu.memory_space<vmem>>) target_semaphore(%run_scoped3A_165 : memref<!tpu.dma_semaphore, #tpu.memory_space<semaphore_mem>>)
      %dma_wait3A = tpu.memref_slice %arg9[%run_scoped3A_120, %mul3A_119] : memref<16x24576xf32, #tpu.memory_space<vmem_shared>> -> memref<1x1536xf32, #tpu.memory_space<vmem_shared>>
      %dma_wait3A_169 = tpu.memref_squeeze %dma_wait3A : memref<1x1536xf32, #tpu.memory_space<vmem_shared>> -> memref<1536xf32, #tpu.memory_space<vmem_shared>>
      %dma_wait3A_170 = tpu.memref_slice %arg9[%run_scoped3A_120, %mul3A_119] : memref<16x24576xf32, #tpu.memory_space<vmem_shared>> -> memref<1x1536xf32, #tpu.memory_space<vmem_shared>>
      %dma_wait3A_171 = tpu.memref_squeeze %dma_wait3A_170 : memref<1x1536xf32, #tpu.memory_space<vmem_shared>> -> memref<1536xf32, #tpu.memory_space<vmem_shared>>
      tpu.wait_dma2 semaphore(%run_scoped3A_165 : memref<!tpu.dma_semaphore, #tpu.memory_space<semaphore_mem>>) src(%dma_wait3A_171 : memref<1536xf32, #tpu.memory_space<vmem_shared>>) dst(%arg8 : memref<1536xf32, #tpu.memory_space<vmem>>)
      tpu.yield
    }) : () -> ()
    %scan3A_121 = arith.constant 0 : i32
    %scan3A_122 = arith.constant 0 : i32
    %scan3A_123 = arith.constant 96 : i32
    %scan3A_124 = arith.addi %scan3A_122, %scan3A_123 : i32
    %scan3A_125 = arith.constant 1 : i32
    scf.for %scan3A_165 = %scan3A_122 to %scan3A_124 step %scan3A_125  : i32 {
      %mul3A_166 = arith.constant 16 : i32
      %mul3A_167 = arith.muli %scan3A_165, %mul3A_166 : i32
      %get3A = arith.index_cast %mul3A_167 : i32 to index
      %get3A_168 = tpu.vector_load %arg7[%get3A] {strides = array<i32>} : memref<1536xf32, #tpu.memory_space<vmem>>, vector<16xf32>,
      %mul3A_169 = arith.constant 16 : i32
      %mul3A_170 = arith.muli %scan3A_165, %mul3A_169 : i32
      %get3A_171 = arith.index_cast %mul3A_170 : i32 to index
      %get3A_172 = tpu.vector_load %arg8[%get3A_171] {strides = array<i32>} : memref<1536xf32, #tpu.memory_space<vmem>>, vector<16xf32>,
      %add3A_173 = arith.addf %get3A_168, %get3A_172 : vector<16xf32>
      %mul3A_174 = arith.constant 16 : i32
      %mul3A_175 = arith.muli %scan3A_165, %mul3A_174 : i32
      %swap3A = arith.index_cast %mul3A_175 : i32 to index
      %swap3A_176 = tpu.vector_load %arg7[%swap3A] {strides = array<i32>} : memref<1536xf32, #tpu.memory_space<vmem>>, vector<16xf32>,
      tpu.vector_store %arg7[%swap3A], %add3A_173 {strides = array<i32>} : memref<1536xf32, #tpu.memory_space<vmem>>, vector<16xf32>,
    }
    %scan3A_126 = arith.constant 96 : i32
    %mul3A_127 = arith.constant 1536 : i32
    %mul3A_128 = arith.muli %arg1, %mul3A_127 : i32
    %run_scoped3A_129 = arith.constant 12 : i32
    "tpu.region"() ({
      %run_scoped3A_165 = tpu.sem_alloc : memref<!tpu.dma_semaphore, #tpu.memory_space<semaphore_mem>>
      %dma_start3A = tpu.memref_slice %arg9[%run_scoped3A_129, %mul3A_128] : memref<16x24576xf32, #tpu.memory_space<vmem_shared>> -> memref<1x1536xf32, #tpu.memory_space<vmem_shared>>
      %dma_start3A_166 = tpu.memref_squeeze %dma_start3A : memref<1x1536xf32, #tpu.memory_space<vmem_shared>> -> memref<1536xf32, #tpu.memory_space<vmem_shared>>
      %dma_start3A_167 = tpu.memref_slice %arg9[%run_scoped3A_129, %mul3A_128] : memref<16x24576xf32, #tpu.memory_space<vmem_shared>> -> memref<1x1536xf32, #tpu.memory_space<vmem_shared>>
      %dma_start3A_168 = tpu.memref_squeeze %dma_start3A_167 : memref<1x1536xf32, #tpu.memory_space<vmem_shared>> -> memref<1536xf32, #tpu.memory_space<vmem_shared>>
      tpu.enqueue_dma source(%dma_start3A_168 : memref<1536xf32, #tpu.memory_space<vmem_shared>>) target(%arg8 : memref<1536xf32, #tpu.memory_space<vmem>>) target_semaphore(%run_scoped3A_165 : memref<!tpu.dma_semaphore, #tpu.memory_space<semaphore_mem>>)
      %dma_wait3A = tpu.memref_slice %arg9[%run_scoped3A_129, %mul3A_128] : memref<16x24576xf32, #tpu.memory_space<vmem_shared>> -> memref<1x1536xf32, #tpu.memory_space<vmem_shared>>
      %dma_wait3A_169 = tpu.memref_squeeze %dma_wait3A : memref<1x1536xf32, #tpu.memory_space<vmem_shared>> -> memref<1536xf32, #tpu.memory_space<vmem_shared>>
      %dma_wait3A_170 = tpu.memref_slice %arg9[%run_scoped3A_129, %mul3A_128] : memref<16x24576xf32, #tpu.memory_space<vmem_shared>> -> memref<1x1536xf32, #tpu.memory_space<vmem_shared>>
      %dma_wait3A_171 = tpu.memref_squeeze %dma_wait3A_170 : memref<1x1536xf32, #tpu.memory_space<vmem_shared>> -> memref<1536xf32, #tpu.memory_space<vmem_shared>>
      tpu.wait_dma2 semaphore(%run_scoped3A_165 : memref<!tpu.dma_semaphore, #tpu.memory_space<semaphore_mem>>) src(%dma_wait3A_171 : memref<1536xf32, #tpu.memory_space<vmem_shared>>) dst(%arg8 : memref<1536xf32, #tpu.memory_space<vmem>>)
      tpu.yield
    }) : () -> ()
    %scan3A_130 = arith.constant 0 : i32
    %scan3A_131 = arith.constant 0 : i32
    %scan3A_132 = arith.constant 96 : i32
    %scan3A_133 = arith.addi %scan3A_131, %scan3A_132 : i32
    %scan3A_134 = arith.constant 1 : i32
    scf.for %scan3A_165 = %scan3A_131 to %scan3A_133 step %scan3A_134  : i32 {
      %mul3A_166 = arith.constant 16 : i32
      %mul3A_167 = arith.muli %scan3A_165, %mul3A_166 : i32
      %get3A = arith.index_cast %mul3A_167 : i32 to index
      %get3A_168 = tpu.vector_load %arg7[%get3A] {strides = array<i32>} : memref<1536xf32, #tpu.memory_space<vmem>>, vector<16xf32>,
      %mul3A_169 = arith.constant 16 : i32
      %mul3A_170 = arith.muli %scan3A_165, %mul3A_169 : i32
      %get3A_171 = arith.index_cast %mul3A_170 : i32 to index
      %get3A_172 = tpu.vector_load %arg8[%get3A_171] {strides = array<i32>} : memref<1536xf32, #tpu.memory_space<vmem>>, vector<16xf32>,
      %add3A_173 = arith.addf %get3A_168, %get3A_172 : vector<16xf32>
      %mul3A_174 = arith.constant 16 : i32
      %mul3A_175 = arith.muli %scan3A_165, %mul3A_174 : i32
      %swap3A = arith.index_cast %mul3A_175 : i32 to index
      %swap3A_176 = tpu.vector_load %arg7[%swap3A] {strides = array<i32>} : memref<1536xf32, #tpu.memory_space<vmem>>, vector<16xf32>,
      tpu.vector_store %arg7[%swap3A], %add3A_173 {strides = array<i32>} : memref<1536xf32, #tpu.memory_space<vmem>>, vector<16xf32>,
    }
    %scan3A_135 = arith.constant 96 : i32
    %mul3A_136 = arith.constant 1536 : i32
    %mul3A_137 = arith.muli %arg1, %mul3A_136 : i32
    %run_scoped3A_138 = arith.constant 13 : i32
    "tpu.region"() ({
      %run_scoped3A_165 = tpu.sem_alloc : memref<!tpu.dma_semaphore, #tpu.memory_space<semaphore_mem>>
      %dma_start3A = tpu.memref_slice %arg9[%run_scoped3A_138, %mul3A_137] : memref<16x24576xf32, #tpu.memory_space<vmem_shared>> -> memref<1x1536xf32, #tpu.memory_space<vmem_shared>>
      %dma_start3A_166 = tpu.memref_squeeze %dma_start3A : memref<1x1536xf32, #tpu.memory_space<vmem_shared>> -> memref<1536xf32, #tpu.memory_space<vmem_shared>>
      %dma_start3A_167 = tpu.memref_slice %arg9[%run_scoped3A_138, %mul3A_137] : memref<16x24576xf32, #tpu.memory_space<vmem_shared>> -> memref<1x1536xf32, #tpu.memory_space<vmem_shared>>
      %dma_start3A_168 = tpu.memref_squeeze %dma_start3A_167 : memref<1x1536xf32, #tpu.memory_space<vmem_shared>> -> memref<1536xf32, #tpu.memory_space<vmem_shared>>
      tpu.enqueue_dma source(%dma_start3A_168 : memref<1536xf32, #tpu.memory_space<vmem_shared>>) target(%arg8 : memref<1536xf32, #tpu.memory_space<vmem>>) target_semaphore(%run_scoped3A_165 : memref<!tpu.dma_semaphore, #tpu.memory_space<semaphore_mem>>)
      %dma_wait3A = tpu.memref_slice %arg9[%run_scoped3A_138, %mul3A_137] : memref<16x24576xf32, #tpu.memory_space<vmem_shared>> -> memref<1x1536xf32, #tpu.memory_space<vmem_shared>>
      %dma_wait3A_169 = tpu.memref_squeeze %dma_wait3A : memref<1x1536xf32, #tpu.memory_space<vmem_shared>> -> memref<1536xf32, #tpu.memory_space<vmem_shared>>
      %dma_wait3A_170 = tpu.memref_slice %arg9[%run_scoped3A_138, %mul3A_137] : memref<16x24576xf32, #tpu.memory_space<vmem_shared>> -> memref<1x1536xf32, #tpu.memory_space<vmem_shared>>
      %dma_wait3A_171 = tpu.memref_squeeze %dma_wait3A_170 : memref<1x1536xf32, #tpu.memory_space<vmem_shared>> -> memref<1536xf32, #tpu.memory_space<vmem_shared>>
      tpu.wait_dma2 semaphore(%run_scoped3A_165 : memref<!tpu.dma_semaphore, #tpu.memory_space<semaphore_mem>>) src(%dma_wait3A_171 : memref<1536xf32, #tpu.memory_space<vmem_shared>>) dst(%arg8 : memref<1536xf32, #tpu.memory_space<vmem>>)
      tpu.yield
    }) : () -> ()
    %scan3A_139 = arith.constant 0 : i32
    %scan3A_140 = arith.constant 0 : i32
    %scan3A_141 = arith.constant 96 : i32
    %scan3A_142 = arith.addi %scan3A_140, %scan3A_141 : i32
    %scan3A_143 = arith.constant 1 : i32
    scf.for %scan3A_165 = %scan3A_140 to %scan3A_142 step %scan3A_143  : i32 {
      %mul3A_166 = arith.constant 16 : i32
      %mul3A_167 = arith.muli %scan3A_165, %mul3A_166 : i32
      %get3A = arith.index_cast %mul3A_167 : i32 to index
      %get3A_168 = tpu.vector_load %arg7[%get3A] {strides = array<i32>} : memref<1536xf32, #tpu.memory_space<vmem>>, vector<16xf32>,
      %mul3A_169 = arith.constant 16 : i32
      %mul3A_170 = arith.muli %scan3A_165, %mul3A_169 : i32
      %get3A_171 = arith.index_cast %mul3A_170 : i32 to index
      %get3A_172 = tpu.vector_load %arg8[%get3A_171] {strides = array<i32>} : memref<1536xf32, #tpu.memory_space<vmem>>, vector<16xf32>,
      %add3A_173 = arith.addf %get3A_168, %get3A_172 : vector<16xf32>
      %mul3A_174 = arith.constant 16 : i32
      %mul3A_175 = arith.muli %scan3A_165, %mul3A_174 : i32
      %swap3A = arith.index_cast %mul3A_175 : i32 to index
      %swap3A_176 = tpu.vector_load %arg7[%swap3A] {strides = array<i32>} : memref<1536xf32, #tpu.memory_space<vmem>>, vector<16xf32>,
      tpu.vector_store %arg7[%swap3A], %add3A_173 {strides = array<i32>} : memref<1536xf32, #tpu.memory_space<vmem>>, vector<16xf32>,
    }
    %scan3A_144 = arith.constant 96 : i32
    %mul3A_145 = arith.constant 1536 : i32
    %mul3A_146 = arith.muli %arg1, %mul3A_145 : i32
    %run_scoped3A_147 = arith.constant 14 : i32
    "tpu.region"() ({
      %run_scoped3A_165 = tpu.sem_alloc : memref<!tpu.dma_semaphore, #tpu.memory_space<semaphore_mem>>
      %dma_start3A = tpu.memref_slice %arg9[%run_scoped3A_147, %mul3A_146] : memref<16x24576xf32, #tpu.memory_space<vmem_shared>> -> memref<1x1536xf32, #tpu.memory_space<vmem_shared>>
      %dma_start3A_166 = tpu.memref_squeeze %dma_start3A : memref<1x1536xf32, #tpu.memory_space<vmem_shared>> -> memref<1536xf32, #tpu.memory_space<vmem_shared>>
      %dma_start3A_167 = tpu.memref_slice %arg9[%run_scoped3A_147, %mul3A_146] : memref<16x24576xf32, #tpu.memory_space<vmem_shared>> -> memref<1x1536xf32, #tpu.memory_space<vmem_shared>>
      %dma_start3A_168 = tpu.memref_squeeze %dma_start3A_167 : memref<1x1536xf32, #tpu.memory_space<vmem_shared>> -> memref<1536xf32, #tpu.memory_space<vmem_shared>>
      tpu.enqueue_dma source(%dma_start3A_168 : memref<1536xf32, #tpu.memory_space<vmem_shared>>) target(%arg8 : memref<1536xf32, #tpu.memory_space<vmem>>) target_semaphore(%run_scoped3A_165 : memref<!tpu.dma_semaphore, #tpu.memory_space<semaphore_mem>>)
      %dma_wait3A = tpu.memref_slice %arg9[%run_scoped3A_147, %mul3A_146] : memref<16x24576xf32, #tpu.memory_space<vmem_shared>> -> memref<1x1536xf32, #tpu.memory_space<vmem_shared>>
      %dma_wait3A_169 = tpu.memref_squeeze %dma_wait3A : memref<1x1536xf32, #tpu.memory_space<vmem_shared>> -> memref<1536xf32, #tpu.memory_space<vmem_shared>>
      %dma_wait3A_170 = tpu.memref_slice %arg9[%run_scoped3A_147, %mul3A_146] : memref<16x24576xf32, #tpu.memory_space<vmem_shared>> -> memref<1x1536xf32, #tpu.memory_space<vmem_shared>>
      %dma_wait3A_171 = tpu.memref_squeeze %dma_wait3A_170 : memref<1x1536xf32, #tpu.memory_space<vmem_shared>> -> memref<1536xf32, #tpu.memory_space<vmem_shared>>
      tpu.wait_dma2 semaphore(%run_scoped3A_165 : memref<!tpu.dma_semaphore, #tpu.memory_space<semaphore_mem>>) src(%dma_wait3A_171 : memref<1536xf32, #tpu.memory_space<vmem_shared>>) dst(%arg8 : memref<1536xf32, #tpu.memory_space<vmem>>)
      tpu.yield
    }) : () -> ()
    %scan3A_148 = arith.constant 0 : i32
    %scan3A_149 = arith.constant 0 : i32
    %scan3A_150 = arith.constant 96 : i32
    %scan3A_151 = arith.addi %scan3A_149, %scan3A_150 : i32
    %scan3A_152 = arith.constant 1 : i32
    scf.for %scan3A_165 = %scan3A_149 to %scan3A_151 step %scan3A_152  : i32 {
      %mul3A_166 = arith.constant 16 : i32
      %mul3A_167 = arith.muli %scan3A_165, %mul3A_166 : i32
      %get3A = arith.index_cast %mul3A_167 : i32 to index
      %get3A_168 = tpu.vector_load %arg7[%get3A] {strides = array<i32>} : memref<1536xf32, #tpu.memory_space<vmem>>, vector<16xf32>,
      %mul3A_169 = arith.constant 16 : i32
      %mul3A_170 = arith.muli %scan3A_165, %mul3A_169 : i32
      %get3A_171 = arith.index_cast %mul3A_170 : i32 to index
      %get3A_172 = tpu.vector_load %arg8[%get3A_171] {strides = array<i32>} : memref<1536xf32, #tpu.memory_space<vmem>>, vector<16xf32>,
      %add3A_173 = arith.addf %get3A_168, %get3A_172 : vector<16xf32>
      %mul3A_174 = arith.constant 16 : i32
      %mul3A_175 = arith.muli %scan3A_165, %mul3A_174 : i32
      %swap3A = arith.index_cast %mul3A_175 : i32 to index
      %swap3A_176 = tpu.vector_load %arg7[%swap3A] {strides = array<i32>} : memref<1536xf32, #tpu.memory_space<vmem>>, vector<16xf32>,
      tpu.vector_store %arg7[%swap3A], %add3A_173 {strides = array<i32>} : memref<1536xf32, #tpu.memory_space<vmem>>, vector<16xf32>,
    }
    %scan3A_153 = arith.constant 96 : i32
    %mul3A_154 = arith.constant 1536 : i32
    %mul3A_155 = arith.muli %arg1, %mul3A_154 : i32
    %run_scoped3A_156 = arith.constant 15 : i32
    "tpu.region"() ({
      %run_scoped3A_165 = tpu.sem_alloc : memref<!tpu.dma_semaphore, #tpu.memory_space<semaphore_mem>>
      %dma_start3A = tpu.memref_slice %arg9[%run_scoped3A_156, %mul3A_155] : memref<16x24576xf32, #tpu.memory_space<vmem_shared>> -> memref<1x1536xf32, #tpu.memory_space<vmem_shared>>
      %dma_start3A_166 = tpu.memref_squeeze %dma_start3A : memref<1x1536xf32, #tpu.memory_space<vmem_shared>> -> memref<1536xf32, #tpu.memory_space<vmem_shared>>
      %dma_start3A_167 = tpu.memref_slice %arg9[%run_scoped3A_156, %mul3A_155] : memref<16x24576xf32, #tpu.memory_space<vmem_shared>> -> memref<1x1536xf32, #tpu.memory_space<vmem_shared>>
      %dma_start3A_168 = tpu.memref_squeeze %dma_start3A_167 : memref<1x1536xf32, #tpu.memory_space<vmem_shared>> -> memref<1536xf32, #tpu.memory_space<vmem_shared>>
      tpu.enqueue_dma source(%dma_start3A_168 : memref<1536xf32, #tpu.memory_space<vmem_shared>>) target(%arg8 : memref<1536xf32, #tpu.memory_space<vmem>>) target_semaphore(%run_scoped3A_165 : memref<!tpu.dma_semaphore, #tpu.memory_space<semaphore_mem>>)
      %dma_wait3A = tpu.memref_slice %arg9[%run_scoped3A_156, %mul3A_155] : memref<16x24576xf32, #tpu.memory_space<vmem_shared>> -> memref<1x1536xf32, #tpu.memory_space<vmem_shared>>
      %dma_wait3A_169 = tpu.memref_squeeze %dma_wait3A : memref<1x1536xf32, #tpu.memory_space<vmem_shared>> -> memref<1536xf32, #tpu.memory_space<vmem_shared>>
      %dma_wait3A_170 = tpu.memref_slice %arg9[%run_scoped3A_156, %mul3A_155] : memref<16x24576xf32, #tpu.memory_space<vmem_shared>> -> memref<1x1536xf32, #tpu.memory_space<vmem_shared>>
      %dma_wait3A_171 = tpu.memref_squeeze %dma_wait3A_170 : memref<1x1536xf32, #tpu.memory_space<vmem_shared>> -> memref<1536xf32, #tpu.memory_space<vmem_shared>>
      tpu.wait_dma2 semaphore(%run_scoped3A_165 : memref<!tpu.dma_semaphore, #tpu.memory_space<semaphore_mem>>) src(%dma_wait3A_171 : memref<1536xf32, #tpu.memory_space<vmem_shared>>) dst(%arg8 : memref<1536xf32, #tpu.memory_space<vmem>>)
      tpu.yield
    }) : () -> ()
    %scan3A_157 = arith.constant 0 : i32
    %scan3A_158 = arith.constant 0 : i32
    %scan3A_159 = arith.constant 96 : i32
    %scan3A_160 = arith.addi %scan3A_158, %scan3A_159 : i32
    %scan3A_161 = arith.constant 1 : i32
    scf.for %scan3A_165 = %scan3A_158 to %scan3A_160 step %scan3A_161  : i32 {
      %mul3A_166 = arith.constant 16 : i32
      %mul3A_167 = arith.muli %scan3A_165, %mul3A_166 : i32
      %get3A = arith.index_cast %mul3A_167 : i32 to index
      %get3A_168 = tpu.vector_load %arg7[%get3A] {strides = array<i32>} : memref<1536xf32, #tpu.memory_space<vmem>>, vector<16xf32>,
      %mul3A_169 = arith.constant 16 : i32
      %mul3A_170 = arith.muli %scan3A_165, %mul3A_169 : i32
      %get3A_171 = arith.index_cast %mul3A_170 : i32 to index
      %get3A_172 = tpu.vector_load %arg8[%get3A_171] {strides = array<i32>} : memref<1536xf32, #tpu.memory_space<vmem>>, vector<16xf32>,
      %add3A_173 = arith.addf %get3A_168, %get3A_172 : vector<16xf32>
      %mul3A_174 = arith.constant 16 : i32
      %mul3A_175 = arith.muli %scan3A_165, %mul3A_174 : i32
      %swap3A = arith.index_cast %mul3A_175 : i32 to index
      %swap3A_176 = tpu.vector_load %arg7[%swap3A] {strides = array<i32>} : memref<1536xf32, #tpu.memory_space<vmem>>, vector<16xf32>,
      tpu.vector_store %arg7[%swap3A], %add3A_173 {strides = array<i32>} : memref<1536xf32, #tpu.memory_space<vmem>>, vector<16xf32>,
    }
    %scan3A_162 = arith.constant 96 : i32
    %mul3A_163 = arith.constant 1536 : i32
    %mul3A_164 = arith.muli %arg1, %mul3A_163 : i32
    "tpu.region"() ({
      %run_scoped3A_165 = tpu.sem_alloc : memref<!tpu.dma_semaphore, #tpu.memory_space<semaphore_mem>>
      %dma_start3A = tpu.memref_slice %arg4[%arg0, %mul3A_164] : memref<2x24576xf32, #tpu.memory_space<hbm>> -> memref<1x1536xf32, #tpu.memory_space<hbm>>
      %dma_start3A_166 = tpu.memref_squeeze %dma_start3A : memref<1x1536xf32, #tpu.memory_space<hbm>> -> memref<1536xf32, #tpu.memory_space<hbm>>
      %dma_start3A_167 = tpu.memref_slice %arg4[%arg0, %mul3A_164] : memref<2x24576xf32, #tpu.memory_space<hbm>> -> memref<1x1536xf32, #tpu.memory_space<hbm>>
      %dma_start3A_168 = tpu.memref_squeeze %dma_start3A_167 : memref<1x1536xf32, #tpu.memory_space<hbm>> -> memref<1536xf32, #tpu.memory_space<hbm>>
      tpu.enqueue_dma source(%arg7 : memref<1536xf32, #tpu.memory_space<vmem>>) target(%dma_start3A_168 : memref<1536xf32, #tpu.memory_space<hbm>>) target_semaphore(%run_scoped3A_165 : memref<!tpu.dma_semaphore, #tpu.memory_space<semaphore_mem>>)
      %dma_wait3A = tpu.memref_slice %arg4[%arg0, %mul3A_164] : memref<2x24576xf32, #tpu.memory_space<hbm>> -> memref<1x1536xf32, #tpu.memory_space<hbm>>
      %dma_wait3A_169 = tpu.memref_squeeze %dma_wait3A : memref<1x1536xf32, #tpu.memory_space<hbm>> -> memref<1536xf32, #tpu.memory_space<hbm>>
      %dma_wait3A_170 = tpu.memref_slice %arg4[%arg0, %mul3A_164] : memref<2x24576xf32, #tpu.memory_space<hbm>> -> memref<1x1536xf32, #tpu.memory_space<hbm>>
      %dma_wait3A_171 = tpu.memref_squeeze %dma_wait3A_170 : memref<1x1536xf32, #tpu.memory_space<hbm>> -> memref<1536xf32, #tpu.memory_space<hbm>>
      tpu.wait_dma2 semaphore(%run_scoped3A_165 : memref<!tpu.dma_semaphore, #tpu.memory_space<semaphore_mem>>) src(%arg7 : memref<1536xf32, #tpu.memory_space<vmem>>) dst(%dma_wait3A_171 : memref<1536xf32, #tpu.memory_space<hbm>>)
      tpu.yield
    }) : () -> ()
    return
  }
}

#map = affine_map<(d0, d1) -> (0)>
#map1 = affine_map<(d0, d1) -> (0, 0)>
#map2 = affine_map<(d0, d1) -> (0, 0, 0)>
module attributes {stable_mosaic.version = 14 : i64} {
  func.func @_sc_agg1(%arg0: i32, %arg1: i32, %arg2: memref<640000xi32, #tpu.memory_space<hbm>>, %arg3: memref<20096x128xf32, #tpu.memory_space<hbm>>, %arg4: memref<2x4096x128xf32, #tpu.memory_space<hbm>>, %arg5: memref<10000xi32, #tpu.memory_space<vmem>>, %arg6: memref<10000xi32, #tpu.memory_space<vmem>>, %arg7: memref<164x64xi32, #tpu.memory_space<vmem>>, %arg8: memref<164x64xi32, #tpu.memory_space<vmem>>, %arg9: memref<64x128xf32, #tpu.memory_space<vmem>>, %arg10: memref<64x128xf32, #tpu.memory_space<vmem>>, %arg11: memref<64x128xf32, #tpu.memory_space<vmem>>, %arg12: memref<64x128xf32, #tpu.memory_space<vmem>>, %arg13: memref<!tpu.dma_semaphore, #tpu.memory_space<semaphore_mem>>, %arg14: memref<!tpu.dma_semaphore, #tpu.memory_space<semaphore_mem>>, %arg15: memref<!tpu.dma_semaphore, #tpu.memory_space<semaphore_mem>>, %arg16: memref<!tpu.dma_semaphore, #tpu.memory_space<semaphore_mem>>, %arg17: memref<4096x128xf32, #tpu.memory_space<vmem_shared>>) attributes {dimension_semantics = [#tpu.dimension_semantics<core_parallel>, #tpu.dimension_semantics<subcore_parallel>], iteration_bounds = array<i64: 2, 16>, scalar_prefetch = 0 : i64, scratch_operands = 13 : i64, tpu.core_type = #tpu.core_type<sc_vector_subcore>, window_params = [{transform_indices = #map}, {transform_indices = #map1}, {transform_indices = #map2}]} {
    %iota3A = tpu.iota {dimensions = array<i32: 0>} : vector<16xi32>
    %mul3A = arith.constant 16 : i32
    %mul3A_0 = arith.muli %arg0, %mul3A : i32
    %add3A = arith.addi %mul3A_0, %arg1 : i32
    %mul3A_1 = arith.constant 10000 : i32
    %mul3A_2 = arith.muli %add3A, %mul3A_1 : i32
    %scan3A = arith.constant 0 : i32
    %scan3A_3 = arith.constant 0 : i32
    %scan3A_4 = arith.constant 64 : i32
    %scan3A_5 = arith.addi %scan3A_3, %scan3A_4 : i32
    %scan3A_6 = arith.constant 1 : i32
    scf.for %scan3A_73 = %scan3A_3 to %scan3A_5 step %scan3A_6  : i32 {
      %broadcast_in_dim3A = arith.constant 0.000000e+00 : f32
      %broadcast_in_dim3A_74 = vector.broadcast %broadcast_in_dim3A : f32 to vector<16xf32>
      %swap3A = arith.index_cast %scan3A_73 : i32 to index
      %swap3A_75 = arith.constant 0 : index
      %swap3A_76 = tpu.vector_load %arg9[%swap3A, %swap3A_75] {strides = array<i32>} : memref<64x128xf32, #tpu.memory_space<vmem>>, vector<16xf32>,
      tpu.vector_store %arg9[%swap3A, %swap3A_75], %broadcast_in_dim3A_74 {strides = array<i32>} : memref<64x128xf32, #tpu.memory_space<vmem>>, vector<16xf32>,
      %broadcast_in_dim3A_77 = arith.constant 0.000000e+00 : f32
      %broadcast_in_dim3A_78 = vector.broadcast %broadcast_in_dim3A_77 : f32 to vector<16xf32>
      %swap3A_79 = arith.index_cast %scan3A_73 : i32 to index
      %swap3A_80 = arith.constant 16 : index
      %swap3A_81 = tpu.vector_load %arg9[%swap3A_79, %swap3A_80] {strides = array<i32>} : memref<64x128xf32, #tpu.memory_space<vmem>>, vector<16xf32>,
      tpu.vector_store %arg9[%swap3A_79, %swap3A_80], %broadcast_in_dim3A_78 {strides = array<i32>} : memref<64x128xf32, #tpu.memory_space<vmem>>, vector<16xf32>,
      %broadcast_in_dim3A_82 = arith.constant 0.000000e+00 : f32
      %broadcast_in_dim3A_83 = vector.broadcast %broadcast_in_dim3A_82 : f32 to vector<16xf32>
      %swap3A_84 = arith.index_cast %scan3A_73 : i32 to index
      %swap3A_85 = arith.constant 32 : index
      %swap3A_86 = tpu.vector_load %arg9[%swap3A_84, %swap3A_85] {strides = array<i32>} : memref<64x128xf32, #tpu.memory_space<vmem>>, vector<16xf32>,
      tpu.vector_store %arg9[%swap3A_84, %swap3A_85], %broadcast_in_dim3A_83 {strides = array<i32>} : memref<64x128xf32, #tpu.memory_space<vmem>>, vector<16xf32>,
      %broadcast_in_dim3A_87 = arith.constant 0.000000e+00 : f32
      %broadcast_in_dim3A_88 = vector.broadcast %broadcast_in_dim3A_87 : f32 to vector<16xf32>
      %swap3A_89 = arith.index_cast %scan3A_73 : i32 to index
      %swap3A_90 = arith.constant 48 : index
      %swap3A_91 = tpu.vector_load %arg9[%swap3A_89, %swap3A_90] {strides = array<i32>} : memref<64x128xf32, #tpu.memory_space<vmem>>, vector<16xf32>,
      tpu.vector_store %arg9[%swap3A_89, %swap3A_90], %broadcast_in_dim3A_88 {strides = array<i32>} : memref<64x128xf32, #tpu.memory_space<vmem>>, vector<16xf32>,
      %broadcast_in_dim3A_92 = arith.constant 0.000000e+00 : f32
      %broadcast_in_dim3A_93 = vector.broadcast %broadcast_in_dim3A_92 : f32 to vector<16xf32>
      %swap3A_94 = arith.index_cast %scan3A_73 : i32 to index
      %swap3A_95 = arith.constant 64 : index
      %swap3A_96 = tpu.vector_load %arg9[%swap3A_94, %swap3A_95] {strides = array<i32>} : memref<64x128xf32, #tpu.memory_space<vmem>>, vector<16xf32>,
      tpu.vector_store %arg9[%swap3A_94, %swap3A_95], %broadcast_in_dim3A_93 {strides = array<i32>} : memref<64x128xf32, #tpu.memory_space<vmem>>, vector<16xf32>,
      %broadcast_in_dim3A_97 = arith.constant 0.000000e+00 : f32
      %broadcast_in_dim3A_98 = vector.broadcast %broadcast_in_dim3A_97 : f32 to vector<16xf32>
      %swap3A_99 = arith.index_cast %scan3A_73 : i32 to index
      %swap3A_100 = arith.constant 80 : index
      %swap3A_101 = tpu.vector_load %arg9[%swap3A_99, %swap3A_100] {strides = array<i32>} : memref<64x128xf32, #tpu.memory_space<vmem>>, vector<16xf32>,
      tpu.vector_store %arg9[%swap3A_99, %swap3A_100], %broadcast_in_dim3A_98 {strides = array<i32>} : memref<64x128xf32, #tpu.memory_space<vmem>>, vector<16xf32>,
      %broadcast_in_dim3A_102 = arith.constant 0.000000e+00 : f32
      %broadcast_in_dim3A_103 = vector.broadcast %broadcast_in_dim3A_102 : f32 to vector<16xf32>
      %swap3A_104 = arith.index_cast %scan3A_73 : i32 to index
      %swap3A_105 = arith.constant 96 : index
      %swap3A_106 = tpu.vector_load %arg9[%swap3A_104, %swap3A_105] {strides = array<i32>} : memref<64x128xf32, #tpu.memory_space<vmem>>, vector<16xf32>,
      tpu.vector_store %arg9[%swap3A_104, %swap3A_105], %broadcast_in_dim3A_103 {strides = array<i32>} : memref<64x128xf32, #tpu.memory_space<vmem>>, vector<16xf32>,
      %broadcast_in_dim3A_107 = arith.constant 0.000000e+00 : f32
      %broadcast_in_dim3A_108 = vector.broadcast %broadcast_in_dim3A_107 : f32 to vector<16xf32>
      %swap3A_109 = arith.index_cast %scan3A_73 : i32 to index
      %swap3A_110 = arith.constant 112 : index
      %swap3A_111 = tpu.vector_load %arg9[%swap3A_109, %swap3A_110] {strides = array<i32>} : memref<64x128xf32, #tpu.memory_space<vmem>>, vector<16xf32>,
      tpu.vector_store %arg9[%swap3A_109, %swap3A_110], %broadcast_in_dim3A_108 {strides = array<i32>} : memref<64x128xf32, #tpu.memory_space<vmem>>, vector<16xf32>,
    }
    %scan3A_7 = arith.constant 64 : i32
    %mul3A_8 = arith.constant 256 : i32
    %mul3A_9 = arith.muli %arg1, %mul3A_8 : i32
    %add3A_10 = arith.constant 0 : i32
    %add3A_11 = arith.addi %mul3A_9, %add3A_10 : i32
    "tpu.region"() ({
      %run_scoped3A = tpu.sem_alloc : memref<!tpu.dma_semaphore, #tpu.memory_space<semaphore_mem>>
      %dma_start3A = arith.constant 0 : i32
      %dma_start3A_73 = tpu.memref_slice %arg17[%add3A_11, %dma_start3A] : memref<4096x128xf32, #tpu.memory_space<vmem_shared>> -> memref<64x128xf32, #tpu.memory_space<vmem_shared>>
      %dma_start3A_74 = arith.constant 0 : i32
      %dma_start3A_75 = tpu.memref_slice %arg17[%add3A_11, %dma_start3A_74] : memref<4096x128xf32, #tpu.memory_space<vmem_shared>> -> memref<64x128xf32, #tpu.memory_space<vmem_shared>>
      tpu.enqueue_dma source(%arg9 : memref<64x128xf32, #tpu.memory_space<vmem>>) target(%dma_start3A_75 : memref<64x128xf32, #tpu.memory_space<vmem_shared>>) target_semaphore(%run_scoped3A : memref<!tpu.dma_semaphore, #tpu.memory_space<semaphore_mem>>)
      %dma_wait3A = arith.constant 0 : i32
      %dma_wait3A_76 = tpu.memref_slice %arg17[%add3A_11, %dma_wait3A] : memref<4096x128xf32, #tpu.memory_space<vmem_shared>> -> memref<64x128xf32, #tpu.memory_space<vmem_shared>>
      %dma_wait3A_77 = arith.constant 0 : i32
      %dma_wait3A_78 = tpu.memref_slice %arg17[%add3A_11, %dma_wait3A_77] : memref<4096x128xf32, #tpu.memory_space<vmem_shared>> -> memref<64x128xf32, #tpu.memory_space<vmem_shared>>
      tpu.wait_dma2 semaphore(%run_scoped3A : memref<!tpu.dma_semaphore, #tpu.memory_space<semaphore_mem>>) src(%arg9 : memref<64x128xf32, #tpu.memory_space<vmem>>) dst(%dma_wait3A_78 : memref<64x128xf32, #tpu.memory_space<vmem_shared>>)
      tpu.yield
    }) : () -> ()
    %mul3A_12 = arith.constant 256 : i32
    %mul3A_13 = arith.muli %arg1, %mul3A_12 : i32
    %add3A_14 = arith.constant 64 : i32
    %add3A_15 = arith.addi %mul3A_13, %add3A_14 : i32
    "tpu.region"() ({
      %run_scoped3A = tpu.sem_alloc : memref<!tpu.dma_semaphore, #tpu.memory_space<semaphore_mem>>
      %dma_start3A = arith.constant 0 : i32
      %dma_start3A_73 = tpu.memref_slice %arg17[%add3A_15, %dma_start3A] : memref<4096x128xf32, #tpu.memory_space<vmem_shared>> -> memref<64x128xf32, #tpu.memory_space<vmem_shared>>
      %dma_start3A_74 = arith.constant 0 : i32
      %dma_start3A_75 = tpu.memref_slice %arg17[%add3A_15, %dma_start3A_74] : memref<4096x128xf32, #tpu.memory_space<vmem_shared>> -> memref<64x128xf32, #tpu.memory_space<vmem_shared>>
      tpu.enqueue_dma source(%arg9 : memref<64x128xf32, #tpu.memory_space<vmem>>) target(%dma_start3A_75 : memref<64x128xf32, #tpu.memory_space<vmem_shared>>) target_semaphore(%run_scoped3A : memref<!tpu.dma_semaphore, #tpu.memory_space<semaphore_mem>>)
      %dma_wait3A = arith.constant 0 : i32
      %dma_wait3A_76 = tpu.memref_slice %arg17[%add3A_15, %dma_wait3A] : memref<4096x128xf32, #tpu.memory_space<vmem_shared>> -> memref<64x128xf32, #tpu.memory_space<vmem_shared>>
      %dma_wait3A_77 = arith.constant 0 : i32
      %dma_wait3A_78 = tpu.memref_slice %arg17[%add3A_15, %dma_wait3A_77] : memref<4096x128xf32, #tpu.memory_space<vmem_shared>> -> memref<64x128xf32, #tpu.memory_space<vmem_shared>>
      tpu.wait_dma2 semaphore(%run_scoped3A : memref<!tpu.dma_semaphore, #tpu.memory_space<semaphore_mem>>) src(%arg9 : memref<64x128xf32, #tpu.memory_space<vmem>>) dst(%dma_wait3A_78 : memref<64x128xf32, #tpu.memory_space<vmem_shared>>)
      tpu.yield
    }) : () -> ()
    %mul3A_16 = arith.constant 256 : i32
    %mul3A_17 = arith.muli %arg1, %mul3A_16 : i32
    %add3A_18 = arith.constant 128 : i32
    %add3A_19 = arith.addi %mul3A_17, %add3A_18 : i32
    "tpu.region"() ({
      %run_scoped3A = tpu.sem_alloc : memref<!tpu.dma_semaphore, #tpu.memory_space<semaphore_mem>>
      %dma_start3A = arith.constant 0 : i32
      %dma_start3A_73 = tpu.memref_slice %arg17[%add3A_19, %dma_start3A] : memref<4096x128xf32, #tpu.memory_space<vmem_shared>> -> memref<64x128xf32, #tpu.memory_space<vmem_shared>>
      %dma_start3A_74 = arith.constant 0 : i32
      %dma_start3A_75 = tpu.memref_slice %arg17[%add3A_19, %dma_start3A_74] : memref<4096x128xf32, #tpu.memory_space<vmem_shared>> -> memref<64x128xf32, #tpu.memory_space<vmem_shared>>
      tpu.enqueue_dma source(%arg9 : memref<64x128xf32, #tpu.memory_space<vmem>>) target(%dma_start3A_75 : memref<64x128xf32, #tpu.memory_space<vmem_shared>>) target_semaphore(%run_scoped3A : memref<!tpu.dma_semaphore, #tpu.memory_space<semaphore_mem>>)
      %dma_wait3A = arith.constant 0 : i32
      %dma_wait3A_76 = tpu.memref_slice %arg17[%add3A_19, %dma_wait3A] : memref<4096x128xf32, #tpu.memory_space<vmem_shared>> -> memref<64x128xf32, #tpu.memory_space<vmem_shared>>
      %dma_wait3A_77 = arith.constant 0 : i32
      %dma_wait3A_78 = tpu.memref_slice %arg17[%add3A_19, %dma_wait3A_77] : memref<4096x128xf32, #tpu.memory_space<vmem_shared>> -> memref<64x128xf32, #tpu.memory_space<vmem_shared>>
      tpu.wait_dma2 semaphore(%run_scoped3A : memref<!tpu.dma_semaphore, #tpu.memory_space<semaphore_mem>>) src(%arg9 : memref<64x128xf32, #tpu.memory_space<vmem>>) dst(%dma_wait3A_78 : memref<64x128xf32, #tpu.memory_space<vmem_shared>>)
      tpu.yield
    }) : () -> ()
    %mul3A_20 = arith.constant 256 : i32
    %mul3A_21 = arith.muli %arg1, %mul3A_20 : i32
    %add3A_22 = arith.constant 192 : i32
    %add3A_23 = arith.addi %mul3A_21, %add3A_22 : i32
    "tpu.region"() ({
      %run_scoped3A = tpu.sem_alloc : memref<!tpu.dma_semaphore, #tpu.memory_space<semaphore_mem>>
      %dma_start3A = arith.constant 0 : i32
      %dma_start3A_73 = tpu.memref_slice %arg17[%add3A_23, %dma_start3A] : memref<4096x128xf32, #tpu.memory_space<vmem_shared>> -> memref<64x128xf32, #tpu.memory_space<vmem_shared>>
      %dma_start3A_74 = arith.constant 0 : i32
      %dma_start3A_75 = tpu.memref_slice %arg17[%add3A_23, %dma_start3A_74] : memref<4096x128xf32, #tpu.memory_space<vmem_shared>> -> memref<64x128xf32, #tpu.memory_space<vmem_shared>>
      tpu.enqueue_dma source(%arg9 : memref<64x128xf32, #tpu.memory_space<vmem>>) target(%dma_start3A_75 : memref<64x128xf32, #tpu.memory_space<vmem_shared>>) target_semaphore(%run_scoped3A : memref<!tpu.dma_semaphore, #tpu.memory_space<semaphore_mem>>)
      %dma_wait3A = arith.constant 0 : i32
      %dma_wait3A_76 = tpu.memref_slice %arg17[%add3A_23, %dma_wait3A] : memref<4096x128xf32, #tpu.memory_space<vmem_shared>> -> memref<64x128xf32, #tpu.memory_space<vmem_shared>>
      %dma_wait3A_77 = arith.constant 0 : i32
      %dma_wait3A_78 = tpu.memref_slice %arg17[%add3A_23, %dma_wait3A_77] : memref<4096x128xf32, #tpu.memory_space<vmem_shared>> -> memref<64x128xf32, #tpu.memory_space<vmem_shared>>
      tpu.wait_dma2 semaphore(%run_scoped3A : memref<!tpu.dma_semaphore, #tpu.memory_space<semaphore_mem>>) src(%arg9 : memref<64x128xf32, #tpu.memory_space<vmem>>) dst(%dma_wait3A_78 : memref<64x128xf32, #tpu.memory_space<vmem_shared>>)
      tpu.yield
    }) : () -> ()
    "tpu.region"() ({
      %run_scoped3A = tpu.sem_alloc : memref<!tpu.dma_semaphore, #tpu.memory_space<semaphore_mem>>
      %dma_start3A = tpu.memref_slice %arg2[%mul3A_2] : memref<640000xi32, #tpu.memory_space<hbm>> -> memref<10000xi32, #tpu.memory_space<hbm>>
      %dma_start3A_73 = tpu.memref_slice %arg2[%mul3A_2] : memref<640000xi32, #tpu.memory_space<hbm>> -> memref<10000xi32, #tpu.memory_space<hbm>>
      tpu.enqueue_dma source(%dma_start3A_73 : memref<10000xi32, #tpu.memory_space<hbm>>) target(%arg5 : memref<10000xi32, #tpu.memory_space<vmem>>) target_semaphore(%run_scoped3A : memref<!tpu.dma_semaphore, #tpu.memory_space<semaphore_mem>>)
      %dma_wait3A = tpu.memref_slice %arg2[%mul3A_2] : memref<640000xi32, #tpu.memory_space<hbm>> -> memref<10000xi32, #tpu.memory_space<hbm>>
      %dma_wait3A_74 = tpu.memref_slice %arg2[%mul3A_2] : memref<640000xi32, #tpu.memory_space<hbm>> -> memref<10000xi32, #tpu.memory_space<hbm>>
      tpu.wait_dma2 semaphore(%run_scoped3A : memref<!tpu.dma_semaphore, #tpu.memory_space<semaphore_mem>>) src(%dma_wait3A_74 : memref<10000xi32, #tpu.memory_space<hbm>>) dst(%arg5 : memref<10000xi32, #tpu.memory_space<vmem>>)
      tpu.yield
    }) : () -> ()
    %add3A_24 = arith.constant 320000 : i32
    %add3A_25 = arith.addi %add3A_24, %mul3A_2 : i32
    "tpu.region"() ({
      %run_scoped3A = tpu.sem_alloc : memref<!tpu.dma_semaphore, #tpu.memory_space<semaphore_mem>>
      %dma_start3A = tpu.memref_slice %arg2[%add3A_25] : memref<640000xi32, #tpu.memory_space<hbm>> -> memref<10000xi32, #tpu.memory_space<hbm>>
      %dma_start3A_73 = tpu.memref_slice %arg2[%add3A_25] : memref<640000xi32, #tpu.memory_space<hbm>> -> memref<10000xi32, #tpu.memory_space<hbm>>
      tpu.enqueue_dma source(%dma_start3A_73 : memref<10000xi32, #tpu.memory_space<hbm>>) target(%arg6 : memref<10000xi32, #tpu.memory_space<vmem>>) target_semaphore(%run_scoped3A : memref<!tpu.dma_semaphore, #tpu.memory_space<semaphore_mem>>)
      %dma_wait3A = tpu.memref_slice %arg2[%add3A_25] : memref<640000xi32, #tpu.memory_space<hbm>> -> memref<10000xi32, #tpu.memory_space<hbm>>
      %dma_wait3A_74 = tpu.memref_slice %arg2[%add3A_25] : memref<640000xi32, #tpu.memory_space<hbm>> -> memref<10000xi32, #tpu.memory_space<hbm>>
      tpu.wait_dma2 semaphore(%run_scoped3A : memref<!tpu.dma_semaphore, #tpu.memory_space<semaphore_mem>>) src(%dma_wait3A_74 : memref<10000xi32, #tpu.memory_space<hbm>>) dst(%arg6 : memref<10000xi32, #tpu.memory_space<vmem>>)
      tpu.yield
    }) : () -> ()
    %scan3A_26 = arith.constant 0 : i32
    %scan3A_27 = arith.constant 0 : i32
    %scan3A_28 = arith.constant 625 : i32
    %scan3A_29 = arith.addi %scan3A_27, %scan3A_28 : i32
    %scan3A_30 = arith.constant 1 : i32
    %scan3A_31 = scf.for %scan3A_73 = %scan3A_27 to %scan3A_29 step %scan3A_30 iter_args(%scan3A_74 = %scan3A_26) -> (i32)  : i32 {
      %mul3A_75 = arith.constant 16 : i32
      %mul3A_76 = arith.muli %scan3A_73, %mul3A_75 : i32
      %get3A = arith.index_cast %mul3A_76 : i32 to index
      %get3A_77 = tpu.vector_load %arg5[%get3A] {strides = array<i32>} : memref<10000xi32, #tpu.memory_space<vmem>>, vector<16xi32>,
      %mul3A_78 = arith.constant 16 : i32
      %mul3A_79 = arith.muli %scan3A_73, %mul3A_78 : i32
      %get3A_80 = arith.index_cast %mul3A_79 : i32 to index
      %get3A_81 = tpu.vector_load %arg6[%get3A_80] {strides = array<i32>} : memref<10000xi32, #tpu.memory_space<vmem>>, vector<16xi32>,
      %lt3A = arith.constant 4000 : i32
      %lt3A_82 = vector.broadcast %lt3A : i32 to vector<16xi32>
      %lt3A_83 = arith.cmpi slt, %get3A_81, %lt3A_82 : vector<16xi32>
      %convert_element_type3A_84 = arith.extui %lt3A_83 : vector<16xi1> to vector<16xi32>
      %broadcast_in_dim3A = arith.constant true
      %broadcast_in_dim3A_85 = vector.broadcast %broadcast_in_dim3A : i1 to vector<16xi1>
      %masked_cumsum3A = tpu.scan <sum>, %convert_element_type3A_84 masked %broadcast_in_dim3A_85 : vector<16xi32>, vector<16xi1> -> vector<16xi32>
      %add3A_86 = vector.broadcast %scan3A_74 : i32 to vector<16xi32>
      %add3A_87 = arith.addi %add3A_86, %masked_cumsum3A : vector<16xi32>
      %sub3A = arith.constant 1 : i32
      %sub3A_88 = vector.broadcast %sub3A : i32 to vector<16xi32>
      %sub3A_89 = arith.subi %add3A_87, %sub3A_88 : vector<16xi32>
      %shift_right_logical3A_90 = arith.constant 6 : i32
      %shift_right_logical3A_91 = vector.broadcast %shift_right_logical3A_90 : i32 to vector<16xi32>
      %shift_right_logical3A_92 = arith.shrui %sub3A_89, %shift_right_logical3A_91 : vector<16xi32>
      %and3A = arith.constant 63 : i32
      %and3A_93 = vector.broadcast %and3A : i32 to vector<16xi32>
      %and3A_94 = arith.andi %sub3A_89, %and3A_93 : vector<16xi32>
      tpu.vector_store_idx %arg7[%shift_right_logical3A_92, %and3A_94], %get3A_77 masked %lt3A_83 : memref<164x64xi32, #tpu.memory_space<vmem>>[vector<16xi32>, vector<16xi32>], vector<16xi32>, vector<16xi1>
      tpu.vector_store_idx %arg8[%shift_right_logical3A_92, %and3A_94], %get3A_81 masked %lt3A_83 : memref<164x64xi32, #tpu.memory_space<vmem>>[vector<16xi32>, vector<16xi32>], vector<16xi32>, vector<16xi1>
      %reduce_sum3A = arith.constant true
      %reduce_sum3A_95 = vector.broadcast %reduce_sum3A : i1 to vector<16xi1>
      %reduce_sum3A_96 = tpu.scan <sum>, %convert_element_type3A_84 masked %reduce_sum3A_95 : vector<16xi32>, vector<16xi1> -> vector<16xi32>
      %reduce_sum3A_97 = vector.extract %reduce_sum3A_96[15] : i32 from vector<16xi32>
      %add3A_98 = arith.addi %scan3A_74, %reduce_sum3A_97 : i32
      scf.yield %add3A_98 : i32
    }
    %scan3A_32 = arith.constant 625 : i32
    %scan3A_33 = arith.constant 0 : i32
    %scan3A_34 = arith.constant 0 : i32
    %scan3A_35 = arith.constant 16 : i32
    %scan3A_36 = arith.addi %scan3A_34, %scan3A_35 : i32
    %scan3A_37 = arith.constant 1 : i32
    scf.for %scan3A_73 = %scan3A_34 to %scan3A_36 step %scan3A_37  : i32 {
      %mul3A_74 = arith.constant 16 : i32
      %mul3A_75 = arith.muli %scan3A_73, %mul3A_74 : i32
      %add3A_76 = arith.addi %scan3A_31, %mul3A_75 : i32
      %add3A_77 = vector.broadcast %add3A_76 : i32 to vector<16xi32>
      %add3A_78 = arith.addi %add3A_77, %iota3A : vector<16xi32>
      %shift_right_logical3A_79 = arith.constant 6 : i32
      %shift_right_logical3A_80 = vector.broadcast %shift_right_logical3A_79 : i32 to vector<16xi32>
      %shift_right_logical3A_81 = arith.shrui %add3A_78, %shift_right_logical3A_80 : vector<16xi32>
      %and3A = arith.constant 63 : i32
      %and3A_82 = vector.broadcast %and3A : i32 to vector<16xi32>
      %and3A_83 = arith.andi %add3A_78, %and3A_82 : vector<16xi32>
      %broadcast_in_dim3A = arith.constant 0 : i32
      %broadcast_in_dim3A_84 = vector.broadcast %broadcast_in_dim3A : i32 to vector<16xi32>
      tpu.vector_store_idx %arg7[%shift_right_logical3A_81, %and3A_83], %broadcast_in_dim3A_84 : memref<164x64xi32, #tpu.memory_space<vmem>>[vector<16xi32>, vector<16xi32>], vector<16xi32>,
      %broadcast_in_dim3A_85 = arith.constant 4000 : i32
      %broadcast_in_dim3A_86 = vector.broadcast %broadcast_in_dim3A_85 : i32 to vector<16xi32>
      tpu.vector_store_idx %arg8[%shift_right_logical3A_81, %and3A_83], %broadcast_in_dim3A_86 : memref<164x64xi32, #tpu.memory_space<vmem>>[vector<16xi32>, vector<16xi32>], vector<16xi32>,
    }
    %scan3A_38 = arith.constant 16 : i32
    %add3A_39 = arith.constant 63 : i32
    %add3A_40 = arith.addi %scan3A_31, %add3A_39 : i32
    %shift_right_logical3A = arith.constant 6 : i32
    %shift_right_logical3A_41 = arith.shrui %add3A_40, %shift_right_logical3A : i32
    %barrier3A = arith.constant 0 : index
    tpu.barrier barrier_id(%barrier3A)
    %gt3A = arith.constant 0 : i32
    %gt3A_42 = arith.cmpi sgt, %shift_right_logical3A_41, %gt3A : i32
    %convert_element_type3A = arith.extui %gt3A_42 : i1 to i32
    %cond3A = arith.constant 0 : i32
    %cond3A_43 = arith.cmpi ne, %convert_element_type3A, %cond3A : i32
    scf.if %cond3A_43 {
      %dma_start3A = arith.constant 0 : i32
      %dma_start3A_73 = arith.constant 0 : i32
      %dma_start3A_74 = tpu.memref_slice %arg7[%dma_start3A, %dma_start3A_73] : memref<164x64xi32, #tpu.memory_space<vmem>> -> memref<1x64xi32, #tpu.memory_space<vmem>>
      %dma_start3A_75 = tpu.memref_squeeze %dma_start3A_74 : memref<1x64xi32, #tpu.memory_space<vmem>> -> memref<64xi32, #tpu.memory_space<vmem>>
      %dma_start3A_76 = arith.constant 0 : i32
      %dma_start3A_77 = arith.constant 0 : i32
      %dma_start3A_78 = tpu.memref_slice %arg3[%dma_start3A_76, %dma_start3A_77] : memref<20096x128xf32, #tpu.memory_space<hbm>> -> memref<20096x128xf32, #tpu.memory_space<hbm>>
      tpu.enqueue_indirect_dma source(%dma_start3A_78 : memref<20096x128xf32, #tpu.memory_space<hbm>>) target(%arg9 : memref<64x128xf32, #tpu.memory_space<vmem>>) offsets(%dma_start3A_75 : memref<64xi32, #tpu.memory_space<vmem>>) semaphore(%arg13 : memref<!tpu.dma_semaphore, #tpu.memory_space<semaphore_mem>>)
    } else {
    }
    %gt3A_44 = arith.constant 1 : i32
    %gt3A_45 = arith.cmpi sgt, %shift_right_logical3A_41, %gt3A_44 : i32
    %convert_element_type3A_46 = arith.extui %gt3A_45 : i1 to i32
    %cond3A_47 = arith.constant 0 : i32
    %cond3A_48 = arith.cmpi ne, %convert_element_type3A_46, %cond3A_47 : i32
    scf.if %cond3A_48 {
      %dma_start3A = arith.constant 1 : i32
      %dma_start3A_73 = arith.constant 0 : i32
      %dma_start3A_74 = tpu.memref_slice %arg7[%dma_start3A, %dma_start3A_73] : memref<164x64xi32, #tpu.memory_space<vmem>> -> memref<1x64xi32, #tpu.memory_space<vmem>>
      %dma_start3A_75 = tpu.memref_squeeze %dma_start3A_74 : memref<1x64xi32, #tpu.memory_space<vmem>> -> memref<64xi32, #tpu.memory_space<vmem>>
      %dma_start3A_76 = arith.constant 0 : i32
      %dma_start3A_77 = arith.constant 0 : i32
      %dma_start3A_78 = tpu.memref_slice %arg3[%dma_start3A_76, %dma_start3A_77] : memref<20096x128xf32, #tpu.memory_space<hbm>> -> memref<20096x128xf32, #tpu.memory_space<hbm>>
      tpu.enqueue_indirect_dma source(%dma_start3A_78 : memref<20096x128xf32, #tpu.memory_space<hbm>>) target(%arg10 : memref<64x128xf32, #tpu.memory_space<vmem>>) offsets(%dma_start3A_75 : memref<64xi32, #tpu.memory_space<vmem>>) semaphore(%arg14 : memref<!tpu.dma_semaphore, #tpu.memory_space<semaphore_mem>>)
    } else {
    }
    %gt3A_49 = arith.constant 2 : i32
    %gt3A_50 = arith.cmpi sgt, %shift_right_logical3A_41, %gt3A_49 : i32
    %convert_element_type3A_51 = arith.extui %gt3A_50 : i1 to i32
    %cond3A_52 = arith.constant 0 : i32
    %cond3A_53 = arith.cmpi ne, %convert_element_type3A_51, %cond3A_52 : i32
    scf.if %cond3A_53 {
      %dma_start3A = arith.constant 2 : i32
      %dma_start3A_73 = arith.constant 0 : i32
      %dma_start3A_74 = tpu.memref_slice %arg7[%dma_start3A, %dma_start3A_73] : memref<164x64xi32, #tpu.memory_space<vmem>> -> memref<1x64xi32, #tpu.memory_space<vmem>>
      %dma_start3A_75 = tpu.memref_squeeze %dma_start3A_74 : memref<1x64xi32, #tpu.memory_space<vmem>> -> memref<64xi32, #tpu.memory_space<vmem>>
      %dma_start3A_76 = arith.constant 0 : i32
      %dma_start3A_77 = arith.constant 0 : i32
      %dma_start3A_78 = tpu.memref_slice %arg3[%dma_start3A_76, %dma_start3A_77] : memref<20096x128xf32, #tpu.memory_space<hbm>> -> memref<20096x128xf32, #tpu.memory_space<hbm>>
      tpu.enqueue_indirect_dma source(%dma_start3A_78 : memref<20096x128xf32, #tpu.memory_space<hbm>>) target(%arg11 : memref<64x128xf32, #tpu.memory_space<vmem>>) offsets(%dma_start3A_75 : memref<64xi32, #tpu.memory_space<vmem>>) semaphore(%arg15 : memref<!tpu.dma_semaphore, #tpu.memory_space<semaphore_mem>>)
    } else {
    }
    %gt3A_54 = arith.constant 3 : i32
    %gt3A_55 = arith.cmpi sgt, %shift_right_logical3A_41, %gt3A_54 : i32
    %convert_element_type3A_56 = arith.extui %gt3A_55 : i1 to i32
    %cond3A_57 = arith.constant 0 : i32
    %cond3A_58 = arith.cmpi ne, %convert_element_type3A_56, %cond3A_57 : i32
    scf.if %cond3A_58 {
      %dma_start3A = arith.constant 3 : i32
      %dma_start3A_73 = arith.constant 0 : i32
      %dma_start3A_74 = tpu.memref_slice %arg7[%dma_start3A, %dma_start3A_73] : memref<164x64xi32, #tpu.memory_space<vmem>> -> memref<1x64xi32, #tpu.memory_space<vmem>>
      %dma_start3A_75 = tpu.memref_squeeze %dma_start3A_74 : memref<1x64xi32, #tpu.memory_space<vmem>> -> memref<64xi32, #tpu.memory_space<vmem>>
      %dma_start3A_76 = arith.constant 0 : i32
      %dma_start3A_77 = arith.constant 0 : i32
      %dma_start3A_78 = tpu.memref_slice %arg3[%dma_start3A_76, %dma_start3A_77] : memref<20096x128xf32, #tpu.memory_space<hbm>> -> memref<20096x128xf32, #tpu.memory_space<hbm>>
      tpu.enqueue_indirect_dma source(%dma_start3A_78 : memref<20096x128xf32, #tpu.memory_space<hbm>>) target(%arg12 : memref<64x128xf32, #tpu.memory_space<vmem>>) offsets(%dma_start3A_75 : memref<64xi32, #tpu.memory_space<vmem>>) semaphore(%arg16 : memref<!tpu.dma_semaphore, #tpu.memory_space<semaphore_mem>>)
    } else {
    }
    %while3A = arith.constant 0 : i32
    %while3A_59 = arith.constant 0 : i32
    %while3A_60 = arith.subi %shift_right_logical3A_41, %while3A_59 : i32
    %while3A_61 = arith.addi %while3A_59, %while3A_60 : i32
    %while3A_62 = arith.constant 1 : i32
    %while3A_63 = arith.divsi %while3A_60, %while3A_62 : i32
    %while3A_64 = arith.muli %while3A_63, %while3A_62 : i32
    %while3A_65 = arith.addi %while3A_59, %while3A_64 : i32
    %while3A_66 = arith.constant 1 : i32
    scf.for %while3A_73 = %while3A_59 to %while3A_65 step %while3A_66  : i32 {
      %and3A = arith.constant 3 : i32
      %and3A_74 = arith.andi %while3A_73, %and3A : i32
      %eq3A = arith.constant 0 : i32
      %eq3A_75 = arith.cmpi eq, %and3A_74, %eq3A : i32
      %convert_element_type3A_76 = arith.extui %eq3A_75 : i1 to i32
      %cond3A_77 = arith.constant 0 : i32
      %cond3A_78 = arith.cmpi ne, %convert_element_type3A_76, %cond3A_77 : i32
      scf.if %cond3A_78 {
        %dma_wait3A = arith.constant 0 : i32
        %dma_wait3A_94 = tpu.memref_slice %arg7[%while3A_73, %dma_wait3A] : memref<164x64xi32, #tpu.memory_space<vmem>> -> memref<1x64xi32, #tpu.memory_space<vmem>>
        %dma_wait3A_95 = tpu.memref_squeeze %dma_wait3A_94 : memref<1x64xi32, #tpu.memory_space<vmem>> -> memref<64xi32, #tpu.memory_space<vmem>>
        %dma_wait3A_96 = arith.constant 0 : i32
        %dma_wait3A_97 = arith.constant 0 : i32
        %dma_wait3A_98 = tpu.memref_slice %arg3[%dma_wait3A_96, %dma_wait3A_97] : memref<20096x128xf32, #tpu.memory_space<hbm>> -> memref<20096x128xf32, #tpu.memory_space<hbm>>
        tpu.wait_indirect_dma semaphore(%arg13 : memref<!tpu.dma_semaphore, #tpu.memory_space<semaphore_mem>>) src(%dma_wait3A_98 : memref<20096x128xf32, #tpu.memory_space<hbm>>) dst(%arg9 : memref<64x128xf32, #tpu.memory_space<vmem>>)
        "tpu.region"() ({
          %run_scoped3A = tpu.sem_alloc : memref<!tpu.dma_semaphore, #tpu.memory_space<semaphore_mem>>
          %dma_start3A = arith.constant 0 : i32
          %dma_start3A_104 = tpu.memref_slice %arg8[%while3A_73, %dma_start3A] : memref<164x64xi32, #tpu.memory_space<vmem>> -> memref<1x64xi32, #tpu.memory_space<vmem>>
          %dma_start3A_105 = tpu.memref_squeeze %dma_start3A_104 : memref<1x64xi32, #tpu.memory_space<vmem>> -> memref<64xi32, #tpu.memory_space<vmem>>
          %dma_start3A_106 = arith.constant 0 : i32
          %dma_start3A_107 = arith.constant 0 : i32
          %dma_start3A_108 = tpu.memref_slice %arg17[%dma_start3A_106, %dma_start3A_107] : memref<4096x128xf32, #tpu.memory_space<vmem_shared>> -> memref<4096x128xf32, #tpu.memory_space<vmem_shared>>
          tpu.enqueue_indirect_dma source(%arg9 : memref<64x128xf32, #tpu.memory_space<vmem>>) target(%dma_start3A_108 : memref<4096x128xf32, #tpu.memory_space<vmem_shared>>) offsets(%dma_start3A_105 : memref<64xi32, #tpu.memory_space<vmem>>) semaphore(%run_scoped3A : memref<!tpu.dma_semaphore, #tpu.memory_space<semaphore_mem>>) {add = true}
          %dma_wait3A_109 = arith.constant 0 : i32
          %dma_wait3A_110 = tpu.memref_slice %arg8[%while3A_73, %dma_wait3A_109] : memref<164x64xi32, #tpu.memory_space<vmem>> -> memref<1x64xi32, #tpu.memory_space<vmem>>
          %dma_wait3A_111 = tpu.memref_squeeze %dma_wait3A_110 : memref<1x64xi32, #tpu.memory_space<vmem>> -> memref<64xi32, #tpu.memory_space<vmem>>
          %dma_wait3A_112 = arith.constant 0 : i32
          %dma_wait3A_113 = arith.constant 0 : i32
          %dma_wait3A_114 = tpu.memref_slice %arg17[%dma_wait3A_112, %dma_wait3A_113] : memref<4096x128xf32, #tpu.memory_space<vmem_shared>> -> memref<4096x128xf32, #tpu.memory_space<vmem_shared>>
          tpu.wait_indirect_dma semaphore(%run_scoped3A : memref<!tpu.dma_semaphore, #tpu.memory_space<semaphore_mem>>) src(%arg9 : memref<64x128xf32, #tpu.memory_space<vmem>>) dst(%dma_wait3A_114 : memref<4096x128xf32, #tpu.memory_space<vmem_shared>>)
          tpu.yield
        }) : () -> ()
        %add3A_99 = arith.constant 4 : i32
        %add3A_100 = arith.addi %while3A_73, %add3A_99 : i32
        %lt3A = arith.cmpi slt, %add3A_100, %shift_right_logical3A_41 : i32
        %convert_element_type3A_101 = arith.extui %lt3A : i1 to i32
        %cond3A_102 = arith.constant 0 : i32
        %cond3A_103 = arith.cmpi ne, %convert_element_type3A_101, %cond3A_102 : i32
        scf.if %cond3A_103 {
          %add3A_104 = arith.constant 4 : i32
          %add3A_105 = arith.addi %while3A_73, %add3A_104 : i32
          %dma_start3A = arith.constant 0 : i32
          %dma_start3A_106 = tpu.memref_slice %arg7[%add3A_105, %dma_start3A] : memref<164x64xi32, #tpu.memory_space<vmem>> -> memref<1x64xi32, #tpu.memory_space<vmem>>
          %dma_start3A_107 = tpu.memref_squeeze %dma_start3A_106 : memref<1x64xi32, #tpu.memory_space<vmem>> -> memref<64xi32, #tpu.memory_space<vmem>>
          %dma_start3A_108 = arith.constant 0 : i32
          %dma_start3A_109 = arith.constant 0 : i32
          %dma_start3A_110 = tpu.memref_slice %arg3[%dma_start3A_108, %dma_start3A_109] : memref<20096x128xf32, #tpu.memory_space<hbm>> -> memref<20096x128xf32, #tpu.memory_space<hbm>>
          tpu.enqueue_indirect_dma source(%dma_start3A_110 : memref<20096x128xf32, #tpu.memory_space<hbm>>) target(%arg9 : memref<64x128xf32, #tpu.memory_space<vmem>>) offsets(%dma_start3A_107 : memref<64xi32, #tpu.memory_space<vmem>>) semaphore(%arg13 : memref<!tpu.dma_semaphore, #tpu.memory_space<semaphore_mem>>)
        } else {
        }
      } else {
      }
      %eq3A_79 = arith.constant 1 : i32
      %eq3A_80 = arith.cmpi eq, %and3A_74, %eq3A_79 : i32
      %convert_element_type3A_81 = arith.extui %eq3A_80 : i1 to i32
      %cond3A_82 = arith.constant 0 : i32
      %cond3A_83 = arith.cmpi ne, %convert_element_type3A_81, %cond3A_82 : i32
      scf.if %cond3A_83 {
        %dma_wait3A = arith.constant 0 : i32
        %dma_wait3A_94 = tpu.memref_slice %arg7[%while3A_73, %dma_wait3A] : memref<164x64xi32, #tpu.memory_space<vmem>> -> memref<1x64xi32, #tpu.memory_space<vmem>>
        %dma_wait3A_95 = tpu.memref_squeeze %dma_wait3A_94 : memref<1x64xi32, #tpu.memory_space<vmem>> -> memref<64xi32, #tpu.memory_space<vmem>>
        %dma_wait3A_96 = arith.constant 0 : i32
        %dma_wait3A_97 = arith.constant 0 : i32
        %dma_wait3A_98 = tpu.memref_slice %arg3[%dma_wait3A_96, %dma_wait3A_97] : memref<20096x128xf32, #tpu.memory_space<hbm>> -> memref<20096x128xf32, #tpu.memory_space<hbm>>
        tpu.wait_indirect_dma semaphore(%arg14 : memref<!tpu.dma_semaphore, #tpu.memory_space<semaphore_mem>>) src(%dma_wait3A_98 : memref<20096x128xf32, #tpu.memory_space<hbm>>) dst(%arg10 : memref<64x128xf32, #tpu.memory_space<vmem>>)
        "tpu.region"() ({
          %run_scoped3A = tpu.sem_alloc : memref<!tpu.dma_semaphore, #tpu.memory_space<semaphore_mem>>
          %dma_start3A = arith.constant 0 : i32
          %dma_start3A_104 = tpu.memref_slice %arg8[%while3A_73, %dma_start3A] : memref<164x64xi32, #tpu.memory_space<vmem>> -> memref<1x64xi32, #tpu.memory_space<vmem>>
          %dma_start3A_105 = tpu.memref_squeeze %dma_start3A_104 : memref<1x64xi32, #tpu.memory_space<vmem>> -> memref<64xi32, #tpu.memory_space<vmem>>
          %dma_start3A_106 = arith.constant 0 : i32
          %dma_start3A_107 = arith.constant 0 : i32
          %dma_start3A_108 = tpu.memref_slice %arg17[%dma_start3A_106, %dma_start3A_107] : memref<4096x128xf32, #tpu.memory_space<vmem_shared>> -> memref<4096x128xf32, #tpu.memory_space<vmem_shared>>
          tpu.enqueue_indirect_dma source(%arg10 : memref<64x128xf32, #tpu.memory_space<vmem>>) target(%dma_start3A_108 : memref<4096x128xf32, #tpu.memory_space<vmem_shared>>) offsets(%dma_start3A_105 : memref<64xi32, #tpu.memory_space<vmem>>) semaphore(%run_scoped3A : memref<!tpu.dma_semaphore, #tpu.memory_space<semaphore_mem>>) {add = true}
          %dma_wait3A_109 = arith.constant 0 : i32
          %dma_wait3A_110 = tpu.memref_slice %arg8[%while3A_73, %dma_wait3A_109] : memref<164x64xi32, #tpu.memory_space<vmem>> -> memref<1x64xi32, #tpu.memory_space<vmem>>
          %dma_wait3A_111 = tpu.memref_squeeze %dma_wait3A_110 : memref<1x64xi32, #tpu.memory_space<vmem>> -> memref<64xi32, #tpu.memory_space<vmem>>
          %dma_wait3A_112 = arith.constant 0 : i32
          %dma_wait3A_113 = arith.constant 0 : i32
          %dma_wait3A_114 = tpu.memref_slice %arg17[%dma_wait3A_112, %dma_wait3A_113] : memref<4096x128xf32, #tpu.memory_space<vmem_shared>> -> memref<4096x128xf32, #tpu.memory_space<vmem_shared>>
          tpu.wait_indirect_dma semaphore(%run_scoped3A : memref<!tpu.dma_semaphore, #tpu.memory_space<semaphore_mem>>) src(%arg10 : memref<64x128xf32, #tpu.memory_space<vmem>>) dst(%dma_wait3A_114 : memref<4096x128xf32, #tpu.memory_space<vmem_shared>>)
          tpu.yield
        }) : () -> ()
        %add3A_99 = arith.constant 4 : i32
        %add3A_100 = arith.addi %while3A_73, %add3A_99 : i32
        %lt3A = arith.cmpi slt, %add3A_100, %shift_right_logical3A_41 : i32
        %convert_element_type3A_101 = arith.extui %lt3A : i1 to i32
        %cond3A_102 = arith.constant 0 : i32
        %cond3A_103 = arith.cmpi ne, %convert_element_type3A_101, %cond3A_102 : i32
        scf.if %cond3A_103 {
          %add3A_104 = arith.constant 4 : i32
          %add3A_105 = arith.addi %while3A_73, %add3A_104 : i32
          %dma_start3A = arith.constant 0 : i32
          %dma_start3A_106 = tpu.memref_slice %arg7[%add3A_105, %dma_start3A] : memref<164x64xi32, #tpu.memory_space<vmem>> -> memref<1x64xi32, #tpu.memory_space<vmem>>
          %dma_start3A_107 = tpu.memref_squeeze %dma_start3A_106 : memref<1x64xi32, #tpu.memory_space<vmem>> -> memref<64xi32, #tpu.memory_space<vmem>>
          %dma_start3A_108 = arith.constant 0 : i32
          %dma_start3A_109 = arith.constant 0 : i32
          %dma_start3A_110 = tpu.memref_slice %arg3[%dma_start3A_108, %dma_start3A_109] : memref<20096x128xf32, #tpu.memory_space<hbm>> -> memref<20096x128xf32, #tpu.memory_space<hbm>>
          tpu.enqueue_indirect_dma source(%dma_start3A_110 : memref<20096x128xf32, #tpu.memory_space<hbm>>) target(%arg10 : memref<64x128xf32, #tpu.memory_space<vmem>>) offsets(%dma_start3A_107 : memref<64xi32, #tpu.memory_space<vmem>>) semaphore(%arg14 : memref<!tpu.dma_semaphore, #tpu.memory_space<semaphore_mem>>)
        } else {
        }
      } else {
      }
      %eq3A_84 = arith.constant 2 : i32
      %eq3A_85 = arith.cmpi eq, %and3A_74, %eq3A_84 : i32
      %convert_element_type3A_86 = arith.extui %eq3A_85 : i1 to i32
      %cond3A_87 = arith.constant 0 : i32
      %cond3A_88 = arith.cmpi ne, %convert_element_type3A_86, %cond3A_87 : i32
      scf.if %cond3A_88 {
        %dma_wait3A = arith.constant 0 : i32
        %dma_wait3A_94 = tpu.memref_slice %arg7[%while3A_73, %dma_wait3A] : memref<164x64xi32, #tpu.memory_space<vmem>> -> memref<1x64xi32, #tpu.memory_space<vmem>>
        %dma_wait3A_95 = tpu.memref_squeeze %dma_wait3A_94 : memref<1x64xi32, #tpu.memory_space<vmem>> -> memref<64xi32, #tpu.memory_space<vmem>>
        %dma_wait3A_96 = arith.constant 0 : i32
        %dma_wait3A_97 = arith.constant 0 : i32
        %dma_wait3A_98 = tpu.memref_slice %arg3[%dma_wait3A_96, %dma_wait3A_97] : memref<20096x128xf32, #tpu.memory_space<hbm>> -> memref<20096x128xf32, #tpu.memory_space<hbm>>
        tpu.wait_indirect_dma semaphore(%arg15 : memref<!tpu.dma_semaphore, #tpu.memory_space<semaphore_mem>>) src(%dma_wait3A_98 : memref<20096x128xf32, #tpu.memory_space<hbm>>) dst(%arg11 : memref<64x128xf32, #tpu.memory_space<vmem>>)
        "tpu.region"() ({
          %run_scoped3A = tpu.sem_alloc : memref<!tpu.dma_semaphore, #tpu.memory_space<semaphore_mem>>
          %dma_start3A = arith.constant 0 : i32
          %dma_start3A_104 = tpu.memref_slice %arg8[%while3A_73, %dma_start3A] : memref<164x64xi32, #tpu.memory_space<vmem>> -> memref<1x64xi32, #tpu.memory_space<vmem>>
          %dma_start3A_105 = tpu.memref_squeeze %dma_start3A_104 : memref<1x64xi32, #tpu.memory_space<vmem>> -> memref<64xi32, #tpu.memory_space<vmem>>
          %dma_start3A_106 = arith.constant 0 : i32
          %dma_start3A_107 = arith.constant 0 : i32
          %dma_start3A_108 = tpu.memref_slice %arg17[%dma_start3A_106, %dma_start3A_107] : memref<4096x128xf32, #tpu.memory_space<vmem_shared>> -> memref<4096x128xf32, #tpu.memory_space<vmem_shared>>
          tpu.enqueue_indirect_dma source(%arg11 : memref<64x128xf32, #tpu.memory_space<vmem>>) target(%dma_start3A_108 : memref<4096x128xf32, #tpu.memory_space<vmem_shared>>) offsets(%dma_start3A_105 : memref<64xi32, #tpu.memory_space<vmem>>) semaphore(%run_scoped3A : memref<!tpu.dma_semaphore, #tpu.memory_space<semaphore_mem>>) {add = true}
          %dma_wait3A_109 = arith.constant 0 : i32
          %dma_wait3A_110 = tpu.memref_slice %arg8[%while3A_73, %dma_wait3A_109] : memref<164x64xi32, #tpu.memory_space<vmem>> -> memref<1x64xi32, #tpu.memory_space<vmem>>
          %dma_wait3A_111 = tpu.memref_squeeze %dma_wait3A_110 : memref<1x64xi32, #tpu.memory_space<vmem>> -> memref<64xi32, #tpu.memory_space<vmem>>
          %dma_wait3A_112 = arith.constant 0 : i32
          %dma_wait3A_113 = arith.constant 0 : i32
          %dma_wait3A_114 = tpu.memref_slice %arg17[%dma_wait3A_112, %dma_wait3A_113] : memref<4096x128xf32, #tpu.memory_space<vmem_shared>> -> memref<4096x128xf32, #tpu.memory_space<vmem_shared>>
          tpu.wait_indirect_dma semaphore(%run_scoped3A : memref<!tpu.dma_semaphore, #tpu.memory_space<semaphore_mem>>) src(%arg11 : memref<64x128xf32, #tpu.memory_space<vmem>>) dst(%dma_wait3A_114 : memref<4096x128xf32, #tpu.memory_space<vmem_shared>>)
          tpu.yield
        }) : () -> ()
        %add3A_99 = arith.constant 4 : i32
        %add3A_100 = arith.addi %while3A_73, %add3A_99 : i32
        %lt3A = arith.cmpi slt, %add3A_100, %shift_right_logical3A_41 : i32
        %convert_element_type3A_101 = arith.extui %lt3A : i1 to i32
        %cond3A_102 = arith.constant 0 : i32
        %cond3A_103 = arith.cmpi ne, %convert_element_type3A_101, %cond3A_102 : i32
        scf.if %cond3A_103 {
          %add3A_104 = arith.constant 4 : i32
          %add3A_105 = arith.addi %while3A_73, %add3A_104 : i32
          %dma_start3A = arith.constant 0 : i32
          %dma_start3A_106 = tpu.memref_slice %arg7[%add3A_105, %dma_start3A] : memref<164x64xi32, #tpu.memory_space<vmem>> -> memref<1x64xi32, #tpu.memory_space<vmem>>
          %dma_start3A_107 = tpu.memref_squeeze %dma_start3A_106 : memref<1x64xi32, #tpu.memory_space<vmem>> -> memref<64xi32, #tpu.memory_space<vmem>>
          %dma_start3A_108 = arith.constant 0 : i32
          %dma_start3A_109 = arith.constant 0 : i32
          %dma_start3A_110 = tpu.memref_slice %arg3[%dma_start3A_108, %dma_start3A_109] : memref<20096x128xf32, #tpu.memory_space<hbm>> -> memref<20096x128xf32, #tpu.memory_space<hbm>>
          tpu.enqueue_indirect_dma source(%dma_start3A_110 : memref<20096x128xf32, #tpu.memory_space<hbm>>) target(%arg11 : memref<64x128xf32, #tpu.memory_space<vmem>>) offsets(%dma_start3A_107 : memref<64xi32, #tpu.memory_space<vmem>>) semaphore(%arg15 : memref<!tpu.dma_semaphore, #tpu.memory_space<semaphore_mem>>)
        } else {
        }
      } else {
      }
      %eq3A_89 = arith.constant 3 : i32
      %eq3A_90 = arith.cmpi eq, %and3A_74, %eq3A_89 : i32
      %convert_element_type3A_91 = arith.extui %eq3A_90 : i1 to i32
      %cond3A_92 = arith.constant 0 : i32
      %cond3A_93 = arith.cmpi ne, %convert_element_type3A_91, %cond3A_92 : i32
      scf.if %cond3A_93 {
        %dma_wait3A = arith.constant 0 : i32
        %dma_wait3A_94 = tpu.memref_slice %arg7[%while3A_73, %dma_wait3A] : memref<164x64xi32, #tpu.memory_space<vmem>> -> memref<1x64xi32, #tpu.memory_space<vmem>>
        %dma_wait3A_95 = tpu.memref_squeeze %dma_wait3A_94 : memref<1x64xi32, #tpu.memory_space<vmem>> -> memref<64xi32, #tpu.memory_space<vmem>>
        %dma_wait3A_96 = arith.constant 0 : i32
        %dma_wait3A_97 = arith.constant 0 : i32
        %dma_wait3A_98 = tpu.memref_slice %arg3[%dma_wait3A_96, %dma_wait3A_97] : memref<20096x128xf32, #tpu.memory_space<hbm>> -> memref<20096x128xf32, #tpu.memory_space<hbm>>
        tpu.wait_indirect_dma semaphore(%arg16 : memref<!tpu.dma_semaphore, #tpu.memory_space<semaphore_mem>>) src(%dma_wait3A_98 : memref<20096x128xf32, #tpu.memory_space<hbm>>) dst(%arg12 : memref<64x128xf32, #tpu.memory_space<vmem>>)
        "tpu.region"() ({
          %run_scoped3A = tpu.sem_alloc : memref<!tpu.dma_semaphore, #tpu.memory_space<semaphore_mem>>
          %dma_start3A = arith.constant 0 : i32
          %dma_start3A_104 = tpu.memref_slice %arg8[%while3A_73, %dma_start3A] : memref<164x64xi32, #tpu.memory_space<vmem>> -> memref<1x64xi32, #tpu.memory_space<vmem>>
          %dma_start3A_105 = tpu.memref_squeeze %dma_start3A_104 : memref<1x64xi32, #tpu.memory_space<vmem>> -> memref<64xi32, #tpu.memory_space<vmem>>
          %dma_start3A_106 = arith.constant 0 : i32
          %dma_start3A_107 = arith.constant 0 : i32
          %dma_start3A_108 = tpu.memref_slice %arg17[%dma_start3A_106, %dma_start3A_107] : memref<4096x128xf32, #tpu.memory_space<vmem_shared>> -> memref<4096x128xf32, #tpu.memory_space<vmem_shared>>
          tpu.enqueue_indirect_dma source(%arg12 : memref<64x128xf32, #tpu.memory_space<vmem>>) target(%dma_start3A_108 : memref<4096x128xf32, #tpu.memory_space<vmem_shared>>) offsets(%dma_start3A_105 : memref<64xi32, #tpu.memory_space<vmem>>) semaphore(%run_scoped3A : memref<!tpu.dma_semaphore, #tpu.memory_space<semaphore_mem>>) {add = true}
          %dma_wait3A_109 = arith.constant 0 : i32
          %dma_wait3A_110 = tpu.memref_slice %arg8[%while3A_73, %dma_wait3A_109] : memref<164x64xi32, #tpu.memory_space<vmem>> -> memref<1x64xi32, #tpu.memory_space<vmem>>
          %dma_wait3A_111 = tpu.memref_squeeze %dma_wait3A_110 : memref<1x64xi32, #tpu.memory_space<vmem>> -> memref<64xi32, #tpu.memory_space<vmem>>
          %dma_wait3A_112 = arith.constant 0 : i32
          %dma_wait3A_113 = arith.constant 0 : i32
          %dma_wait3A_114 = tpu.memref_slice %arg17[%dma_wait3A_112, %dma_wait3A_113] : memref<4096x128xf32, #tpu.memory_space<vmem_shared>> -> memref<4096x128xf32, #tpu.memory_space<vmem_shared>>
          tpu.wait_indirect_dma semaphore(%run_scoped3A : memref<!tpu.dma_semaphore, #tpu.memory_space<semaphore_mem>>) src(%arg12 : memref<64x128xf32, #tpu.memory_space<vmem>>) dst(%dma_wait3A_114 : memref<4096x128xf32, #tpu.memory_space<vmem_shared>>)
          tpu.yield
        }) : () -> ()
        %add3A_99 = arith.constant 4 : i32
        %add3A_100 = arith.addi %while3A_73, %add3A_99 : i32
        %lt3A = arith.cmpi slt, %add3A_100, %shift_right_logical3A_41 : i32
        %convert_element_type3A_101 = arith.extui %lt3A : i1 to i32
        %cond3A_102 = arith.constant 0 : i32
        %cond3A_103 = arith.cmpi ne, %convert_element_type3A_101, %cond3A_102 : i32
        scf.if %cond3A_103 {
          %add3A_104 = arith.constant 4 : i32
          %add3A_105 = arith.addi %while3A_73, %add3A_104 : i32
          %dma_start3A = arith.constant 0 : i32
          %dma_start3A_106 = tpu.memref_slice %arg7[%add3A_105, %dma_start3A] : memref<164x64xi32, #tpu.memory_space<vmem>> -> memref<1x64xi32, #tpu.memory_space<vmem>>
          %dma_start3A_107 = tpu.memref_squeeze %dma_start3A_106 : memref<1x64xi32, #tpu.memory_space<vmem>> -> memref<64xi32, #tpu.memory_space<vmem>>
          %dma_start3A_108 = arith.constant 0 : i32
          %dma_start3A_109 = arith.constant 0 : i32
          %dma_start3A_110 = tpu.memref_slice %arg3[%dma_start3A_108, %dma_start3A_109] : memref<20096x128xf32, #tpu.memory_space<hbm>> -> memref<20096x128xf32, #tpu.memory_space<hbm>>
          tpu.enqueue_indirect_dma source(%dma_start3A_110 : memref<20096x128xf32, #tpu.memory_space<hbm>>) target(%arg12 : memref<64x128xf32, #tpu.memory_space<vmem>>) offsets(%dma_start3A_107 : memref<64xi32, #tpu.memory_space<vmem>>) semaphore(%arg16 : memref<!tpu.dma_semaphore, #tpu.memory_space<semaphore_mem>>)
        } else {
        }
      } else {
      }
    }
    %while3A_67 = arith.constant 1 : i32
    scf.for %while3A_73 = %while3A_65 to %while3A_61 step %while3A_67  : i32 {
      %and3A = arith.constant 3 : i32
      %and3A_74 = arith.andi %while3A_73, %and3A : i32
      %eq3A = arith.constant 0 : i32
      %eq3A_75 = arith.cmpi eq, %and3A_74, %eq3A : i32
      %convert_element_type3A_76 = arith.extui %eq3A_75 : i1 to i32
      %cond3A_77 = arith.constant 0 : i32
      %cond3A_78 = arith.cmpi ne, %convert_element_type3A_76, %cond3A_77 : i32
      scf.if %cond3A_78 {
        %dma_wait3A = arith.constant 0 : i32
        %dma_wait3A_94 = tpu.memref_slice %arg7[%while3A_73, %dma_wait3A] : memref<164x64xi32, #tpu.memory_space<vmem>> -> memref<1x64xi32, #tpu.memory_space<vmem>>
        %dma_wait3A_95 = tpu.memref_squeeze %dma_wait3A_94 : memref<1x64xi32, #tpu.memory_space<vmem>> -> memref<64xi32, #tpu.memory_space<vmem>>
        %dma_wait3A_96 = arith.constant 0 : i32
        %dma_wait3A_97 = arith.constant 0 : i32
        %dma_wait3A_98 = tpu.memref_slice %arg3[%dma_wait3A_96, %dma_wait3A_97] : memref<20096x128xf32, #tpu.memory_space<hbm>> -> memref<20096x128xf32, #tpu.memory_space<hbm>>
        tpu.wait_indirect_dma semaphore(%arg13 : memref<!tpu.dma_semaphore, #tpu.memory_space<semaphore_mem>>) src(%dma_wait3A_98 : memref<20096x128xf32, #tpu.memory_space<hbm>>) dst(%arg9 : memref<64x128xf32, #tpu.memory_space<vmem>>)
        "tpu.region"() ({
          %run_scoped3A = tpu.sem_alloc : memref<!tpu.dma_semaphore, #tpu.memory_space<semaphore_mem>>
          %dma_start3A = arith.constant 0 : i32
          %dma_start3A_104 = tpu.memref_slice %arg8[%while3A_73, %dma_start3A] : memref<164x64xi32, #tpu.memory_space<vmem>> -> memref<1x64xi32, #tpu.memory_space<vmem>>
          %dma_start3A_105 = tpu.memref_squeeze %dma_start3A_104 : memref<1x64xi32, #tpu.memory_space<vmem>> -> memref<64xi32, #tpu.memory_space<vmem>>
          %dma_start3A_106 = arith.constant 0 : i32
          %dma_start3A_107 = arith.constant 0 : i32
          %dma_start3A_108 = tpu.memref_slice %arg17[%dma_start3A_106, %dma_start3A_107] : memref<4096x128xf32, #tpu.memory_space<vmem_shared>> -> memref<4096x128xf32, #tpu.memory_space<vmem_shared>>
          tpu.enqueue_indirect_dma source(%arg9 : memref<64x128xf32, #tpu.memory_space<vmem>>) target(%dma_start3A_108 : memref<4096x128xf32, #tpu.memory_space<vmem_shared>>) offsets(%dma_start3A_105 : memref<64xi32, #tpu.memory_space<vmem>>) semaphore(%run_scoped3A : memref<!tpu.dma_semaphore, #tpu.memory_space<semaphore_mem>>) {add = true}
          %dma_wait3A_109 = arith.constant 0 : i32
          %dma_wait3A_110 = tpu.memref_slice %arg8[%while3A_73, %dma_wait3A_109] : memref<164x64xi32, #tpu.memory_space<vmem>> -> memref<1x64xi32, #tpu.memory_space<vmem>>
          %dma_wait3A_111 = tpu.memref_squeeze %dma_wait3A_110 : memref<1x64xi32, #tpu.memory_space<vmem>> -> memref<64xi32, #tpu.memory_space<vmem>>
          %dma_wait3A_112 = arith.constant 0 : i32
          %dma_wait3A_113 = arith.constant 0 : i32
          %dma_wait3A_114 = tpu.memref_slice %arg17[%dma_wait3A_112, %dma_wait3A_113] : memref<4096x128xf32, #tpu.memory_space<vmem_shared>> -> memref<4096x128xf32, #tpu.memory_space<vmem_shared>>
          tpu.wait_indirect_dma semaphore(%run_scoped3A : memref<!tpu.dma_semaphore, #tpu.memory_space<semaphore_mem>>) src(%arg9 : memref<64x128xf32, #tpu.memory_space<vmem>>) dst(%dma_wait3A_114 : memref<4096x128xf32, #tpu.memory_space<vmem_shared>>)
          tpu.yield
        }) : () -> ()
        %add3A_99 = arith.constant 4 : i32
        %add3A_100 = arith.addi %while3A_73, %add3A_99 : i32
        %lt3A = arith.cmpi slt, %add3A_100, %shift_right_logical3A_41 : i32
        %convert_element_type3A_101 = arith.extui %lt3A : i1 to i32
        %cond3A_102 = arith.constant 0 : i32
        %cond3A_103 = arith.cmpi ne, %convert_element_type3A_101, %cond3A_102 : i32
        scf.if %cond3A_103 {
          %add3A_104 = arith.constant 4 : i32
          %add3A_105 = arith.addi %while3A_73, %add3A_104 : i32
          %dma_start3A = arith.constant 0 : i32
          %dma_start3A_106 = tpu.memref_slice %arg7[%add3A_105, %dma_start3A] : memref<164x64xi32, #tpu.memory_space<vmem>> -> memref<1x64xi32, #tpu.memory_space<vmem>>
          %dma_start3A_107 = tpu.memref_squeeze %dma_start3A_106 : memref<1x64xi32, #tpu.memory_space<vmem>> -> memref<64xi32, #tpu.memory_space<vmem>>
          %dma_start3A_108 = arith.constant 0 : i32
          %dma_start3A_109 = arith.constant 0 : i32
          %dma_start3A_110 = tpu.memref_slice %arg3[%dma_start3A_108, %dma_start3A_109] : memref<20096x128xf32, #tpu.memory_space<hbm>> -> memref<20096x128xf32, #tpu.memory_space<hbm>>
          tpu.enqueue_indirect_dma source(%dma_start3A_110 : memref<20096x128xf32, #tpu.memory_space<hbm>>) target(%arg9 : memref<64x128xf32, #tpu.memory_space<vmem>>) offsets(%dma_start3A_107 : memref<64xi32, #tpu.memory_space<vmem>>) semaphore(%arg13 : memref<!tpu.dma_semaphore, #tpu.memory_space<semaphore_mem>>)
        } else {
        }
      } else {
      }
      %eq3A_79 = arith.constant 1 : i32
      %eq3A_80 = arith.cmpi eq, %and3A_74, %eq3A_79 : i32
      %convert_element_type3A_81 = arith.extui %eq3A_80 : i1 to i32
      %cond3A_82 = arith.constant 0 : i32
      %cond3A_83 = arith.cmpi ne, %convert_element_type3A_81, %cond3A_82 : i32
      scf.if %cond3A_83 {
        %dma_wait3A = arith.constant 0 : i32
        %dma_wait3A_94 = tpu.memref_slice %arg7[%while3A_73, %dma_wait3A] : memref<164x64xi32, #tpu.memory_space<vmem>> -> memref<1x64xi32, #tpu.memory_space<vmem>>
        %dma_wait3A_95 = tpu.memref_squeeze %dma_wait3A_94 : memref<1x64xi32, #tpu.memory_space<vmem>> -> memref<64xi32, #tpu.memory_space<vmem>>
        %dma_wait3A_96 = arith.constant 0 : i32
        %dma_wait3A_97 = arith.constant 0 : i32
        %dma_wait3A_98 = tpu.memref_slice %arg3[%dma_wait3A_96, %dma_wait3A_97] : memref<20096x128xf32, #tpu.memory_space<hbm>> -> memref<20096x128xf32, #tpu.memory_space<hbm>>
        tpu.wait_indirect_dma semaphore(%arg14 : memref<!tpu.dma_semaphore, #tpu.memory_space<semaphore_mem>>) src(%dma_wait3A_98 : memref<20096x128xf32, #tpu.memory_space<hbm>>) dst(%arg10 : memref<64x128xf32, #tpu.memory_space<vmem>>)
        "tpu.region"() ({
          %run_scoped3A = tpu.sem_alloc : memref<!tpu.dma_semaphore, #tpu.memory_space<semaphore_mem>>
          %dma_start3A = arith.constant 0 : i32
          %dma_start3A_104 = tpu.memref_slice %arg8[%while3A_73, %dma_start3A] : memref<164x64xi32, #tpu.memory_space<vmem>> -> memref<1x64xi32, #tpu.memory_space<vmem>>
          %dma_start3A_105 = tpu.memref_squeeze %dma_start3A_104 : memref<1x64xi32, #tpu.memory_space<vmem>> -> memref<64xi32, #tpu.memory_space<vmem>>
          %dma_start3A_106 = arith.constant 0 : i32
          %dma_start3A_107 = arith.constant 0 : i32
          %dma_start3A_108 = tpu.memref_slice %arg17[%dma_start3A_106, %dma_start3A_107] : memref<4096x128xf32, #tpu.memory_space<vmem_shared>> -> memref<4096x128xf32, #tpu.memory_space<vmem_shared>>
          tpu.enqueue_indirect_dma source(%arg10 : memref<64x128xf32, #tpu.memory_space<vmem>>) target(%dma_start3A_108 : memref<4096x128xf32, #tpu.memory_space<vmem_shared>>) offsets(%dma_start3A_105 : memref<64xi32, #tpu.memory_space<vmem>>) semaphore(%run_scoped3A : memref<!tpu.dma_semaphore, #tpu.memory_space<semaphore_mem>>) {add = true}
          %dma_wait3A_109 = arith.constant 0 : i32
          %dma_wait3A_110 = tpu.memref_slice %arg8[%while3A_73, %dma_wait3A_109] : memref<164x64xi32, #tpu.memory_space<vmem>> -> memref<1x64xi32, #tpu.memory_space<vmem>>
          %dma_wait3A_111 = tpu.memref_squeeze %dma_wait3A_110 : memref<1x64xi32, #tpu.memory_space<vmem>> -> memref<64xi32, #tpu.memory_space<vmem>>
          %dma_wait3A_112 = arith.constant 0 : i32
          %dma_wait3A_113 = arith.constant 0 : i32
          %dma_wait3A_114 = tpu.memref_slice %arg17[%dma_wait3A_112, %dma_wait3A_113] : memref<4096x128xf32, #tpu.memory_space<vmem_shared>> -> memref<4096x128xf32, #tpu.memory_space<vmem_shared>>
          tpu.wait_indirect_dma semaphore(%run_scoped3A : memref<!tpu.dma_semaphore, #tpu.memory_space<semaphore_mem>>) src(%arg10 : memref<64x128xf32, #tpu.memory_space<vmem>>) dst(%dma_wait3A_114 : memref<4096x128xf32, #tpu.memory_space<vmem_shared>>)
          tpu.yield
        }) : () -> ()
        %add3A_99 = arith.constant 4 : i32
        %add3A_100 = arith.addi %while3A_73, %add3A_99 : i32
        %lt3A = arith.cmpi slt, %add3A_100, %shift_right_logical3A_41 : i32
        %convert_element_type3A_101 = arith.extui %lt3A : i1 to i32
        %cond3A_102 = arith.constant 0 : i32
        %cond3A_103 = arith.cmpi ne, %convert_element_type3A_101, %cond3A_102 : i32
        scf.if %cond3A_103 {
          %add3A_104 = arith.constant 4 : i32
          %add3A_105 = arith.addi %while3A_73, %add3A_104 : i32
          %dma_start3A = arith.constant 0 : i32
          %dma_start3A_106 = tpu.memref_slice %arg7[%add3A_105, %dma_start3A] : memref<164x64xi32, #tpu.memory_space<vmem>> -> memref<1x64xi32, #tpu.memory_space<vmem>>
          %dma_start3A_107 = tpu.memref_squeeze %dma_start3A_106 : memref<1x64xi32, #tpu.memory_space<vmem>> -> memref<64xi32, #tpu.memory_space<vmem>>
          %dma_start3A_108 = arith.constant 0 : i32
          %dma_start3A_109 = arith.constant 0 : i32
          %dma_start3A_110 = tpu.memref_slice %arg3[%dma_start3A_108, %dma_start3A_109] : memref<20096x128xf32, #tpu.memory_space<hbm>> -> memref<20096x128xf32, #tpu.memory_space<hbm>>
          tpu.enqueue_indirect_dma source(%dma_start3A_110 : memref<20096x128xf32, #tpu.memory_space<hbm>>) target(%arg10 : memref<64x128xf32, #tpu.memory_space<vmem>>) offsets(%dma_start3A_107 : memref<64xi32, #tpu.memory_space<vmem>>) semaphore(%arg14 : memref<!tpu.dma_semaphore, #tpu.memory_space<semaphore_mem>>)
        } else {
        }
      } else {
      }
      %eq3A_84 = arith.constant 2 : i32
      %eq3A_85 = arith.cmpi eq, %and3A_74, %eq3A_84 : i32
      %convert_element_type3A_86 = arith.extui %eq3A_85 : i1 to i32
      %cond3A_87 = arith.constant 0 : i32
      %cond3A_88 = arith.cmpi ne, %convert_element_type3A_86, %cond3A_87 : i32
      scf.if %cond3A_88 {
        %dma_wait3A = arith.constant 0 : i32
        %dma_wait3A_94 = tpu.memref_slice %arg7[%while3A_73, %dma_wait3A] : memref<164x64xi32, #tpu.memory_space<vmem>> -> memref<1x64xi32, #tpu.memory_space<vmem>>
        %dma_wait3A_95 = tpu.memref_squeeze %dma_wait3A_94 : memref<1x64xi32, #tpu.memory_space<vmem>> -> memref<64xi32, #tpu.memory_space<vmem>>
        %dma_wait3A_96 = arith.constant 0 : i32
        %dma_wait3A_97 = arith.constant 0 : i32
        %dma_wait3A_98 = tpu.memref_slice %arg3[%dma_wait3A_96, %dma_wait3A_97] : memref<20096x128xf32, #tpu.memory_space<hbm>> -> memref<20096x128xf32, #tpu.memory_space<hbm>>
        tpu.wait_indirect_dma semaphore(%arg15 : memref<!tpu.dma_semaphore, #tpu.memory_space<semaphore_mem>>) src(%dma_wait3A_98 : memref<20096x128xf32, #tpu.memory_space<hbm>>) dst(%arg11 : memref<64x128xf32, #tpu.memory_space<vmem>>)
        "tpu.region"() ({
          %run_scoped3A = tpu.sem_alloc : memref<!tpu.dma_semaphore, #tpu.memory_space<semaphore_mem>>
          %dma_start3A = arith.constant 0 : i32
          %dma_start3A_104 = tpu.memref_slice %arg8[%while3A_73, %dma_start3A] : memref<164x64xi32, #tpu.memory_space<vmem>> -> memref<1x64xi32, #tpu.memory_space<vmem>>
          %dma_start3A_105 = tpu.memref_squeeze %dma_start3A_104 : memref<1x64xi32, #tpu.memory_space<vmem>> -> memref<64xi32, #tpu.memory_space<vmem>>
          %dma_start3A_106 = arith.constant 0 : i32
          %dma_start3A_107 = arith.constant 0 : i32
          %dma_start3A_108 = tpu.memref_slice %arg17[%dma_start3A_106, %dma_start3A_107] : memref<4096x128xf32, #tpu.memory_space<vmem_shared>> -> memref<4096x128xf32, #tpu.memory_space<vmem_shared>>
          tpu.enqueue_indirect_dma source(%arg11 : memref<64x128xf32, #tpu.memory_space<vmem>>) target(%dma_start3A_108 : memref<4096x128xf32, #tpu.memory_space<vmem_shared>>) offsets(%dma_start3A_105 : memref<64xi32, #tpu.memory_space<vmem>>) semaphore(%run_scoped3A : memref<!tpu.dma_semaphore, #tpu.memory_space<semaphore_mem>>) {add = true}
          %dma_wait3A_109 = arith.constant 0 : i32
          %dma_wait3A_110 = tpu.memref_slice %arg8[%while3A_73, %dma_wait3A_109] : memref<164x64xi32, #tpu.memory_space<vmem>> -> memref<1x64xi32, #tpu.memory_space<vmem>>
          %dma_wait3A_111 = tpu.memref_squeeze %dma_wait3A_110 : memref<1x64xi32, #tpu.memory_space<vmem>> -> memref<64xi32, #tpu.memory_space<vmem>>
          %dma_wait3A_112 = arith.constant 0 : i32
          %dma_wait3A_113 = arith.constant 0 : i32
          %dma_wait3A_114 = tpu.memref_slice %arg17[%dma_wait3A_112, %dma_wait3A_113] : memref<4096x128xf32, #tpu.memory_space<vmem_shared>> -> memref<4096x128xf32, #tpu.memory_space<vmem_shared>>
          tpu.wait_indirect_dma semaphore(%run_scoped3A : memref<!tpu.dma_semaphore, #tpu.memory_space<semaphore_mem>>) src(%arg11 : memref<64x128xf32, #tpu.memory_space<vmem>>) dst(%dma_wait3A_114 : memref<4096x128xf32, #tpu.memory_space<vmem_shared>>)
          tpu.yield
        }) : () -> ()
        %add3A_99 = arith.constant 4 : i32
        %add3A_100 = arith.addi %while3A_73, %add3A_99 : i32
        %lt3A = arith.cmpi slt, %add3A_100, %shift_right_logical3A_41 : i32
        %convert_element_type3A_101 = arith.extui %lt3A : i1 to i32
        %cond3A_102 = arith.constant 0 : i32
        %cond3A_103 = arith.cmpi ne, %convert_element_type3A_101, %cond3A_102 : i32
        scf.if %cond3A_103 {
          %add3A_104 = arith.constant 4 : i32
          %add3A_105 = arith.addi %while3A_73, %add3A_104 : i32
          %dma_start3A = arith.constant 0 : i32
          %dma_start3A_106 = tpu.memref_slice %arg7[%add3A_105, %dma_start3A] : memref<164x64xi32, #tpu.memory_space<vmem>> -> memref<1x64xi32, #tpu.memory_space<vmem>>
          %dma_start3A_107 = tpu.memref_squeeze %dma_start3A_106 : memref<1x64xi32, #tpu.memory_space<vmem>> -> memref<64xi32, #tpu.memory_space<vmem>>
          %dma_start3A_108 = arith.constant 0 : i32
          %dma_start3A_109 = arith.constant 0 : i32
          %dma_start3A_110 = tpu.memref_slice %arg3[%dma_start3A_108, %dma_start3A_109] : memref<20096x128xf32, #tpu.memory_space<hbm>> -> memref<20096x128xf32, #tpu.memory_space<hbm>>
          tpu.enqueue_indirect_dma source(%dma_start3A_110 : memref<20096x128xf32, #tpu.memory_space<hbm>>) target(%arg11 : memref<64x128xf32, #tpu.memory_space<vmem>>) offsets(%dma_start3A_107 : memref<64xi32, #tpu.memory_space<vmem>>) semaphore(%arg15 : memref<!tpu.dma_semaphore, #tpu.memory_space<semaphore_mem>>)
        } else {
        }
      } else {
      }
      %eq3A_89 = arith.constant 3 : i32
      %eq3A_90 = arith.cmpi eq, %and3A_74, %eq3A_89 : i32
      %convert_element_type3A_91 = arith.extui %eq3A_90 : i1 to i32
      %cond3A_92 = arith.constant 0 : i32
      %cond3A_93 = arith.cmpi ne, %convert_element_type3A_91, %cond3A_92 : i32
      scf.if %cond3A_93 {
        %dma_wait3A = arith.constant 0 : i32
        %dma_wait3A_94 = tpu.memref_slice %arg7[%while3A_73, %dma_wait3A] : memref<164x64xi32, #tpu.memory_space<vmem>> -> memref<1x64xi32, #tpu.memory_space<vmem>>
        %dma_wait3A_95 = tpu.memref_squeeze %dma_wait3A_94 : memref<1x64xi32, #tpu.memory_space<vmem>> -> memref<64xi32, #tpu.memory_space<vmem>>
        %dma_wait3A_96 = arith.constant 0 : i32
        %dma_wait3A_97 = arith.constant 0 : i32
        %dma_wait3A_98 = tpu.memref_slice %arg3[%dma_wait3A_96, %dma_wait3A_97] : memref<20096x128xf32, #tpu.memory_space<hbm>> -> memref<20096x128xf32, #tpu.memory_space<hbm>>
        tpu.wait_indirect_dma semaphore(%arg16 : memref<!tpu.dma_semaphore, #tpu.memory_space<semaphore_mem>>) src(%dma_wait3A_98 : memref<20096x128xf32, #tpu.memory_space<hbm>>) dst(%arg12 : memref<64x128xf32, #tpu.memory_space<vmem>>)
        "tpu.region"() ({
          %run_scoped3A = tpu.sem_alloc : memref<!tpu.dma_semaphore, #tpu.memory_space<semaphore_mem>>
          %dma_start3A = arith.constant 0 : i32
          %dma_start3A_104 = tpu.memref_slice %arg8[%while3A_73, %dma_start3A] : memref<164x64xi32, #tpu.memory_space<vmem>> -> memref<1x64xi32, #tpu.memory_space<vmem>>
          %dma_start3A_105 = tpu.memref_squeeze %dma_start3A_104 : memref<1x64xi32, #tpu.memory_space<vmem>> -> memref<64xi32, #tpu.memory_space<vmem>>
          %dma_start3A_106 = arith.constant 0 : i32
          %dma_start3A_107 = arith.constant 0 : i32
          %dma_start3A_108 = tpu.memref_slice %arg17[%dma_start3A_106, %dma_start3A_107] : memref<4096x128xf32, #tpu.memory_space<vmem_shared>> -> memref<4096x128xf32, #tpu.memory_space<vmem_shared>>
          tpu.enqueue_indirect_dma source(%arg12 : memref<64x128xf32, #tpu.memory_space<vmem>>) target(%dma_start3A_108 : memref<4096x128xf32, #tpu.memory_space<vmem_shared>>) offsets(%dma_start3A_105 : memref<64xi32, #tpu.memory_space<vmem>>) semaphore(%run_scoped3A : memref<!tpu.dma_semaphore, #tpu.memory_space<semaphore_mem>>) {add = true}
          %dma_wait3A_109 = arith.constant 0 : i32
          %dma_wait3A_110 = tpu.memref_slice %arg8[%while3A_73, %dma_wait3A_109] : memref<164x64xi32, #tpu.memory_space<vmem>> -> memref<1x64xi32, #tpu.memory_space<vmem>>
          %dma_wait3A_111 = tpu.memref_squeeze %dma_wait3A_110 : memref<1x64xi32, #tpu.memory_space<vmem>> -> memref<64xi32, #tpu.memory_space<vmem>>
          %dma_wait3A_112 = arith.constant 0 : i32
          %dma_wait3A_113 = arith.constant 0 : i32
          %dma_wait3A_114 = tpu.memref_slice %arg17[%dma_wait3A_112, %dma_wait3A_113] : memref<4096x128xf32, #tpu.memory_space<vmem_shared>> -> memref<4096x128xf32, #tpu.memory_space<vmem_shared>>
          tpu.wait_indirect_dma semaphore(%run_scoped3A : memref<!tpu.dma_semaphore, #tpu.memory_space<semaphore_mem>>) src(%arg12 : memref<64x128xf32, #tpu.memory_space<vmem>>) dst(%dma_wait3A_114 : memref<4096x128xf32, #tpu.memory_space<vmem_shared>>)
          tpu.yield
        }) : () -> ()
        %add3A_99 = arith.constant 4 : i32
        %add3A_100 = arith.addi %while3A_73, %add3A_99 : i32
        %lt3A = arith.cmpi slt, %add3A_100, %shift_right_logical3A_41 : i32
        %convert_element_type3A_101 = arith.extui %lt3A : i1 to i32
        %cond3A_102 = arith.constant 0 : i32
        %cond3A_103 = arith.cmpi ne, %convert_element_type3A_101, %cond3A_102 : i32
        scf.if %cond3A_103 {
          %add3A_104 = arith.constant 4 : i32
          %add3A_105 = arith.addi %while3A_73, %add3A_104 : i32
          %dma_start3A = arith.constant 0 : i32
          %dma_start3A_106 = tpu.memref_slice %arg7[%add3A_105, %dma_start3A] : memref<164x64xi32, #tpu.memory_space<vmem>> -> memref<1x64xi32, #tpu.memory_space<vmem>>
          %dma_start3A_107 = tpu.memref_squeeze %dma_start3A_106 : memref<1x64xi32, #tpu.memory_space<vmem>> -> memref<64xi32, #tpu.memory_space<vmem>>
          %dma_start3A_108 = arith.constant 0 : i32
          %dma_start3A_109 = arith.constant 0 : i32
          %dma_start3A_110 = tpu.memref_slice %arg3[%dma_start3A_108, %dma_start3A_109] : memref<20096x128xf32, #tpu.memory_space<hbm>> -> memref<20096x128xf32, #tpu.memory_space<hbm>>
          tpu.enqueue_indirect_dma source(%dma_start3A_110 : memref<20096x128xf32, #tpu.memory_space<hbm>>) target(%arg12 : memref<64x128xf32, #tpu.memory_space<vmem>>) offsets(%dma_start3A_107 : memref<64xi32, #tpu.memory_space<vmem>>) semaphore(%arg16 : memref<!tpu.dma_semaphore, #tpu.memory_space<semaphore_mem>>)
        } else {
        }
      } else {
      }
    }
    %delay3A = arith.constant 2048 : i32
    tpu.delay %delay3A
    %barrier3A_68 = arith.constant 0 : index
    tpu.barrier barrier_id(%barrier3A_68)
    %mul3A_69 = arith.constant 256 : i32
    %mul3A_70 = arith.muli %arg1, %mul3A_69 : i32
    %mul3A_71 = arith.constant 256 : i32
    %mul3A_72 = arith.muli %arg1, %mul3A_71 : i32
    "tpu.region"() ({
      %run_scoped3A = tpu.sem_alloc : memref<!tpu.dma_semaphore, #tpu.memory_space<semaphore_mem>>
      %dma_start3A = arith.constant 0 : i32
      %dma_start3A_73 = tpu.memref_slice %arg4[%arg0, %mul3A_72, %dma_start3A] : memref<2x4096x128xf32, #tpu.memory_space<hbm>> -> memref<1x256x128xf32, #tpu.memory_space<hbm>>
      %dma_start3A_74 = tpu.memref_squeeze %dma_start3A_73 : memref<1x256x128xf32, #tpu.memory_space<hbm>> -> memref<256x128xf32, #tpu.memory_space<hbm>>
      %dma_start3A_75 = arith.constant 0 : i32
      %dma_start3A_76 = tpu.memref_slice %arg17[%mul3A_70, %dma_start3A_75] : memref<4096x128xf32, #tpu.memory_space<vmem_shared>> -> memref<256x128xf32, #tpu.memory_space<vmem_shared>>
      tpu.enqueue_dma source(%dma_start3A_76 : memref<256x128xf32, #tpu.memory_space<vmem_shared>>) target(%dma_start3A_74 : memref<256x128xf32, #tpu.memory_space<hbm>>) target_semaphore(%run_scoped3A : memref<!tpu.dma_semaphore, #tpu.memory_space<semaphore_mem>>)
      %dma_wait3A = arith.constant 0 : i32
      %dma_wait3A_77 = tpu.memref_slice %arg4[%arg0, %mul3A_72, %dma_wait3A] : memref<2x4096x128xf32, #tpu.memory_space<hbm>> -> memref<1x256x128xf32, #tpu.memory_space<hbm>>
      %dma_wait3A_78 = tpu.memref_squeeze %dma_wait3A_77 : memref<1x256x128xf32, #tpu.memory_space<hbm>> -> memref<256x128xf32, #tpu.memory_space<hbm>>
      %dma_wait3A_79 = arith.constant 0 : i32
      %dma_wait3A_80 = tpu.memref_slice %arg17[%mul3A_70, %dma_wait3A_79] : memref<4096x128xf32, #tpu.memory_space<vmem_shared>> -> memref<256x128xf32, #tpu.memory_space<vmem_shared>>
      tpu.wait_dma2 semaphore(%run_scoped3A : memref<!tpu.dma_semaphore, #tpu.memory_space<semaphore_mem>>) src(%dma_wait3A_80 : memref<256x128xf32, #tpu.memory_space<vmem_shared>>) dst(%dma_wait3A_78 : memref<256x128xf32, #tpu.memory_space<hbm>>)
      tpu.yield
    }) : () -> ()
    return
  }
}

module attributes {stable_mosaic.version = 14 : i64} {
  func.func @_tc_scale_body(%arg0: i32, %arg1: memref<128x128xf32, #tpu.memory_space<vmem>>, %arg2: memref<128x1xf32, #tpu.memory_space<vmem>>, %arg3: memref<128x128xf32, #tpu.memory_space<vmem>>) attributes {dimension_semantics = [#tpu.dimension_semantics<arbitrary>], iteration_bounds = array<i64: 157>, scalar_prefetch = 0 : i64, scratch_operands = 0 : i64, tpu.core_type = #tpu.core_type<tc>, window_params = [{transform_indices = @transform_0, window_bounds = array<i64: 128, 128>}, {transform_indices = @transform_1, window_bounds = array<i64: 128, 1>}, {transform_indices = @transform_2, window_bounds = array<i64: 128, 128>}]} {
    %get3A = arith.constant 0 : index
    %get3A_0 = arith.constant 0 : index
    %get3A_1 = vector.load %arg1[%get3A, %get3A_0] : memref<128x128xf32, #tpu.memory_space<vmem>>, vector<128x128xf32>
    %get3A_2 = arith.constant 0 : index
    %get3A_3 = arith.constant 0 : index
    %get3A_4 = vector.load %arg2[%get3A_2, %get3A_3] : memref<128x1xf32, #tpu.memory_space<vmem>>, vector<128x1xf32>
    %gt3A = arith.constant 0.000000e+00 : f32
    %gt3A_5 = vector.broadcast %gt3A : f32 to vector<128x1xf32>
    %gt3A_6 = arith.cmpf ogt, %get3A_4, %gt3A_5 : vector<128x1xf32>
    %rsqrt3A = math.rsqrt %get3A_4 : vector<128x1xf32>
    %broadcast_in_dim3A = arith.constant 0.000000e+00 : f32
    %broadcast_in_dim3A_7 = vector.broadcast %broadcast_in_dim3A : f32 to vector<128x1xf32>
    %select_n3A = arith.select %gt3A_6, %rsqrt3A, %broadcast_in_dim3A_7 : vector<128x1xi1>, vector<128x1xf32>
    %mul3A = vector.broadcast %select_n3A : vector<128x1xf32> to vector<128x128xf32>
    %mul3A_8 = arith.mulf %get3A_1, %mul3A : vector<128x128xf32>
    %swap3A = arith.constant 0 : index
    %swap3A_9 = arith.constant 0 : index
    %swap3A_10 = vector.load %arg3[%swap3A, %swap3A_9] : memref<128x128xf32, #tpu.memory_space<vmem>>, vector<128x128xf32>
    tpu.vector_store %arg3[%swap3A, %swap3A_9], %mul3A_8 {strides = array<i32>} : memref<128x128xf32, #tpu.memory_space<vmem>>, vector<128x128xf32>,
    return
  }
  func.func @transform_0(%arg0: i32) -> (i32, i32) {
    %c0_i32 = arith.constant 0 : i32
    %c0_i32_0 = arith.constant 0 : i32
    return %arg0, %c0_i32 : i32, i32
  }
  func.func @transform_1(%arg0: i32) -> (i32, i32) {
    %c0_i32 = arith.constant 0 : i32
    %c0_i32_0 = arith.constant 0 : i32
    return %arg0, %c0_i32 : i32, i32
  }
  func.func @transform_2(%arg0: i32) -> (i32, i32) {
    %c0_i32 = arith.constant 0 : i32
    %c0_i32_0 = arith.constant 0 : i32
    return %arg0, %c0_i32 : i32, i32
  }
}

module attributes {stable_mosaic.version = 14 : i64} {
  func.func @_tc_mid_body(%arg0: i32, %arg1: memref<2x400x128xf32, #tpu.memory_space<vmem>>, %arg2: memref<400x1xf32, #tpu.memory_space<vmem>>, %arg3: memref<400x1xf32, #tpu.memory_space<vmem>>, %arg4: memref<128x256xf32, #tpu.memory_space<vmem>>, %arg5: memref<1x256xf32, #tpu.memory_space<vmem>>, %arg6: memref<256x64xf32, #tpu.memory_space<vmem>>, %arg7: memref<400x64xf32, #tpu.memory_space<vmem>>) attributes {dimension_semantics = [#tpu.dimension_semantics<arbitrary>], iteration_bounds = array<i64: 10>, scalar_prefetch = 0 : i64, scratch_operands = 0 : i64, tpu.core_type = #tpu.core_type<tc>, window_params = [{transform_indices = @transform_0, window_bounds = array<i64: 2, 400, 128>}, {transform_indices = @transform_1, window_bounds = array<i64: 400, 1>}, {transform_indices = @transform_2, window_bounds = array<i64: 400, 1>}, {pipeline_mode = #tpu.pipeline_mode<synchronous>, transform_indices = @transform_3, window_bounds = array<i64: 128, 256>}, {pipeline_mode = #tpu.pipeline_mode<synchronous>, transform_indices = @transform_4, window_bounds = array<i64: 1, 256>}, {pipeline_mode = #tpu.pipeline_mode<synchronous>, transform_indices = @transform_5, window_bounds = array<i64: 256, 64>}, {transform_indices = @transform_6, window_bounds = array<i64: 400, 64>}]} {
    %get3A = arith.constant 0 : index
    %get3A_0 = arith.constant 0 : index
    %get3A_1 = arith.constant 0 : index
    %get3A_2 = vector.load %arg1[%get3A, %get3A_0, %get3A_1] : memref<2x400x128xf32, #tpu.memory_space<vmem>>, vector<2x400x128xf32>
    %slice3A = vector.extract_strided_slice %get3A_2 {offsets = [0, 0, 0], sizes = [1, 400, 128], strides = [1, 1, 1]} : vector<2x400x128xf32> to vector<1x400x128xf32>
    %squeeze3A = vector.shape_cast %slice3A : vector<1x400x128xf32> to vector<400x128xf32>
    %slice3A_3 = vector.extract_strided_slice %get3A_2 {offsets = [1, 0, 0], sizes = [1, 400, 128], strides = [1, 1, 1]} : vector<2x400x128xf32> to vector<1x400x128xf32>
    %squeeze3A_4 = vector.shape_cast %slice3A_3 : vector<1x400x128xf32> to vector<400x128xf32>
    %add3A = arith.addf %squeeze3A, %squeeze3A_4 : vector<400x128xf32>
    %get3A_5 = arith.constant 0 : index
    %get3A_6 = arith.constant 0 : index
    %get3A_7 = vector.load %arg2[%get3A_5, %get3A_6] : memref<400x1xf32, #tpu.memory_space<vmem>>, vector<400x1xf32>
    %gt3A = arith.constant 0.000000e+00 : f32
    %gt3A_8 = vector.broadcast %gt3A : f32 to vector<400x1xf32>
    %gt3A_9 = arith.cmpf ogt, %get3A_7, %gt3A_8 : vector<400x1xf32>
    %rsqrt3A = math.rsqrt %get3A_7 : vector<400x1xf32>
    %broadcast_in_dim3A = arith.constant 0.000000e+00 : f32
    %broadcast_in_dim3A_10 = vector.broadcast %broadcast_in_dim3A : f32 to vector<400x1xf32>
    %select_n3A = arith.select %gt3A_9, %rsqrt3A, %broadcast_in_dim3A_10 : vector<400x1xi1>, vector<400x1xf32>
    %mul3A = vector.broadcast %select_n3A : vector<400x1xf32> to vector<400x128xf32>
    %mul3A_11 = arith.mulf %add3A, %mul3A : vector<400x128xf32>
    %get3A_12 = arith.constant 0 : index
    %get3A_13 = arith.constant 0 : index
    %get3A_14 = vector.load %arg4[%get3A_12, %get3A_13] : memref<128x256xf32, #tpu.memory_space<vmem>>, vector<128x256xf32>
    %dot_general3A = arith.constant dense<0.000000e+00> : vector<400x256xf32>
    %dot_general3A_15 = tpu.matmul %mul3A_11, %get3A_14, %dot_general3A {dimension_numbers = #tpu.dot_dimension_numbers<[1], [0], [0], [1], [0, 0, 1, 1], [], []>, transpose_lhs_hint = false} : vector<400x128xf32>, vector<128x256xf32>, vector<400x256xf32> -> vector<400x256xf32>
    %get3A_16 = arith.constant 0 : index
    %get3A_17 = arith.constant 0 : index
    %get3A_18 = vector.load %arg5[%get3A_16, %get3A_17] : memref<1x256xf32, #tpu.memory_space<vmem>>, vector<1x256xf32>
    %add3A_19 = vector.broadcast %get3A_18 : vector<1x256xf32> to vector<400x256xf32>
    %add3A_20 = arith.addf %dot_general3A_15, %add3A_19 : vector<400x256xf32>
    %max3A = arith.constant 0.000000e+00 : f32
    %max3A_21 = vector.broadcast %max3A : f32 to vector<400x256xf32>
    %max3A_22 = arith.maximumf %add3A_20, %max3A_21 : vector<400x256xf32>
    %get3A_23 = arith.constant 0 : index
    %get3A_24 = arith.constant 0 : index
    %get3A_25 = vector.load %arg3[%get3A_23, %get3A_24] : memref<400x1xf32, #tpu.memory_space<vmem>>, vector<400x1xf32>
    %gt3A_26 = arith.constant 0.000000e+00 : f32
    %gt3A_27 = vector.broadcast %gt3A_26 : f32 to vector<400x1xf32>
    %gt3A_28 = arith.cmpf ogt, %get3A_25, %gt3A_27 : vector<400x1xf32>
    %rsqrt3A_29 = math.rsqrt %get3A_25 : vector<400x1xf32>
    %broadcast_in_dim3A_30 = arith.constant 0.000000e+00 : f32
    %broadcast_in_dim3A_31 = vector.broadcast %broadcast_in_dim3A_30 : f32 to vector<400x1xf32>
    %select_n3A_32 = arith.select %gt3A_28, %rsqrt3A_29, %broadcast_in_dim3A_31 : vector<400x1xi1>, vector<400x1xf32>
    %mul3A_33 = vector.broadcast %select_n3A_32 : vector<400x1xf32> to vector<400x256xf32>
    %mul3A_34 = arith.mulf %max3A_22, %mul3A_33 : vector<400x256xf32>
    %get3A_35 = arith.constant 0 : index
    %get3A_36 = arith.constant 0 : index
    %get3A_37 = vector.load %arg6[%get3A_35, %get3A_36] : memref<256x64xf32, #tpu.memory_space<vmem>>, vector<256x64xf32>
    %dot_general3A_38 = arith.constant dense<0.000000e+00> : vector<400x64xf32>
    %dot_general3A_39 = tpu.matmul %mul3A_34, %get3A_37, %dot_general3A_38 {dimension_numbers = #tpu.dot_dimension_numbers<[1], [0], [0], [1], [0, 0, 1, 1], [], []>, transpose_lhs_hint = false} : vector<400x256xf32>, vector<256x64xf32>, vector<400x64xf32> -> vector<400x64xf32>
    %swap3A = arith.constant 0 : index
    %swap3A_40 = arith.constant 0 : index
    %swap3A_41 = vector.load %arg7[%swap3A, %swap3A_40] : memref<400x64xf32, #tpu.memory_space<vmem>>, vector<400x64xf32>
    tpu.vector_store %arg7[%swap3A, %swap3A_40], %dot_general3A_39 {strides = array<i32>} : memref<400x64xf32, #tpu.memory_space<vmem>>, vector<400x64xf32>,
    return
  }
  func.func @transform_0(%arg0: i32) -> (i32, i32, i32) {
    %c0_i32 = arith.constant 0 : i32
    %c0_i32_0 = arith.constant 0 : i32
    %c0_i32_1 = arith.constant 0 : i32
    return %c0_i32, %arg0, %c0_i32_0 : i32, i32, i32
  }
  func.func @transform_1(%arg0: i32) -> (i32, i32) {
    %c0_i32 = arith.constant 0 : i32
    %c0_i32_0 = arith.constant 0 : i32
    return %arg0, %c0_i32 : i32, i32
  }
  func.func @transform_2(%arg0: i32) -> (i32, i32) {
    %c0_i32 = arith.constant 0 : i32
    %c0_i32_0 = arith.constant 0 : i32
    return %arg0, %c0_i32 : i32, i32
  }
  func.func @transform_3(%arg0: i32) -> (i32, i32) {
    %c0_i32 = arith.constant 0 : i32
    %c0_i32_0 = arith.constant 0 : i32
    %c0_i32_1 = arith.constant 0 : i32
    return %c0_i32, %c0_i32_0 : i32, i32
  }
  func.func @transform_4(%arg0: i32) -> (i32, i32) {
    %c0_i32 = arith.constant 0 : i32
    %c0_i32_0 = arith.constant 0 : i32
    %c0_i32_1 = arith.constant 0 : i32
    return %c0_i32, %c0_i32_0 : i32, i32
  }
  func.func @transform_5(%arg0: i32) -> (i32, i32) {
    %c0_i32 = arith.constant 0 : i32
    %c0_i32_0 = arith.constant 0 : i32
    %c0_i32_1 = arith.constant 0 : i32
    return %c0_i32, %c0_i32_0 : i32, i32
  }
  func.func @transform_6(%arg0: i32) -> (i32, i32) {
    %c0_i32 = arith.constant 0 : i32
    %c0_i32_0 = arith.constant 0 : i32
    return %arg0, %c0_i32 : i32, i32
  }
}

module attributes {stable_mosaic.version = 14 : i64} {
  func.func @_tc_out_body(%arg0: i32, %arg1: memref<2x400x64xf32, #tpu.memory_space<vmem>>, %arg2: memref<400x1xf32, #tpu.memory_space<vmem>>, %arg3: memref<1x64xf32, #tpu.memory_space<vmem>>, %arg4: memref<400x47xf32, #tpu.memory_space<vmem>>) attributes {dimension_semantics = [#tpu.dimension_semantics<arbitrary>], iteration_bounds = array<i64: 10>, scalar_prefetch = 0 : i64, scratch_operands = 0 : i64, tpu.core_type = #tpu.core_type<tc>, window_params = [{transform_indices = @transform_0, window_bounds = array<i64: 2, 400, 64>}, {transform_indices = @transform_1, window_bounds = array<i64: 400, 1>}, {pipeline_mode = #tpu.pipeline_mode<synchronous>, transform_indices = @transform_2, window_bounds = array<i64: 1, 64>}, {transform_indices = @transform_3, window_bounds = array<i64: 400, 47>}]} {
    %get3A = arith.constant 0 : index
    %get3A_0 = arith.constant 0 : index
    %get3A_1 = arith.constant 0 : index
    %get3A_2 = vector.load %arg1[%get3A, %get3A_0, %get3A_1] : memref<2x400x64xf32, #tpu.memory_space<vmem>>, vector<2x400x64xf32>
    %slice3A = vector.extract_strided_slice %get3A_2 {offsets = [0, 0, 0], sizes = [1, 400, 64], strides = [1, 1, 1]} : vector<2x400x64xf32> to vector<1x400x64xf32>
    %squeeze3A = vector.shape_cast %slice3A : vector<1x400x64xf32> to vector<400x64xf32>
    %slice3A_3 = vector.extract_strided_slice %get3A_2 {offsets = [1, 0, 0], sizes = [1, 400, 64], strides = [1, 1, 1]} : vector<2x400x64xf32> to vector<1x400x64xf32>
    %squeeze3A_4 = vector.shape_cast %slice3A_3 : vector<1x400x64xf32> to vector<400x64xf32>
    %add3A = arith.addf %squeeze3A, %squeeze3A_4 : vector<400x64xf32>
    %get3A_5 = arith.constant 0 : index
    %get3A_6 = arith.constant 0 : index
    %get3A_7 = vector.load %arg2[%get3A_5, %get3A_6] : memref<400x1xf32, #tpu.memory_space<vmem>>, vector<400x1xf32>
    %gt3A = arith.constant 0.000000e+00 : f32
    %gt3A_8 = vector.broadcast %gt3A : f32 to vector<400x1xf32>
    %gt3A_9 = arith.cmpf ogt, %get3A_7, %gt3A_8 : vector<400x1xf32>
    %rsqrt3A = math.rsqrt %get3A_7 : vector<400x1xf32>
    %broadcast_in_dim3A = arith.constant 0.000000e+00 : f32
    %broadcast_in_dim3A_10 = vector.broadcast %broadcast_in_dim3A : f32 to vector<400x1xf32>
    %select_n3A = arith.select %gt3A_9, %rsqrt3A, %broadcast_in_dim3A_10 : vector<400x1xi1>, vector<400x1xf32>
    %mul3A = vector.broadcast %select_n3A : vector<400x1xf32> to vector<400x64xf32>
    %mul3A_11 = arith.mulf %add3A, %mul3A : vector<400x64xf32>
    %get3A_12 = arith.constant 0 : index
    %get3A_13 = arith.constant 0 : index
    %get3A_14 = vector.load %arg3[%get3A_12, %get3A_13] : memref<1x64xf32, #tpu.memory_space<vmem>>, vector<1x64xf32>
    %add3A_15 = vector.broadcast %get3A_14 : vector<1x64xf32> to vector<400x64xf32>
    %add3A_16 = arith.addf %mul3A_11, %add3A_15 : vector<400x64xf32>
    %iota3A = tpu.iota {dimensions = array<i32: 1>} : vector<400x64xi32>
    %lt3A = arith.constant 47 : i32
    %lt3A_17 = vector.broadcast %lt3A : i32 to vector<400x64xi32>
    %lt3A_18 = arith.cmpi slt, %iota3A, %lt3A_17 : vector<400x64xi32>
    %jit3A = arith.constant 0xFF800000 : f32
    %broadcast_in_dim3A_19 = vector.broadcast %jit3A : f32 to vector<400x64xf32>
    %select_n3A_20 = arith.select %lt3A_18, %add3A_16, %broadcast_in_dim3A_19 : vector<400x64xi1>, vector<400x64xf32>
    %reduce_max3A = arith.constant dense<0xFF800000> : vector<400xf32>
    %reduce_max3A_21 = vector.multi_reduction <maximumf>, %select_n3A_20, %reduce_max3A [1] : vector<400x64xf32> to vector<400xf32>
    %broadcast_in_dim3A_22 = vector.shape_cast %reduce_max3A_21 : vector<400xf32> to vector<400x1xf32>
    %sub3A = vector.broadcast %broadcast_in_dim3A_22 : vector<400x1xf32> to vector<400x64xf32>
    %sub3A_23 = arith.subf %select_n3A_20, %sub3A : vector<400x64xf32>
    %exp3A = math.exp %sub3A_23 : vector<400x64xf32>
    %reduce_sum3A = arith.constant dense<0.000000e+00> : vector<400xf32>
    %reduce_sum3A_24 = vector.multi_reduction <add>, %exp3A, %reduce_sum3A [1] : vector<400x64xf32> to vector<400xf32>
    %broadcast_in_dim3A_25 = vector.shape_cast %reduce_sum3A_24 : vector<400xf32> to vector<400x1xf32>
    %log3A = math.log %broadcast_in_dim3A_25 : vector<400x1xf32>
    %add3A_26 = arith.addf %log3A, %broadcast_in_dim3A_22 : vector<400x1xf32>
    %sub3A_27 = vector.broadcast %add3A_26 : vector<400x1xf32> to vector<400x64xf32>
    %sub3A_28 = arith.subf %add3A_16, %sub3A_27 : vector<400x64xf32>
    %slice3A_29 = vector.extract_strided_slice %sub3A_28 {offsets = [0, 0], sizes = [400, 47], strides = [1, 1]} : vector<400x64xf32> to vector<400x47xf32>
    %swap3A = arith.constant 0 : index
    %swap3A_30 = arith.constant 0 : index
    %swap3A_31 = vector.load %arg4[%swap3A, %swap3A_30] : memref<400x47xf32, #tpu.memory_space<vmem>>, vector<400x47xf32>
    tpu.vector_store %arg4[%swap3A, %swap3A_30], %slice3A_29 {strides = array<i32>} : memref<400x47xf32, #tpu.memory_space<vmem>>, vector<400x47xf32>,
    return
  }
  func.func @transform_0(%arg0: i32) -> (i32, i32, i32) {
    %c0_i32 = arith.constant 0 : i32
    %c0_i32_0 = arith.constant 0 : i32
    %c0_i32_1 = arith.constant 0 : i32
    return %c0_i32, %arg0, %c0_i32_0 : i32, i32, i32
  }
  func.func @transform_1(%arg0: i32) -> (i32, i32) {
    %c0_i32 = arith.constant 0 : i32
    %c0_i32_0 = arith.constant 0 : i32
    return %arg0, %c0_i32 : i32, i32
  }
  func.func @transform_2(%arg0: i32) -> (i32, i32) {
    %c0_i32 = arith.constant 0 : i32
    %c0_i32_0 = arith.constant 0 : i32
    %c0_i32_1 = arith.constant 0 : i32
    return %c0_i32, %c0_i32_0 : i32, i32
  }
  func.func @transform_3(%arg0: i32) -> (i32, i32) {
    %c0_i32 = arith.constant 0 : i32
    %c0_i32_0 = arith.constant 0 : i32
    return %arg0, %c0_i32 : i32, i32
  }
}

</mosaic_0001>

<sc_bundles>
// kernel: kernel.11.cloned.1.call-start
scs
__scs_entry_jumppad:
0x0: {  	(pc) =	sbr.rel $0x88, $3  }
0x1: {  	(tag) =	ssettag $0x0;
	lr =	simm.s32 $0x1  }
0x2: {  	[smem:$0x3F9A] =	sst lr;
	_ =	strace $0xD0000000  }
0x3: {  	_ = 	snop  }
0x4: {  	_ = 	snop  }
0x5: {  	_ = 	snop  }
0x6: {  	_ = 	snop  }
0x7: {  	_ = 	snop  }
__scs_overlays_trampoline_lowered:
0x8: {  	[smem:$0x3FA9] =	sst s0  }
0x9: {  	[smem:$0x3FAA] =	sst s1  }
0xa: {  	[smem:$0x3FAB] =	sst s2  }
0xb: {  	[smem:$0x3FAC] =	sst s3  }
0xc: {  	[smem:$0x3FAD] =	sst s4  }
0xd: {  	[smem:$0x3FAE] =	sst s5  }
0xe: {  	[smem:$0x3FAF] =	sst s6  }
0xf: {  	[smem:$0x3FB0] =	sst s7  }
0x10: {  	[smem:$0x3FB1] =	sst s8  }
0x11: {  	[smem:$0x3FB2] =	sst s9;
	s0 =	simm.s32 @!p0 $0x0  }
0x12: {  	s1 =	sld [smem:$0x3F98];
	s0 =	simm.s32 @p0 $0x1  }
0x13: {  	[smem:$0x3FB3] =	sst s0;
	s0 =	simm.s32 @!p1 $0x0  }
0x14: {  	s2 =	sld [smem:$0x3F97];
	s0 =	simm.s32 @p1 $0x1  }
0x15: {  	[smem:$0x3FB4] =	sst s0;
	s0 =	simm.s32 @!p2 $0x0  }
0x16: {  	s3 =	sld [smem:$0x3FDB];
	s0 =	simm.s32 @p2 $0x1  }
0x17: {  	s4 =	simm.s32 $0x1BF5;
	[smem:$0x3FB6] =	sst s0  }
0x18: {  	s0 =	sld [smem:$0x3F99];
	_ =	swait.ge [sflag:s4], $0x0  }
0x19: {  	s7 =	sld [smem:$0x3F9A]  }
0x1a: {  	s8 =	sadd.s32 $0xFFFFE003, lr  }
0x1b: {  	s9 =	sadd.s32 $0xFFFFFEF7, lr;
	s5 =	simm.s32 $0xFFFFFFFF;
	p2 =	slt.u32 s8, $0xFFFFF086  }
0x1c: {  	p1 =	slt.u32 s9, $0xF7A;
	s5 =	simm.s32 @!p2 $0x0  }
0x1d: {  	s5 =	simm.s32 @p1 $0x1;
	p0 =	seq.s32 s7, s2  }
0x1e: {  	s7 =	smul.u32 @!p0 $0xF7A, s2;
	p2 =	seq.s32 @!p0 s5, $0x0  }
0x1f: {  	s9 =	smul.u32 $0xF7A, s1;
	s8 =	simm.s32 @!p0 $0x1BF5;
	p2 =	por !p2, p0  }
0x20: {  	[sflag:s8] =	ssyncset.s32 @!p0 $0xFFFFF086;
	s6 =	sadd.s32 @!p0 s3, s7;
	s7 =	simm.s32 @!p0 $0x108  }
0x21: {  	s3 =	sadd.s32 s3, s9;
	s6 =	sadd.s32 @!p0 $0x88, s6;
	s7 =	simm.s32 @p2 $0x1082  }
0x22: {  	[simem:s7], [sflag:s8] =	dma.local @!p0 [hbm:s6], $0xF7A  }
0x23: {  	s9 =	sor.u32 $0xD0000000, s2;
	s6 =	simm.s32 $0x108;
	_ =	swait.ge @!p0 [sflag:s8], $0x0  }
0x24: {  	s3 =	sadd.s32 $0x88, s3;
	s6 =	simm.s32 @!p1 $0x1082;
	[sflag:s4] =	ssyncset.s32 $0xFFFFF086  }
0x25: {  	[simem:s6], [sflag:s4] =	dma.local [hbm:s3], $0xF7A  }
0x26: {  	[smem:$0x3F9A] =	sst s1;
	(tag) =	ssettag s2;
	_ =	strace s9  }
0x27: {  	s1 =	sld [smem:$0x3FAA]  }
0x28: {  	s2 =	sld [smem:$0x3FAB]  }
0x29: {  	s4 =	sld [smem:$0x3FAD]  }
0x2a: {  	p0 =	seq.s32 s5, $0x0;
	s5 =	sld [smem:$0x3FAE]  }
0x2b: {  	s6 =	sld [smem:$0x3FAF]  }
0x2c: {  	s7 =	sld [smem:$0x3FB0]  }
0x2d: {  	s3 =	simm.s32 $0x108;
	s8 =	sld [smem:$0x3FB1]  }
0x2e: {  	s3 =	simm.s32 @!p0 $0x1082;
	s9 =	sld [smem:$0x3FB2]  }
0x2f: {  	lr =	sadd.s32 s0, s3;
	s0 =	sld [smem:$0x3FA9]  }
0x30: {  	s3 =	sld [smem:$0x3FAC]  }
0x31: {  	[smem:$0x3FB5] =	sst s10  }
0x32: {  	s10 =	sld [smem:$0x3FB3];
	_ =	sdelay $0x3  }
0x33: {  	p0 =	seq.s32 s10, $0x1;
	s10 =	sld [smem:$0x3FB5];
	_ =	sdelay $0x3  }
0x34: {  	[smem:$0x3FB5] =	sst s10  }
0x35: {  	s10 =	sld [smem:$0x3FB4];
	_ =	sdelay $0x3  }
0x36: {  	p1 =	seq.s32 s10, $0x1;
	s10 =	sld [smem:$0x3FB5];
	_ =	sdelay $0x3  }
0x37: {  	[smem:$0x3FB5] =	sst s10  }
0x38: {  	s10 =	sld [smem:$0x3FB6]  }
0x39: {  	_ = 	snop;
	(pc) =	sbr.ind lr, $3  }
0x3a: {  	_ = 	snop  }
0x3b: {  	_ = 	snop  }
0x3c: {  	p2 =	seq.s32 s10, $0x1;
	s10 =	sld [smem:$0x3FB5]  }
0x3d: {  	_ =	shalt  }
0x3e: {  	_ =	shalt  }
0x3f: {  	_ =	shalt  }
0x40: {  	_ =	shalt  }
0x41: {  	_ =	shalt  }
0x42: {  	_ =	shalt  }
0x43: {  	_ =	shalt  }
0x44: {  	_ =	shalt  }
0x45: {  	_ =	shalt  }
0x46: {  	_ =	shalt  }
0x47: {  	_ =	shalt  }
0x48: {  	_ =	shalt  }
0x49: {  	_ =	shalt  }
0x4a: {  	_ =	shalt  }
0x4b: {  	_ =	shalt  }
0x4c: {  	_ =	shalt  }
0x4d: {  	_ =	shalt  }
0x4e: {  	_ =	shalt  }
0x4f: {  	_ =	shalt  }
0x50: {  	_ =	shalt  }
0x51: {  	_ =	shalt  }
0x52: {  	_ =	shalt  }
0x53: {  	_ =	shalt  }
0x54: {  	_ =	shalt  }
0x55: {  	_ =	shalt  }
0x56: {  	_ =	shalt  }
0x57: {  	_ =	shalt  }
0x58: {  	_ =	shalt  }
0x59: {  	_ =	shalt  }
0x5a: {  	_ =	shalt  }
0x5b: {  	_ =	shalt  }
0x5c: {  	_ =	shalt  }
0x5d: {  	_ =	shalt  }
0x5e: {  	_ =	shalt  }
0x5f: {  	_ =	shalt  }
0x60: {  	_ =	shalt  }
0x61: {  	_ =	shalt  }
0x62: {  	_ =	shalt  }
0x63: {  	_ =	shalt  }
0x64: {  	_ =	shalt  }
0x65: {  	_ =	shalt  }
0x66: {  	_ =	shalt  }
0x67: {  	_ =	shalt  }
0x68: {  	_ =	shalt  }
0x69: {  	_ =	shalt  }
0x6a: {  	_ =	shalt  }
0x6b: {  	_ =	shalt  }
0x6c: {  	_ =	shalt  }
0x6d: {  	_ =	shalt  }
0x6e: {  	_ =	shalt  }
0x6f: {  	_ =	shalt  }
0x70: {  	_ =	shalt  }
0x71: {  	_ =	shalt  }
0x72: {  	_ =	shalt  }
0x73: {  	_ =	shalt  }
0x74: {  	_ =	shalt  }
0x75: {  	_ =	shalt  }
0x76: {  	_ =	shalt  }
0x77: {  	_ =	shalt  }
0x78: {  	_ =	shalt  }
0x79: {  	_ =	shalt  }
0x7a: {  	_ =	shalt  }
0x7b: {  	_ =	shalt  }
0x7c: {  	_ =	shalt  }
0x7d: {  	_ =	shalt  }
0x7e: {  	_ =	shalt  }
0x7f: {  	_ =	shalt  }
0x80: {  	_ =	shalt  }
0x81: {  	_ =	shalt  }
0x82: {  	_ =	shalt  }
0x83: {  	_ =	shalt  }
0x84: {  	_ =	shalt  }
0x85: {  	_ =	shalt  }
0x86: {  	_ =	shalt  }
0x87: {  	_ =	shalt  }
.Lfunc_end0:
.L_simem_size_0:
called_computation.1_lowered:
.L_overlay_start_0:
0x88: {  	s2 =	sld [smem:$0x3FD9]  }
0x89: {  	s3 =	sld [smem:$0x3FFE];
	_ =	sdelay $0x1  }
0x8a: {  	s1 =	srdreg.scid  }
0x8b: {  	s0 =	sand.u32 $0x1, s1  }
0x8c: {  	s16 =	sshll.u32 s0, $0xA;
	s2 =	sadd.s32 s3, s2  }
0x8d: {  	s2 =	sadd.s32 s2, s16  }
0x8e: {  	[smem:$0x3FC1] =	sst s2  }
0x8f: {  	_ = 	snop  }
0x90: {  	(tm) =	ssettm $0x1  }
0x91: {  	s17 =	sld [smem:$0x3FFB];
	_ =	sdelay $0x3  }
0x92: {  	_ =	strace s17  }
0x93: {  	s2 =	sld [smem:$0x3FFC];
	_ =	sdelay $0x3  }
0x94: {  	_ =	strace s2  }
0x95: {  	s2 =	sld [smem:$0x3FFD];
	_ =	sdelay $0x3  }
0x96: {  	_ =	strace s2  }
0x97: {  	_ =	strace $0x8FFFFFFF  }
0x98: {  	s18 =	sld [smem:$0x3FDB];
	_ =	sdelay $0x1  }
0x99: {  	s19 =	simm.s32 $_scs_section_size  }
0x9a: {  	s4 =	simm.s32 $_size__tile_overlayer_lowered;
	s5 =	simm.s32 $_tile_overlayer_lowered  }
0x9b: {  	s22 =	simm.s32 $0x1BFF;
	s21 =	sshll.u32 s5, $0x1;
	s2 =	sadd.s32 s19, s18  }
0x9c: {  	s6 =	simm.s32 $0x0;
	s20 =	sshll.u32 s4, $0x1;
	s4 =	sadd.s32 s21, s2  }
0x9d: {  	[timem:s6], [sflag:s22] =	dma.local [hbm:s4], s20  }
0x9e: {  	_ =	swait.ge [sflag:s22], s20  }
0x9f: {  	s3 =	ssub.s32 $0x0, s20;
	[sflag:s22] =	ssyncset.done $0x0  }
0xa0: {  	[sflag:s22] =	ssyncadd.s32 s3;
	_ =	sdelay $0x1  }
0xa1: {  	s23 =	simm.s32 $0x1B8B  }
0xa2: {  	_ =	swait.ge [sflag:s23], $0x1  }
0xa3: {  	[sflag:s23] =	ssyncset.done $0x0  }
0xa4: {  	s25 =	simm.s32 $0x1B8E;
	s24 =	sld [smem:$0x3FFE];
	[sflag:s23] =	ssyncadd.s32 $0xFFFFFFFF  }
0xa5: {  	s26 =	simm.s32 $execute0_lowered;
	[smem:$0x3FD2] =	sst s25  }
0xa6: {  	s4 =	sshll.u32 s26, $0x1;
	_ =	strace $0x80000049;
	[dreg:$0x1] =	wrdreg $0xFFFFFFFF  }
0xa7: {  	s28 =	simm.s32 $_size_execute0_lowered;
	s2 =	sadd.s32 s2, s4;
	[dreg:$0x0] =	wrdreg $0x0  }
0xa8: {  	s4 =	sshll.u32 s28, $0x1;
	[dreg:$0x2] =	wrdreg s2  }
0xa9: {  	[dreg:$0x3] =	wrdreg s4  }
0xaa: {  	[dreg:$0x4] =	wrdreg $0xC0  }
0xab: {  	_ =	task [dreg:s6], $0x5FFFF  }
0xac: {  	[dreg:$0x1] =	wrdreg $0xFFFFFFFF  }
0xad: {  	[dreg:$0x0] =	wrdreg $0x60  }
0xae: {  	[dreg:$0x2] =	wrdreg s24  }
0xaf: {  	[dreg:$0x3] =	wrdreg $0x177000  }
0xb0: {  	[dreg:$0x4] =	wrdreg $0x9  }
0xb1: {  	_ =	task.clear_ibuf [dreg:s6], $0x5FFFF;
	_ =	strace $0x90000049  }
0xb2: {  	s29 =	simm.s32 $0x9;
	_ =	strace $0x8000004B  }
0xb3: {  	_ =	swait.ge [sflag:s29], $0x1  }
0xb4: {  	[sflag:s29] =	ssyncadd.s32 $0xFFFFFFFF  }
0xb5: {  	_ =	strace $0x9000004B  }
0xb6: {  	_ =	sfence  }
0xb7: {  	s30 =	sld [smem:$0x0];
	_ =	sdelay $0x2  }
0xb8: {  	s31 =	sshll.u32 s1, $0xD;
	s1 =	sshrl.u32 s1, $0x2  }
0xb9: {  	s3 =	sand.u32 $0x4000, s31;
	s1 =	sadd.s32 s1, s30  }
0xba: {  	s0 =	sor.u32 s3, s0;
	s1 =	sshll.u32 s1, $0x11  }
0xbb: {  	s0 =	sor.u32 s1, s0  }
0xbc: {  	s0 =	sadd.s32 $0x8F2B, s0  }
0xbd: {  	[sflag:s0] =	ssyncadd.remote.s32 $0x1  }
0xbe: {  	_ =	sfence.sel $0xFFFF  }
0xbf: {  	[dreg:$0x0] =	wrdreg $0xFFFFFFFF;
	(pc) =	sbr.abs _section_cstart, $3  }
0xc0: {  	[dreg:$0x1] =	wrdreg $0xFFFFFFFF  }
0xc1: {  	_ =	task.clear_ibuf [dreg:s6], $0x2FFFF;
	_ =	strace $0x9FFFFFFF  }
0xc2: {  	(tm) =	ssettm $0x7FFFFFFF  }
0xc3: {  	_ =	shalt  }
tec
execute0_lowered:
.L_overlay_start_1:
0x0: {  	(tag) =	ssettag $0x1  }
0x1: {  	s5 =	rddreg [dreg:$0x0]  }
0x2: {  	s0 =	srdreg.scid;
	s2 =	rddreg [dreg:$0x1];
	s3 =	simm.s32 $0x0  }
0x3: {  	s13 =	simm.s32 $0xF700;
	s14 =	simm.s32 $0x5;
	s15 =	simm.s32 $0x2780  }
0x4: {  	s16 =	simm.s32 $0x4F00;
	s17 =	simm.s32 $0xA300;
	s7 =	sand.u32 $0x1, s0  }
0x5: {  	s0 =	stileid.u32;
	[smem:$0x7FF] =	sst s3;
	s1 =	sshll.u32 s7, $0x4  }
0x6: {  	s6 =	sshll.u32 s0, $0xC;
	s8 =	ssub.s32 $0x2, s7;
	s9 =	sshll.u32 s0, $0xF  }
0x7: {  	s31 =	sshll.u32 s7, $0x10;
	s1 =	sor.u32 s0, s1;
	s11 =	sadd.s32 s6, s5  }
0x8: {  	s30 =	sshrl.u32 s8, $0x1;
	s4 =	smul.u32 $0x2710, s1;
	s1 =	rddreg [dreg:$0x2]  }
.Ltmp0:
0x9: {  	_ =	strace $0x8000004A;
	s11 =	sadd.s32 s31, s11;
	(pc) =	sbr.rel .LBB2_1-.Ltmp0, $4  }
0xa: {  	s12 =	ssub.s32 s8, s30;
	s11 =	sadd.s32 $0x65800, s11;
	s4 =	sshrl.u32 s4, $0x3  }
0xb: {  	s10 =	sadd.s32 s4, s5;
	s4 =	sadd.s32 $0x17000, s5;
	s5 =	sadd.s32 s9, s2  }
0xc: {  	v0 =	vimm.f32 $0.0e+00;
	s12 =	smax.u32 s12, $0x1;
	s6 =	sadd.s32 $0x2000, s5;
	s7 =	sadd.s32 $0x4000, s5  }
0xd: {  	v1 =	vimm.s32 $0x0;
	v2 =	vlaneseq.u32;
	v3 =	vimm.s32 $0xFA0;
	s8 =	sadd.s32 $0x6000, s5;
	s9 =	sadd.s32 $0x1E00, s10;
	s10 =	sadd.s32 $0xBA40, s10  }
.LBB2_10:
0xe: {  	_ =	sdelay $0x7ff  }
0xf: {  	s18 =	sshll.u32 s0, $0x6;
	s3 =	sadd.s32 $0x1, s3;
	_ =	sdelay $0x7ff  }
0x10: {  	s19 =	sshrl.u32 s5, $0x3;
	p0 =	seq.s32 s3, s12;
	_ =	sdelay $0x601  }
.Ltmp1:
0x11: {  	s18 =	sor.u32 $0x1C05, s18;
	[bflag:$0x0] =	sbarrier.arrive $0xFFFF;
	(pc) =	sbr.rel @p0 .LBB2_11-.Ltmp1, $4  }
0x12: {  	[hbm:s11], [sflag:s18] =	dma.local [spmem:s19], $0x1000  }
0x13: {  	_ =	swait.ge [sflag:s14], $0x1000  }
0x14: {  	[sflag:s14] =	ssyncset.done $0x0  }
0x15: {  	[sflag:s14] =	ssyncadd.s32 $0xFFFFF000  }
.LBB2_1:
0x16: {  	s18 =	simm.s32 $0x0;
	s19 =	simm.s32 $0x200  }
.LBB2_2:
0x17: {  	p0 =	sne.s32 s19, $0x7E00;
	[tilespmem:s18+$0xF770] =	vst v0  }
0x18: {  	[tilespmem:s18+$0xF700] =	vst v0  }
0x19: {  	[tilespmem:s18+$0xF710] =	vst v0  }
.Ltmp2:
0x1a: {  	[tilespmem:s18+$0xF720] =	vst v0;
	(pc) =	sbr.rel @p0 .LBB2_2-.Ltmp2, $4  }
0x1b: {  	[tilespmem:s18+$0xF730] =	vst v0  }
0x1c: {  	[tilespmem:s18+$0xF740] =	vst v0  }
0x1d: {  	[tilespmem:s18+$0xF750] =	vst v0  }
0x1e: {  	[tilespmem:s18+$0xF760] =	vst v0;
	s18 =	sshra.s32 s19, $0x2;
	s19 =	sadd.s32 $0x200, s19  }
0x1f: {  	[tilespmem:s18+$0xF770] =	vst v0  }
0x20: {  	[tilespmem:s18+$0xF700] =	vst v0  }
0x21: {  	[tilespmem:s18+$0xF710] =	vst v0  }
0x22: {  	[tilespmem:s18+$0xF720] =	vst v0  }
0x23: {  	[tilespmem:s18+$0xF730] =	vst v0  }
0x24: {  	[tilespmem:s18+$0xF740] =	vst v0  }
0x25: {  	[tilespmem:s18+$0xF750] =	vst v0  }
0x26: {  	[tilespmem:s18+$0xF760] =	vst v0  }
0x27: {  	[spmem:s5] =	stream.linear.scatter [tilespmem:s13], [sflag:$0x5], $0x2000, $0x38;
	[tilespmem:$0x1F700] =	vst v63  }
0x28: {  	_ =	swait.ge [sflag:s14], $0x2000  }
0x29: {  	[sflag:s14] =	ssyncset.done $0x0  }
0x2a: {  	[sflag:s14] =	ssyncadd.s32 $0xFFFFE000  }
0x2b: {  	[spmem:s6] =	stream.linear.scatter [tilespmem:s13], [sflag:$0x5], $0x2000, $0x38;
	[tilespmem:$0x1F700] =	vst v63  }
0x2c: {  	_ =	swait.ge [sflag:s14], $0x2000  }
0x2d: {  	[sflag:s14] =	ssyncset.done $0x0  }
0x2e: {  	[sflag:s14] =	ssyncadd.s32 $0xFFFFE000  }
0x2f: {  	[spmem:s7] =	stream.linear.scatter [tilespmem:s13], [sflag:$0x5], $0x2000, $0x38;
	[tilespmem:$0x1F700] =	vst v63  }
0x30: {  	_ =	swait.ge [sflag:s14], $0x2000  }
0x31: {  	[sflag:s14] =	ssyncset.done $0x0  }
0x32: {  	[sflag:s14] =	ssyncadd.s32 $0xFFFFE000  }
0x33: {  	[spmem:s8] =	stream.linear.scatter [tilespmem:s13], [sflag:$0x5], $0x2000, $0x38;
	[tilespmem:$0x1F700] =	vst v63  }
0x34: {  	_ =	swait.ge [sflag:s14], $0x2000  }
0x35: {  	[sflag:s14] =	ssyncset.done $0x0  }
0x36: {  	s18 =	simm.s32 $0x0;
	[sflag:s14] =	ssyncadd.s32 $0xFFFFE000  }
0x37: {  	[tilespmem:s18], [sflag:$0x5] =	stream.linear.gather [hbm4b:s9+s18], $0x2710, $0x38;
	[tilespmem:$0x1F700] =	vst v63  }
0x38: {  	_ =	swait.ge [sflag:s14], $0x2710  }
0x39: {  	[sflag:s14] =	ssyncset.done $0x0  }
0x3a: {  	[sflag:s14] =	ssyncadd.s32 $0xFFFFD8F0  }
0x3b: {  	[tilespmem:s15], [sflag:$0x5] =	stream.linear.gather [hbm4b:s10+s18], $0x2710, $0x38;
	[tilespmem:$0x1F700] =	vst v63  }
0x3c: {  	_ =	swait.ge [sflag:s14], $0x2710  }
0x3d: {  	[sflag:s14] =	ssyncset.done $0x0  }
0x3e: {  	s19 =	simm.s32 $0x0;
	[sflag:s14] =	ssyncadd.s32 $0xFFFFD8F0  }
0x3f: {  	v4 =	vld [tilespmem:s19+$0x2780];
	_ =	sdelay $0x4  }
0x40: {  	vm0 =	vlt.s32 v4, $0xFA0  }
0x41: {  	v5 =	vsel vm0, $0x1, v1  }
0x42: {  	(xrf0) =	vadd.scan.msk.s32 $0xffff, v5;
	_ =	sdelay $0x2  }
0x43: {  	v5 =	vmov s18  }
0x44: {  	v5 =	vadd.s32 $0xFFFFFFFF, v5  }
0x45: {  	v5 =	vbroadcast v5, $0x0  }
0x46: {  	v6, _, _ =	vpop (xrf0)  }
0x47: {  	v5 =	vadd.s32 v6, v5;
	(v2sf) =	vpush v6, $0xF  }
0x48: {  	v7 =	vshll.u32 v5, $0x1  }
0x49: {  	v5 =	vand.u32 $0x3F, v5;
	v7 =	vand.u32 $0xFFFFFF80, v7  }
0x4a: {  	v63 =	vld [tilespmem:s19+$0x0];
	v5 =	vor.u32 v5, v7;
	_ =	sdelay $0x4  }
0x4b: {  	[tilespmem:v5+s16+$0x0] =	vst.idx.msk vm0, v63  }
0x4c: {  	s20 =	simm.s32 $0x80;
	s19 =	simm.s32 $0x10;
	[tilespmem:v5+s17+$0x0] =	vst.idx.msk vm0, v4  }
.LBB2_4:
0x4d: {  	p0 =	sne.s32 s20, $0x9C00;
	v4 =	vld [tilespmem:s19+$0x2780];
	_ =	sdelay $0x4  }
0x4e: {  	vm0 =	vlt.s32 v4, $0xFA0;
	s21 =	spop (v2sf)  }
0x4f: {  	v5 =	vsel vm0, $0x1, v1;
	s18 =	sadd.s32 s18, s21  }
0x50: {  	v6 =	vmov s18;
	(xrf0) =	vadd.scan.msk.s32 $0xffff, v5  }
0x51: {  	v5 =	vadd.s32 $0xFFFFFFFF, v6  }
0x52: {  	v5 =	vbroadcast v5, $0x0;
	_ =	sdelay $0x3  }
0x53: {  	v6, _, _ =	vpop (xrf0)  }
0x54: {  	v5 =	vadd.s32 v6, v5;
	(v2sf) =	vpush v6, $0xF  }
0x55: {  	v6 =	vand.u32 $0x3F, v5;
	v5 =	vshll.u32 v5, $0x1  }
0x56: {  	v5 =	vand.u32 $0xFFFFFF80, v5  }
0x57: {  	v7 =	vld [tilespmem:s19+$0x0];
	v5 =	vor.u32 v6, v5;
	_ =	sdelay $0x1  }
.Ltmp3:
0x58: {  	(pc) =	sbr.rel @p0 .LBB2_4-.Ltmp3, $3  }
0x59: {  	_ =	sdelay $0x1  }
0x5a: {  	[tilespmem:v5+s16+$0x0] =	vst.idx.msk vm0, v7  }
0x5b: {  	s19 =	sshra.s32 s20, $0x2;
	s20 =	sadd.s32 $0x40, s20;
	[tilespmem:v5+s17+$0x0] =	vst.idx.msk vm0, v4  }
0x5c: {  	v4 =	vld [tilespmem:s19+$0x2780];
	_ =	sdelay $0x4  }
0x5d: {  	vm0 =	vlt.s32 v4, $0xFA0  }
0x5e: {  	v5 =	vsel vm0, $0x1, v1  }
0x5f: {  	(xrf0) =	vadd.scan.msk.s32 $0xffff, v5;
	_ =	sdelay $0x5  }
0x60: {  	v5, _, _ =	vpop (xrf0)  }
0x61: {  	(v2sf) =	vpush v5, $0xF;
	_ =	sdelay $0x5  }
0x62: {  	s20 =	spop (v2sf)  }
0x63: {  	s20 =	sadd.s32 s18, s20  }
0x64: {  	v6 =	vmov s20  }
0x65: {  	v6 =	vadd.s32 $0xFFFFFFFF, v6  }
0x66: {  	v6 =	vbroadcast v6, $0x0;
	_ =	sdelay $0x1  }
0x67: {  	v5 =	vadd.s32 v5, v6  }
0x68: {  	v6 =	vshll.u32 v5, $0x1  }
0x69: {  	v5 =	vand.u32 $0x3F, v5;
	v6 =	vand.u32 $0xFFFFFF80, v6  }
0x6a: {  	v7 =	vld [tilespmem:s19+$0x0];
	v5 =	vor.u32 v5, v6;
	s31 =	spop (v2sf)  }
0x6b: {  	s18 =	sadd.s32 s20, s31  }
0x6c: {  	s21 =	sadd.s32 $0x0, s18  }
0x6d: {  	v6 =	vadd.s32 s21, v2  }
0x6e: {  	v8 =	vshll.u32 v6, $0x1  }
0x6f: {  	[tilespmem:v5+s16+$0x0] =	vst.idx.msk vm0, v7;
	v6 =	vand.u32 $0x3F, v6;
	v7 =	vand.u32 $0xFFFFFF80, v8  }
0x70: {  	[tilespmem:v5+s17+$0x0] =	vst.idx.msk vm0, v4;
	s19 =	sadd.s32 s20, s31;
	s20 =	simm.s32 $0x10;
	v4 =	vor.u32 v6, v7  }
.LBB2_6:
0x71: {  	p0 =	sne.s32 s20, $0xF0  }
.Ltmp4:
0x72: {  	s21 =	sadd.s32 s20, s18;
	(pc) =	sbr.rel @p0 .LBB2_6-.Ltmp4, $4  }
0x73: {  	s20 =	sadd.s32 $0x10, s20;
	v5 =	vadd.s32 s21, v2  }
0x74: {  	v6 =	vshll.u32 v5, $0x1  }
0x75: {  	v5 =	vand.u32 $0x3F, v5;
	v6 =	vand.u32 $0xFFFFFF80, v6;
	[tilespmem:v4+s16+$0x0] =	vst.idx.msk $0xffff, v1  }
0x76: {  	[tilespmem:v4+s17+$0x0] =	vst.idx.msk $0xffff, v3;
	v4 =	vor.u32 v5, v6  }
0x77: {  	_ =	sdelay $0x3  }
0x78: {  	[tilespmem:v4+s16+$0x0] =	vst.idx.msk $0xffff, v1;
	s19 =	sadd.s32 $0x3F, s19  }
0x79: {  	[tilespmem:v4+s17+$0x0] =	vst.idx.msk $0xffff, v3;
	s18 =	sshrl.u32 s19, $0x6  }
0x7a: {  	[bflag:$0x0] =	sbarrier.arrive $0xFFFF;
	p0 =	seq.s32 s18, $0x0  }
0x7b: {  	s20 =	simm.s32 @!p0 $0x40;
	s21 =	simm.s32 @!p0 $0x4F00;
	s22 =	simm.s32 @!p0 $0xF700  }
0x7c: {  	[tilespmem:s22], [sflag:$0x1] =	stream.indirect.gather @!p0 [hbm4b:s4+s20], $0x80, s21, s20, $0xb8;
	[tilespmem:$0x1F700] =	vst v63  }
0x7d: {  	p0 =	slt.u32 s19, $0x80  }
0x7e: {  	s20 =	simm.s32 @!p0 $0x40  }
0x7f: {  	s21 =	simm.s32 @!p0 $0x4F80;
	s22 =	simm.s32 @!p0 $0x11700;
	p1 =	slt.u32 @!p0 s19, $0xC0  }
0x80: {  	[tilespmem:s22], [sflag:$0x2] =	stream.indirect.gather @!p0 [hbm4b:s4+s20], $0x80, s21, s20, $0xb8;
	[tilespmem:$0x1F700] =	vst v63  }
0x81: {  	p2 =	por p1, p0  }
0x82: {  	s20 =	simm.s32 @!p2 $0x40;
	s21 =	simm.s32 @!p2 $0x5000;
	s22 =	simm.s32 @!p2 $0x13700  }
0x83: {  	[tilespmem:s22], [sflag:$0x3] =	stream.indirect.gather @!p2 [hbm4b:s4+s20], $0x80, s21, s20, $0xb8;
	[tilespmem:$0x1F700] =	vst v63  }
0x84: {  	p2 =	slt.u32 @!p2 s19, $0x100  }
0x85: {  	p1 =	por @!p0 p2, p1  }
0x86: {  	p0 =	por p1, p0  }
0x87: {  	s19 =	simm.s32 @!p0 $0x40;
	s20 =	simm.s32 @!p0 $0x5080;
	s21 =	simm.s32 @!p0 $0x15700  }
0x88: {  	[tilespmem:s21], [sflag:$0x4] =	stream.indirect.gather @!p0 [hbm4b:s4+s19], $0x80, s20, s19, $0xb8;
	[tilespmem:$0x1F700] =	vst v63  }
0x89: {  	p0 =	sne.s32 s18, $0x0  }
.Ltmp5:
0x8a: {  	_ = 	snop;
	(pc) =	sbr.rel @!p0 .LBB2_10-.Ltmp5, $1  }
0x8b: {  	_ =	sdelay $0x3  }
0x8c: {  	s19 =	simm.s32 $0x0;
	s20 =	simm.s32 $0x5100;
	s21 =	simm.s32 $0xA300  }
.LBB2_9:
0x8d: {  	s22 =	sand.u32 $0x3, s19  }
0x8e: {  	p0 =	sgt.s32 s22, $0x1  }
0x8f: {  	p1 =	seq.s32 @p0 s22, $0x2  }
0x90: {  	p2 =	por !p1, !p0  }
0x91: {  	s23 =	simm.s32 @!p2 $0x3  }
0x92: {  	_ =	swait.ge @!p2 [sflag:s23], $0x2000  }
0x93: {  	s24 =	sadd.s32 $0x4, s19;
	s25 =	simm.s32 @!p2 $0x13700;
	[sflag:s23] =	ssyncset.done @!p2 $0x0  }
0x94: {  	p3 =	sge.u32 @!p2 s24, s18;
	[sflag:s23] =	ssyncadd.s32 @!p2 $0xFFFFE000;
	s23 =	simm.s32 @!p2 $0x40  }
0x95: {  	[spmem:s2] =	stream.indirect.scatter.add.f32 @!p2 [tilespmem:s25], [sflag:$0x5], $0x80, s21, s23, $0xb8;
	[tilespmem:$0x1F700] =	vst v63  }
0x96: {  	p3 =	por @p0 p3, !p1;
	s23 =	simm.s32 @!p2 $0x5  }
0x97: {  	p3 =	por p3, !p0;
	_ =	swait.ge @!p2 [sflag:s23], $0x2000  }
0x98: {  	s25 =	simm.s32 @!p3 $0x13700;
	[sflag:s23] =	ssyncset.done @!p2 $0x0  }
0x99: {  	[sflag:s23] =	ssyncadd.s32 @!p2 $0xFFFFE000;
	s23 =	simm.s32 @!p3 $0x40;
	p2 =	por p1, !p0  }
0x9a: {  	[tilespmem:s25], [sflag:$0x3] =	stream.indirect.gather @!p3 [hbm4b:s4+s23], $0x80, s20, s23, $0xb8;
	[tilespmem:$0x1F700] =	vst v63  }
0x9b: {  	s23 =	simm.s32 @!p2 $0x4  }
0x9c: {  	_ =	swait.ge @!p2 [sflag:s23], $0x2000  }
0x9d: {  	[sflag:s23] =	ssyncset.done @!p2 $0x0  }
0x9e: {  	s25 =	simm.s32 @!p2 $0x15700;
	[sflag:s23] =	ssyncadd.s32 @!p2 $0xFFFFE000;
	s23 =	simm.s32 @!p2 $0x40  }
0x9f: {  	[spmem:s2] =	stream.indirect.scatter.add.f32 @!p2 [tilespmem:s25], [sflag:$0x5], $0x80, s21, s23, $0xb8;
	[tilespmem:$0x1F700] =	vst v63  }
0xa0: {  	p3 =	sge.u32 @!p2 s24, s18;
	s23 =	simm.s32 @!p2 $0x5  }
0xa1: {  	p1 =	por @p0 p3, p1;
	_ =	swait.ge @!p2 [sflag:s23], $0x2000  }
0xa2: {  	p1 =	por p1, !p0;
	[sflag:s23] =	ssyncset.done @!p2 $0x0  }
0xa3: {  	s25 =	simm.s32 @!p1 $0x15700;
	[sflag:s23] =	ssyncadd.s32 @!p2 $0xFFFFE000;
	s23 =	simm.s32 @!p1 $0x40  }
0xa4: {  	[tilespmem:s25], [sflag:$0x4] =	stream.indirect.gather @!p1 [hbm4b:s4+s23], $0x80, s20, s23, $0xb8;
	[tilespmem:$0x1F700] =	vst v63  }
0xa5: {  	p1 =	seq.s32 @!p0 s22, $0x0  }
0xa6: {  	p2 =	por !p1, p0  }
0xa7: {  	s22 =	simm.s32 @!p2 $0x1  }
0xa8: {  	_ =	swait.ge @!p2 [sflag:s22], $0x2000  }
0xa9: {  	s23 =	simm.s32 @!p2 $0xF700;
	[sflag:s22] =	ssyncset.done @!p2 $0x0  }
0xaa: {  	p3 =	sge.u32 @!p2 s24, s18;
	[sflag:s22] =	ssyncadd.s32 @!p2 $0xFFFFE000;
	s22 =	simm.s32 @!p2 $0x40  }
0xab: {  	[spmem:s2] =	stream.indirect.scatter.add.f32 @!p2 [tilespmem:s23], [sflag:$0x5], $0x80, s21, s22, $0xb8;
	[tilespmem:$0x1F700] =	vst v63  }
0xac: {  	p3 =	por @!p0 p3, !p1;
	s22 =	simm.s32 @!p2 $0x5  }
0xad: {  	p3 =	por p3, p0;
	_ =	swait.ge @!p2 [sflag:s22], $0x2000  }
0xae: {  	s23 =	simm.s32 @!p3 $0xF700;
	[sflag:s22] =	ssyncset.done @!p2 $0x0  }
0xaf: {  	[sflag:s22] =	ssyncadd.s32 @!p2 $0xFFFFE000;
	s22 =	simm.s32 @!p3 $0x40;
	p2 =	por p1, p0  }
0xb0: {  	[tilespmem:s23], [sflag:$0x1] =	stream.indirect.gather @!p3 [hbm4b:s4+s22], $0x80, s20, s22, $0xb8;
	[tilespmem:$0x1F700] =	vst v63  }
0xb1: {  	s22 =	simm.s32 @!p2 $0x2  }
0xb2: {  	_ =	swait.ge @!p2 [sflag:s22], $0x2000  }
0xb3: {  	[sflag:s22] =	ssyncset.done @!p2 $0x0  }
0xb4: {  	s23 =	simm.s32 @!p2 $0x11700;
	[sflag:s22] =	ssyncadd.s32 @!p2 $0xFFFFE000;
	s22 =	simm.s32 @!p2 $0x40  }
0xb5: {  	[spmem:s2] =	stream.indirect.scatter.add.f32 @!p2 [tilespmem:s23], [sflag:$0x5], $0x80, s21, s22, $0xb8;
	[tilespmem:$0x1F700] =	vst v63  }
0xb6: {  	p3 =	sge.u32 @!p2 s24, s18;
	s22 =	simm.s32 @!p2 $0x5  }
0xb7: {  	p1 =	por @!p0 p3, p1;
	_ =	swait.ge @!p2 [sflag:s22], $0x2000  }
0xb8: {  	s19 =	sadd.s32 $0x1, s19;
	p0 =	por p1, p0;
	[sflag:s22] =	ssyncset.done @!p2 $0x0  }
0xb9: {  	s23 =	simm.s32 @!p0 $0x11700;
	[sflag:s22] =	ssyncadd.s32 @!p2 $0xFFFFE000;
	s22 =	simm.s32 @!p0 $0x40  }
0xba: {  	[tilespmem:s23], [sflag:$0x2] =	stream.indirect.gather @!p0 [hbm4b:s4+s22], $0x80, s20, s22, $0xb8;
	[tilespmem:$0x1F700] =	vst v63  }
0xbb: {  	p0 =	seq.s32 s18, s19  }
.Ltmp6:
0xbc: {  	_ = 	snop;
	(pc) =	sbr.rel @!p0 .LBB2_9-.Ltmp6, $2  }
0xbd: {  	_ =	sdelay $0x2  }
0xbe: {  	s21 =	sadd.s32 $0x80, s21;
	s20 =	sadd.s32 $0x80, s20  }
.Ltmp7:
0xbf: {  	_ = 	snop;
	(pc) =	sbr.rel .LBB2_10-.Ltmp7, $1  }
0xc0: {  	_ =	sdelay $0x3  }
.LBB2_11:
0xc1: {  	_ =	sfence.sel $0x180000  }
0xc2: {  	[bflag:$0x0] =	sbarrier.arrive $0xFFFF  }
0xc3: {  	p0 =	sne.s32 s0, $0x0;
	_ =	strace $0x9000004A  }
0xc4: {  	s0 =	sadd.s32 @!p0 $0x100000, s1;
	[bflag:$0x2] =	sbarrier.arrive $0xFFFF  }
0xc5: {  	[sflag:s0] =	ssyncadd.tile.s32 @!p0 $0x1;
	_ =	shalt  }
.Lfunc_end2:
_tile_overlayer_lowered:
.L_overlay_start_2:
0xc6: {  	(tag) =	ssettag $0x2  }
0xc7: {  	s0 =	rddreg [dreg:$0x0];
	s2 =	stileid.u32  }
0xc8: {  	s1 =	rddreg [dreg:$0x1];
	p0 =	sne.s32 s2, $0x0  }
0xc9: {  	s3 =	rddreg [dreg:$0x2];
	[bflag:$0x3] =	sbarrier.arrive $0xFFFF;
	s2 =	simm.s32 @!p0 $0x1C05  }
0xca: {  	[timem:s3], [sflag:s2] =	dma.local @!p0 [hbm:s0], s1  }
0xcb: {  	s0 =	simm.s32 @!p0 $0x5  }
0xcc: {  	_ =	swait.ge @!p0 [sflag:s0], s1  }
0xcd: {  	s1 =	ssub.s32 @!p0 $0x0, s1;
	[sflag:s0] =	ssyncset.done @!p0 $0x0  }
0xce: {  	[sflag:s0] =	ssyncadd.s32 @!p0 s1  }
0xcf: {  	[bflag:$0x3] =	sbarrier.arrive $0xFFFF  }
0xd0: {  	_ =	shalt  }

// kernel: kernel.14.cloned.1.call-start
scs
__scs_entry_jumppad:
0x0: {  	(pc) =	sbr.rel $0x88, $3  }
0x1: {  	(tag) =	ssettag $0x0;
	lr =	simm.s32 $0x1  }
0x2: {  	[smem:$0x3F9A] =	sst lr;
	_ =	strace $0xD0000000  }
0x3: {  	_ = 	snop  }
0x4: {  	_ = 	snop  }
0x5: {  	_ = 	snop  }
0x6: {  	_ = 	snop  }
0x7: {  	_ = 	snop  }
__scs_overlays_trampoline_lowered:
0x8: {  	[smem:$0x3FA9] =	sst s0  }
0x9: {  	[smem:$0x3FAA] =	sst s1  }
0xa: {  	[smem:$0x3FAB] =	sst s2  }
0xb: {  	[smem:$0x3FAC] =	sst s3  }
0xc: {  	[smem:$0x3FAD] =	sst s4  }
0xd: {  	[smem:$0x3FAE] =	sst s5  }
0xe: {  	[smem:$0x3FAF] =	sst s6  }
0xf: {  	[smem:$0x3FB0] =	sst s7  }
0x10: {  	[smem:$0x3FB1] =	sst s8  }
0x11: {  	[smem:$0x3FB2] =	sst s9;
	s0 =	simm.s32 @!p0 $0x0  }
0x12: {  	s1 =	sld [smem:$0x3F98];
	s0 =	simm.s32 @p0 $0x1  }
0x13: {  	[smem:$0x3FB3] =	sst s0;
	s0 =	simm.s32 @!p1 $0x0  }
0x14: {  	s2 =	sld [smem:$0x3F97];
	s0 =	simm.s32 @p1 $0x1  }
0x15: {  	[smem:$0x3FB4] =	sst s0;
	s0 =	simm.s32 @!p2 $0x0  }
0x16: {  	s3 =	sld [smem:$0x3FDB];
	s0 =	simm.s32 @p2 $0x1  }
0x17: {  	s4 =	simm.s32 $0x1BF5;
	[smem:$0x3FB6] =	sst s0  }
0x18: {  	s0 =	sld [smem:$0x3F99];
	_ =	swait.ge [sflag:s4], $0x0  }
0x19: {  	s7 =	sld [smem:$0x3F9A]  }
0x1a: {  	s8 =	sadd.s32 $0xFFFFE003, lr  }
0x1b: {  	s9 =	sadd.s32 $0xFFFFFEF7, lr;
	s5 =	simm.s32 $0xFFFFFFFF;
	p2 =	slt.u32 s8, $0xFFFFF086  }
0x1c: {  	p1 =	slt.u32 s9, $0xF7A;
	s5 =	simm.s32 @!p2 $0x0  }
0x1d: {  	s5 =	simm.s32 @p1 $0x1;
	p0 =	seq.s32 s7, s2  }
0x1e: {  	s7 =	smul.u32 @!p0 $0xF7A, s2;
	p2 =	seq.s32 @!p0 s5, $0x0  }
0x1f: {  	s9 =	smul.u32 $0xF7A, s1;
	s8 =	simm.s32 @!p0 $0x1BF5;
	p2 =	por !p2, p0  }
0x20: {  	[sflag:s8] =	ssyncset.s32 @!p0 $0xFFFFF086;
	s6 =	sadd.s32 @!p0 s3, s7;
	s7 =	simm.s32 @!p0 $0x108  }
0x21: {  	s3 =	sadd.s32 s3, s9;
	s6 =	sadd.s32 @!p0 $0x88, s6;
	s7 =	simm.s32 @p2 $0x1082  }
0x22: {  	[simem:s7], [sflag:s8] =	dma.local @!p0 [hbm:s6], $0xF7A  }
0x23: {  	s9 =	sor.u32 $0xD0000000, s2;
	s6 =	simm.s32 $0x108;
	_ =	swait.ge @!p0 [sflag:s8], $0x0  }
0x24: {  	s3 =	sadd.s32 $0x88, s3;
	s6 =	simm.s32 @!p1 $0x1082;
	[sflag:s4] =	ssyncset.s32 $0xFFFFF086  }
0x25: {  	[simem:s6], [sflag:s4] =	dma.local [hbm:s3], $0xF7A  }
0x26: {  	[smem:$0x3F9A] =	sst s1;
	(tag) =	ssettag s2;
	_ =	strace s9  }
0x27: {  	s1 =	sld [smem:$0x3FAA]  }
0x28: {  	s2 =	sld [smem:$0x3FAB]  }
0x29: {  	s4 =	sld [smem:$0x3FAD]  }
0x2a: {  	p0 =	seq.s32 s5, $0x0;
	s5 =	sld [smem:$0x3FAE]  }
0x2b: {  	s6 =	sld [smem:$0x3FAF]  }
0x2c: {  	s7 =	sld [smem:$0x3FB0]  }
0x2d: {  	s3 =	simm.s32 $0x108;
	s8 =	sld [smem:$0x3FB1]  }
0x2e: {  	s3 =	simm.s32 @!p0 $0x1082;
	s9 =	sld [smem:$0x3FB2]  }
0x2f: {  	lr =	sadd.s32 s0, s3;
	s0 =	sld [smem:$0x3FA9]  }
0x30: {  	s3 =	sld [smem:$0x3FAC]  }
0x31: {  	[smem:$0x3FB5] =	sst s10  }
0x32: {  	s10 =	sld [smem:$0x3FB3];
	_ =	sdelay $0x3  }
0x33: {  	p0 =	seq.s32 s10, $0x1;
	s10 =	sld [smem:$0x3FB5];
	_ =	sdelay $0x3  }
0x34: {  	[smem:$0x3FB5] =	sst s10  }
0x35: {  	s10 =	sld [smem:$0x3FB4];
	_ =	sdelay $0x3  }
0x36: {  	p1 =	seq.s32 s10, $0x1;
	s10 =	sld [smem:$0x3FB5];
	_ =	sdelay $0x3  }
0x37: {  	[smem:$0x3FB5] =	sst s10  }
0x38: {  	s10 =	sld [smem:$0x3FB6]  }
0x39: {  	_ = 	snop;
	(pc) =	sbr.ind lr, $3  }
0x3a: {  	_ = 	snop  }
0x3b: {  	_ = 	snop  }
0x3c: {  	p2 =	seq.s32 s10, $0x1;
	s10 =	sld [smem:$0x3FB5]  }
0x3d: {  	_ =	shalt  }
0x3e: {  	_ =	shalt  }
0x3f: {  	_ =	shalt  }
0x40: {  	_ =	shalt  }
0x41: {  	_ =	shalt  }
0x42: {  	_ =	shalt  }
0x43: {  	_ =	shalt  }
0x44: {  	_ =	shalt  }
0x45: {  	_ =	shalt  }
0x46: {  	_ =	shalt  }
0x47: {  	_ =	shalt  }
0x48: {  	_ =	shalt  }
0x49: {  	_ =	shalt  }
0x4a: {  	_ =	shalt  }
0x4b: {  	_ =	shalt  }
0x4c: {  	_ =	shalt  }
0x4d: {  	_ =	shalt  }
0x4e: {  	_ =	shalt  }
0x4f: {  	_ =	shalt  }
0x50: {  	_ =	shalt  }
0x51: {  	_ =	shalt  }
0x52: {  	_ =	shalt  }
0x53: {  	_ =	shalt  }
0x54: {  	_ =	shalt  }
0x55: {  	_ =	shalt  }
0x56: {  	_ =	shalt  }
0x57: {  	_ =	shalt  }
0x58: {  	_ =	shalt  }
0x59: {  	_ =	shalt  }
0x5a: {  	_ =	shalt  }
0x5b: {  	_ =	shalt  }
0x5c: {  	_ =	shalt  }
0x5d: {  	_ =	shalt  }
0x5e: {  	_ =	shalt  }
0x5f: {  	_ =	shalt  }
0x60: {  	_ =	shalt  }
0x61: {  	_ =	shalt  }
0x62: {  	_ =	shalt  }
0x63: {  	_ =	shalt  }
0x64: {  	_ =	shalt  }
0x65: {  	_ =	shalt  }
0x66: {  	_ =	shalt  }
0x67: {  	_ =	shalt  }
0x68: {  	_ =	shalt  }
0x69: {  	_ =	shalt  }
0x6a: {  	_ =	shalt  }
0x6b: {  	_ =	shalt  }
0x6c: {  	_ =	shalt  }
0x6d: {  	_ =	shalt  }
0x6e: {  	_ =	shalt  }
0x6f: {  	_ =	shalt  }
0x70: {  	_ =	shalt  }
0x71: {  	_ =	shalt  }
0x72: {  	_ =	shalt  }
0x73: {  	_ =	shalt  }
0x74: {  	_ =	shalt  }
0x75: {  	_ =	shalt  }
0x76: {  	_ =	shalt  }
0x77: {  	_ =	shalt  }
0x78: {  	_ =	shalt  }
0x79: {  	_ =	shalt  }
0x7a: {  	_ =	shalt  }
0x7b: {  	_ =	shalt  }
0x7c: {  	_ =	shalt  }
0x7d: {  	_ =	shalt  }
0x7e: {  	_ =	shalt  }
0x7f: {  	_ =	shalt  }
0x80: {  	_ =	shalt  }
0x81: {  	_ =	shalt  }
0x82: {  	_ =	shalt  }
0x83: {  	_ =	shalt  }
0x84: {  	_ =	shalt  }
0x85: {  	_ =	shalt  }
0x86: {  	_ =	shalt  }
0x87: {  	_ =	shalt  }
.Lfunc_end0:
.L_simem_size_0:
called_computation.2_lowered:
.L_overlay_start_0:
0x88: {  	s2 =	sld [smem:$0x3FD9]  }
0x89: {  	s3 =	sld [smem:$0x3FFE];
	_ =	sdelay $0x1  }
0x8a: {  	s1 =	srdreg.scid  }
0x8b: {  	s0 =	sand.u32 $0x1, s1  }
0x8c: {  	s17 =	sshll.u32 s0, $0xA;
	s2 =	sadd.s32 s3, s2  }
0x8d: {  	s2 =	sadd.s32 s2, s17  }
0x8e: {  	[smem:$0x3FC1] =	sst s2  }
0x8f: {  	_ = 	snop  }
0x90: {  	s2 =	sld [smem:$0x3FD0];
	(tm) =	ssettm $0x1  }
0x91: {  	s18 =	sld [smem:$0x3FFB];
	_ =	sdelay $0x3  }
0x92: {  	_ =	strace s18  }
0x93: {  	s3 =	sld [smem:$0x3FFC];
	_ =	sdelay $0x3  }
0x94: {  	_ =	strace s3  }
0x95: {  	s3 =	sld [smem:$0x3FFD];
	_ =	sdelay $0x3  }
0x96: {  	_ =	strace s3  }
0x97: {  	_ =	strace $0x8FFFFFFF  }
0x98: {  	s19 =	sld [smem:$0x3FDB];
	_ =	sdelay $0x1  }
0x99: {  	s4 =	simm.s32 $_scs_section_size  }
0x9a: {  	s5 =	simm.s32 $_size__tile_overlayer_lowered;
	s6 =	simm.s32 $_tile_overlayer_lowered  }
0x9b: {  	s22 =	simm.s32 $0x1BFF;
	s21 =	sshll.u32 s6, $0x1;
	s3 =	sadd.s32 s4, s19  }
0x9c: {  	s7 =	simm.s32 $0x0;
	s20 =	sshll.u32 s5, $0x1;
	s5 =	sadd.s32 s21, s3  }
0x9d: {  	[timem:s7], [sflag:s22] =	dma.local [hbm:s5], s20  }
0x9e: {  	_ =	swait.ge [sflag:s22], s20  }
0x9f: {  	s4 =	ssub.s32 $0x0, s20;
	[sflag:s22] =	ssyncset.done $0x0  }
0xa0: {  	[sflag:s22] =	ssyncadd.s32 s4;
	_ =	sdelay $0x1  }
0xa1: {  	s23 =	simm.s32 $0x1B8B  }
0xa2: {  	_ =	swait.ge [sflag:s23], $0x1  }
0xa3: {  	[sflag:s23] =	ssyncset.done $0x0  }
0xa4: {  	s25 =	simm.s32 $0x1B8E;
	s24 =	sld [smem:$0x3FFE];
	[sflag:s23] =	ssyncadd.s32 $0xFFFFFFFF  }
0xa5: {  	s26 =	simm.s32 $execute0_lowered;
	[smem:$0x3FD2] =	sst s25  }
0xa6: {  	s5 =	sshll.u32 s26, $0x1;
	_ =	strace $0x8000004C;
	[dreg:$0x1] =	wrdreg $0xFFFFFFFF  }
0xa7: {  	s28 =	simm.s32 $_size_execute0_lowered;
	s3 =	sadd.s32 s3, s5;
	[dreg:$0x0] =	wrdreg $0x0  }
0xa8: {  	s5 =	sshll.u32 s28, $0x1;
	[dreg:$0x2] =	wrdreg s3  }
0xa9: {  	[dreg:$0x3] =	wrdreg s5  }
0xaa: {  	[dreg:$0x4] =	wrdreg $0xC0  }
0xab: {  	_ =	task [dreg:s7], $0x5FFFF  }
0xac: {  	[dreg:$0x1] =	wrdreg $0xFFFFFFFF  }
0xad: {  	[dreg:$0x0] =	wrdreg $0x60  }
0xae: {  	[dreg:$0x2] =	wrdreg s2  }
0xaf: {  	[dreg:$0x3] =	wrdreg s24  }
0xb0: {  	[dreg:$0x4] =	wrdreg $0x120000  }
0xb1: {  	[dreg:$0x5] =	wrdreg $0x9  }
0xb2: {  	_ =	task.clear_ibuf [dreg:s7], $0x6FFFF;
	_ =	strace $0x9000004C  }
0xb3: {  	s29 =	simm.s32 $0x9;
	_ =	strace $0x8000004E  }
0xb4: {  	_ =	swait.ge [sflag:s29], $0x1  }
0xb5: {  	[sflag:s29] =	ssyncadd.s32 $0xFFFFFFFF  }
0xb6: {  	_ =	strace $0x9000004E  }
0xb7: {  	_ =	sfence  }
0xb8: {  	s30 =	sld [smem:$0x0];
	_ =	sdelay $0x2  }
0xb9: {  	s31 =	sshll.u32 s1, $0xD;
	s1 =	sshrl.u32 s1, $0x2  }
0xba: {  	s3 =	sand.u32 $0x4000, s31;
	s1 =	sadd.s32 s1, s30  }
0xbb: {  	s0 =	sor.u32 s3, s0;
	s1 =	sshll.u32 s1, $0x11  }
0xbc: {  	s0 =	sor.u32 s1, s0  }
0xbd: {  	s0 =	sadd.s32 $0x8F2B, s0  }
0xbe: {  	[sflag:s0] =	ssyncadd.remote.s32 $0x1  }
0xbf: {  	_ =	sfence.sel $0xFFFF  }
0xc0: {  	[dreg:$0x0] =	wrdreg $0xFFFFFFFF;
	(pc) =	sbr.abs _section_cstart, $3  }
0xc1: {  	[dreg:$0x1] =	wrdreg $0xFFFFFFFF  }
0xc2: {  	_ =	task.clear_ibuf [dreg:s7], $0x2FFFF;
	_ =	strace $0x9FFFFFFF  }
0xc3: {  	(tm) =	ssettm $0x7FFFFFFF  }
tec
execute0_lowered:
.L_overlay_start_1:
0x0: {  	(tag) =	ssettag $0x1  }
0x1: {  	s0 =	rddreg [dreg:$0x0]  }
0x2: {  	s2 =	rddreg [dreg:$0x1]  }
0x3: {  	s1 =	rddreg [dreg:$0x2]  }
0x4: {  	s3 =	srdreg.scid;
	s8 =	stileid.u32;
	s11 =	simm.s32 $0x2000  }
0x5: {  	s12 =	simm.s32 $0x9;
	s13 =	simm.s32 $0x1000;
	s14 =	simm.s32 $0x1800  }
0x6: {  	s15 =	simm.s32 $0x80;
	s19 =	simm.s32 $0x6000;
	s20 =	simm.s32 $0x1180  }
0x7: {  	s21 =	simm.s32 $0x8000;
	s22 =	simm.s32 $0x1200;
	s23 =	simm.s32 $0xA000  }
0x8: {  	s24 =	simm.s32 $0x1280;
	s25 =	simm.s32 $0xC000;
	s28 =	simm.s32 $0xE000  }
0x9: {  	s29 =	simm.s32 $0x1380;
	s30 =	simm.s32 $0x10000;
	s5 =	sand.u32 $0x1, s3  }
0xa: {  	s3 =	simm.s32 $0x0;
	s6 =	sshll.u32 s8, $0xE;
	s4 =	sshll.u32 s5, $0x4  }
0xb: {  	s7 =	sshll.u32 s5, $0x12;
	[smem:$0x7FF] =	sst s3;
	s4 =	sor.u32 s8, s4  }
0xc: {  	s26 =	ssub.s32 $0x2, s5;
	s5 =	sadd.s32 s6, s1;
	s8 =	smul.u32 $0x7D0, s4  }
.Ltmp0:
0xd: {  	s7 =	sor.u32 s6, s7;
	_ =	strace $0x8000004D;
	(pc) =	sbr.rel .LBB2_1-.Ltmp0, $4  }
0xe: {  	s9 =	sshrl.u32 s26, $0x1;
	s4 =	sadd.s32 $0x1E00, s2;
	s7 =	sshrl.u32 s7, $0x3  }
0xf: {  	v0 =	vlaneseq.u32;
	s31 =	ssub.s32 s26, s9;
	s26 =	simm.s32 $0x1300;
	s8 =	sshrl.u32 s8, $0x3  }
0x10: {  	v1 =	vimm.f32 $0.0e+00;
	v3 =	vimm.s32 $0x0;
	v4 =	vimm.s32 $0xFA0;
	s2 =	sadd.s32 s7, s2;
	s7 =	sadd.s32 $0x2000, s5;
	s6 =	sadd.s32 s0, s8  }
0x11: {  	v2 =	vor.u32 $0x7D0, v0;
	v5 =	vor.u32 $0x7E0, v0;
	v6 =	vor.u32 $0x7F0, v0;
	s10 =	smax.u32 s31, $0x1;
	s9 =	sadd.s32 $0x9C00, s2;
	s8 =	sadd.s32 $0x1F40, s6  }
.LBB2_10:
0x12: {  	_ =	sdelay $0x7ff;
	s0 =	stileid.u32  }
0x13: {  	s2 =	sshrl.u32 s5, $0x3;
	s3 =	sadd.s32 $0x1, s3;
	_ =	sdelay $0x7ff  }
0x14: {  	s0 =	sshll.u32 s0, $0x6;
	p0 =	sne.s32 s3, s10;
	_ =	sdelay $0x601  }
.Ltmp1:
0x15: {  	s0 =	sor.u32 $0x1C09, s0;
	[bflag:$0x0] =	sbarrier.arrive $0xFFFF;
	(pc) =	sbr.rel @!p0 .LBB2_11-.Ltmp1, $4  }
0x16: {  	[hbm:s9], [sflag:s0] =	dma.local [spmem:s2], $0x800  }
0x17: {  	_ =	swait.ge [sflag:s12], $0x800  }
0x18: {  	[sflag:s12] =	ssyncset.done $0x0  }
0x19: {  	[sflag:s12] =	ssyncadd.s32 $0xFFFFF800  }
.LBB2_1:
0x1a: {  	s2 =	simm.s32 $0x100;
	s0 =	simm.s32 $0x0  }
.LBB2_2:
0x1b: {  	p0 =	sne.s32 s2, $0x7F00;
	[tilespmem:s0+$0x2030] =	vst v1;
	s16 =	smov.u32 s2;
	s2 =	sadd.s32 $0x100, s2  }
.Ltmp2:
0x1c: {  	[tilespmem:s0+$0x2020] =	vst v1;
	(pc) =	sbr.rel @p0 .LBB2_2-.Ltmp2, $3  }
0x1d: {  	[tilespmem:s0+$0x2000] =	vst v1  }
0x1e: {  	[tilespmem:s0+$0x2010] =	vst v1;
	_ =	sdelay $0x1  }
0x1f: {  	s0 =	sshra.s32 s16, $0x2  }
0x20: {  	[tilespmem:s0+$0x2030] =	vst v1  }
0x21: {  	[tilespmem:s0+$0x2020] =	vst v1  }
0x22: {  	[tilespmem:s0+$0x2000] =	vst v1  }
0x23: {  	[tilespmem:s0+$0x2010] =	vst v1  }
0x24: {  	[spmem:s5] =	stream.linear.scatter [tilespmem:s11], [sflag:$0x9], $0x2000, $0x38;
	[tilespmem:$0x16000] =	vst v63  }
0x25: {  	_ =	swait.ge [sflag:s12], $0x2000  }
0x26: {  	[sflag:s12] =	ssyncset.done $0x0  }
0x27: {  	[sflag:s12] =	ssyncadd.s32 $0xFFFFE000  }
0x28: {  	[spmem:s7] =	stream.linear.scatter [tilespmem:s11], [sflag:$0x9], $0x2000, $0x38;
	[tilespmem:$0x16000] =	vst v63  }
0x29: {  	_ =	swait.ge [sflag:s12], $0x2000  }
0x2a: {  	[sflag:s12] =	ssyncset.done $0x0  }
0x2b: {  	s2 =	simm.s32 $0x0;
	[sflag:s12] =	ssyncadd.s32 $0xFFFFE000  }
0x2c: {  	[tilespmem:s2], [sflag:$0x9] =	stream.linear.gather [hbm4b:s6+s2], $0x7D0, $0x38;
	[tilespmem:$0x16000] =	vst v63  }
0x2d: {  	_ =	swait.ge [sflag:s12], $0x7D0  }
0x2e: {  	[sflag:s12] =	ssyncset.done $0x0  }
0x2f: {  	s0 =	simm.s32 $0x800;
	[sflag:s12] =	ssyncadd.s32 $0xFFFFF830  }
0x30: {  	[tilespmem:s0], [sflag:$0x9] =	stream.linear.gather [hbm4b:s8+s2], $0x7D0, $0x38;
	[tilespmem:$0x16000] =	vst v63  }
0x31: {  	_ =	swait.ge [sflag:s12], $0x7D0  }
0x32: {  	[sflag:s12] =	ssyncset.done $0x0  }
0x33: {  	[sflag:s12] =	ssyncadd.s32 $0xFFFFF830  }
0x34: {  	v8 =	vor.u32 s2, v0;
	v7 =	vld [tilespmem:s2+$0x0];
	_ =	sdelay $0x4  }
0x35: {  	[tilespmem:v8+s13+$0x0] =	vst.idx.msk $0xffff, v7  }
0x36: {  	v7 =	vld [tilespmem:s0+$0x0];
	_ =	sdelay $0x4  }
0x37: {  	s2 =	simm.s32 $0x10;
	[tilespmem:v8+s14+$0x0] =	vst.idx.msk $0xffff, v7  }
0x38: {  	s16 =	simm.s32 $0x20;
	v7 =	vor.u32 s2, v0;
	v8 =	vld [tilespmem:s2+$0x0]  }
.LBB2_4:
0x39: {  	p0 =	sne.s32 s16, $0x7C0;
	_ =	sdelay $0x3  }
0x3a: {  	s0 =	sadd.s32 $0x10, s0;
	[tilespmem:v7+s13+$0x0] =	vst.idx.msk $0xffff, v8  }
0x3b: {  	v8 =	vld [tilespmem:s0+$0x0];
	_ =	sdelay $0x1  }
.Ltmp3:
0x3c: {  	(pc) =	sbr.rel @p0 .LBB2_4-.Ltmp3, $3  }
0x3d: {  	_ =	sdelay $0x1  }
0x3e: {  	s2 =	sadd.s32 $0x10, s2;
	[tilespmem:v7+s14+$0x0] =	vst.idx.msk $0xffff, v8  }
0x3f: {  	v7 =	vor.u32 s16, v0;
	s16 =	sadd.s32 $0x10, s16;
	v8 =	vld [tilespmem:s2+$0x0]  }
0x40: {  	_ =	sdelay $0x3  }
0x41: {  	s0 =	sadd.s32 $0x10, s0;
	[tilespmem:v7+s13+$0x0] =	vst.idx.msk $0xffff, v8  }
0x42: {  	v8 =	vld [tilespmem:s0+$0x0];
	_ =	sdelay $0x4  }
0x43: {  	[tilespmem:v7+s14+$0x0] =	vst.idx.msk $0xffff, v8  }
0x44: {  	s31 =	simm.s32 $0x1800;
	[tilespmem:v2+s13+$0x0] =	vst.idx.msk $0xffff, v3  }
0x45: {  	[tilespmem:v2+s31+$0x0] =	vst.idx.msk $0xffff, v4  }
0x46: {  	[tilespmem:v5+s13+$0x0] =	vst.idx.msk $0xffff, v3  }
0x47: {  	[tilespmem:v5+s31+$0x0] =	vst.idx.msk $0xffff, v4  }
0x48: {  	[tilespmem:v6+s13+$0x0] =	vst.idx.msk $0xffff, v3  }
0x49: {  	[tilespmem:v6+s31+$0x0] =	vst.idx.msk $0xffff, v4  }
0x4a: {  	[bflag:$0x0] =	sbarrier.arrive $0xFFFF  }
0x4b: {  	[tilespmem:s11], [sflag:$0x1] =	stream.indirect.gather [hbm4b:s4+s15], $0x40, s13, s15, $0xb8;
	[tilespmem:$0x16000] =	vst v63  }
0x4c: {  	s17 =	simm.s32 $0x1080;
	s2 =	simm.s32 $0x4000  }
0x4d: {  	[tilespmem:s2], [sflag:$0x2] =	stream.indirect.gather [hbm4b:s4+s15], $0x40, s17, s15, $0xb8;
	[tilespmem:$0x16000] =	vst v63  }
0x4e: {  	s18 =	simm.s32 $0x1100  }
0x4f: {  	[tilespmem:s19], [sflag:$0x3] =	stream.indirect.gather [hbm4b:s4+s15], $0x40, s18, s15, $0xb8;
	[tilespmem:$0x16000] =	vst v63  }
0x50: {  	_ = 	snop  }
0x51: {  	[tilespmem:s21], [sflag:$0x4] =	stream.indirect.gather [hbm4b:s4+s15], $0x40, s20, s15, $0xb8;
	[tilespmem:$0x16000] =	vst v63  }
0x52: {  	_ = 	snop  }
0x53: {  	[tilespmem:s23], [sflag:$0x5] =	stream.indirect.gather [hbm4b:s4+s15], $0x40, s22, s15, $0xb8;
	[tilespmem:$0x16000] =	vst v63  }
0x54: {  	_ = 	snop  }
0x55: {  	[tilespmem:s25], [sflag:$0x6] =	stream.indirect.gather [hbm4b:s4+s15], $0x40, s24, s15, $0xb8;
	[tilespmem:$0x16000] =	vst v63  }
.Ltmp4:
0x56: {  	_ = 	snop;
	(pc) =	sbr.rel .LBB2_6-.Ltmp4, $4  }
0x57: {  	_ = 	snop  }
0x58: {  	[tilespmem:s28], [sflag:$0x7] =	stream.indirect.gather [hbm4b:s4+s15], $0x40, s26, s15, $0xb8;
	[tilespmem:$0x16000] =	vst v63  }
0x59: {  	s0 =	simm.s32 $0x0;
	s2 =	simm.s32 $0x1400  }
0x5a: {  	[tilespmem:s30], [sflag:$0x8] =	stream.indirect.gather [hbm4b:s4+s15], $0x40, s29, s15, $0xb8;
	[tilespmem:$0x16000] =	vst v63  }
.LBB2_8:
0x5b: {  	p0 =	sgt.s32 s16, $0x5  }
0x5c: {  	p1 =	seq.s32 @p0 s16, $0x6  }
0x5d: {  	p2 =	por !p1, !p0  }
0x5e: {  	s17 =	simm.s32 @!p2 $0x7  }
0x5f: {  	_ =	swait.ge @!p2 [sflag:s17], $0x2000  }
0x60: {  	s18 =	simm.s32 @!p2 $0xE000;
	[sflag:s17] =	ssyncset.done @!p2 $0x0  }
0x61: {  	p3 =	sgt.u32 @!p2 s0, $0x7;
	[sflag:s17] =	ssyncadd.s32 @!p2 $0xFFFFE000;
	s17 =	simm.s32 @!p2 $0x80  }
0x62: {  	[spmem:s1] =	stream.indirect.scatter.add.f32 @!p2 [tilespmem:s18], [sflag:$0x9], $0x40, s31, s17, $0xb8;
	[tilespmem:$0x16000] =	vst v63  }
0x63: {  	p3 =	por @p0 p3, !p1;
	s17 =	simm.s32 @!p2 $0x9  }
0x64: {  	p3 =	por p3, !p0;
	_ =	swait.ge @!p2 [sflag:s17], $0x2000  }
0x65: {  	s18 =	simm.s32 @!p3 $0xE000;
	[sflag:s17] =	ssyncset.done @!p2 $0x0  }
0x66: {  	[sflag:s17] =	ssyncadd.s32 @!p2 $0xFFFFE000;
	s17 =	simm.s32 @!p3 $0x80;
	p2 =	por p1, !p0  }
0x67: {  	[tilespmem:s18], [sflag:$0x7] =	stream.indirect.gather @!p3 [hbm4b:s4+s17], $0x40, s2, s17, $0xb8;
	[tilespmem:$0x16000] =	vst v63  }
0x68: {  	s17 =	simm.s32 @!p2 $0x8  }
0x69: {  	_ =	swait.ge @!p2 [sflag:s17], $0x2000  }
0x6a: {  	[sflag:s17] =	ssyncset.done @!p2 $0x0  }
0x6b: {  	s18 =	simm.s32 @!p2 $0x10000;
	[sflag:s17] =	ssyncadd.s32 @!p2 $0xFFFFE000;
	s17 =	simm.s32 @!p2 $0x80  }
0x6c: {  	[spmem:s1] =	stream.indirect.scatter.add.f32 @!p2 [tilespmem:s18], [sflag:$0x9], $0x40, s31, s17, $0xb8;
	[tilespmem:$0x16000] =	vst v63  }
0x6d: {  	p3 =	sgt.u32 @!p2 s0, $0x7;
	s17 =	simm.s32 @!p2 $0x9  }
0x6e: {  	p1 =	por @p0 p3, p1;
	_ =	swait.ge @!p2 [sflag:s17], $0x2000  }
0x6f: {  	p1 =	por p1, !p0;
	[sflag:s17] =	ssyncset.done @!p2 $0x0  }
0x70: {  	s18 =	simm.s32 @!p1 $0x10000;
	[sflag:s17] =	ssyncadd.s32 @!p2 $0xFFFFE000;
	s17 =	simm.s32 @!p1 $0x80  }
0x71: {  	[tilespmem:s18], [sflag:$0x8] =	stream.indirect.gather @!p1 [hbm4b:s4+s17], $0x40, s2, s17, $0xb8;
	[tilespmem:$0x16000] =	vst v63  }
0x72: {  	p1 =	seq.s32 @!p0 s16, $0x4  }
0x73: {  	p2 =	por !p1, p0  }
0x74: {  	s16 =	simm.s32 @!p2 $0x5  }
0x75: {  	_ =	swait.ge @!p2 [sflag:s16], $0x2000  }
0x76: {  	s17 =	simm.s32 @!p2 $0xA000;
	[sflag:s16] =	ssyncset.done @!p2 $0x0  }
0x77: {  	p3 =	sgt.u32 @!p2 s0, $0x7;
	[sflag:s16] =	ssyncadd.s32 @!p2 $0xFFFFE000;
	s16 =	simm.s32 @!p2 $0x80  }
0x78: {  	[spmem:s1] =	stream.indirect.scatter.add.f32 @!p2 [tilespmem:s17], [sflag:$0x9], $0x40, s31, s16, $0xb8;
	[tilespmem:$0x16000] =	vst v63  }
0x79: {  	p3 =	por @!p0 p3, !p1;
	s16 =	simm.s32 @!p2 $0x9  }
0x7a: {  	p3 =	por p3, p0;
	_ =	swait.ge @!p2 [sflag:s16], $0x2000  }
0x7b: {  	s17 =	simm.s32 @!p3 $0xA000;
	[sflag:s16] =	ssyncset.done @!p2 $0x0  }
0x7c: {  	[sflag:s16] =	ssyncadd.s32 @!p2 $0xFFFFE000;
	s16 =	simm.s32 @!p3 $0x80;
	p2 =	por p1, p0  }
0x7d: {  	[tilespmem:s17], [sflag:$0x5] =	stream.indirect.gather @!p3 [hbm4b:s4+s16], $0x40, s2, s16, $0xb8;
	[tilespmem:$0x16000] =	vst v63  }
0x7e: {  	s16 =	simm.s32 @!p2 $0x6  }
0x7f: {  	_ =	swait.ge @!p2 [sflag:s16], $0x2000  }
0x80: {  	[sflag:s16] =	ssyncset.done @!p2 $0x0  }
0x81: {  	s17 =	simm.s32 @!p2 $0xC000;
	[sflag:s16] =	ssyncadd.s32 @!p2 $0xFFFFE000;
	s16 =	simm.s32 @!p2 $0x80  }
0x82: {  	[spmem:s1] =	stream.indirect.scatter.add.f32 @!p2 [tilespmem:s17], [sflag:$0x9], $0x40, s31, s16, $0xb8;
	[tilespmem:$0x16000] =	vst v63  }
0x83: {  	p3 =	sgt.u32 @!p2 s0, $0x7;
	s16 =	simm.s32 @!p2 $0x9  }
0x84: {  	p1 =	por @!p0 p3, p1;
	_ =	swait.ge @!p2 [sflag:s16], $0x2000  }
0x85: {  	p0 =	por p1, p0;
	[sflag:s16] =	ssyncset.done @!p2 $0x0  }
0x86: {  	s17 =	simm.s32 @!p0 $0xC000;
	[sflag:s16] =	ssyncadd.s32 @!p2 $0xFFFFE000;
	s16 =	simm.s32 @!p0 $0x80  }
0x87: {  	[tilespmem:s17], [sflag:$0x6] =	stream.indirect.gather @!p0 [hbm4b:s4+s16], $0x40, s2, s16, $0xb8;
	[tilespmem:$0x16000] =	vst v63  }
.LBB2_9:
0x88: {  	s0 =	sadd.s32 $0x1, s0  }
0x89: {  	p0 =	sne.s32 s0, $0x10  }
.Ltmp5:
0x8a: {  	_ = 	snop;
	(pc) =	sbr.rel @!p0 .LBB2_10-.Ltmp5, $2  }
0x8b: {  	_ =	sdelay $0x2  }
0x8c: {  	s2 =	sadd.s32 $0x80, s2;
	s31 =	sadd.s32 $0x80, s31  }
.LBB2_6:
0x8d: {  	s16 =	sand.u32 $0x7, s0  }
0x8e: {  	p0 =	sgt.s32 s16, $0x3  }
.Ltmp6:
0x8f: {  	_ = 	snop;
	(pc) =	sbr.rel @p0 .LBB2_8-.Ltmp6, $1  }
0x90: {  	_ =	sdelay $0x3  }
0x91: {  	p0 =	sgt.s32 s16, $0x1  }
0x92: {  	p1 =	seq.s32 @p0 s16, $0x2  }
0x93: {  	p2 =	por !p1, !p0  }
0x94: {  	s17 =	simm.s32 @!p2 $0x3  }
0x95: {  	_ =	swait.ge @!p2 [sflag:s17], $0x2000  }
0x96: {  	s18 =	simm.s32 @!p2 $0x6000;
	[sflag:s17] =	ssyncset.done @!p2 $0x0  }
0x97: {  	p3 =	sgt.u32 @!p2 s0, $0x7;
	[sflag:s17] =	ssyncadd.s32 @!p2 $0xFFFFE000;
	s17 =	simm.s32 @!p2 $0x80  }
0x98: {  	[spmem:s1] =	stream.indirect.scatter.add.f32 @!p2 [tilespmem:s18], [sflag:$0x9], $0x40, s31, s17, $0xb8;
	[tilespmem:$0x16000] =	vst v63  }
0x99: {  	p3 =	por @p0 p3, !p1;
	s17 =	simm.s32 @!p2 $0x9  }
0x9a: {  	p3 =	por p3, !p0;
	_ =	swait.ge @!p2 [sflag:s17], $0x2000  }
0x9b: {  	s18 =	simm.s32 @!p3 $0x6000;
	[sflag:s17] =	ssyncset.done @!p2 $0x0  }
0x9c: {  	[sflag:s17] =	ssyncadd.s32 @!p2 $0xFFFFE000;
	s17 =	simm.s32 @!p3 $0x80;
	p2 =	por p1, !p0  }
0x9d: {  	[tilespmem:s18], [sflag:$0x3] =	stream.indirect.gather @!p3 [hbm4b:s4+s17], $0x40, s2, s17, $0xb8;
	[tilespmem:$0x16000] =	vst v63  }
0x9e: {  	s17 =	simm.s32 @!p2 $0x4  }
0x9f: {  	_ =	swait.ge @!p2 [sflag:s17], $0x2000  }
0xa0: {  	[sflag:s17] =	ssyncset.done @!p2 $0x0  }
0xa1: {  	s18 =	simm.s32 @!p2 $0x8000;
	[sflag:s17] =	ssyncadd.s32 @!p2 $0xFFFFE000;
	s17 =	simm.s32 @!p2 $0x80  }
0xa2: {  	[spmem:s1] =	stream.indirect.scatter.add.f32 @!p2 [tilespmem:s18], [sflag:$0x9], $0x40, s31, s17, $0xb8;
	[tilespmem:$0x16000] =	vst v63  }
0xa3: {  	p3 =	sgt.u32 @!p2 s0, $0x7;
	s17 =	simm.s32 @!p2 $0x9  }
0xa4: {  	p1 =	por @p0 p3, p1;
	_ =	swait.ge @!p2 [sflag:s17], $0x2000  }
0xa5: {  	p1 =	por p1, !p0;
	[sflag:s17] =	ssyncset.done @!p2 $0x0  }
0xa6: {  	s18 =	simm.s32 @!p1 $0x8000;
	[sflag:s17] =	ssyncadd.s32 @!p2 $0xFFFFE000;
	s17 =	simm.s32 @!p1 $0x80  }
0xa7: {  	[tilespmem:s18], [sflag:$0x4] =	stream.indirect.gather @!p1 [hbm4b:s4+s17], $0x40, s2, s17, $0xb8;
	[tilespmem:$0x16000] =	vst v63  }
0xa8: {  	p1 =	seq.s32 @!p0 s16, $0x0  }
0xa9: {  	p2 =	por !p1, p0  }
0xaa: {  	s16 =	simm.s32 @!p2 $0x1  }
0xab: {  	_ =	swait.ge @!p2 [sflag:s16], $0x2000  }
0xac: {  	s17 =	simm.s32 @!p2 $0x2000;
	[sflag:s16] =	ssyncset.done @!p2 $0x0  }
0xad: {  	p3 =	sgt.u32 @!p2 s0, $0x7;
	[sflag:s16] =	ssyncadd.s32 @!p2 $0xFFFFE000;
	s16 =	simm.s32 @!p2 $0x80  }
0xae: {  	[spmem:s1] =	stream.indirect.scatter.add.f32 @!p2 [tilespmem:s17], [sflag:$0x9], $0x40, s31, s16, $0xb8;
	[tilespmem:$0x16000] =	vst v63  }
0xaf: {  	p3 =	por @!p0 p3, !p1;
	s16 =	simm.s32 @!p2 $0x9  }
0xb0: {  	p3 =	por p3, p0;
	_ =	swait.ge @!p2 [sflag:s16], $0x2000  }
0xb1: {  	s17 =	simm.s32 @!p3 $0x2000;
	[sflag:s16] =	ssyncset.done @!p2 $0x0  }
0xb2: {  	[sflag:s16] =	ssyncadd.s32 @!p2 $0xFFFFE000;
	s16 =	simm.s32 @!p3 $0x80;
	p2 =	por p1, p0  }
0xb3: {  	[tilespmem:s17], [sflag:$0x1] =	stream.indirect.gather @!p3 [hbm4b:s4+s16], $0x40, s2, s16, $0xb8;
	[tilespmem:$0x16000] =	vst v63  }
0xb4: {  	s16 =	simm.s32 @!p2 $0x2  }
0xb5: {  	_ =	swait.ge @!p2 [sflag:s16], $0x2000  }
0xb6: {  	[sflag:s16] =	ssyncset.done @!p2 $0x0  }
0xb7: {  	s17 =	simm.s32 @!p2 $0x4000;
	[sflag:s16] =	ssyncadd.s32 @!p2 $0xFFFFE000;
	s16 =	simm.s32 @!p2 $0x80  }
0xb8: {  	[spmem:s1] =	stream.indirect.scatter.add.f32 @!p2 [tilespmem:s17], [sflag:$0x9], $0x40, s31, s16, $0xb8;
	[tilespmem:$0x16000] =	vst v63  }
.Ltmp7:
0xb9: {  	p3 =	sgt.u32 @!p2 s0, $0x7;
	s16 =	simm.s32 @!p2 $0x9;
	(pc) =	sbr.rel .LBB2_9-.Ltmp7, $4  }
0xba: {  	p1 =	por @!p0 p3, p1;
	_ =	swait.ge @!p2 [sflag:s16], $0x2000  }
0xbb: {  	p0 =	por p1, p0;
	[sflag:s16] =	ssyncset.done @!p2 $0x0  }
0xbc: {  	s17 =	simm.s32 @!p0 $0x4000;
	[sflag:s16] =	ssyncadd.s32 @!p2 $0xFFFFE000;
	s16 =	simm.s32 @!p0 $0x80  }
0xbd: {  	[tilespmem:s17], [sflag:$0x2] =	stream.indirect.gather @!p0 [hbm4b:s4+s16], $0x40, s2, s16, $0xb8;
	[tilespmem:$0x16000] =	vst v63  }
.LBB2_11:
0xbe: {  	_ =	sfence.sel $0x180000  }
0xbf: {  	[bflag:$0x0] =	sbarrier.arrive $0xFFFF  }
0xc0: {  	_ =	strace $0x9000004D  }
0xc1: {  	s0 =	stileid.u32;
	[bflag:$0x2] =	sbarrier.arrive $0xFFFF  }
0xc2: {  	p0 =	sne.s32 s0, $0x0;
	s0 =	rddreg [dreg:$0x3]  }
0xc3: {  	s0 =	sadd.s32 @!p0 $0x100000, s0  }
0xc4: {  	[sflag:s0] =	ssyncadd.tile.s32 @!p0 $0x1;
	_ =	shalt  }
.Lfunc_end2:
_tile_overlayer_lowered:
.L_overlay_start_2:
0xc5: {  	(tag) =	ssettag $0x2  }
0xc6: {  	s0 =	rddreg [dreg:$0x0];
	s2 =	stileid.u32  }
0xc7: {  	s1 =	rddreg [dreg:$0x1];
	p0 =	sne.s32 s2, $0x0  }
0xc8: {  	s3 =	rddreg [dreg:$0x2];
	[bflag:$0x3] =	sbarrier.arrive $0xFFFF;
	s2 =	simm.s32 @!p0 $0x1C09  }
0xc9: {  	[timem:s3], [sflag:s2] =	dma.local @!p0 [hbm:s0], s1  }
0xca: {  	s0 =	simm.s32 @!p0 $0x9  }
0xcb: {  	_ =	swait.ge @!p0 [sflag:s0], s1  }
0xcc: {  	s1 =	ssub.s32 @!p0 $0x0, s1;
	[sflag:s0] =	ssyncset.done @!p0 $0x0  }
0xcd: {  	[sflag:s0] =	ssyncadd.s32 @!p0 s1  }
0xce: {  	[bflag:$0x3] =	sbarrier.arrive $0xFFFF  }
0xcf: {  	_ =	shalt  }

// kernel: kernel.8.cloned.1.call-start
scs
__scs_entry_jumppad:
0x0: {  	(pc) =	sbr.rel $0x88, $3  }
0x1: {  	(tag) =	ssettag $0x0;
	lr =	simm.s32 $0x1  }
0x2: {  	[smem:$0x3F9A] =	sst lr;
	_ =	strace $0xD0000000  }
0x3: {  	_ = 	snop  }
0x4: {  	_ = 	snop  }
0x5: {  	_ = 	snop  }
0x6: {  	_ = 	snop  }
0x7: {  	_ = 	snop  }
__scs_overlays_trampoline_lowered:
0x8: {  	[smem:$0x3FA9] =	sst s0  }
0x9: {  	[smem:$0x3FAA] =	sst s1  }
0xa: {  	[smem:$0x3FAB] =	sst s2  }
0xb: {  	[smem:$0x3FAC] =	sst s3  }
0xc: {  	[smem:$0x3FAD] =	sst s4  }
0xd: {  	[smem:$0x3FAE] =	sst s5  }
0xe: {  	[smem:$0x3FAF] =	sst s6  }
0xf: {  	[smem:$0x3FB0] =	sst s7  }
0x10: {  	[smem:$0x3FB1] =	sst s8  }
0x11: {  	[smem:$0x3FB2] =	sst s9;
	s0 =	simm.s32 @!p0 $0x0  }
0x12: {  	s1 =	sld [smem:$0x3F98];
	s0 =	simm.s32 @p0 $0x1  }
0x13: {  	[smem:$0x3FB3] =	sst s0;
	s0 =	simm.s32 @!p1 $0x0  }
0x14: {  	s2 =	sld [smem:$0x3F97];
	s0 =	simm.s32 @p1 $0x1  }
0x15: {  	[smem:$0x3FB4] =	sst s0;
	s0 =	simm.s32 @!p2 $0x0  }
0x16: {  	s3 =	sld [smem:$0x3FDB];
	s0 =	simm.s32 @p2 $0x1  }
0x17: {  	s4 =	simm.s32 $0x1BF5;
	[smem:$0x3FB6] =	sst s0  }
0x18: {  	s0 =	sld [smem:$0x3F99];
	_ =	swait.ge [sflag:s4], $0x0  }
0x19: {  	s7 =	sld [smem:$0x3F9A]  }
0x1a: {  	s8 =	sadd.s32 $0xFFFFE003, lr  }
0x1b: {  	s9 =	sadd.s32 $0xFFFFFEF7, lr;
	s5 =	simm.s32 $0xFFFFFFFF;
	p2 =	slt.u32 s8, $0xFFFFF086  }
0x1c: {  	p1 =	slt.u32 s9, $0xF7A;
	s5 =	simm.s32 @!p2 $0x0  }
0x1d: {  	s5 =	simm.s32 @p1 $0x1;
	p0 =	seq.s32 s7, s2  }
0x1e: {  	s7 =	smul.u32 @!p0 $0xF7A, s2;
	p2 =	seq.s32 @!p0 s5, $0x0  }
0x1f: {  	s9 =	smul.u32 $0xF7A, s1;
	s8 =	simm.s32 @!p0 $0x1BF5;
	p2 =	por !p2, p0  }
0x20: {  	[sflag:s8] =	ssyncset.s32 @!p0 $0xFFFFF086;
	s6 =	sadd.s32 @!p0 s3, s7;
	s7 =	simm.s32 @!p0 $0x108  }
0x21: {  	s3 =	sadd.s32 s3, s9;
	s6 =	sadd.s32 @!p0 $0x88, s6;
	s7 =	simm.s32 @p2 $0x1082  }
0x22: {  	[simem:s7], [sflag:s8] =	dma.local @!p0 [hbm:s6], $0xF7A  }
0x23: {  	s9 =	sor.u32 $0xD0000000, s2;
	s6 =	simm.s32 $0x108;
	_ =	swait.ge @!p0 [sflag:s8], $0x0  }
0x24: {  	s3 =	sadd.s32 $0x88, s3;
	s6 =	simm.s32 @!p1 $0x1082;
	[sflag:s4] =	ssyncset.s32 $0xFFFFF086  }
0x25: {  	[simem:s6], [sflag:s4] =	dma.local [hbm:s3], $0xF7A  }
0x26: {  	[smem:$0x3F9A] =	sst s1;
	(tag) =	ssettag s2;
	_ =	strace s9  }
0x27: {  	s1 =	sld [smem:$0x3FAA]  }
0x28: {  	s2 =	sld [smem:$0x3FAB]  }
0x29: {  	s4 =	sld [smem:$0x3FAD]  }
0x2a: {  	p0 =	seq.s32 s5, $0x0;
	s5 =	sld [smem:$0x3FAE]  }
0x2b: {  	s6 =	sld [smem:$0x3FAF]  }
0x2c: {  	s7 =	sld [smem:$0x3FB0]  }
0x2d: {  	s3 =	simm.s32 $0x108;
	s8 =	sld [smem:$0x3FB1]  }
0x2e: {  	s3 =	simm.s32 @!p0 $0x1082;
	s9 =	sld [smem:$0x3FB2]  }
0x2f: {  	lr =	sadd.s32 s0, s3;
	s0 =	sld [smem:$0x3FA9]  }
0x30: {  	s3 =	sld [smem:$0x3FAC]  }
0x31: {  	[smem:$0x3FB5] =	sst s10  }
0x32: {  	s10 =	sld [smem:$0x3FB3];
	_ =	sdelay $0x3  }
0x33: {  	p0 =	seq.s32 s10, $0x1;
	s10 =	sld [smem:$0x3FB5];
	_ =	sdelay $0x3  }
0x34: {  	[smem:$0x3FB5] =	sst s10  }
0x35: {  	s10 =	sld [smem:$0x3FB4];
	_ =	sdelay $0x3  }
0x36: {  	p1 =	seq.s32 s10, $0x1;
	s10 =	sld [smem:$0x3FB5];
	_ =	sdelay $0x3  }
0x37: {  	[smem:$0x3FB5] =	sst s10  }
0x38: {  	s10 =	sld [smem:$0x3FB6]  }
0x39: {  	_ = 	snop;
	(pc) =	sbr.ind lr, $3  }
0x3a: {  	_ = 	snop  }
0x3b: {  	_ = 	snop  }
0x3c: {  	p2 =	seq.s32 s10, $0x1;
	s10 =	sld [smem:$0x3FB5]  }
0x3d: {  	_ =	shalt  }
0x3e: {  	_ =	shalt  }
0x3f: {  	_ =	shalt  }
0x40: {  	_ =	shalt  }
0x41: {  	_ =	shalt  }
0x42: {  	_ =	shalt  }
0x43: {  	_ =	shalt  }
0x44: {  	_ =	shalt  }
0x45: {  	_ =	shalt  }
0x46: {  	_ =	shalt  }
0x47: {  	_ =	shalt  }
0x48: {  	_ =	shalt  }
0x49: {  	_ =	shalt  }
0x4a: {  	_ =	shalt  }
0x4b: {  	_ =	shalt  }
0x4c: {  	_ =	shalt  }
0x4d: {  	_ =	shalt  }
0x4e: {  	_ =	shalt  }
0x4f: {  	_ =	shalt  }
0x50: {  	_ =	shalt  }
0x51: {  	_ =	shalt  }
0x52: {  	_ =	shalt  }
0x53: {  	_ =	shalt  }
0x54: {  	_ =	shalt  }
0x55: {  	_ =	shalt  }
0x56: {  	_ =	shalt  }
0x57: {  	_ =	shalt  }
0x58: {  	_ =	shalt  }
0x59: {  	_ =	shalt  }
0x5a: {  	_ =	shalt  }
0x5b: {  	_ =	shalt  }
0x5c: {  	_ =	shalt  }
0x5d: {  	_ =	shalt  }
0x5e: {  	_ =	shalt  }
0x5f: {  	_ =	shalt  }
0x60: {  	_ =	shalt  }
0x61: {  	_ =	shalt  }
0x62: {  	_ =	shalt  }
0x63: {  	_ =	shalt  }
0x64: {  	_ =	shalt  }
0x65: {  	_ =	shalt  }
0x66: {  	_ =	shalt  }
0x67: {  	_ =	shalt  }
0x68: {  	_ =	shalt  }
0x69: {  	_ =	shalt  }
0x6a: {  	_ =	shalt  }
0x6b: {  	_ =	shalt  }
0x6c: {  	_ =	shalt  }
0x6d: {  	_ =	shalt  }
0x6e: {  	_ =	shalt  }
0x6f: {  	_ =	shalt  }
0x70: {  	_ =	shalt  }
0x71: {  	_ =	shalt  }
0x72: {  	_ =	shalt  }
0x73: {  	_ =	shalt  }
0x74: {  	_ =	shalt  }
0x75: {  	_ =	shalt  }
0x76: {  	_ =	shalt  }
0x77: {  	_ =	shalt  }
0x78: {  	_ =	shalt  }
0x79: {  	_ =	shalt  }
0x7a: {  	_ =	shalt  }
0x7b: {  	_ =	shalt  }
0x7c: {  	_ =	shalt  }
0x7d: {  	_ =	shalt  }
0x7e: {  	_ =	shalt  }
0x7f: {  	_ =	shalt  }
0x80: {  	_ =	shalt  }
0x81: {  	_ =	shalt  }
0x82: {  	_ =	shalt  }
0x83: {  	_ =	shalt  }
0x84: {  	_ =	shalt  }
0x85: {  	_ =	shalt  }
0x86: {  	_ =	shalt  }
0x87: {  	_ =	shalt  }
.Lfunc_end0:
.L_simem_size_0:
called_computation_lowered:
.L_overlay_start_0:
0x88: {  	s2 =	sld [smem:$0x3FD9]  }
0x89: {  	s3 =	sld [smem:$0x3FFE];
	_ =	sdelay $0x1  }
0x8a: {  	s1 =	srdreg.scid  }
0x8b: {  	s0 =	sand.u32 $0x1, s1  }
0x8c: {  	s17 =	sshll.u32 s0, $0xA;
	s2 =	sadd.s32 s3, s2  }
0x8d: {  	s2 =	sadd.s32 s2, s17  }
0x8e: {  	[smem:$0x3FC1] =	sst s2  }
0x8f: {  	_ = 	snop  }
0x90: {  	s2 =	sld [smem:$0x3FD0];
	(tm) =	ssettm $0x1  }
0x91: {  	s18 =	sld [smem:$0x3FFB];
	_ =	sdelay $0x3  }
0x92: {  	_ =	strace s18  }
0x93: {  	s3 =	sld [smem:$0x3FFC];
	_ =	sdelay $0x3  }
0x94: {  	_ =	strace s3  }
0x95: {  	s3 =	sld [smem:$0x3FFD];
	_ =	sdelay $0x3  }
0x96: {  	_ =	strace s3  }
0x97: {  	_ =	strace $0x8FFFFFFF  }
0x98: {  	s19 =	sld [smem:$0x3FDB];
	_ =	sdelay $0x1  }
0x99: {  	s4 =	simm.s32 $_scs_section_size  }
0x9a: {  	s5 =	simm.s32 $_size__tile_overlayer_lowered;
	s6 =	simm.s32 $_tile_overlayer_lowered  }
0x9b: {  	s22 =	simm.s32 $0x1BFF;
	s21 =	sshll.u32 s6, $0x1;
	s3 =	sadd.s32 s4, s19  }
0x9c: {  	s7 =	simm.s32 $0x0;
	s20 =	sshll.u32 s5, $0x1;
	s5 =	sadd.s32 s21, s3  }
0x9d: {  	[timem:s7], [sflag:s22] =	dma.local [hbm:s5], s20  }
0x9e: {  	_ =	swait.ge [sflag:s22], s20  }
0x9f: {  	s4 =	ssub.s32 $0x0, s20;
	[sflag:s22] =	ssyncset.done $0x0  }
0xa0: {  	[sflag:s22] =	ssyncadd.s32 s4;
	_ =	sdelay $0x1  }
0xa1: {  	s23 =	simm.s32 $0x1B8B  }
0xa2: {  	_ =	swait.ge [sflag:s23], $0x1  }
0xa3: {  	[sflag:s23] =	ssyncset.done $0x0  }
0xa4: {  	s25 =	simm.s32 $0x1B8E;
	s24 =	sld [smem:$0x3FFE];
	[sflag:s23] =	ssyncadd.s32 $0xFFFFFFFF  }
0xa5: {  	s26 =	simm.s32 $execute0_lowered;
	[smem:$0x3FD2] =	sst s25  }
0xa6: {  	s5 =	sshll.u32 s26, $0x1;
	_ =	strace $0x80000046;
	[dreg:$0x1] =	wrdreg $0xFFFFFFFF  }
0xa7: {  	s28 =	simm.s32 $_size_execute0_lowered;
	s3 =	sadd.s32 s3, s5;
	[dreg:$0x0] =	wrdreg $0x0  }
0xa8: {  	s5 =	sshll.u32 s28, $0x1;
	[dreg:$0x2] =	wrdreg s3  }
0xa9: {  	[dreg:$0x3] =	wrdreg s5  }
0xaa: {  	[dreg:$0x4] =	wrdreg $0xC0  }
0xab: {  	_ =	task [dreg:s7], $0x5FFFF  }
0xac: {  	[dreg:$0x1] =	wrdreg $0xFFFFFFFF  }
0xad: {  	[dreg:$0x0] =	wrdreg $0x60  }
0xae: {  	[dreg:$0x2] =	wrdreg s24  }
0xaf: {  	[dreg:$0x3] =	wrdreg s2  }
0xb0: {  	[dreg:$0x4] =	wrdreg $0xBA800  }
0xb1: {  	[dreg:$0x5] =	wrdreg $0x9  }
0xb2: {  	_ =	task.clear_ibuf [dreg:s7], $0x6FFFF;
	_ =	strace $0x90000046  }
0xb3: {  	s29 =	simm.s32 $0x9;
	_ =	strace $0x80000048  }
0xb4: {  	_ =	swait.ge [sflag:s29], $0x1  }
0xb5: {  	[sflag:s29] =	ssyncadd.s32 $0xFFFFFFFF  }
0xb6: {  	_ =	strace $0x90000048  }
0xb7: {  	_ =	sfence  }
0xb8: {  	s30 =	sld [smem:$0x0];
	_ =	sdelay $0x2  }
0xb9: {  	s31 =	sshll.u32 s1, $0xD;
	s1 =	sshrl.u32 s1, $0x2  }
0xba: {  	s3 =	sand.u32 $0x4000, s31;
	s1 =	sadd.s32 s1, s30  }
0xbb: {  	s0 =	sor.u32 s3, s0;
	s1 =	sshll.u32 s1, $0x11  }
0xbc: {  	s0 =	sor.u32 s1, s0  }
0xbd: {  	s0 =	sadd.s32 $0x8F2B, s0  }
0xbe: {  	[sflag:s0] =	ssyncadd.remote.s32 $0x1  }
0xbf: {  	_ =	sfence.sel $0xFFFF  }
0xc0: {  	[dreg:$0x0] =	wrdreg $0xFFFFFFFF;
	(pc) =	sbr.abs _section_cstart, $3  }
0xc1: {  	[dreg:$0x1] =	wrdreg $0xFFFFFFFF  }
0xc2: {  	_ =	task.clear_ibuf [dreg:s7], $0x2FFFF;
	_ =	strace $0x9FFFFFFF  }
0xc3: {  	(tm) =	ssettm $0x7FFFFFFF  }
tec
execute0_lowered:
.L_overlay_start_1:
0x0: {  	(tag) =	ssettag $0x1  }
0x1: {  	s0 =	rddreg [dreg:$0x0];
	s1 =	srdreg.scid  }
0x2: {  	s4 =	rddreg [dreg:$0x1];
	s11 =	stileid.u32  }
0x3: {  	s6 =	rddreg [dreg:$0x2];
	s2 =	simm.s32 $0x0;
	s5 =	smul.u32 $0x4E20, s11  }
0x4: {  	s28 =	simm.s32 $0x400;
	s29 =	simm.s32 $0xAE80;
	s23 =	smul.u32 $0xC00, s11  }
0x5: {  	s30 =	simm.s32 $0xB480;
	s1 =	sand.u32 $0x1, s1;
	s9 =	smul.u32 $0xFA0, s11  }
0x6: {  	[smem:$0x7FF] =	sst s2;
	s10 =	sshrl.u32 s11, $0x3;
	s26 =	smul.u32 $0xC000, s11  }
0x7: {  	s31 =	sshll.u32 s11, $0x7;
	s3 =	smul.u32 $0x4E200, s1;
	s7 =	sshll.u32 s1, $0x7  }
0x8: {  	_ =	strace $0x80000047;
	s24 =	ssub.s32 $0x2, s1;
	s1 =	smul.u32 $0xFA00, s1  }
0x9: {  	s25 =	smul.u32 $0xC0000, s10;
	s8 =	sshrl.u32 s24, $0x1;
	s3 =	sadd.s32 s5, s3  }
0xa: {  	s5 =	sor.u32 s7, s23;
	s23 =	ssub.s32 s24, s8;
	s1 =	sadd.s32 s9, s1  }
0xb: {  	s8 =	sand.u32 $0x380, s31;
	s7 =	sshrl.u32 s26, $0x2;
	s24 =	simm.s32 $0x1  }
0xc: {  	s26 =	simm.s32 $0x80;
	s3 =	sshrl.u32 s3, $0x3;
	s5 =	sshrl.u32 s5, $0x3  }
0xd: {  	s1 =	sshrl.u32 s1, $0x3;
	s23 =	smax.u32 s23, $0x1;
	s3 =	sadd.s32 s3, s0  }
0xe: {  	s0 =	sadd.s32 s5, s0;
	s5 =	sshrl.u32 s25, $0x2;
	s4 =	sadd.s32 s4, s1  }
0xf: {  	s25 =	simm.s32 $0x4E80;
	s3 =	sadd.s32 $0x1E00, s3;
	s5 =	sadd.s32 s5, s6  }
0x10: {  	s6 =	sadd.s32 s7, s6;
	s22 =	sadd.s32 $0x15800, s0;
	s5 =	sadd.s32 s8, s5  }
0x11: {  	s7 =	sadd.s32 $0x80, s6;
	s8 =	sadd.s32 $0x100, s6;
	s9 =	sadd.s32 $0x180, s6  }
0x12: {  	s10 =	sadd.s32 $0x200, s6;
	s11 =	sadd.s32 $0x280, s6;
	s12 =	sadd.s32 $0x300, s6  }
0x13: {  	s13 =	sadd.s32 $0x380, s6;
	s14 =	sadd.s32 $0x30000, s6;
	s15 =	sadd.s32 $0x30080, s6  }
0x14: {  	s16 =	sadd.s32 $0x30100, s6;
	s17 =	sadd.s32 $0x30180, s6;
	s18 =	sadd.s32 $0x30200, s6  }
0x15: {  	v0 =	vimm.f32 $0.0e+00;
	v1 =	vimm.f32 $1.000000000e+00;
	s19 =	sadd.s32 $0x30280, s6;
	s20 =	sadd.s32 $0x30300, s6;
	s21 =	sadd.s32 $0x30380, s6  }
.LBB2_1:
0x16: {  	s0 =	simm.s32 $0x40;
	s1 =	simm.s32 $0x0  }
.LBB2_2:
0x17: {  	p0 =	sne.s32 s0, $0x17FC0;
	[tilespmem:s1+$0x4E80] =	vst v0;
	s1 =	smov.u32 s0;
	s0 =	sadd.s32 $0x40, s0  }
.Ltmp0:
0x18: {  	(pc) =	sbr.rel @p0 .LBB2_2-.Ltmp0, $2  }
0x19: {  	_ =	sdelay $0x2  }
0x1a: {  	s1 =	sshra.s32 s1, $0x2  }
0x1b: {  	[tilespmem:s1+$0x4E80] =	vst v0;
	s0 =	simm.s32 $0x0  }
0x1c: {  	[tilespmem:s0], [sflag:$0x1] =	stream.linear.gather [hbm4b:s3+s0], $0x4E20, $0x38;
	[tilespmem:$0x11A80] =	vst v63  }
0x1d: {  	_ =	swait.ge [sflag:s24], $0x4E20  }
0x1e: {  	[sflag:s24] =	ssyncset.done $0x0  }
0x1f: {  	s1 =	simm.s32 $0x0;
	s0 =	simm.s32 $0x40;
	[sflag:s24] =	ssyncadd.s32 $0xFFFFB1E0  }
.LBB2_4:
0x20: {  	p0 =	sne.s32 s0, $0x13840;
	v2 =	vld [tilespmem:s1+$0x0];
	_ =	sdelay $0x3  }
.Ltmp1:
0x21: {  	(pc) =	sbr.rel @p0 .LBB2_4-.Ltmp1, $2  }
0x22: {  	_ =	sdelay $0x2  }
0x23: {  	s1 =	sshra.s32 s0, $0x2;
	s0 =	sadd.s32 $0x40, s0;
	[tilespmem:v2+s25+$0x0] =	vst.idx.add.f32.msk $0xffff, v1  }
0x24: {  	v2 =	vld [tilespmem:s1+$0x0];
	_ =	sdelay $0x7  }
0x25: {  	s0 =	simm.s32 $0x0;
	[tilespmem:v2+s25+$0x0] =	vst.idx.add.f32.msk $0xffff, v1  }
0x26: {  	[tilespmem:s0], [sflag:$0x1] =	stream.linear.gather [hbm4b:s4+s0], $0xFA0, $0x38;
	[tilespmem:$0x11A80] =	vst v63  }
0x27: {  	_ =	swait.ge [sflag:s24], $0xFA0  }
0x28: {  	[sflag:s24] =	ssyncset.done $0x0  }
0x29: {  	s1 =	simm.s32 $0x40;
	s0 =	simm.s32 $0x0;
	[sflag:s24] =	ssyncadd.s32 $0xFFFFF060  }
.LBB2_6:
0x2a: {  	p0 =	sne.s32 s1, $0x3E40;
	v2 =	vld [tilespmem:s0+$0x0];
	_ =	sdelay $0x4  }
0x2b: {  	v2 =	vadd.s32 $0x5000, v2  }
.Ltmp2:
0x2c: {  	(pc) =	sbr.rel @p0 .LBB2_6-.Ltmp2, $2  }
0x2d: {  	_ =	sdelay $0x2  }
0x2e: {  	s0 =	sshra.s32 s1, $0x2;
	s1 =	sadd.s32 $0x40, s1;
	[tilespmem:v2+s25+$0x0] =	vst.idx.add.f32.msk $0xffff, v1  }
0x2f: {  	v2 =	vld [tilespmem:s0+$0x0];
	_ =	sdelay $0x4  }
0x30: {  	v2 =	vadd.s32 $0x5000, v2;
	_ =	sdelay $0x4  }
0x31: {  	[tilespmem:v2+s25+$0x0] =	vst.idx.add.f32.msk $0xffff, v1  }
0x32: {  	[spmem:s5] =	stream.strided.scatter [tilespmem:s25], [sflag:$0x1], $0x6000, s28, s26, $0x38;
	[tilespmem:$0x11A80] =	vst v63  }
0x33: {  	_ =	swait.ge [sflag:s24], $0x6000  }
0x34: {  	[sflag:s24] =	ssyncset.done $0x0  }
0x35: {  	[sflag:s24] =	ssyncadd.s32 $0xFFFFA000  }
0x36: {  	[bflag:$0x0] =	sbarrier.arrive $0xFFFF  }
0x37: {  	[tilespmem:s29], [sflag:$0x1] =	stream.strided.gather [spmem:s6], $0x600, s28, s26, $0x38;
	[tilespmem:$0x11A80] =	vst v63  }
0x38: {  	_ =	swait.ge [sflag:s24], $0x600  }
0x39: {  	[sflag:s24] =	ssyncset.done $0x0  }
0x3a: {  	[sflag:s24] =	ssyncadd.s32 $0xFFFFFA00  }
0x3b: {  	[tilespmem:s30], [sflag:$0x1] =	stream.strided.gather [spmem:s7], $0x600, s28, s26, $0x38;
	[tilespmem:$0x11A80] =	vst v63  }
0x3c: {  	_ =	swait.ge [sflag:s24], $0x600  }
0x3d: {  	[sflag:s24] =	ssyncset.done $0x0  }
0x3e: {  	s1 =	simm.s32 $0x0;
	[sflag:s24] =	ssyncadd.s32 $0xFFFFFA00  }
0x3f: {  	s0 =	simm.s32 $0x40;
	v2 =	vld [tilespmem:s1+$0xB480]  }
.LBB2_8:
0x40: {  	p0 =	sne.s32 s0, $0x17C0;
	v3 =	vld [tilespmem:s1+$0xAE80];
	_ =	sdelay $0x2  }
.Ltmp3:
0x41: {  	(pc) =	sbr.rel @p0 .LBB2_8-.Ltmp3, $4  }
0x42: {  	_ = 	snop  }
0x43: {  	v3 =	vadd.f32 v2, v3  }
0x44: {  	s31 =	sshra.s32 s0, $0x2  }
0x45: {  	s0 =	sadd.s32 $0x40, s0;
	v2 =	vld [tilespmem:s31+$0xB480];
	[tilespmem:s1+$0xAE80] =	vst v3;
	s1 =	smov.u32 s31  }
0x46: {  	v3 =	vld [tilespmem:s1+$0xAE80];
	_ =	sdelay $0x4  }
0x47: {  	v2 =	vadd.f32 v2, v3;
	_ =	sdelay $0x1  }
0x48: {  	[tilespmem:s1+$0xAE80] =	vst v2  }
0x49: {  	[tilespmem:s30], [sflag:$0x1] =	stream.strided.gather [spmem:s8], $0x600, s28, s26, $0x38;
	[tilespmem:$0x11A80] =	vst v63  }
0x4a: {  	_ =	swait.ge [sflag:s24], $0x600  }
0x4b: {  	[sflag:s24] =	ssyncset.done $0x0  }
0x4c: {  	s1 =	simm.s32 $0x0;
	[sflag:s24] =	ssyncadd.s32 $0xFFFFFA00  }
0x4d: {  	s0 =	simm.s32 $0x40;
	v2 =	vld [tilespmem:s1+$0xB480]  }
.LBB2_10:
0x4e: {  	p0 =	sne.s32 s0, $0x17C0;
	v3 =	vld [tilespmem:s1+$0xAE80];
	_ =	sdelay $0x2  }
.Ltmp4:
0x4f: {  	(pc) =	sbr.rel @p0 .LBB2_10-.Ltmp4, $4  }
0x50: {  	_ = 	snop  }
0x51: {  	v3 =	vadd.f32 v2, v3  }
0x52: {  	s31 =	sshra.s32 s0, $0x2  }
0x53: {  	s0 =	sadd.s32 $0x40, s0;
	v2 =	vld [tilespmem:s31+$0xB480];
	[tilespmem:s1+$0xAE80] =	vst v3;
	s1 =	smov.u32 s31  }
0x54: {  	v3 =	vld [tilespmem:s1+$0xAE80];
	_ =	sdelay $0x4  }
0x55: {  	v2 =	vadd.f32 v2, v3;
	_ =	sdelay $0x1  }
0x56: {  	[tilespmem:s1+$0xAE80] =	vst v2  }
0x57: {  	[tilespmem:s30], [sflag:$0x1] =	stream.strided.gather [spmem:s9], $0x600, s28, s26, $0x38;
	[tilespmem:$0x11A80] =	vst v63  }
0x58: {  	_ =	swait.ge [sflag:s24], $0x600  }
0x59: {  	[sflag:s24] =	ssyncset.done $0x0  }
0x5a: {  	s1 =	simm.s32 $0x0;
	[sflag:s24] =	ssyncadd.s32 $0xFFFFFA00  }
0x5b: {  	s0 =	simm.s32 $0x40;
	v2 =	vld [tilespmem:s1+$0xB480]  }
.LBB2_12:
0x5c: {  	p0 =	sne.s32 s0, $0x17C0;
	v3 =	vld [tilespmem:s1+$0xAE80];
	_ =	sdelay $0x2  }
.Ltmp5:
0x5d: {  	(pc) =	sbr.rel @p0 .LBB2_12-.Ltmp5, $4  }
0x5e: {  	_ = 	snop  }
0x5f: {  	v3 =	vadd.f32 v2, v3  }
0x60: {  	s31 =	sshra.s32 s0, $0x2  }
0x61: {  	s0 =	sadd.s32 $0x40, s0;
	v2 =	vld [tilespmem:s31+$0xB480];
	[tilespmem:s1+$0xAE80] =	vst v3;
	s1 =	smov.u32 s31  }
0x62: {  	v3 =	vld [tilespmem:s1+$0xAE80];
	_ =	sdelay $0x4  }
0x63: {  	v2 =	vadd.f32 v2, v3;
	_ =	sdelay $0x1  }
0x64: {  	[tilespmem:s1+$0xAE80] =	vst v2  }
0x65: {  	[tilespmem:s30], [sflag:$0x1] =	stream.strided.gather [spmem:s10], $0x600, s28, s26, $0x38;
	[tilespmem:$0x11A80] =	vst v63  }
0x66: {  	_ =	swait.ge [sflag:s24], $0x600  }
0x67: {  	[sflag:s24] =	ssyncset.done $0x0  }
0x68: {  	s1 =	simm.s32 $0x0;
	[sflag:s24] =	ssyncadd.s32 $0xFFFFFA00  }
0x69: {  	s0 =	simm.s32 $0x40;
	v2 =	vld [tilespmem:s1+$0xB480]  }
.LBB2_14:
0x6a: {  	p0 =	sne.s32 s0, $0x17C0;
	v3 =	vld [tilespmem:s1+$0xAE80];
	_ =	sdelay $0x2  }
.Ltmp6:
0x6b: {  	(pc) =	sbr.rel @p0 .LBB2_14-.Ltmp6, $4  }
0x6c: {  	_ = 	snop  }
0x6d: {  	v3 =	vadd.f32 v2, v3  }
0x6e: {  	s31 =	sshra.s32 s0, $0x2  }
0x6f: {  	s0 =	sadd.s32 $0x40, s0;
	v2 =	vld [tilespmem:s31+$0xB480];
	[tilespmem:s1+$0xAE80] =	vst v3;
	s1 =	smov.u32 s31  }
0x70: {  	v3 =	vld [tilespmem:s1+$0xAE80];
	_ =	sdelay $0x4  }
0x71: {  	v2 =	vadd.f32 v2, v3;
	_ =	sdelay $0x1  }
0x72: {  	[tilespmem:s1+$0xAE80] =	vst v2  }
0x73: {  	[tilespmem:s30], [sflag:$0x1] =	stream.strided.gather [spmem:s11], $0x600, s28, s26, $0x38;
	[tilespmem:$0x11A80] =	vst v63  }
0x74: {  	_ =	swait.ge [sflag:s24], $0x600  }
0x75: {  	[sflag:s24] =	ssyncset.done $0x0  }
0x76: {  	s1 =	simm.s32 $0x0;
	[sflag:s24] =	ssyncadd.s32 $0xFFFFFA00  }
0x77: {  	s0 =	simm.s32 $0x40;
	v2 =	vld [tilespmem:s1+$0xB480]  }
.LBB2_16:
0x78: {  	p0 =	sne.s32 s0, $0x17C0;
	v3 =	vld [tilespmem:s1+$0xAE80];
	_ =	sdelay $0x2  }
.Ltmp7:
0x79: {  	(pc) =	sbr.rel @p0 .LBB2_16-.Ltmp7, $4  }
0x7a: {  	_ = 	snop  }
0x7b: {  	v3 =	vadd.f32 v2, v3  }
0x7c: {  	s31 =	sshra.s32 s0, $0x2  }
0x7d: {  	s0 =	sadd.s32 $0x40, s0;
	v2 =	vld [tilespmem:s31+$0xB480];
	[tilespmem:s1+$0xAE80] =	vst v3;
	s1 =	smov.u32 s31  }
0x7e: {  	v3 =	vld [tilespmem:s1+$0xAE80];
	_ =	sdelay $0x4  }
0x7f: {  	v2 =	vadd.f32 v2, v3;
	_ =	sdelay $0x1  }
0x80: {  	[tilespmem:s1+$0xAE80] =	vst v2  }
0x81: {  	[tilespmem:s30], [sflag:$0x1] =	stream.strided.gather [spmem:s12], $0x600, s28, s26, $0x38;
	[tilespmem:$0x11A80] =	vst v63  }
0x82: {  	_ =	swait.ge [sflag:s24], $0x600  }
0x83: {  	[sflag:s24] =	ssyncset.done $0x0  }
0x84: {  	s1 =	simm.s32 $0x0;
	[sflag:s24] =	ssyncadd.s32 $0xFFFFFA00  }
0x85: {  	s0 =	simm.s32 $0x40;
	v2 =	vld [tilespmem:s1+$0xB480]  }
.LBB2_18:
0x86: {  	p0 =	sne.s32 s0, $0x17C0;
	v3 =	vld [tilespmem:s1+$0xAE80];
	_ =	sdelay $0x2  }
.Ltmp8:
0x87: {  	(pc) =	sbr.rel @p0 .LBB2_18-.Ltmp8, $4  }
0x88: {  	_ = 	snop  }
0x89: {  	v3 =	vadd.f32 v2, v3  }
0x8a: {  	s31 =	sshra.s32 s0, $0x2  }
0x8b: {  	s0 =	sadd.s32 $0x40, s0;
	v2 =	vld [tilespmem:s31+$0xB480];
	[tilespmem:s1+$0xAE80] =	vst v3;
	s1 =	smov.u32 s31  }
0x8c: {  	v3 =	vld [tilespmem:s1+$0xAE80];
	_ =	sdelay $0x4  }
0x8d: {  	v2 =	vadd.f32 v2, v3;
	_ =	sdelay $0x1  }
0x8e: {  	[tilespmem:s1+$0xAE80] =	vst v2  }
0x8f: {  	[tilespmem:s30], [sflag:$0x1] =	stream.strided.gather [spmem:s13], $0x600, s28, s26, $0x38;
	[tilespmem:$0x11A80] =	vst v63  }
0x90: {  	_ =	swait.ge [sflag:s24], $0x600  }
0x91: {  	[sflag:s24] =	ssyncset.done $0x0  }
0x92: {  	s1 =	simm.s32 $0x0;
	[sflag:s24] =	ssyncadd.s32 $0xFFFFFA00  }
0x93: {  	s0 =	simm.s32 $0x40;
	v2 =	vld [tilespmem:s1+$0xB480]  }
.LBB2_20:
0x94: {  	p0 =	sne.s32 s0, $0x17C0;
	v3 =	vld [tilespmem:s1+$0xAE80];
	_ =	sdelay $0x2  }
.Ltmp9:
0x95: {  	(pc) =	sbr.rel @p0 .LBB2_20-.Ltmp9, $4  }
0x96: {  	_ = 	snop  }
0x97: {  	v3 =	vadd.f32 v2, v3  }
0x98: {  	s31 =	sshra.s32 s0, $0x2  }
0x99: {  	s0 =	sadd.s32 $0x40, s0;
	v2 =	vld [tilespmem:s31+$0xB480];
	[tilespmem:s1+$0xAE80] =	vst v3;
	s1 =	smov.u32 s31  }
0x9a: {  	v3 =	vld [tilespmem:s1+$0xAE80];
	_ =	sdelay $0x4  }
0x9b: {  	v2 =	vadd.f32 v2, v3;
	_ =	sdelay $0x1  }
0x9c: {  	[tilespmem:s1+$0xAE80] =	vst v2  }
0x9d: {  	[tilespmem:s30], [sflag:$0x1] =	stream.strided.gather [spmem:s14], $0x600, s28, s26, $0x38;
	[tilespmem:$0x11A80] =	vst v63  }
0x9e: {  	_ =	swait.ge [sflag:s24], $0x600  }
0x9f: {  	[sflag:s24] =	ssyncset.done $0x0  }
0xa0: {  	s1 =	simm.s32 $0x0;
	[sflag:s24] =	ssyncadd.s32 $0xFFFFFA00  }
0xa1: {  	s0 =	simm.s32 $0x40;
	v2 =	vld [tilespmem:s1+$0xB480]  }
.LBB2_22:
0xa2: {  	p0 =	sne.s32 s0, $0x17C0;
	v3 =	vld [tilespmem:s1+$0xAE80];
	_ =	sdelay $0x2  }
.Ltmp10:
0xa3: {  	(pc) =	sbr.rel @p0 .LBB2_22-.Ltmp10, $4  }
0xa4: {  	_ = 	snop  }
0xa5: {  	v3 =	vadd.f32 v2, v3  }
0xa6: {  	s31 =	sshra.s32 s0, $0x2  }
0xa7: {  	s0 =	sadd.s32 $0x40, s0;
	v2 =	vld [tilespmem:s31+$0xB480];
	[tilespmem:s1+$0xAE80] =	vst v3;
	s1 =	smov.u32 s31  }
0xa8: {  	v3 =	vld [tilespmem:s1+$0xAE80];
	_ =	sdelay $0x4  }
0xa9: {  	v2 =	vadd.f32 v2, v3;
	_ =	sdelay $0x1  }
0xaa: {  	[tilespmem:s1+$0xAE80] =	vst v2  }
0xab: {  	[tilespmem:s30], [sflag:$0x1] =	stream.strided.gather [spmem:s15], $0x600, s28, s26, $0x38;
	[tilespmem:$0x11A80] =	vst v63  }
0xac: {  	_ =	swait.ge [sflag:s24], $0x600  }
0xad: {  	[sflag:s24] =	ssyncset.done $0x0  }
0xae: {  	s1 =	simm.s32 $0x0;
	[sflag:s24] =	ssyncadd.s32 $0xFFFFFA00  }
0xaf: {  	s0 =	simm.s32 $0x40;
	v2 =	vld [tilespmem:s1+$0xB480]  }
.LBB2_24:
0xb0: {  	p0 =	sne.s32 s0, $0x17C0;
	v3 =	vld [tilespmem:s1+$0xAE80];
	_ =	sdelay $0x2  }
.Ltmp11:
0xb1: {  	(pc) =	sbr.rel @p0 .LBB2_24-.Ltmp11, $4  }
0xb2: {  	_ = 	snop  }
0xb3: {  	v3 =	vadd.f32 v2, v3  }
0xb4: {  	s31 =	sshra.s32 s0, $0x2  }
0xb5: {  	s0 =	sadd.s32 $0x40, s0;
	v2 =	vld [tilespmem:s31+$0xB480];
	[tilespmem:s1+$0xAE80] =	vst v3;
	s1 =	smov.u32 s31  }
0xb6: {  	v3 =	vld [tilespmem:s1+$0xAE80];
	_ =	sdelay $0x4  }
0xb7: {  	v2 =	vadd.f32 v2, v3;
	_ =	sdelay $0x1  }
0xb8: {  	[tilespmem:s1+$0xAE80] =	vst v2  }
0xb9: {  	[tilespmem:s30], [sflag:$0x1] =	stream.strided.gather [spmem:s16], $0x600, s28, s26, $0x38;
	[tilespmem:$0x11A80] =	vst v63  }
0xba: {  	_ =	swait.ge [sflag:s24], $0x600  }
0xbb: {  	[sflag:s24] =	ssyncset.done $0x0  }
0xbc: {  	s1 =	simm.s32 $0x0;
	[sflag:s24] =	ssyncadd.s32 $0xFFFFFA00  }
0xbd: {  	s0 =	simm.s32 $0x40;
	v2 =	vld [tilespmem:s1+$0xB480]  }
.LBB2_26:
0xbe: {  	p0 =	sne.s32 s0, $0x17C0;
	v3 =	vld [tilespmem:s1+$0xAE80];
	_ =	sdelay $0x2  }
.Ltmp12:
0xbf: {  	(pc) =	sbr.rel @p0 .LBB2_26-.Ltmp12, $4  }
0xc0: {  	_ = 	snop  }
0xc1: {  	v3 =	vadd.f32 v2, v3  }
0xc2: {  	s31 =	sshra.s32 s0, $0x2  }
0xc3: {  	s0 =	sadd.s32 $0x40, s0;
	v2 =	vld [tilespmem:s31+$0xB480];
	[tilespmem:s1+$0xAE80] =	vst v3;
	s1 =	smov.u32 s31  }
0xc4: {  	v3 =	vld [tilespmem:s1+$0xAE80];
	_ =	sdelay $0x4  }
0xc5: {  	v2 =	vadd.f32 v2, v3;
	_ =	sdelay $0x1  }
0xc6: {  	[tilespmem:s1+$0xAE80] =	vst v2  }
0xc7: {  	[tilespmem:s30], [sflag:$0x1] =	stream.strided.gather [spmem:s17], $0x600, s28, s26, $0x38;
	[tilespmem:$0x11A80] =	vst v63  }
0xc8: {  	_ =	swait.ge [sflag:s24], $0x600  }
0xc9: {  	[sflag:s24] =	ssyncset.done $0x0  }
0xca: {  	s1 =	simm.s32 $0x0;
	[sflag:s24] =	ssyncadd.s32 $0xFFFFFA00  }
0xcb: {  	s0 =	simm.s32 $0x40;
	v2 =	vld [tilespmem:s1+$0xB480]  }
.LBB2_28:
0xcc: {  	p0 =	sne.s32 s0, $0x17C0;
	v3 =	vld [tilespmem:s1+$0xAE80];
	_ =	sdelay $0x2  }
.Ltmp13:
0xcd: {  	(pc) =	sbr.rel @p0 .LBB2_28-.Ltmp13, $4  }
0xce: {  	_ = 	snop  }
0xcf: {  	v3 =	vadd.f32 v2, v3  }
0xd0: {  	s31 =	sshra.s32 s0, $0x2  }
0xd1: {  	s0 =	sadd.s32 $0x40, s0;
	v2 =	vld [tilespmem:s31+$0xB480];
	[tilespmem:s1+$0xAE80] =	vst v3;
	s1 =	smov.u32 s31  }
0xd2: {  	v3 =	vld [tilespmem:s1+$0xAE80];
	_ =	sdelay $0x4  }
0xd3: {  	v2 =	vadd.f32 v2, v3;
	_ =	sdelay $0x1  }
0xd4: {  	[tilespmem:s1+$0xAE80] =	vst v2  }
0xd5: {  	[tilespmem:s30], [sflag:$0x1] =	stream.strided.gather [spmem:s18], $0x600, s28, s26, $0x38;
	[tilespmem:$0x11A80] =	vst v63  }
0xd6: {  	_ =	swait.ge [sflag:s24], $0x600  }
0xd7: {  	[sflag:s24] =	ssyncset.done $0x0  }
0xd8: {  	s1 =	simm.s32 $0x0;
	[sflag:s24] =	ssyncadd.s32 $0xFFFFFA00  }
0xd9: {  	s0 =	simm.s32 $0x40;
	v2 =	vld [tilespmem:s1+$0xB480]  }
.LBB2_30:
0xda: {  	p0 =	sne.s32 s0, $0x17C0;
	v3 =	vld [tilespmem:s1+$0xAE80];
	_ =	sdelay $0x2  }
.Ltmp14:
0xdb: {  	(pc) =	sbr.rel @p0 .LBB2_30-.Ltmp14, $4  }
0xdc: {  	_ = 	snop  }
0xdd: {  	v3 =	vadd.f32 v2, v3  }
0xde: {  	s31 =	sshra.s32 s0, $0x2  }
0xdf: {  	s0 =	sadd.s32 $0x40, s0;
	v2 =	vld [tilespmem:s31+$0xB480];
	[tilespmem:s1+$0xAE80] =	vst v3;
	s1 =	smov.u32 s31  }
0xe0: {  	v3 =	vld [tilespmem:s1+$0xAE80];
	_ =	sdelay $0x4  }
0xe1: {  	v2 =	vadd.f32 v2, v3;
	_ =	sdelay $0x1  }
0xe2: {  	[tilespmem:s1+$0xAE80] =	vst v2  }
0xe3: {  	[tilespmem:s30], [sflag:$0x1] =	stream.strided.gather [spmem:s19], $0x600, s28, s26, $0x38;
	[tilespmem:$0x11A80] =	vst v63  }
0xe4: {  	_ =	swait.ge [sflag:s24], $0x600  }
0xe5: {  	[sflag:s24] =	ssyncset.done $0x0  }
0xe6: {  	s1 =	simm.s32 $0x0;
	[sflag:s24] =	ssyncadd.s32 $0xFFFFFA00  }
0xe7: {  	s0 =	simm.s32 $0x40;
	v2 =	vld [tilespmem:s1+$0xB480]  }
.LBB2_32:
0xe8: {  	p0 =	sne.s32 s0, $0x17C0;
	v3 =	vld [tilespmem:s1+$0xAE80];
	_ =	sdelay $0x2  }
.Ltmp15:
0xe9: {  	(pc) =	sbr.rel @p0 .LBB2_32-.Ltmp15, $4  }
0xea: {  	_ = 	snop  }
0xeb: {  	v3 =	vadd.f32 v2, v3  }
0xec: {  	s31 =	sshra.s32 s0, $0x2  }
0xed: {  	s0 =	sadd.s32 $0x40, s0;
	v2 =	vld [tilespmem:s31+$0xB480];
	[tilespmem:s1+$0xAE80] =	vst v3;
	s1 =	smov.u32 s31  }
0xee: {  	v3 =	vld [tilespmem:s1+$0xAE80];
	_ =	sdelay $0x4  }
0xef: {  	v2 =	vadd.f32 v2, v3;
	_ =	sdelay $0x1  }
0xf0: {  	[tilespmem:s1+$0xAE80] =	vst v2  }
0xf1: {  	[tilespmem:s30], [sflag:$0x1] =	stream.strided.gather [spmem:s20], $0x600, s28, s26, $0x38;
	[tilespmem:$0x11A80] =	vst v63  }
0xf2: {  	_ =	swait.ge [sflag:s24], $0x600  }
0xf3: {  	[sflag:s24] =	ssyncset.done $0x0  }
0xf4: {  	s1 =	simm.s32 $0x0;
	[sflag:s24] =	ssyncadd.s32 $0xFFFFFA00  }
0xf5: {  	s0 =	simm.s32 $0x40;
	v2 =	vld [tilespmem:s1+$0xB480]  }
.LBB2_34:
0xf6: {  	p0 =	sne.s32 s0, $0x17C0;
	v3 =	vld [tilespmem:s1+$0xAE80];
	_ =	sdelay $0x2  }
.Ltmp16:
0xf7: {  	(pc) =	sbr.rel @p0 .LBB2_34-.Ltmp16, $4  }
0xf8: {  	_ = 	snop  }
0xf9: {  	v3 =	vadd.f32 v2, v3  }
0xfa: {  	s31 =	sshra.s32 s0, $0x2  }
0xfb: {  	s0 =	sadd.s32 $0x40, s0;
	v2 =	vld [tilespmem:s31+$0xB480];
	[tilespmem:s1+$0xAE80] =	vst v3;
	s1 =	smov.u32 s31  }
0xfc: {  	v3 =	vld [tilespmem:s1+$0xAE80];
	_ =	sdelay $0x4  }
0xfd: {  	v2 =	vadd.f32 v2, v3;
	_ =	sdelay $0x1  }
0xfe: {  	[tilespmem:s1+$0xAE80] =	vst v2  }
0xff: {  	[tilespmem:s30], [sflag:$0x1] =	stream.strided.gather [spmem:s21], $0x600, s28, s26, $0x38;
	[tilespmem:$0x11A80] =	vst v63  }
0x100: {  	_ =	swait.ge [sflag:s24], $0x600  }
0x101: {  	[sflag:s24] =	ssyncset.done $0x0  }
0x102: {  	s1 =	simm.s32 $0x0;
	[sflag:s24] =	ssyncadd.s32 $0xFFFFFA00  }
0x103: {  	s0 =	simm.s32 $0x40;
	v2 =	vld [tilespmem:s1+$0xB480]  }
.LBB2_36:
0x104: {  	p0 =	sne.s32 s0, $0x17C0;
	v3 =	vld [tilespmem:s1+$0xAE80];
	_ =	sdelay $0x2  }
.Ltmp17:
0x105: {  	(pc) =	sbr.rel @p0 .LBB2_36-.Ltmp17, $4  }
0x106: {  	_ = 	snop  }
0x107: {  	v3 =	vadd.f32 v2, v3  }
0x108: {  	s31 =	sshra.s32 s0, $0x2  }
0x109: {  	s0 =	sadd.s32 $0x40, s0;
	v2 =	vld [tilespmem:s31+$0xB480];
	[tilespmem:s1+$0xAE80] =	vst v3;
	s1 =	smov.u32 s31  }
0x10a: {  	v3 =	vld [tilespmem:s1+$0xAE80];
	_ =	sdelay $0x4  }
0x10b: {  	s2 =	sadd.s32 $0x1, s2;
	v2 =	vadd.f32 v2, v3  }
0x10c: {  	p0 =	sne.s32 s2, s23  }
.Ltmp18:
0x10d: {  	s0 =	simm.s32 $0x100;
	[tilespmem:s1+$0xAE80] =	vst v2;
	(pc) =	sbr.rel @p0 .LBB2_1-.Ltmp18, $4  }
0x10e: {  	[hbm4b:s22+s26] =	stream.strided.scatter [tilespmem:s29], [sflag:$0x1], $0x600, s0, s26, $0x38;
	[tilespmem:$0x11A80] =	vst v63  }
0x10f: {  	_ =	swait.ge [sflag:s24], $0x600  }
0x110: {  	[sflag:s24] =	ssyncset.done $0x0  }
0x111: {  	[sflag:s24] =	ssyncadd.s32 $0xFFFFFA00  }
0x112: {  	_ =	sfence.sel $0x180000  }
0x113: {  	[bflag:$0x0] =	sbarrier.arrive $0xFFFF  }
0x114: {  	_ =	strace $0x90000047  }
0x115: {  	s0 =	stileid.u32;
	[bflag:$0x2] =	sbarrier.arrive $0xFFFF  }
0x116: {  	p0 =	sne.s32 s0, $0x0;
	s0 =	rddreg [dreg:$0x3]  }
0x117: {  	s0 =	sadd.s32 @!p0 $0x100000, s0  }
0x118: {  	[sflag:s0] =	ssyncadd.tile.s32 @!p0 $0x1;
	_ =	shalt  }
.Lfunc_end2:
_tile_overlayer_lowered:
.L_overlay_start_2:
0x119: {  	(tag) =	ssettag $0x2  }
0x11a: {  	s0 =	rddreg [dreg:$0x0];
	s2 =	stileid.u32  }
0x11b: {  	s1 =	rddreg [dreg:$0x1];
	p0 =	sne.s32 s2, $0x0  }
0x11c: {  	s3 =	rddreg [dreg:$0x2];
	[bflag:$0x3] =	sbarrier.arrive $0xFFFF;
	s2 =	simm.s32 @!p0 $0x1C01  }
0x11d: {  	[timem:s3], [sflag:s2] =	dma.local @!p0 [hbm:s0], s1  }
0x11e: {  	s0 =	simm.s32 @!p0 $0x1  }
0x11f: {  	_ =	swait.ge @!p0 [sflag:s0], s1  }
0x120: {  	s1 =	ssub.s32 @!p0 $0x0, s1;
	[sflag:s0] =	ssyncset.done @!p0 $0x0  }
0x121: {  	[sflag:s0] =	ssyncadd.s32 @!p0 s1  }
0x122: {  	[bflag:$0x3] =	sbarrier.arrive $0xFFFF  }
0x123: {  	_ =	shalt  }

</sc_bundles>
